<compile_context>
chip_gen: v7x
topology: tpu7x:2x2x1
jax: 0.10.2.dev20260603
libtpu: 0.0.44.dev20260713+nightly
codegen_flags: <defaults>
</compile_context>

<pallas_src>
import numpy as np
import jax
import jax.numpy as jnp
from jax import lax
from jax.experimental import pallas as pl
from jax.experimental.pallas import tpu as pltpu
from jax.experimental.pallas import tpu_sc as plsc

_N = 10000
_F = 128
_E = 160000
_SPH = 15
_H = 4
_DH = _F // _H
_AVG = 16.0

_NW = 32
_CHUNK = 64
_GCHUNK = 64
_EPW = 2560
_E_HALF = _NW * _EPW
_E_PAD = 2 * _E_HALF
_N_PAD = 10240
_ROWS = _N_PAD // 16

_BE = 1024
_BN = 1024

_DEGS = (3, 5, 7)


def _build_consts():
    g = np.zeros((16, 16), np.float32)
    m = np.zeros((16, 16), np.float32)
    o = 0
    for i, d in enumerate(_DEGS):
        g[o:o + d, i] = 1.0
        m[i, o:o + d] = 1.0
        o += d
    hm = np.zeros((_F, _F), np.float32)
    for h in range(_H):
        hm[h * _DH:(h + 1) * _DH, h * _DH:(h + 1) * _DH] = 1.0
    return g, m, m[:8], hm


_G16, _M16, _M8, _HMASK = _build_consts()



def _bf16_top(x):
    xi = jax.lax.bitcast_convert_type(x, jnp.int32)
    rnd = jnp.int32(0x7FFF) + \
        jnp.bitwise_and(jax.lax.shift_right_logical(xi, 16), jnp.int32(1))
    return jax.lax.shift_right_logical(xi + rnd, 16)


def _pack_bf16(x):
    n = x.shape[1] // 2
    hi = jax.lax.shift_left(_bf16_top(x[:, :n]), 16)
    lo = _bf16_top(x[:, n:])
    return jax.lax.bitcast_convert_type(jnp.bitwise_or(hi, lo), jnp.float32)


def _unpack_bf16(x):
    xi = jax.lax.bitcast_convert_type(x, jnp.int32)
    a = jnp.bitwise_and(xi, jnp.int32(-65536))
    b = jax.lax.shift_left(xi, 16)
    return jnp.concatenate([
        jax.lax.bitcast_convert_type(a, jnp.float32),
        jax.lax.bitcast_convert_type(b, jnp.float32)], axis=1)


def _proj_body(nf, chi, wq, wkv, qc_out, kvc_out):
    x = nf[...]
    ch = chi[...]
    hi = ch.astype(jnp.bfloat16).astype(jnp.float32)
    lo = ch - hi
    chrow = _pack_bf16(jnp.concatenate([hi, lo], axis=1))
    b = x.shape[0]
    qc_out[...] = jnp.concatenate(
        [_pack_bf16(x @ wq[...]), chrow, jnp.zeros((b, 48), jnp.float32)],
        axis=1)
    kvc_out[...] = jnp.concatenate(
        [_pack_bf16(x @ wkv[...]), chrow, jnp.zeros((b, 112), jnp.float32)],
        axis=1)


def _edge_body(ef, shp, qcr, kvcs,
               wfbr0, bfbr0, wfbr1, bfbr1, wfbs0, bfbs0, wfbs1, bfbs1,
               wgbr0, bgbr0, wgbr1, bgbr1, wgbs0, bgbs0, wgbs1, bgbs1,
               gmat, mmat, hmask, msg_out, gv_out):
    qc = qcr[...]
    kvc = kvcs[...]
    q = _unpack_bf16(qc[:, :64])
    chu_r = _unpack_bf16(qc[:, 64:80])
    kvu = _unpack_bf16(kvc[:, :128])
    chu_s = _unpack_bf16(kvc[:, 128:144])
    d = (chu_s[:, :16] + chu_s[:, 16:]) - (chu_r[:, :16] + chu_r[:, 16:])
    cs16 = (d * d) @ gmat[...]
    e = ef[...]
    h1 = jax.nn.silu(e @ wfbr0[...] + bfbr0[...])
    h2 = jax.nn.silu(cs16 @ wfbs0[...] + bfbs0[...])
    wfil = h1 @ wfbr1[...] + bfbr1[...] + h2 @ wfbs1[...] + bfbs1[...]
    sh = shp[...]
    cut = sh[:, 15:16]
    t = q * wfil * kvu[:, :_F]
    a = (t @ hmask[...]) * (cut * np.float32(1.0 / (np.sqrt(_DH) * _AVG)))
    msg_out[...] = a * kvu[:, _F:]
    g1 = jax.nn.silu(e @ wgbr0[...] + bgbr0[...])
    g2 = jax.nn.silu(cs16 @ wgbs0[...] + bgbs0[...])
    c16 = (g1 @ wgbr1[...] + bgbr1[...] + g2 @ wgbs1[...] + bgbs1[...]) \
        * (cut * np.float32(1.0 / _AVG))
    gv16 = (c16 @ mmat[...]) * sh
    gv_out[...] = jnp.concatenate(
        [gv16, jnp.zeros((gv16.shape[0], 112), jnp.float32)], axis=1)


def _fin_body(nf, chi, pm0, pm1, pg0, pg1, wi0, bi0, wi1, bi1, gmat, m8,
              outn, outc):
    node2 = nf[...] + pm0[0] + pm0[1] + pm1[0] + pm1[1]
    chi2 = chi[...] + pg0[0, :, :16] + pg0[1, :, :16] \
        + pg1[0, :, :16] + pg1[1, :, :16]
    cn16 = (chi2 * chi2) @ gmat[...]
    y = jnp.concatenate([node2, cn16[:, :8]], axis=1)
    h = jax.nn.silu(y @ wi0[...] + bi0[...])
    dd = h @ wi1[...] + bi1[...]
    outn[...] = node2 + dd[:, :_F]
    outc[...] = chi2 + (dd[:, _F:] @ m8[...]) * chi2



def _gather_body(qtab, kvtab, snd, rcv, qr_out, kvs_out,
                 i0s, i0r, i1s, i1r, q0, q1, kv0, kv1,
                 si0, si1, sg0, sg1, sw0, sw1):
    wid = lax.axis_index("s") * 2 + lax.axis_index("c")
    base = wid * _EPW
    idx_s = (i0s, i1s)
    idx_r = (i0r, i1r)
    bq = (q0, q1)
    bkv = (kv0, kv1)
    si = (si0, si1)
    sg = (sg0, sg1)
    sw = (sw0, sw1)

    def issue_idx(ch, b):
        o = base + ch * _GCHUNK
        pltpu.async_copy(snd.at[pl.ds(o, _GCHUNK)], idx_s[b], si[b])
        pltpu.async_copy(rcv.at[pl.ds(o, _GCHUNK)], idx_r[b], si[b])

    def wait_idx(ch, b):
        o = base + ch * _GCHUNK
        pltpu.make_async_copy(snd.at[pl.ds(o, _GCHUNK)], idx_s[b], si[b]).wait()
        pltpu.make_async_copy(rcv.at[pl.ds(o, _GCHUNK)], idx_r[b], si[b]).wait()

    def issue_g(b):
        pltpu.async_copy(qtab.at[idx_r[b]], bq[b], sg[b])
        pltpu.async_copy(kvtab.at[idx_s[b]], bkv[b], sg[b])

    def wait_g(b):
        pltpu.make_async_copy(qtab.at[idx_r[b]], bq[b], sg[b]).wait()
        pltpu.make_async_copy(kvtab.at[idx_s[b]], bkv[b], sg[b]).wait()

    def issue_wb(ch, b):
        o = base + ch * _GCHUNK
        pltpu.async_copy(bq[b], qr_out.at[pl.ds(o, _GCHUNK)], sw[b])
        pltpu.async_copy(bkv[b], kvs_out.at[pl.ds(o, _GCHUNK)], sw[b])

    def wait_wb(ch, b):
        o = base + ch * _GCHUNK
        pltpu.make_async_copy(bq[b], qr_out.at[pl.ds(o, _GCHUNK)], sw[b]).wait()
        pltpu.make_async_copy(bkv[b], kvs_out.at[pl.ds(o, _GCHUNK)], sw[b]).wait()

    issue_idx(0, 0)
    wait_idx(0, 0)
    issue_g(0)
    issue_idx(1, 1)

    def body(g, carry):
        wait_g(0)
        issue_wb(2 * g, 0)

        wait_idx(2 * g + 1, 1)

        @pl.when(g > 0)
        def _():
            wait_wb(2 * g - 1, 1)

        issue_g(1)
        issue_idx(2 * g + 2, 0)
        wait_g(1)
        issue_wb(2 * g + 1, 1)
        wait_idx(2 * g + 2, 0)
        wait_wb(2 * g, 0)
        issue_g(0)
        issue_idx(2 * g + 3, 1)
        return carry

    nch = _EPW // _GCHUNK
    lax.fori_loop(0, nch // 2 - 1, body, 0)
    wait_g(0)
    issue_wb(nch - 2, 0)
    wait_idx(nch - 1, 1)
    wait_wb(nch - 3, 1)
    issue_g(1)
    wait_g(1)
    issue_wb(nch - 1, 1)
    wait_wb(nch - 2, 0)
    wait_wb(nch - 1, 1)


def _scatter_body(rcv, vals, zeros, part_out, acc,
                  i0, i1, v0, v1, sl0, sl1, ss0, ss1):
    cid = lax.axis_index("c")
    sid = lax.axis_index("s")
    wid = sid * 2 + cid
    r0 = sid * _ROWS
    pltpu.sync_copy(zeros.at[pl.ds(r0, _ROWS)], acc.at[pl.ds(r0, _ROWS)])
    plsc.subcore_barrier()
    base = wid * _EPW
    idx = (i0, i1)
    bv = (v0, v1)
    sl = (sl0, sl1)
    ss = (ss0, ss1)

    def issue_ld(ch, b):
        o = base + ch * _CHUNK
        pltpu.async_copy(rcv.at[pl.ds(o, _CHUNK)], idx[b], sl[b])
        pltpu.async_copy(vals.at[pl.ds(o, _CHUNK)], bv[b], sl[b])

    def wait_ld(ch, b):
        o = base + ch * _CHUNK
        pltpu.make_async_copy(rcv.at[pl.ds(o, _CHUNK)], idx[b], sl[b]).wait()
        pltpu.make_async_copy(vals.at[pl.ds(o, _CHUNK)], bv[b], sl[b]).wait()

    def issue_sc(b):
        pltpu.async_copy(bv[b], acc.at[idx[b]], ss[b], add=True)

    def wait_sc(b):
        pltpu.make_async_copy(bv[b], acc.at[idx[b]], ss[b]).wait()

    issue_ld(0, 0)

    def body(g, carry):
        wait_ld(2 * g, 0)
        issue_sc(0)

        @pl.when(g > 0)
        def _():
            wait_sc(1)

        issue_ld(2 * g + 1, 1)
        wait_ld(2 * g + 1, 1)
        issue_sc(1)
        wait_sc(0)

        @pl.when(g < _EPW // _CHUNK // 2 - 1)
        def _():
            issue_ld(2 * g + 2, 0)

        return carry

    lax.fori_loop(0, _EPW // _CHUNK // 2, body, 0)
    wait_sc(1)
    plsc.subcore_barrier()
    pltpu.sync_copy(acc.at[pl.ds(r0, _ROWS)], part_out.at[cid, pl.ds(r0, _ROWS)])



def _full(shape):
    return pl.BlockSpec(shape, lambda i: tuple(0 for _ in shape))


_proj_call = pl.pallas_call(
    _proj_body,
    grid=(_N_PAD // _BN,),
    in_specs=[
        pl.BlockSpec((_BN, _F), lambda i: (i, 0)),
        pl.BlockSpec((_BN, 16), lambda i: (i, 0)),
        _full((_F, _F)),
        _full((_F, 2 * _F)),
    ],
    out_specs=[
        pl.BlockSpec((_BN, _F), lambda i: (i, 0)),
        pl.BlockSpec((_BN, 2 * _F), lambda i: (i, 0)),
    ],
    out_shape=[
        jax.ShapeDtypeStruct((_N_PAD, _F), jnp.float32),
        jax.ShapeDtypeStruct((_N_PAD, 2 * _F), jnp.float32),
    ],
)

_edge_call = pl.pallas_call(
    _edge_body,
    grid=(_E_HALF // _BE,),
    in_specs=[
        pl.BlockSpec((_BE, 16), lambda i: (i, 0)),
        pl.BlockSpec((_BE, 16), lambda i: (i, 0)),
        pl.BlockSpec((_BE, _F), lambda i: (i, 0)),
        pl.BlockSpec((_BE, 2 * _F), lambda i: (i, 0)),
        _full((16, _F)), _full((1, _F)), _full((_F, _F)), _full((1, _F)),
        _full((16, _F)), _full((1, _F)), _full((_F, _F)), _full((1, _F)),
        _full((16, _F)), _full((1, _F)), _full((_F, 16)), _full((1, 16)),
        _full((16, _F)), _full((1, _F)), _full((_F, 16)), _full((1, 16)),
        _full((16, 16)), _full((16, 16)), _full((_F, _F)),
    ],
    out_specs=[
        pl.BlockSpec((_BE, _F), lambda i: (i, 0)),
        pl.BlockSpec((_BE, _F), lambda i: (i, 0)),
    ],
    out_shape=[
        jax.ShapeDtypeStruct((_E_HALF, _F), jnp.float32),
        jax.ShapeDtypeStruct((_E_HALF, _F), jnp.float32),
    ],
)

_fin_call = pl.pallas_call(
    _fin_body,
    grid=(_N_PAD // _BN,),
    in_specs=[
        pl.BlockSpec((_BN, _F), lambda i: (i, 0)),
        pl.BlockSpec((_BN, 16), lambda i: (i, 0)),
        pl.BlockSpec((2, _BN, _F), lambda i: (0, i, 0)),
        pl.BlockSpec((2, _BN, _F), lambda i: (0, i, 0)),
        pl.BlockSpec((2, _BN, _F), lambda i: (0, i, 0)),
        pl.BlockSpec((2, _BN, _F), lambda i: (0, i, 0)),
        _full((136, _F)), _full((1, _F)), _full((_F, 136)), _full((1, 136)),
        _full((16, 16)), _full((8, 16)),
    ],
    out_specs=[
        pl.BlockSpec((_BN, _F), lambda i: (i, 0)),
        pl.BlockSpec((_BN, 16), lambda i: (i, 0)),
    ],
    out_shape=[
        jax.ShapeDtypeStruct((_N_PAD, _F), jnp.float32),
        jax.ShapeDtypeStruct((_N_PAD, 16), jnp.float32),
    ],
)

_sc_calls_cache = []


def _sc_calls():
    if _sc_calls_cache:
        return _sc_calls_cache[0]
    mesh = plsc.VectorSubcoreMesh(core_axis_name="c", subcore_axis_name="s")
    gather_call = pl.kernel(
        _gather_body,
        out_type=[
            jax.ShapeDtypeStruct((_E_HALF, _F), jnp.float32),
            jax.ShapeDtypeStruct((_E_HALF, 2 * _F), jnp.float32),
        ],
        mesh=mesh,
        scratch_types=[
            pltpu.VMEM((_GCHUNK,), jnp.int32),
            pltpu.VMEM((_GCHUNK,), jnp.int32),
            pltpu.VMEM((_GCHUNK,), jnp.int32),
            pltpu.VMEM((_GCHUNK,), jnp.int32),
            pltpu.VMEM((_GCHUNK, _F), jnp.float32),
            pltpu.VMEM((_GCHUNK, _F), jnp.float32),
            pltpu.VMEM((_GCHUNK, 2 * _F), jnp.float32),
            pltpu.VMEM((_GCHUNK, 2 * _F), jnp.float32),
            pltpu.SemaphoreType.DMA,
            pltpu.SemaphoreType.DMA,
            pltpu.SemaphoreType.DMA,
            pltpu.SemaphoreType.DMA,
            pltpu.SemaphoreType.DMA,
            pltpu.SemaphoreType.DMA,
        ],
    )
    scatter_call = pl.kernel(
        _scatter_body,
        out_type=jax.ShapeDtypeStruct((2, _N_PAD, _F), jnp.float32),
        mesh=mesh,
        scratch_types=[
            pltpu.VMEM_SHARED((_N_PAD, _F), jnp.float32),
            pltpu.VMEM((_CHUNK,), jnp.int32),
            pltpu.VMEM((_CHUNK,), jnp.int32),
            pltpu.VMEM((_CHUNK, _F), jnp.float32),
            pltpu.VMEM((_CHUNK, _F), jnp.float32),
            pltpu.SemaphoreType.DMA,
            pltpu.SemaphoreType.DMA,
            pltpu.SemaphoreType.DMA,
            pltpu.SemaphoreType.DMA,
        ],
    )
    _sc_calls_cache.append((gather_call, scatter_call))
    return _sc_calls_cache[0]


def kernel(node_feats, chi, edge_feats, edge_sh, cutoffs, senders, receivers,
           W_fbr0, b_fbr0, W_fbr1, b_fbr1, W_fbs0, b_fbs0, W_fbs1, b_fbs1,
           Wq, Wk, Wv,
           W_gbr0, b_gbr0, W_gbr1, b_gbr1, W_gbs0, b_gbs0, W_gbs1, b_gbs1,
           Wi0, bi0, Wi1, bi1):
    f32 = jnp.float32

    nf_pad = jnp.pad(node_feats, ((0, _N_PAD - _N), (0, 0)))
    chi_pad = jnp.pad(chi, ((0, _N_PAD - _N), (0, 1)))
    ef_pad = jnp.pad(edge_feats, ((0, _E_PAD - _E), (0, 0)))
    shp = jnp.pad(jnp.concatenate([edge_sh, cutoffs[:, None]], axis=1),
                  ((0, _E_PAD - _E), (0, 0)))
    snd = jnp.pad(senders, (0, _E_PAD - _E))
    rcv = jnp.pad(receivers, (0, _E_PAD - _E))

    wkv = jnp.concatenate([Wk, Wv], axis=1)
    wfbs0 = jnp.zeros((16, _F), f32).at[:3].set(W_fbs0)
    wgbs0 = jnp.zeros((16, _F), f32).at[:3].set(W_gbs0)
    wgbr1 = jnp.zeros((_F, 16), f32).at[:, :3].set(W_gbr1)
    wgbs1 = jnp.zeros((_F, 16), f32).at[:, :3].set(W_gbs1)
    bgbr1 = jnp.zeros((16,), f32).at[:3].set(b_gbr1)
    bgbs1 = jnp.zeros((16,), f32).at[:3].set(b_gbs1)
    wi0 = jnp.zeros((136, _F), f32).at[:131].set(Wi0)
    wi1 = jnp.zeros((_F, 136), f32).at[:, :131].set(Wi1)
    bi1p = jnp.zeros((136,), f32).at[:131].set(bi1)

    g16 = jnp.asarray(_G16)
    m16 = jnp.asarray(_M16)
    m8 = jnp.asarray(_M8)
    hmask = jnp.asarray(_HMASK)

    gather_call, scatter_call = _sc_calls()
    qc, kvc = _proj_call(nf_pad, chi_pad, Wq, wkv)
    zeros = jnp.zeros((_N_PAD, _F), f32)

    def edge_half(lo, qcr, kvcs):
        return _edge_call(
            lax.dynamic_slice_in_dim(ef_pad, lo, _E_HALF),
            lax.dynamic_slice_in_dim(shp, lo, _E_HALF),
            qcr, kvcs,
            W_fbr0, b_fbr0[None], W_fbr1, b_fbr1[None],
            wfbs0, b_fbs0[None], W_fbs1, b_fbs1[None],
            W_gbr0, b_gbr0[None], wgbr1, bgbr1[None],
            wgbs0, b_gbs0[None], wgbs1, bgbs1[None],
            g16, m16, hmask)

    snd0, rcv0 = snd[:_E_HALF], rcv[:_E_HALF]
    snd1, rcv1 = snd[_E_HALF:], rcv[_E_HALF:]
    qcr0, kvcs0 = gather_call(qc, kvc, snd0, rcv0)
    qcr1, kvcs1 = gather_call(qc, kvc, snd1, rcv1)
    msg0, gv0 = edge_half(0, qcr0, kvcs0)
    msg1, gv1 = edge_half(_E_HALF, qcr1, kvcs1)
    pm0 = scatter_call(rcv0, msg0, zeros)
    pg0 = scatter_call(rcv0, gv0, zeros)
    pm1 = scatter_call(rcv1, msg1, zeros)
    pg1 = scatter_call(rcv1, gv1, zeros)
    outn, outc = _fin_call(nf_pad, chi_pad, pm0, pm1, pg0, pg1,
                           wi0, bi0[None], wi1, bi1p[None], g16, m8)
    return outn[:_N], outc[:_N, :_SPH]

# --- scband reference (transcript-rebuilt; emitter-appended) ---
"""Pipeline reference for scband-so3krates-layer-83915071029331 (READ-ONLY COPY).

The authoritative reference and input builder live on the scoring server;
editing this copy changes nothing except your own understanding.
"""

import jax, jax.numpy as jnp
import numpy as np

N = 10000
F = 128
E = 160000
D_EDGE = 16
DEG_DIMS = (3, 5, 7)
SPH = 15
H = 4
AVG_NEIGH = 16.0


def _per_irrep_sq_norm(x):
    outs = []
    o = 0
    for d in DEG_DIMS:
        outs.append(jnp.sum(x[:, o:o + d] ** 2, axis=-1))
        o += d
    return jnp.stack(outs, axis=-1)


def _expand_degrees(c):
    return jnp.repeat(c, np.array(DEG_DIMS), axis=-1, total_repeat_length=SPH)


def _mlp(x, W0, b0, W1, b1):
    return jax.nn.silu(x @ W0 + b0) @ W1 + b1


def setup_inputs(seed: int = 0):
    key = jax.random.key(seed)
    ks = jax.random.split(key, 32)

    def w(k, si, so):
        return jax.random.normal(k, (si, so), dtype=jnp.float32) / np.sqrt(si)

    inp = {}
    inp["node_feats"] = jax.random.normal(ks[0], (N, F), dtype=jnp.float32)
    inp["chi"] = jax.random.normal(ks[1], (N, SPH), dtype=jnp.float32) * 0.1
    inp["edge_feats"] = jax.random.normal(ks[2], (E, D_EDGE), dtype=jnp.float32)
    inp["edge_sh"] = jax.random.normal(ks[3], (E, SPH), dtype=jnp.float32)
    inp["cutoffs"] = jax.random.uniform(ks[4], (E,), dtype=jnp.float32)
    inp["senders"] = jax.random.randint(ks[5], (E,), 0, N, dtype=jnp.int32)
    inp["receivers"] = jax.random.randint(ks[6], (E,), 0, N, dtype=jnp.int32)
    inp["W_fbr0"] = w(ks[7], D_EDGE, F); inp["b_fbr0"] = jnp.zeros((F,), jnp.float32)
    inp["W_fbr1"] = w(ks[8], F, F); inp["b_fbr1"] = jnp.zeros((F,), jnp.float32)
    inp["W_fbs0"] = w(ks[9], 3, F); inp["b_fbs0"] = jnp.zeros((F,), jnp.float32)
    inp["W_fbs1"] = w(ks[10], F, F); inp["b_fbs1"] = jnp.zeros((F,), jnp.float32)
    inp["Wq"] = w(ks[11], F, F)
    inp["Wk"] = w(ks[12], F, F)
    inp["Wv"] = w(ks[13], F, F)
    inp["W_gbr0"] = w(ks[14], D_EDGE, F); inp["b_gbr0"] = jnp.zeros((F,), jnp.float32)
    inp["W_gbr1"] = w(ks[15], F, 3); inp["b_gbr1"] = jnp.zeros((3,), jnp.float32)
    inp["W_gbs0"] = w(ks[16], 3, F); inp["b_gbs0"] = jnp.zeros((F,), jnp.float32)
    inp["W_gbs1"] = w(ks[17], F, 3); inp["b_gbs1"] = jnp.zeros((3,), jnp.float32)
    inp["Wi0"] = w(ks[18], F + 3, F); inp["bi0"] = jnp.zeros((F,), jnp.float32)
    inp["Wi1"] = w(ks[19], F, F + 3); inp["bi1"] = jnp.zeros((F + 3,), jnp.float32)
    return inp


def reference(node_feats, chi, edge_feats, edge_sh, cutoffs, senders, receivers,
              W_fbr0, b_fbr0, W_fbr1, b_fbr1, W_fbs0, b_fbs0, W_fbs1, b_fbs1,
              Wq, Wk, Wv,
              W_gbr0, b_gbr0, W_gbr1, b_gbr1, W_gbs0, b_gbs0, W_gbs1, b_gbs1,
              Wi0, bi0, Wi1, bi1):
    Nn = node_feats.shape[0]
    Fd = node_feats.shape[1]
    dh = Fd // H
    # edge-wise chi difference -> per-degree invariants
    chi_ij = chi[senders] - chi[receivers]
    chi_scalar = _per_irrep_sq_norm(chi_ij)
    # FeatureBlock: multi-head attention with radial + spherical filters
    wfil = _mlp(edge_feats, W_fbr0, b_fbr0, W_fbr1, b_fbr1) + _mlp(chi_scalar, W_fbs0, b_fbs0, W_fbs1, b_fbs1)
    q = (node_feats @ Wq)[receivers].reshape(-1, H, dh)
    k = (node_feats @ Wk)[senders].reshape(-1, H, dh)
    v = (node_feats @ Wv)[senders].reshape(-1, H, dh)
    wh = wfil.reshape(-1, H, dh)
    alpha = jnp.sum(q * wh * k, axis=-1) / jnp.sqrt(dh) * cutoffs[:, None]
    msg = (alpha[..., None] * v).reshape(-1, Fd)
    diff_node_feats = jax.ops.segment_sum(msg, receivers, num_segments=Nn) / AVG_NEIGH
    # GeometricBlock: per-degree filters applied to spherical harmonics
    c = _mlp(edge_feats, W_gbr0, b_gbr0, W_gbr1, b_gbr1) + _mlp(chi_scalar, W_gbs0, b_gbs0, W_gbs1, b_gbs1)
    c = c * cutoffs[:, None]
    diff_chi = jax.ops.segment_sum(_expand_degrees(c) * edge_sh, receivers, num_segments=Nn) / AVG_NEIGH
    node_feats = node_feats + diff_node_feats
    chi = chi + diff_chi
    # InteractionBlock: invariant mixing of node feats and per-degree chi norms
    chi_norm = _per_irrep_sq_norm(chi)
    y = jnp.concatenate([node_feats, chi_norm], axis=-1)
    d = jax.nn.silu(y @ Wi0 + bi0) @ Wi1 + bi1
    node_feats = node_feats + d[:, :Fd]
    chi = chi + _expand_degrees(d[:, Fd:]) * chi
    return node_feats, chi

if __name__ == "__main__":
    import jax
    _d = setup_inputs()
    print(jax.jit(kernel)(*tuple(_d.values())))

</pallas_src>

<mosaic_0001>
#map = affine_map<(d0, d1) -> (0, 0)>
#map1 = affine_map<(d0, d1) -> (0)>
module attributes {stable_mosaic.version = 14 : i64} {
  func.func @_gather_body(%arg0: i32, %arg1: i32, %arg2: memref<10240x128xf32, #tpu.memory_space<hbm>>, %arg3: memref<10240x256xf32, #tpu.memory_space<hbm>>, %arg4: memref<81920xi32, #tpu.memory_space<hbm>>, %arg5: memref<81920xi32, #tpu.memory_space<hbm>>, %arg6: memref<81920x128xf32, #tpu.memory_space<hbm>>, %arg7: memref<81920x256xf32, #tpu.memory_space<hbm>>, %arg8: memref<64xi32, #tpu.memory_space<vmem>>, %arg9: memref<64xi32, #tpu.memory_space<vmem>>, %arg10: memref<64xi32, #tpu.memory_space<vmem>>, %arg11: memref<64xi32, #tpu.memory_space<vmem>>, %arg12: memref<64x128xf32, #tpu.memory_space<vmem>>, %arg13: memref<64x128xf32, #tpu.memory_space<vmem>>, %arg14: memref<64x256xf32, #tpu.memory_space<vmem>>, %arg15: memref<64x256xf32, #tpu.memory_space<vmem>>, %arg16: memref<!tpu.dma_semaphore, #tpu.memory_space<semaphore_mem>>, %arg17: memref<!tpu.dma_semaphore, #tpu.memory_space<semaphore_mem>>, %arg18: memref<!tpu.dma_semaphore, #tpu.memory_space<semaphore_mem>>, %arg19: memref<!tpu.dma_semaphore, #tpu.memory_space<semaphore_mem>>, %arg20: memref<!tpu.dma_semaphore, #tpu.memory_space<semaphore_mem>>, %arg21: memref<!tpu.dma_semaphore, #tpu.memory_space<semaphore_mem>>) attributes {dimension_semantics = [#tpu.dimension_semantics<core_parallel>, #tpu.dimension_semantics<subcore_parallel>], iteration_bounds = array<i64: 2, 16>, scalar_prefetch = 0 : i64, scratch_operands = 14 : i64, tpu.core_type = #tpu.core_type<sc_vector_subcore>, window_params = [{transform_indices = #map}, {transform_indices = #map}, {transform_indices = #map1}, {transform_indices = #map1}, {transform_indices = #map}, {transform_indices = #map}]} {
    %mul3A = arith.constant 2 : i32
    %mul3A_0 = arith.muli %arg1, %mul3A : i32
    %add3A = arith.addi %mul3A_0, %arg0 : i32
    %mul3A_1 = arith.constant 2560 : i32
    %mul3A_2 = arith.muli %add3A, %mul3A_1 : i32
    %add3A_3 = arith.constant 0 : i32
    %add3A_4 = arith.addi %mul3A_2, %add3A_3 : i32
    %dma_start3A = tpu.memref_slice %arg4[%add3A_4] : memref<81920xi32, #tpu.memory_space<hbm>> -> memref<64xi32, #tpu.memory_space<hbm>>
    %dma_start3A_5 = tpu.memref_slice %arg4[%add3A_4] : memref<81920xi32, #tpu.memory_space<hbm>> -> memref<64xi32, #tpu.memory_space<hbm>>
    tpu.enqueue_dma source(%dma_start3A_5 : memref<64xi32, #tpu.memory_space<hbm>>) target(%arg8 : memref<64xi32, #tpu.memory_space<vmem>>) target_semaphore(%arg16 : memref<!tpu.dma_semaphore, #tpu.memory_space<semaphore_mem>>)
    %dma_start3A_6 = tpu.memref_slice %arg5[%add3A_4] : memref<81920xi32, #tpu.memory_space<hbm>> -> memref<64xi32, #tpu.memory_space<hbm>>
    %dma_start3A_7 = tpu.memref_slice %arg5[%add3A_4] : memref<81920xi32, #tpu.memory_space<hbm>> -> memref<64xi32, #tpu.memory_space<hbm>>
    tpu.enqueue_dma source(%dma_start3A_7 : memref<64xi32, #tpu.memory_space<hbm>>) target(%arg9 : memref<64xi32, #tpu.memory_space<vmem>>) target_semaphore(%arg16 : memref<!tpu.dma_semaphore, #tpu.memory_space<semaphore_mem>>)
    %add3A_8 = arith.constant 0 : i32
    %add3A_9 = arith.addi %mul3A_2, %add3A_8 : i32
    %dma_wait3A = tpu.memref_slice %arg4[%add3A_9] : memref<81920xi32, #tpu.memory_space<hbm>> -> memref<64xi32, #tpu.memory_space<hbm>>
    %dma_wait3A_10 = tpu.memref_slice %arg4[%add3A_9] : memref<81920xi32, #tpu.memory_space<hbm>> -> memref<64xi32, #tpu.memory_space<hbm>>
    tpu.wait_dma2 semaphore(%arg16 : memref<!tpu.dma_semaphore, #tpu.memory_space<semaphore_mem>>) src(%dma_wait3A_10 : memref<64xi32, #tpu.memory_space<hbm>>) dst(%arg8 : memref<64xi32, #tpu.memory_space<vmem>>)
    %dma_wait3A_11 = tpu.memref_slice %arg5[%add3A_9] : memref<81920xi32, #tpu.memory_space<hbm>> -> memref<64xi32, #tpu.memory_space<hbm>>
    %dma_wait3A_12 = tpu.memref_slice %arg5[%add3A_9] : memref<81920xi32, #tpu.memory_space<hbm>> -> memref<64xi32, #tpu.memory_space<hbm>>
    tpu.wait_dma2 semaphore(%arg16 : memref<!tpu.dma_semaphore, #tpu.memory_space<semaphore_mem>>) src(%dma_wait3A_12 : memref<64xi32, #tpu.memory_space<hbm>>) dst(%arg9 : memref<64xi32, #tpu.memory_space<vmem>>)
    %dma_start3A_13 = arith.constant 0 : i32
    %dma_start3A_14 = arith.constant 0 : i32
    %dma_start3A_15 = tpu.memref_slice %arg2[%dma_start3A_13, %dma_start3A_14] : memref<10240x128xf32, #tpu.memory_space<hbm>> -> memref<10240x128xf32, #tpu.memory_space<hbm>>
    tpu.enqueue_indirect_dma source(%dma_start3A_15 : memref<10240x128xf32, #tpu.memory_space<hbm>>) target(%arg12 : memref<64x128xf32, #tpu.memory_space<vmem>>) offsets(%arg9 : memref<64xi32, #tpu.memory_space<vmem>>) semaphore(%arg18 : memref<!tpu.dma_semaphore, #tpu.memory_space<semaphore_mem>>)
    %dma_start3A_16 = arith.constant 0 : i32
    %dma_start3A_17 = arith.constant 0 : i32
    %dma_start3A_18 = tpu.memref_slice %arg3[%dma_start3A_16, %dma_start3A_17] : memref<10240x256xf32, #tpu.memory_space<hbm>> -> memref<10240x256xf32, #tpu.memory_space<hbm>>
    tpu.enqueue_indirect_dma source(%dma_start3A_18 : memref<10240x256xf32, #tpu.memory_space<hbm>>) target(%arg14 : memref<64x256xf32, #tpu.memory_space<vmem>>) offsets(%arg8 : memref<64xi32, #tpu.memory_space<vmem>>) semaphore(%arg18 : memref<!tpu.dma_semaphore, #tpu.memory_space<semaphore_mem>>)
    %add3A_19 = arith.constant 64 : i32
    %add3A_20 = arith.addi %mul3A_2, %add3A_19 : i32
    %dma_start3A_21 = tpu.memref_slice %arg4[%add3A_20] : memref<81920xi32, #tpu.memory_space<hbm>> -> memref<64xi32, #tpu.memory_space<hbm>>
    %dma_start3A_22 = tpu.memref_slice %arg4[%add3A_20] : memref<81920xi32, #tpu.memory_space<hbm>> -> memref<64xi32, #tpu.memory_space<hbm>>
    tpu.enqueue_dma source(%dma_start3A_22 : memref<64xi32, #tpu.memory_space<hbm>>) target(%arg10 : memref<64xi32, #tpu.memory_space<vmem>>) target_semaphore(%arg17 : memref<!tpu.dma_semaphore, #tpu.memory_space<semaphore_mem>>)
    %dma_start3A_23 = tpu.memref_slice %arg5[%add3A_20] : memref<81920xi32, #tpu.memory_space<hbm>> -> memref<64xi32, #tpu.memory_space<hbm>>
    %dma_start3A_24 = tpu.memref_slice %arg5[%add3A_20] : memref<81920xi32, #tpu.memory_space<hbm>> -> memref<64xi32, #tpu.memory_space<hbm>>
    tpu.enqueue_dma source(%dma_start3A_24 : memref<64xi32, #tpu.memory_space<hbm>>) target(%arg11 : memref<64xi32, #tpu.memory_space<vmem>>) target_semaphore(%arg17 : memref<!tpu.dma_semaphore, #tpu.memory_space<semaphore_mem>>)
    %scan3A = arith.constant 0 : i32
    %scan3A_25 = arith.constant 0 : i32
    %scan3A_26 = arith.constant 19 : i32
    %scan3A_27 = arith.addi %scan3A_25, %scan3A_26 : i32
    %scan3A_28 = arith.constant 1 : i32
    scf.for %scan3A_104 = %scan3A_25 to %scan3A_27 step %scan3A_28  : i32 {
      %dma_wait3A_105 = arith.constant 0 : i32
      %dma_wait3A_106 = arith.constant 0 : i32
      %dma_wait3A_107 = tpu.memref_slice %arg2[%dma_wait3A_105, %dma_wait3A_106] : memref<10240x128xf32, #tpu.memory_space<hbm>> -> memref<10240x128xf32, #tpu.memory_space<hbm>>
      tpu.wait_indirect_dma semaphore(%arg18 : memref<!tpu.dma_semaphore, #tpu.memory_space<semaphore_mem>>) src(%dma_wait3A_107 : memref<10240x128xf32, #tpu.memory_space<hbm>>) dst(%arg12 : memref<64x128xf32, #tpu.memory_space<vmem>>)
      %dma_wait3A_108 = arith.constant 0 : i32
      %dma_wait3A_109 = arith.constant 0 : i32
      %dma_wait3A_110 = tpu.memref_slice %arg3[%dma_wait3A_108, %dma_wait3A_109] : memref<10240x256xf32, #tpu.memory_space<hbm>> -> memref<10240x256xf32, #tpu.memory_space<hbm>>
      tpu.wait_indirect_dma semaphore(%arg18 : memref<!tpu.dma_semaphore, #tpu.memory_space<semaphore_mem>>) src(%dma_wait3A_110 : memref<10240x256xf32, #tpu.memory_space<hbm>>) dst(%arg14 : memref<64x256xf32, #tpu.memory_space<vmem>>)
      %mul3A_111 = arith.constant 2 : i32
      %mul3A_112 = arith.muli %mul3A_111, %scan3A_104 : i32
      %mul3A_113 = arith.constant 64 : i32
      %mul3A_114 = arith.muli %mul3A_112, %mul3A_113 : i32
      %add3A_115 = arith.addi %mul3A_2, %mul3A_114 : i32
      %dma_start3A_116 = arith.constant 0 : i32
      %dma_start3A_117 = tpu.memref_slice %arg6[%add3A_115, %dma_start3A_116] : memref<81920x128xf32, #tpu.memory_space<hbm>> -> memref<64x128xf32, #tpu.memory_space<hbm>>
      %dma_start3A_118 = arith.constant 0 : i32
      %dma_start3A_119 = tpu.memref_slice %arg6[%add3A_115, %dma_start3A_118] : memref<81920x128xf32, #tpu.memory_space<hbm>> -> memref<64x128xf32, #tpu.memory_space<hbm>>
      tpu.enqueue_dma source(%arg12 : memref<64x128xf32, #tpu.memory_space<vmem>>) target(%dma_start3A_119 : memref<64x128xf32, #tpu.memory_space<hbm>>) target_semaphore(%arg20 : memref<!tpu.dma_semaphore, #tpu.memory_space<semaphore_mem>>)
      %dma_start3A_120 = arith.constant 0 : i32
      %dma_start3A_121 = tpu.memref_slice %arg7[%add3A_115, %dma_start3A_120] : memref<81920x256xf32, #tpu.memory_space<hbm>> -> memref<64x256xf32, #tpu.memory_space<hbm>>
      %dma_start3A_122 = arith.constant 0 : i32
      %dma_start3A_123 = tpu.memref_slice %arg7[%add3A_115, %dma_start3A_122] : memref<81920x256xf32, #tpu.memory_space<hbm>> -> memref<64x256xf32, #tpu.memory_space<hbm>>
      tpu.enqueue_dma source(%arg14 : memref<64x256xf32, #tpu.memory_space<vmem>>) target(%dma_start3A_123 : memref<64x256xf32, #tpu.memory_space<hbm>>) target_semaphore(%arg20 : memref<!tpu.dma_semaphore, #tpu.memory_space<semaphore_mem>>)
      %mul3A_124 = arith.constant 2 : i32
      %mul3A_125 = arith.muli %mul3A_124, %scan3A_104 : i32
      %add3A_126 = arith.constant 1 : i32
      %add3A_127 = arith.addi %mul3A_125, %add3A_126 : i32
      %mul3A_128 = arith.constant 64 : i32
      %mul3A_129 = arith.muli %add3A_127, %mul3A_128 : i32
      %add3A_130 = arith.addi %mul3A_2, %mul3A_129 : i32
      %dma_wait3A_131 = tpu.memref_slice %arg4[%add3A_130] : memref<81920xi32, #tpu.memory_space<hbm>> -> memref<64xi32, #tpu.memory_space<hbm>>
      %dma_wait3A_132 = tpu.memref_slice %arg4[%add3A_130] : memref<81920xi32, #tpu.memory_space<hbm>> -> memref<64xi32, #tpu.memory_space<hbm>>
      tpu.wait_dma2 semaphore(%arg17 : memref<!tpu.dma_semaphore, #tpu.memory_space<semaphore_mem>>) src(%dma_wait3A_132 : memref<64xi32, #tpu.memory_space<hbm>>) dst(%arg10 : memref<64xi32, #tpu.memory_space<vmem>>)
      %dma_wait3A_133 = tpu.memref_slice %arg5[%add3A_130] : memref<81920xi32, #tpu.memory_space<hbm>> -> memref<64xi32, #tpu.memory_space<hbm>>
      %dma_wait3A_134 = tpu.memref_slice %arg5[%add3A_130] : memref<81920xi32, #tpu.memory_space<hbm>> -> memref<64xi32, #tpu.memory_space<hbm>>
      tpu.wait_dma2 semaphore(%arg17 : memref<!tpu.dma_semaphore, #tpu.memory_space<semaphore_mem>>) src(%dma_wait3A_134 : memref<64xi32, #tpu.memory_space<hbm>>) dst(%arg11 : memref<64xi32, #tpu.memory_space<vmem>>)
      %gt3A = arith.constant 0 : i32
      %gt3A_135 = arith.cmpi sgt, %scan3A_104, %gt3A : i32
      %convert_element_type3A = arith.extui %gt3A_135 : i1 to i32
      %cond3A = arith.constant 0 : i32
      %cond3A_136 = arith.cmpi ne, %convert_element_type3A, %cond3A : i32
      scf.if %cond3A_136 {
        %mul3A_216 = arith.constant 2 : i32
        %mul3A_217 = arith.muli %mul3A_216, %scan3A_104 : i32
        %sub3A = arith.constant 1 : i32
        %sub3A_218 = arith.subi %mul3A_217, %sub3A : i32
        %mul3A_219 = arith.constant 64 : i32
        %mul3A_220 = arith.muli %sub3A_218, %mul3A_219 : i32
        %add3A_221 = arith.addi %mul3A_2, %mul3A_220 : i32
        %dma_wait3A_222 = arith.constant 0 : i32
        %dma_wait3A_223 = tpu.memref_slice %arg6[%add3A_221, %dma_wait3A_222] : memref<81920x128xf32, #tpu.memory_space<hbm>> -> memref<64x128xf32, #tpu.memory_space<hbm>>
        %dma_wait3A_224 = arith.constant 0 : i32
        %dma_wait3A_225 = tpu.memref_slice %arg6[%add3A_221, %dma_wait3A_224] : memref<81920x128xf32, #tpu.memory_space<hbm>> -> memref<64x128xf32, #tpu.memory_space<hbm>>
        tpu.wait_dma2 semaphore(%arg21 : memref<!tpu.dma_semaphore, #tpu.memory_space<semaphore_mem>>) src(%arg13 : memref<64x128xf32, #tpu.memory_space<vmem>>) dst(%dma_wait3A_225 : memref<64x128xf32, #tpu.memory_space<hbm>>)
        %dma_wait3A_226 = arith.constant 0 : i32
        %dma_wait3A_227 = tpu.memref_slice %arg7[%add3A_221, %dma_wait3A_226] : memref<81920x256xf32, #tpu.memory_space<hbm>> -> memref<64x256xf32, #tpu.memory_space<hbm>>
        %dma_wait3A_228 = arith.constant 0 : i32
        %dma_wait3A_229 = tpu.memref_slice %arg7[%add3A_221, %dma_wait3A_228] : memref<81920x256xf32, #tpu.memory_space<hbm>> -> memref<64x256xf32, #tpu.memory_space<hbm>>
        tpu.wait_dma2 semaphore(%arg21 : memref<!tpu.dma_semaphore, #tpu.memory_space<semaphore_mem>>) src(%arg15 : memref<64x256xf32, #tpu.memory_space<vmem>>) dst(%dma_wait3A_229 : memref<64x256xf32, #tpu.memory_space<hbm>>)
      } else {
      }
      %dma_start3A_137 = arith.constant 0 : i32
      %dma_start3A_138 = arith.constant 0 : i32
      %dma_start3A_139 = tpu.memref_slice %arg2[%dma_start3A_137, %dma_start3A_138] : memref<10240x128xf32, #tpu.memory_space<hbm>> -> memref<10240x128xf32, #tpu.memory_space<hbm>>
      tpu.enqueue_indirect_dma source(%dma_start3A_139 : memref<10240x128xf32, #tpu.memory_space<hbm>>) target(%arg13 : memref<64x128xf32, #tpu.memory_space<vmem>>) offsets(%arg11 : memref<64xi32, #tpu.memory_space<vmem>>) semaphore(%arg19 : memref<!tpu.dma_semaphore, #tpu.memory_space<semaphore_mem>>)
      %dma_start3A_140 = arith.constant 0 : i32
      %dma_start3A_141 = arith.constant 0 : i32
      %dma_start3A_142 = tpu.memref_slice %arg3[%dma_start3A_140, %dma_start3A_141] : memref<10240x256xf32, #tpu.memory_space<hbm>> -> memref<10240x256xf32, #tpu.memory_space<hbm>>
      tpu.enqueue_indirect_dma source(%dma_start3A_142 : memref<10240x256xf32, #tpu.memory_space<hbm>>) target(%arg15 : memref<64x256xf32, #tpu.memory_space<vmem>>) offsets(%arg10 : memref<64xi32, #tpu.memory_space<vmem>>) semaphore(%arg19 : memref<!tpu.dma_semaphore, #tpu.memory_space<semaphore_mem>>)
      %mul3A_143 = arith.constant 2 : i32
      %mul3A_144 = arith.muli %mul3A_143, %scan3A_104 : i32
      %add3A_145 = arith.constant 2 : i32
      %add3A_146 = arith.addi %mul3A_144, %add3A_145 : i32
      %mul3A_147 = arith.constant 64 : i32
      %mul3A_148 = arith.muli %add3A_146, %mul3A_147 : i32
      %add3A_149 = arith.addi %mul3A_2, %mul3A_148 : i32
      %dma_start3A_150 = tpu.memref_slice %arg4[%add3A_149] : memref<81920xi32, #tpu.memory_space<hbm>> -> memref<64xi32, #tpu.memory_space<hbm>>
      %dma_start3A_151 = tpu.memref_slice %arg4[%add3A_149] : memref<81920xi32, #tpu.memory_space<hbm>> -> memref<64xi32, #tpu.memory_space<hbm>>
      tpu.enqueue_dma source(%dma_start3A_151 : memref<64xi32, #tpu.memory_space<hbm>>) target(%arg8 : memref<64xi32, #tpu.memory_space<vmem>>) target_semaphore(%arg16 : memref<!tpu.dma_semaphore, #tpu.memory_space<semaphore_mem>>)
      %dma_start3A_152 = tpu.memref_slice %arg5[%add3A_149] : memref<81920xi32, #tpu.memory_space<hbm>> -> memref<64xi32, #tpu.memory_space<hbm>>
      %dma_start3A_153 = tpu.memref_slice %arg5[%add3A_149] : memref<81920xi32, #tpu.memory_space<hbm>> -> memref<64xi32, #tpu.memory_space<hbm>>
      tpu.enqueue_dma source(%dma_start3A_153 : memref<64xi32, #tpu.memory_space<hbm>>) target(%arg9 : memref<64xi32, #tpu.memory_space<vmem>>) target_semaphore(%arg16 : memref<!tpu.dma_semaphore, #tpu.memory_space<semaphore_mem>>)
      %dma_wait3A_154 = arith.constant 0 : i32
      %dma_wait3A_155 = arith.constant 0 : i32
      %dma_wait3A_156 = tpu.memref_slice %arg2[%dma_wait3A_154, %dma_wait3A_155] : memref<10240x128xf32, #tpu.memory_space<hbm>> -> memref<10240x128xf32, #tpu.memory_space<hbm>>
      tpu.wait_indirect_dma semaphore(%arg19 : memref<!tpu.dma_semaphore, #tpu.memory_space<semaphore_mem>>) src(%dma_wait3A_156 : memref<10240x128xf32, #tpu.memory_space<hbm>>) dst(%arg13 : memref<64x128xf32, #tpu.memory_space<vmem>>)
      %dma_wait3A_157 = arith.constant 0 : i32
      %dma_wait3A_158 = arith.constant 0 : i32
      %dma_wait3A_159 = tpu.memref_slice %arg3[%dma_wait3A_157, %dma_wait3A_158] : memref<10240x256xf32, #tpu.memory_space<hbm>> -> memref<10240x256xf32, #tpu.memory_space<hbm>>
      tpu.wait_indirect_dma semaphore(%arg19 : memref<!tpu.dma_semaphore, #tpu.memory_space<semaphore_mem>>) src(%dma_wait3A_159 : memref<10240x256xf32, #tpu.memory_space<hbm>>) dst(%arg15 : memref<64x256xf32, #tpu.memory_space<vmem>>)
      %mul3A_160 = arith.constant 2 : i32
      %mul3A_161 = arith.muli %mul3A_160, %scan3A_104 : i32
      %add3A_162 = arith.constant 1 : i32
      %add3A_163 = arith.addi %mul3A_161, %add3A_162 : i32
      %mul3A_164 = arith.constant 64 : i32
      %mul3A_165 = arith.muli %add3A_163, %mul3A_164 : i32
      %add3A_166 = arith.addi %mul3A_2, %mul3A_165 : i32
      %dma_start3A_167 = arith.constant 0 : i32
      %dma_start3A_168 = tpu.memref_slice %arg6[%add3A_166, %dma_start3A_167] : memref<81920x128xf32, #tpu.memory_space<hbm>> -> memref<64x128xf32, #tpu.memory_space<hbm>>
      %dma_start3A_169 = arith.constant 0 : i32
      %dma_start3A_170 = tpu.memref_slice %arg6[%add3A_166, %dma_start3A_169] : memref<81920x128xf32, #tpu.memory_space<hbm>> -> memref<64x128xf32, #tpu.memory_space<hbm>>
      tpu.enqueue_dma source(%arg13 : memref<64x128xf32, #tpu.memory_space<vmem>>) target(%dma_start3A_170 : memref<64x128xf32, #tpu.memory_space<hbm>>) target_semaphore(%arg21 : memref<!tpu.dma_semaphore, #tpu.memory_space<semaphore_mem>>)
      %dma_start3A_171 = arith.constant 0 : i32
      %dma_start3A_172 = tpu.memref_slice %arg7[%add3A_166, %dma_start3A_171] : memref<81920x256xf32, #tpu.memory_space<hbm>> -> memref<64x256xf32, #tpu.memory_space<hbm>>
      %dma_start3A_173 = arith.constant 0 : i32
      %dma_start3A_174 = tpu.memref_slice %arg7[%add3A_166, %dma_start3A_173] : memref<81920x256xf32, #tpu.memory_space<hbm>> -> memref<64x256xf32, #tpu.memory_space<hbm>>
      tpu.enqueue_dma source(%arg15 : memref<64x256xf32, #tpu.memory_space<vmem>>) target(%dma_start3A_174 : memref<64x256xf32, #tpu.memory_space<hbm>>) target_semaphore(%arg21 : memref<!tpu.dma_semaphore, #tpu.memory_space<semaphore_mem>>)
      %mul3A_175 = arith.constant 2 : i32
      %mul3A_176 = arith.muli %mul3A_175, %scan3A_104 : i32
      %add3A_177 = arith.constant 2 : i32
      %add3A_178 = arith.addi %mul3A_176, %add3A_177 : i32
      %mul3A_179 = arith.constant 64 : i32
      %mul3A_180 = arith.muli %add3A_178, %mul3A_179 : i32
      %add3A_181 = arith.addi %mul3A_2, %mul3A_180 : i32
      %dma_wait3A_182 = tpu.memref_slice %arg4[%add3A_181] : memref<81920xi32, #tpu.memory_space<hbm>> -> memref<64xi32, #tpu.memory_space<hbm>>
      %dma_wait3A_183 = tpu.memref_slice %arg4[%add3A_181] : memref<81920xi32, #tpu.memory_space<hbm>> -> memref<64xi32, #tpu.memory_space<hbm>>
      tpu.wait_dma2 semaphore(%arg16 : memref<!tpu.dma_semaphore, #tpu.memory_space<semaphore_mem>>) src(%dma_wait3A_183 : memref<64xi32, #tpu.memory_space<hbm>>) dst(%arg8 : memref<64xi32, #tpu.memory_space<vmem>>)
      %dma_wait3A_184 = tpu.memref_slice %arg5[%add3A_181] : memref<81920xi32, #tpu.memory_space<hbm>> -> memref<64xi32, #tpu.memory_space<hbm>>
      %dma_wait3A_185 = tpu.memref_slice %arg5[%add3A_181] : memref<81920xi32, #tpu.memory_space<hbm>> -> memref<64xi32, #tpu.memory_space<hbm>>
      tpu.wait_dma2 semaphore(%arg16 : memref<!tpu.dma_semaphore, #tpu.memory_space<semaphore_mem>>) src(%dma_wait3A_185 : memref<64xi32, #tpu.memory_space<hbm>>) dst(%arg9 : memref<64xi32, #tpu.memory_space<vmem>>)
      %mul3A_186 = arith.constant 2 : i32
      %mul3A_187 = arith.muli %mul3A_186, %scan3A_104 : i32
      %mul3A_188 = arith.constant 64 : i32
      %mul3A_189 = arith.muli %mul3A_187, %mul3A_188 : i32
      %add3A_190 = arith.addi %mul3A_2, %mul3A_189 : i32
      %dma_wait3A_191 = arith.constant 0 : i32
      %dma_wait3A_192 = tpu.memref_slice %arg6[%add3A_190, %dma_wait3A_191] : memref<81920x128xf32, #tpu.memory_space<hbm>> -> memref<64x128xf32, #tpu.memory_space<hbm>>
      %dma_wait3A_193 = arith.constant 0 : i32
      %dma_wait3A_194 = tpu.memref_slice %arg6[%add3A_190, %dma_wait3A_193] : memref<81920x128xf32, #tpu.memory_space<hbm>> -> memref<64x128xf32, #tpu.memory_space<hbm>>
      tpu.wait_dma2 semaphore(%arg20 : memref<!tpu.dma_semaphore, #tpu.memory_space<semaphore_mem>>) src(%arg12 : memref<64x128xf32, #tpu.memory_space<vmem>>) dst(%dma_wait3A_194 : memref<64x128xf32, #tpu.memory_space<hbm>>)
      %dma_wait3A_195 = arith.constant 0 : i32
      %dma_wait3A_196 = tpu.memref_slice %arg7[%add3A_190, %dma_wait3A_195] : memref<81920x256xf32, #tpu.memory_space<hbm>> -> memref<64x256xf32, #tpu.memory_space<hbm>>
      %dma_wait3A_197 = arith.constant 0 : i32
      %dma_wait3A_198 = tpu.memref_slice %arg7[%add3A_190, %dma_wait3A_197] : memref<81920x256xf32, #tpu.memory_space<hbm>> -> memref<64x256xf32, #tpu.memory_space<hbm>>
      tpu.wait_dma2 semaphore(%arg20 : memref<!tpu.dma_semaphore, #tpu.memory_space<semaphore_mem>>) src(%arg14 : memref<64x256xf32, #tpu.memory_space<vmem>>) dst(%dma_wait3A_198 : memref<64x256xf32, #tpu.memory_space<hbm>>)
      %dma_start3A_199 = arith.constant 0 : i32
      %dma_start3A_200 = arith.constant 0 : i32
      %dma_start3A_201 = tpu.memref_slice %arg2[%dma_start3A_199, %dma_start3A_200] : memref<10240x128xf32, #tpu.memory_space<hbm>> -> memref<10240x128xf32, #tpu.memory_space<hbm>>
      tpu.enqueue_indirect_dma source(%dma_start3A_201 : memref<10240x128xf32, #tpu.memory_space<hbm>>) target(%arg12 : memref<64x128xf32, #tpu.memory_space<vmem>>) offsets(%arg9 : memref<64xi32, #tpu.memory_space<vmem>>) semaphore(%arg18 : memref<!tpu.dma_semaphore, #tpu.memory_space<semaphore_mem>>)
      %dma_start3A_202 = arith.constant 0 : i32
      %dma_start3A_203 = arith.constant 0 : i32
      %dma_start3A_204 = tpu.memref_slice %arg3[%dma_start3A_202, %dma_start3A_203] : memref<10240x256xf32, #tpu.memory_space<hbm>> -> memref<10240x256xf32, #tpu.memory_space<hbm>>
      tpu.enqueue_indirect_dma source(%dma_start3A_204 : memref<10240x256xf32, #tpu.memory_space<hbm>>) target(%arg14 : memref<64x256xf32, #tpu.memory_space<vmem>>) offsets(%arg8 : memref<64xi32, #tpu.memory_space<vmem>>) semaphore(%arg18 : memref<!tpu.dma_semaphore, #tpu.memory_space<semaphore_mem>>)
      %mul3A_205 = arith.constant 2 : i32
      %mul3A_206 = arith.muli %mul3A_205, %scan3A_104 : i32
      %add3A_207 = arith.constant 3 : i32
      %add3A_208 = arith.addi %mul3A_206, %add3A_207 : i32
      %mul3A_209 = arith.constant 64 : i32
      %mul3A_210 = arith.muli %add3A_208, %mul3A_209 : i32
      %add3A_211 = arith.addi %mul3A_2, %mul3A_210 : i32
      %dma_start3A_212 = tpu.memref_slice %arg4[%add3A_211] : memref<81920xi32, #tpu.memory_space<hbm>> -> memref<64xi32, #tpu.memory_space<hbm>>
      %dma_start3A_213 = tpu.memref_slice %arg4[%add3A_211] : memref<81920xi32, #tpu.memory_space<hbm>> -> memref<64xi32, #tpu.memory_space<hbm>>
      tpu.enqueue_dma source(%dma_start3A_213 : memref<64xi32, #tpu.memory_space<hbm>>) target(%arg10 : memref<64xi32, #tpu.memory_space<vmem>>) target_semaphore(%arg17 : memref<!tpu.dma_semaphore, #tpu.memory_space<semaphore_mem>>)
      %dma_start3A_214 = tpu.memref_slice %arg5[%add3A_211] : memref<81920xi32, #tpu.memory_space<hbm>> -> memref<64xi32, #tpu.memory_space<hbm>>
      %dma_start3A_215 = tpu.memref_slice %arg5[%add3A_211] : memref<81920xi32, #tpu.memory_space<hbm>> -> memref<64xi32, #tpu.memory_space<hbm>>
      tpu.enqueue_dma source(%dma_start3A_215 : memref<64xi32, #tpu.memory_space<hbm>>) target(%arg11 : memref<64xi32, #tpu.memory_space<vmem>>) target_semaphore(%arg17 : memref<!tpu.dma_semaphore, #tpu.memory_space<semaphore_mem>>)
    }
    %scan3A_29 = arith.constant 19 : i32
    %dma_wait3A_30 = arith.constant 0 : i32
    %dma_wait3A_31 = arith.constant 0 : i32
    %dma_wait3A_32 = tpu.memref_slice %arg2[%dma_wait3A_30, %dma_wait3A_31] : memref<10240x128xf32, #tpu.memory_space<hbm>> -> memref<10240x128xf32, #tpu.memory_space<hbm>>
    tpu.wait_indirect_dma semaphore(%arg18 : memref<!tpu.dma_semaphore, #tpu.memory_space<semaphore_mem>>) src(%dma_wait3A_32 : memref<10240x128xf32, #tpu.memory_space<hbm>>) dst(%arg12 : memref<64x128xf32, #tpu.memory_space<vmem>>)
    %dma_wait3A_33 = arith.constant 0 : i32
    %dma_wait3A_34 = arith.constant 0 : i32
    %dma_wait3A_35 = tpu.memref_slice %arg3[%dma_wait3A_33, %dma_wait3A_34] : memref<10240x256xf32, #tpu.memory_space<hbm>> -> memref<10240x256xf32, #tpu.memory_space<hbm>>
    tpu.wait_indirect_dma semaphore(%arg18 : memref<!tpu.dma_semaphore, #tpu.memory_space<semaphore_mem>>) src(%dma_wait3A_35 : memref<10240x256xf32, #tpu.memory_space<hbm>>) dst(%arg14 : memref<64x256xf32, #tpu.memory_space<vmem>>)
    %add3A_36 = arith.constant 2432 : i32
    %add3A_37 = arith.addi %mul3A_2, %add3A_36 : i32
    %dma_start3A_38 = arith.constant 0 : i32
    %dma_start3A_39 = tpu.memref_slice %arg6[%add3A_37, %dma_start3A_38] : memref<81920x128xf32, #tpu.memory_space<hbm>> -> memref<64x128xf32, #tpu.memory_space<hbm>>
    %dma_start3A_40 = arith.constant 0 : i32
    %dma_start3A_41 = tpu.memref_slice %arg6[%add3A_37, %dma_start3A_40] : memref<81920x128xf32, #tpu.memory_space<hbm>> -> memref<64x128xf32, #tpu.memory_space<hbm>>
    tpu.enqueue_dma source(%arg12 : memref<64x128xf32, #tpu.memory_space<vmem>>) target(%dma_start3A_41 : memref<64x128xf32, #tpu.memory_space<hbm>>) target_semaphore(%arg20 : memref<!tpu.dma_semaphore, #tpu.memory_space<semaphore_mem>>)
    %dma_start3A_42 = arith.constant 0 : i32
    %dma_start3A_43 = tpu.memref_slice %arg7[%add3A_37, %dma_start3A_42] : memref<81920x256xf32, #tpu.memory_space<hbm>> -> memref<64x256xf32, #tpu.memory_space<hbm>>
    %dma_start3A_44 = arith.constant 0 : i32
    %dma_start3A_45 = tpu.memref_slice %arg7[%add3A_37, %dma_start3A_44] : memref<81920x256xf32, #tpu.memory_space<hbm>> -> memref<64x256xf32, #tpu.memory_space<hbm>>
    tpu.enqueue_dma source(%arg14 : memref<64x256xf32, #tpu.memory_space<vmem>>) target(%dma_start3A_45 : memref<64x256xf32, #tpu.memory_space<hbm>>) target_semaphore(%arg20 : memref<!tpu.dma_semaphore, #tpu.memory_space<semaphore_mem>>)
    %add3A_46 = arith.constant 2496 : i32
    %add3A_47 = arith.addi %mul3A_2, %add3A_46 : i32
    %dma_wait3A_48 = tpu.memref_slice %arg4[%add3A_47] : memref<81920xi32, #tpu.memory_space<hbm>> -> memref<64xi32, #tpu.memory_space<hbm>>
    %dma_wait3A_49 = tpu.memref_slice %arg4[%add3A_47] : memref<81920xi32, #tpu.memory_space<hbm>> -> memref<64xi32, #tpu.memory_space<hbm>>
    tpu.wait_dma2 semaphore(%arg17 : memref<!tpu.dma_semaphore, #tpu.memory_space<semaphore_mem>>) src(%dma_wait3A_49 : memref<64xi32, #tpu.memory_space<hbm>>) dst(%arg10 : memref<64xi32, #tpu.memory_space<vmem>>)
    %dma_wait3A_50 = tpu.memref_slice %arg5[%add3A_47] : memref<81920xi32, #tpu.memory_space<hbm>> -> memref<64xi32, #tpu.memory_space<hbm>>
    %dma_wait3A_51 = tpu.memref_slice %arg5[%add3A_47] : memref<81920xi32, #tpu.memory_space<hbm>> -> memref<64xi32, #tpu.memory_space<hbm>>
    tpu.wait_dma2 semaphore(%arg17 : memref<!tpu.dma_semaphore, #tpu.memory_space<semaphore_mem>>) src(%dma_wait3A_51 : memref<64xi32, #tpu.memory_space<hbm>>) dst(%arg11 : memref<64xi32, #tpu.memory_space<vmem>>)
    %add3A_52 = arith.constant 2368 : i32
    %add3A_53 = arith.addi %mul3A_2, %add3A_52 : i32
    %dma_wait3A_54 = arith.constant 0 : i32
    %dma_wait3A_55 = tpu.memref_slice %arg6[%add3A_53, %dma_wait3A_54] : memref<81920x128xf32, #tpu.memory_space<hbm>> -> memref<64x128xf32, #tpu.memory_space<hbm>>
    %dma_wait3A_56 = arith.constant 0 : i32
    %dma_wait3A_57 = tpu.memref_slice %arg6[%add3A_53, %dma_wait3A_56] : memref<81920x128xf32, #tpu.memory_space<hbm>> -> memref<64x128xf32, #tpu.memory_space<hbm>>
    tpu.wait_dma2 semaphore(%arg21 : memref<!tpu.dma_semaphore, #tpu.memory_space<semaphore_mem>>) src(%arg13 : memref<64x128xf32, #tpu.memory_space<vmem>>) dst(%dma_wait3A_57 : memref<64x128xf32, #tpu.memory_space<hbm>>)
    %dma_wait3A_58 = arith.constant 0 : i32
    %dma_wait3A_59 = tpu.memref_slice %arg7[%add3A_53, %dma_wait3A_58] : memref<81920x256xf32, #tpu.memory_space<hbm>> -> memref<64x256xf32, #tpu.memory_space<hbm>>
    %dma_wait3A_60 = arith.constant 0 : i32
    %dma_wait3A_61 = tpu.memref_slice %arg7[%add3A_53, %dma_wait3A_60] : memref<81920x256xf32, #tpu.memory_space<hbm>> -> memref<64x256xf32, #tpu.memory_space<hbm>>
    tpu.wait_dma2 semaphore(%arg21 : memref<!tpu.dma_semaphore, #tpu.memory_space<semaphore_mem>>) src(%arg15 : memref<64x256xf32, #tpu.memory_space<vmem>>) dst(%dma_wait3A_61 : memref<64x256xf32, #tpu.memory_space<hbm>>)
    %dma_start3A_62 = arith.constant 0 : i32
    %dma_start3A_63 = arith.constant 0 : i32
    %dma_start3A_64 = tpu.memref_slice %arg2[%dma_start3A_62, %dma_start3A_63] : memref<10240x128xf32, #tpu.memory_space<hbm>> -> memref<10240x128xf32, #tpu.memory_space<hbm>>
    tpu.enqueue_indirect_dma source(%dma_start3A_64 : memref<10240x128xf32, #tpu.memory_space<hbm>>) target(%arg13 : memref<64x128xf32, #tpu.memory_space<vmem>>) offsets(%arg11 : memref<64xi32, #tpu.memory_space<vmem>>) semaphore(%arg19 : memref<!tpu.dma_semaphore, #tpu.memory_space<semaphore_mem>>)
    %dma_start3A_65 = arith.constant 0 : i32
    %dma_start3A_66 = arith.constant 0 : i32
    %dma_start3A_67 = tpu.memref_slice %arg3[%dma_start3A_65, %dma_start3A_66] : memref<10240x256xf32, #tpu.memory_space<hbm>> -> memref<10240x256xf32, #tpu.memory_space<hbm>>
    tpu.enqueue_indirect_dma source(%dma_start3A_67 : memref<10240x256xf32, #tpu.memory_space<hbm>>) target(%arg15 : memref<64x256xf32, #tpu.memory_space<vmem>>) offsets(%arg10 : memref<64xi32, #tpu.memory_space<vmem>>) semaphore(%arg19 : memref<!tpu.dma_semaphore, #tpu.memory_space<semaphore_mem>>)
    %dma_wait3A_68 = arith.constant 0 : i32
    %dma_wait3A_69 = arith.constant 0 : i32
    %dma_wait3A_70 = tpu.memref_slice %arg2[%dma_wait3A_68, %dma_wait3A_69] : memref<10240x128xf32, #tpu.memory_space<hbm>> -> memref<10240x128xf32, #tpu.memory_space<hbm>>
    tpu.wait_indirect_dma semaphore(%arg19 : memref<!tpu.dma_semaphore, #tpu.memory_space<semaphore_mem>>) src(%dma_wait3A_70 : memref<10240x128xf32, #tpu.memory_space<hbm>>) dst(%arg13 : memref<64x128xf32, #tpu.memory_space<vmem>>)
    %dma_wait3A_71 = arith.constant 0 : i32
    %dma_wait3A_72 = arith.constant 0 : i32
    %dma_wait3A_73 = tpu.memref_slice %arg3[%dma_wait3A_71, %dma_wait3A_72] : memref<10240x256xf32, #tpu.memory_space<hbm>> -> memref<10240x256xf32, #tpu.memory_space<hbm>>
    tpu.wait_indirect_dma semaphore(%arg19 : memref<!tpu.dma_semaphore, #tpu.memory_space<semaphore_mem>>) src(%dma_wait3A_73 : memref<10240x256xf32, #tpu.memory_space<hbm>>) dst(%arg15 : memref<64x256xf32, #tpu.memory_space<vmem>>)
    %add3A_74 = arith.constant 2496 : i32
    %add3A_75 = arith.addi %mul3A_2, %add3A_74 : i32
    %dma_start3A_76 = arith.constant 0 : i32
    %dma_start3A_77 = tpu.memref_slice %arg6[%add3A_75, %dma_start3A_76] : memref<81920x128xf32, #tpu.memory_space<hbm>> -> memref<64x128xf32, #tpu.memory_space<hbm>>
    %dma_start3A_78 = arith.constant 0 : i32
    %dma_start3A_79 = tpu.memref_slice %arg6[%add3A_75, %dma_start3A_78] : memref<81920x128xf32, #tpu.memory_space<hbm>> -> memref<64x128xf32, #tpu.memory_space<hbm>>
    tpu.enqueue_dma source(%arg13 : memref<64x128xf32, #tpu.memory_space<vmem>>) target(%dma_start3A_79 : memref<64x128xf32, #tpu.memory_space<hbm>>) target_semaphore(%arg21 : memref<!tpu.dma_semaphore, #tpu.memory_space<semaphore_mem>>)
    %dma_start3A_80 = arith.constant 0 : i32
    %dma_start3A_81 = tpu.memref_slice %arg7[%add3A_75, %dma_start3A_80] : memref<81920x256xf32, #tpu.memory_space<hbm>> -> memref<64x256xf32, #tpu.memory_space<hbm>>
    %dma_start3A_82 = arith.constant 0 : i32
    %dma_start3A_83 = tpu.memref_slice %arg7[%add3A_75, %dma_start3A_82] : memref<81920x256xf32, #tpu.memory_space<hbm>> -> memref<64x256xf32, #tpu.memory_space<hbm>>
    tpu.enqueue_dma source(%arg15 : memref<64x256xf32, #tpu.memory_space<vmem>>) target(%dma_start3A_83 : memref<64x256xf32, #tpu.memory_space<hbm>>) target_semaphore(%arg21 : memref<!tpu.dma_semaphore, #tpu.memory_space<semaphore_mem>>)
    %add3A_84 = arith.constant 2432 : i32
    %add3A_85 = arith.addi %mul3A_2, %add3A_84 : i32
    %dma_wait3A_86 = arith.constant 0 : i32
    %dma_wait3A_87 = tpu.memref_slice %arg6[%add3A_85, %dma_wait3A_86] : memref<81920x128xf32, #tpu.memory_space<hbm>> -> memref<64x128xf32, #tpu.memory_space<hbm>>
    %dma_wait3A_88 = arith.constant 0 : i32
    %dma_wait3A_89 = tpu.memref_slice %arg6[%add3A_85, %dma_wait3A_88] : memref<81920x128xf32, #tpu.memory_space<hbm>> -> memref<64x128xf32, #tpu.memory_space<hbm>>
    tpu.wait_dma2 semaphore(%arg20 : memref<!tpu.dma_semaphore, #tpu.memory_space<semaphore_mem>>) src(%arg12 : memref<64x128xf32, #tpu.memory_space<vmem>>) dst(%dma_wait3A_89 : memref<64x128xf32, #tpu.memory_space<hbm>>)
    %dma_wait3A_90 = arith.constant 0 : i32
    %dma_wait3A_91 = tpu.memref_slice %arg7[%add3A_85, %dma_wait3A_90] : memref<81920x256xf32, #tpu.memory_space<hbm>> -> memref<64x256xf32, #tpu.memory_space<hbm>>
    %dma_wait3A_92 = arith.constant 0 : i32
    %dma_wait3A_93 = tpu.memref_slice %arg7[%add3A_85, %dma_wait3A_92] : memref<81920x256xf32, #tpu.memory_space<hbm>> -> memref<64x256xf32, #tpu.memory_space<hbm>>
    tpu.wait_dma2 semaphore(%arg20 : memref<!tpu.dma_semaphore, #tpu.memory_space<semaphore_mem>>) src(%arg14 : memref<64x256xf32, #tpu.memory_space<vmem>>) dst(%dma_wait3A_93 : memref<64x256xf32, #tpu.memory_space<hbm>>)
    %add3A_94 = arith.constant 2496 : i32
    %add3A_95 = arith.addi %mul3A_2, %add3A_94 : i32
    %dma_wait3A_96 = arith.constant 0 : i32
    %dma_wait3A_97 = tpu.memref_slice %arg6[%add3A_95, %dma_wait3A_96] : memref<81920x128xf32, #tpu.memory_space<hbm>> -> memref<64x128xf32, #tpu.memory_space<hbm>>
    %dma_wait3A_98 = arith.constant 0 : i32
    %dma_wait3A_99 = tpu.memref_slice %arg6[%add3A_95, %dma_wait3A_98] : memref<81920x128xf32, #tpu.memory_space<hbm>> -> memref<64x128xf32, #tpu.memory_space<hbm>>
    tpu.wait_dma2 semaphore(%arg21 : memref<!tpu.dma_semaphore, #tpu.memory_space<semaphore_mem>>) src(%arg13 : memref<64x128xf32, #tpu.memory_space<vmem>>) dst(%dma_wait3A_99 : memref<64x128xf32, #tpu.memory_space<hbm>>)
    %dma_wait3A_100 = arith.constant 0 : i32
    %dma_wait3A_101 = tpu.memref_slice %arg7[%add3A_95, %dma_wait3A_100] : memref<81920x256xf32, #tpu.memory_space<hbm>> -> memref<64x256xf32, #tpu.memory_space<hbm>>
    %dma_wait3A_102 = arith.constant 0 : i32
    %dma_wait3A_103 = tpu.memref_slice %arg7[%add3A_95, %dma_wait3A_102] : memref<81920x256xf32, #tpu.memory_space<hbm>> -> memref<64x256xf32, #tpu.memory_space<hbm>>
    tpu.wait_dma2 semaphore(%arg21 : memref<!tpu.dma_semaphore, #tpu.memory_space<semaphore_mem>>) src(%arg15 : memref<64x256xf32, #tpu.memory_space<vmem>>) dst(%dma_wait3A_103 : memref<64x256xf32, #tpu.memory_space<hbm>>)
    return
  }
}

#map = affine_map<(d0, d1) -> (0)>
#map1 = affine_map<(d0, d1) -> (0, 0)>
#map2 = affine_map<(d0, d1) -> (0, 0, 0)>
module attributes {stable_mosaic.version = 14 : i64} {
  func.func @_scatter_body(%arg0: i32, %arg1: i32, %arg2: memref<81920xi32, #tpu.memory_space<hbm>>, %arg3: memref<81920x128xf32, #tpu.memory_space<hbm>>, %arg4: memref<10240x128xf32, #tpu.memory_space<hbm>>, %arg5: memref<2x10240x128xf32, #tpu.memory_space<hbm>>, %arg6: memref<10240x128xf32, #tpu.memory_space<vmem_shared>>, %arg7: memref<64xi32, #tpu.memory_space<vmem>>, %arg8: memref<64xi32, #tpu.memory_space<vmem>>, %arg9: memref<64x128xf32, #tpu.memory_space<vmem>>, %arg10: memref<64x128xf32, #tpu.memory_space<vmem>>, %arg11: memref<!tpu.dma_semaphore, #tpu.memory_space<semaphore_mem>>, %arg12: memref<!tpu.dma_semaphore, #tpu.memory_space<semaphore_mem>>, %arg13: memref<!tpu.dma_semaphore, #tpu.memory_space<semaphore_mem>>, %arg14: memref<!tpu.dma_semaphore, #tpu.memory_space<semaphore_mem>>) attributes {dimension_semantics = [#tpu.dimension_semantics<core_parallel>, #tpu.dimension_semantics<subcore_parallel>], iteration_bounds = array<i64: 2, 16>, scalar_prefetch = 0 : i64, scratch_operands = 9 : i64, tpu.core_type = #tpu.core_type<sc_vector_subcore>, window_params = [{transform_indices = #map}, {transform_indices = #map1}, {transform_indices = #map1}, {transform_indices = #map2}]} {
    %mul3A = arith.constant 2 : i32
    %mul3A_0 = arith.muli %arg1, %mul3A : i32
    %add3A = arith.addi %mul3A_0, %arg0 : i32
    %mul3A_1 = arith.constant 640 : i32
    %mul3A_2 = arith.muli %arg1, %mul3A_1 : i32
    "tpu.region"() ({
      %run_scoped3A = tpu.sem_alloc : memref<!tpu.dma_semaphore, #tpu.memory_space<semaphore_mem>>
      %dma_start3A_20 = arith.constant 0 : i32
      %dma_start3A_21 = tpu.memref_slice %arg6[%mul3A_2, %dma_start3A_20] : memref<10240x128xf32, #tpu.memory_space<vmem_shared>> -> memref<640x128xf32, #tpu.memory_space<vmem_shared>>
      %dma_start3A_22 = arith.constant 0 : i32
      %dma_start3A_23 = tpu.memref_slice %arg4[%mul3A_2, %dma_start3A_22] : memref<10240x128xf32, #tpu.memory_space<hbm>> -> memref<640x128xf32, #tpu.memory_space<hbm>>
      tpu.enqueue_dma source(%dma_start3A_23 : memref<640x128xf32, #tpu.memory_space<hbm>>) target(%dma_start3A_21 : memref<640x128xf32, #tpu.memory_space<vmem_shared>>) target_semaphore(%run_scoped3A : memref<!tpu.dma_semaphore, #tpu.memory_space<semaphore_mem>>)
      %dma_wait3A_24 = arith.constant 0 : i32
      %dma_wait3A_25 = tpu.memref_slice %arg6[%mul3A_2, %dma_wait3A_24] : memref<10240x128xf32, #tpu.memory_space<vmem_shared>> -> memref<640x128xf32, #tpu.memory_space<vmem_shared>>
      %dma_wait3A_26 = arith.constant 0 : i32
      %dma_wait3A_27 = tpu.memref_slice %arg4[%mul3A_2, %dma_wait3A_26] : memref<10240x128xf32, #tpu.memory_space<hbm>> -> memref<640x128xf32, #tpu.memory_space<hbm>>
      tpu.wait_dma2 semaphore(%run_scoped3A : memref<!tpu.dma_semaphore, #tpu.memory_space<semaphore_mem>>) src(%dma_wait3A_27 : memref<640x128xf32, #tpu.memory_space<hbm>>) dst(%dma_wait3A_25 : memref<640x128xf32, #tpu.memory_space<vmem_shared>>)
      tpu.yield
    }) : () -> ()
    %barrier3A = arith.constant 0 : index
    tpu.barrier barrier_id(%barrier3A)
    %mul3A_3 = arith.constant 2560 : i32
    %mul3A_4 = arith.muli %add3A, %mul3A_3 : i32
    %add3A_5 = arith.constant 0 : i32
    %add3A_6 = arith.addi %mul3A_4, %add3A_5 : i32
    %dma_start3A = tpu.memref_slice %arg2[%add3A_6] : memref<81920xi32, #tpu.memory_space<hbm>> -> memref<64xi32, #tpu.memory_space<hbm>>
    %dma_start3A_7 = tpu.memref_slice %arg2[%add3A_6] : memref<81920xi32, #tpu.memory_space<hbm>> -> memref<64xi32, #tpu.memory_space<hbm>>
    tpu.enqueue_dma source(%dma_start3A_7 : memref<64xi32, #tpu.memory_space<hbm>>) target(%arg7 : memref<64xi32, #tpu.memory_space<vmem>>) target_semaphore(%arg11 : memref<!tpu.dma_semaphore, #tpu.memory_space<semaphore_mem>>)
    %dma_start3A_8 = arith.constant 0 : i32
    %dma_start3A_9 = tpu.memref_slice %arg3[%add3A_6, %dma_start3A_8] : memref<81920x128xf32, #tpu.memory_space<hbm>> -> memref<64x128xf32, #tpu.memory_space<hbm>>
    %dma_start3A_10 = arith.constant 0 : i32
    %dma_start3A_11 = tpu.memref_slice %arg3[%add3A_6, %dma_start3A_10] : memref<81920x128xf32, #tpu.memory_space<hbm>> -> memref<64x128xf32, #tpu.memory_space<hbm>>
    tpu.enqueue_dma source(%dma_start3A_11 : memref<64x128xf32, #tpu.memory_space<hbm>>) target(%arg9 : memref<64x128xf32, #tpu.memory_space<vmem>>) target_semaphore(%arg11 : memref<!tpu.dma_semaphore, #tpu.memory_space<semaphore_mem>>)
    %scan3A = arith.constant 0 : i32
    %scan3A_12 = arith.constant 0 : i32
    %scan3A_13 = arith.constant 20 : i32
    %scan3A_14 = arith.addi %scan3A_12, %scan3A_13 : i32
    %scan3A_15 = arith.constant 1 : i32
    scf.for %scan3A_20 = %scan3A_12 to %scan3A_14 step %scan3A_15  : i32 {
      %mul3A_21 = arith.constant 2 : i32
      %mul3A_22 = arith.muli %mul3A_21, %scan3A_20 : i32
      %mul3A_23 = arith.constant 64 : i32
      %mul3A_24 = arith.muli %mul3A_22, %mul3A_23 : i32
      %add3A_25 = arith.addi %mul3A_4, %mul3A_24 : i32
      %dma_wait3A_26 = tpu.memref_slice %arg2[%add3A_25] : memref<81920xi32, #tpu.memory_space<hbm>> -> memref<64xi32, #tpu.memory_space<hbm>>
      %dma_wait3A_27 = tpu.memref_slice %arg2[%add3A_25] : memref<81920xi32, #tpu.memory_space<hbm>> -> memref<64xi32, #tpu.memory_space<hbm>>
      tpu.wait_dma2 semaphore(%arg11 : memref<!tpu.dma_semaphore, #tpu.memory_space<semaphore_mem>>) src(%dma_wait3A_27 : memref<64xi32, #tpu.memory_space<hbm>>) dst(%arg7 : memref<64xi32, #tpu.memory_space<vmem>>)
      %dma_wait3A_28 = arith.constant 0 : i32
      %dma_wait3A_29 = tpu.memref_slice %arg3[%add3A_25, %dma_wait3A_28] : memref<81920x128xf32, #tpu.memory_space<hbm>> -> memref<64x128xf32, #tpu.memory_space<hbm>>
      %dma_wait3A_30 = arith.constant 0 : i32
      %dma_wait3A_31 = tpu.memref_slice %arg3[%add3A_25, %dma_wait3A_30] : memref<81920x128xf32, #tpu.memory_space<hbm>> -> memref<64x128xf32, #tpu.memory_space<hbm>>
      tpu.wait_dma2 semaphore(%arg11 : memref<!tpu.dma_semaphore, #tpu.memory_space<semaphore_mem>>) src(%dma_wait3A_31 : memref<64x128xf32, #tpu.memory_space<hbm>>) dst(%arg9 : memref<64x128xf32, #tpu.memory_space<vmem>>)
      %dma_start3A_32 = arith.constant 0 : i32
      %dma_start3A_33 = arith.constant 0 : i32
      %dma_start3A_34 = tpu.memref_slice %arg6[%dma_start3A_32, %dma_start3A_33] : memref<10240x128xf32, #tpu.memory_space<vmem_shared>> -> memref<10240x128xf32, #tpu.memory_space<vmem_shared>>
      tpu.enqueue_indirect_dma source(%arg9 : memref<64x128xf32, #tpu.memory_space<vmem>>) target(%dma_start3A_34 : memref<10240x128xf32, #tpu.memory_space<vmem_shared>>) offsets(%arg7 : memref<64xi32, #tpu.memory_space<vmem>>) semaphore(%arg13 : memref<!tpu.dma_semaphore, #tpu.memory_space<semaphore_mem>>) {add = true}
      %gt3A = arith.constant 0 : i32
      %gt3A_35 = arith.cmpi sgt, %scan3A_20, %gt3A : i32
      %convert_element_type3A = arith.extui %gt3A_35 : i1 to i32
      %cond3A = arith.constant 0 : i32
      %cond3A_36 = arith.cmpi ne, %convert_element_type3A, %cond3A : i32
      scf.if %cond3A_36 {
        %dma_wait3A_73 = arith.constant 0 : i32
        %dma_wait3A_74 = arith.constant 0 : i32
        %dma_wait3A_75 = tpu.memref_slice %arg6[%dma_wait3A_73, %dma_wait3A_74] : memref<10240x128xf32, #tpu.memory_space<vmem_shared>> -> memref<10240x128xf32, #tpu.memory_space<vmem_shared>>
        tpu.wait_indirect_dma semaphore(%arg14 : memref<!tpu.dma_semaphore, #tpu.memory_space<semaphore_mem>>) src(%arg10 : memref<64x128xf32, #tpu.memory_space<vmem>>) dst(%dma_wait3A_75 : memref<10240x128xf32, #tpu.memory_space<vmem_shared>>)
      } else {
      }
      %mul3A_37 = arith.constant 2 : i32
      %mul3A_38 = arith.muli %mul3A_37, %scan3A_20 : i32
      %add3A_39 = arith.constant 1 : i32
      %add3A_40 = arith.addi %mul3A_38, %add3A_39 : i32
      %mul3A_41 = arith.constant 64 : i32
      %mul3A_42 = arith.muli %add3A_40, %mul3A_41 : i32
      %add3A_43 = arith.addi %mul3A_4, %mul3A_42 : i32
      %dma_start3A_44 = tpu.memref_slice %arg2[%add3A_43] : memref<81920xi32, #tpu.memory_space<hbm>> -> memref<64xi32, #tpu.memory_space<hbm>>
      %dma_start3A_45 = tpu.memref_slice %arg2[%add3A_43] : memref<81920xi32, #tpu.memory_space<hbm>> -> memref<64xi32, #tpu.memory_space<hbm>>
      tpu.enqueue_dma source(%dma_start3A_45 : memref<64xi32, #tpu.memory_space<hbm>>) target(%arg8 : memref<64xi32, #tpu.memory_space<vmem>>) target_semaphore(%arg12 : memref<!tpu.dma_semaphore, #tpu.memory_space<semaphore_mem>>)
      %dma_start3A_46 = arith.constant 0 : i32
      %dma_start3A_47 = tpu.memref_slice %arg3[%add3A_43, %dma_start3A_46] : memref<81920x128xf32, #tpu.memory_space<hbm>> -> memref<64x128xf32, #tpu.memory_space<hbm>>
      %dma_start3A_48 = arith.constant 0 : i32
      %dma_start3A_49 = tpu.memref_slice %arg3[%add3A_43, %dma_start3A_48] : memref<81920x128xf32, #tpu.memory_space<hbm>> -> memref<64x128xf32, #tpu.memory_space<hbm>>
      tpu.enqueue_dma source(%dma_start3A_49 : memref<64x128xf32, #tpu.memory_space<hbm>>) target(%arg10 : memref<64x128xf32, #tpu.memory_space<vmem>>) target_semaphore(%arg12 : memref<!tpu.dma_semaphore, #tpu.memory_space<semaphore_mem>>)
      %mul3A_50 = arith.constant 2 : i32
      %mul3A_51 = arith.muli %mul3A_50, %scan3A_20 : i32
      %add3A_52 = arith.constant 1 : i32
      %add3A_53 = arith.addi %mul3A_51, %add3A_52 : i32
      %mul3A_54 = arith.constant 64 : i32
      %mul3A_55 = arith.muli %add3A_53, %mul3A_54 : i32
      %add3A_56 = arith.addi %mul3A_4, %mul3A_55 : i32
      %dma_wait3A_57 = tpu.memref_slice %arg2[%add3A_56] : memref<81920xi32, #tpu.memory_space<hbm>> -> memref<64xi32, #tpu.memory_space<hbm>>
      %dma_wait3A_58 = tpu.memref_slice %arg2[%add3A_56] : memref<81920xi32, #tpu.memory_space<hbm>> -> memref<64xi32, #tpu.memory_space<hbm>>
      tpu.wait_dma2 semaphore(%arg12 : memref<!tpu.dma_semaphore, #tpu.memory_space<semaphore_mem>>) src(%dma_wait3A_58 : memref<64xi32, #tpu.memory_space<hbm>>) dst(%arg8 : memref<64xi32, #tpu.memory_space<vmem>>)
      %dma_wait3A_59 = arith.constant 0 : i32
      %dma_wait3A_60 = tpu.memref_slice %arg3[%add3A_56, %dma_wait3A_59] : memref<81920x128xf32, #tpu.memory_space<hbm>> -> memref<64x128xf32, #tpu.memory_space<hbm>>
      %dma_wait3A_61 = arith.constant 0 : i32
      %dma_wait3A_62 = tpu.memref_slice %arg3[%add3A_56, %dma_wait3A_61] : memref<81920x128xf32, #tpu.memory_space<hbm>> -> memref<64x128xf32, #tpu.memory_space<hbm>>
      tpu.wait_dma2 semaphore(%arg12 : memref<!tpu.dma_semaphore, #tpu.memory_space<semaphore_mem>>) src(%dma_wait3A_62 : memref<64x128xf32, #tpu.memory_space<hbm>>) dst(%arg10 : memref<64x128xf32, #tpu.memory_space<vmem>>)
      %dma_start3A_63 = arith.constant 0 : i32
      %dma_start3A_64 = arith.constant 0 : i32
      %dma_start3A_65 = tpu.memref_slice %arg6[%dma_start3A_63, %dma_start3A_64] : memref<10240x128xf32, #tpu.memory_space<vmem_shared>> -> memref<10240x128xf32, #tpu.memory_space<vmem_shared>>
      tpu.enqueue_indirect_dma source(%arg10 : memref<64x128xf32, #tpu.memory_space<vmem>>) target(%dma_start3A_65 : memref<10240x128xf32, #tpu.memory_space<vmem_shared>>) offsets(%arg8 : memref<64xi32, #tpu.memory_space<vmem>>) semaphore(%arg14 : memref<!tpu.dma_semaphore, #tpu.memory_space<semaphore_mem>>) {add = true}
      %dma_wait3A_66 = arith.constant 0 : i32
      %dma_wait3A_67 = arith.constant 0 : i32
      %dma_wait3A_68 = tpu.memref_slice %arg6[%dma_wait3A_66, %dma_wait3A_67] : memref<10240x128xf32, #tpu.memory_space<vmem_shared>> -> memref<10240x128xf32, #tpu.memory_space<vmem_shared>>
      tpu.wait_indirect_dma semaphore(%arg13 : memref<!tpu.dma_semaphore, #tpu.memory_space<semaphore_mem>>) src(%arg9 : memref<64x128xf32, #tpu.memory_space<vmem>>) dst(%dma_wait3A_68 : memref<10240x128xf32, #tpu.memory_space<vmem_shared>>)
      %lt3A = arith.constant 19 : i32
      %lt3A_69 = arith.cmpi slt, %scan3A_20, %lt3A : i32
      %convert_element_type3A_70 = arith.extui %lt3A_69 : i1 to i32
      %cond3A_71 = arith.constant 0 : i32
      %cond3A_72 = arith.cmpi ne, %convert_element_type3A_70, %cond3A_71 : i32
      scf.if %cond3A_72 {
        %mul3A_73 = arith.constant 2 : i32
        %mul3A_74 = arith.muli %mul3A_73, %scan3A_20 : i32
        %add3A_75 = arith.constant 2 : i32
        %add3A_76 = arith.addi %mul3A_74, %add3A_75 : i32
        %mul3A_77 = arith.constant 64 : i32
        %mul3A_78 = arith.muli %add3A_76, %mul3A_77 : i32
        %add3A_79 = arith.addi %mul3A_4, %mul3A_78 : i32
        %dma_start3A_80 = tpu.memref_slice %arg2[%add3A_79] : memref<81920xi32, #tpu.memory_space<hbm>> -> memref<64xi32, #tpu.memory_space<hbm>>
        %dma_start3A_81 = tpu.memref_slice %arg2[%add3A_79] : memref<81920xi32, #tpu.memory_space<hbm>> -> memref<64xi32, #tpu.memory_space<hbm>>
        tpu.enqueue_dma source(%dma_start3A_81 : memref<64xi32, #tpu.memory_space<hbm>>) target(%arg7 : memref<64xi32, #tpu.memory_space<vmem>>) target_semaphore(%arg11 : memref<!tpu.dma_semaphore, #tpu.memory_space<semaphore_mem>>)
        %dma_start3A_82 = arith.constant 0 : i32
        %dma_start3A_83 = tpu.memref_slice %arg3[%add3A_79, %dma_start3A_82] : memref<81920x128xf32, #tpu.memory_space<hbm>> -> memref<64x128xf32, #tpu.memory_space<hbm>>
        %dma_start3A_84 = arith.constant 0 : i32
        %dma_start3A_85 = tpu.memref_slice %arg3[%add3A_79, %dma_start3A_84] : memref<81920x128xf32, #tpu.memory_space<hbm>> -> memref<64x128xf32, #tpu.memory_space<hbm>>
        tpu.enqueue_dma source(%dma_start3A_85 : memref<64x128xf32, #tpu.memory_space<hbm>>) target(%arg9 : memref<64x128xf32, #tpu.memory_space<vmem>>) target_semaphore(%arg11 : memref<!tpu.dma_semaphore, #tpu.memory_space<semaphore_mem>>)
      } else {
      }
    }
    %scan3A_16 = arith.constant 20 : i32
    %dma_wait3A = arith.constant 0 : i32
    %dma_wait3A_17 = arith.constant 0 : i32
    %dma_wait3A_18 = tpu.memref_slice %arg6[%dma_wait3A, %dma_wait3A_17] : memref<10240x128xf32, #tpu.memory_space<vmem_shared>> -> memref<10240x128xf32, #tpu.memory_space<vmem_shared>>
    tpu.wait_indirect_dma semaphore(%arg14 : memref<!tpu.dma_semaphore, #tpu.memory_space<semaphore_mem>>) src(%arg10 : memref<64x128xf32, #tpu.memory_space<vmem>>) dst(%dma_wait3A_18 : memref<10240x128xf32, #tpu.memory_space<vmem_shared>>)
    %barrier3A_19 = arith.constant 0 : index
    tpu.barrier barrier_id(%barrier3A_19)
    "tpu.region"() ({
      %run_scoped3A = tpu.sem_alloc : memref<!tpu.dma_semaphore, #tpu.memory_space<semaphore_mem>>
      %dma_start3A_20 = arith.constant 0 : i32
      %dma_start3A_21 = tpu.memref_slice %arg5[%arg0, %mul3A_2, %dma_start3A_20] : memref<2x10240x128xf32, #tpu.memory_space<hbm>> -> memref<1x640x128xf32, #tpu.memory_space<hbm>>
      %dma_start3A_22 = tpu.memref_squeeze %dma_start3A_21 : memref<1x640x128xf32, #tpu.memory_space<hbm>> -> memref<640x128xf32, #tpu.memory_space<hbm>>
      %dma_start3A_23 = arith.constant 0 : i32
      %dma_start3A_24 = tpu.memref_slice %arg6[%mul3A_2, %dma_start3A_23] : memref<10240x128xf32, #tpu.memory_space<vmem_shared>> -> memref<640x128xf32, #tpu.memory_space<vmem_shared>>
      tpu.enqueue_dma source(%dma_start3A_24 : memref<640x128xf32, #tpu.memory_space<vmem_shared>>) target(%dma_start3A_22 : memref<640x128xf32, #tpu.memory_space<hbm>>) target_semaphore(%run_scoped3A : memref<!tpu.dma_semaphore, #tpu.memory_space<semaphore_mem>>)
      %dma_wait3A_25 = arith.constant 0 : i32
      %dma_wait3A_26 = tpu.memref_slice %arg5[%arg0, %mul3A_2, %dma_wait3A_25] : memref<2x10240x128xf32, #tpu.memory_space<hbm>> -> memref<1x640x128xf32, #tpu.memory_space<hbm>>
      %dma_wait3A_27 = tpu.memref_squeeze %dma_wait3A_26 : memref<1x640x128xf32, #tpu.memory_space<hbm>> -> memref<640x128xf32, #tpu.memory_space<hbm>>
      %dma_wait3A_28 = arith.constant 0 : i32
      %dma_wait3A_29 = tpu.memref_slice %arg6[%mul3A_2, %dma_wait3A_28] : memref<10240x128xf32, #tpu.memory_space<vmem_shared>> -> memref<640x128xf32, #tpu.memory_space<vmem_shared>>
      tpu.wait_dma2 semaphore(%run_scoped3A : memref<!tpu.dma_semaphore, #tpu.memory_space<semaphore_mem>>) src(%dma_wait3A_29 : memref<640x128xf32, #tpu.memory_space<vmem_shared>>) dst(%dma_wait3A_27 : memref<640x128xf32, #tpu.memory_space<hbm>>)
      tpu.yield
    }) : () -> ()
    return
  }
}

#map = affine_map<(d0, d1) -> (0)>
#map1 = affine_map<(d0, d1) -> (0, 0)>
#map2 = affine_map<(d0, d1) -> (0, 0, 0)>
module attributes {stable_mosaic.version = 14 : i64} {
  func.func @_scatter_body(%arg0: i32, %arg1: i32, %arg2: memref<81920xi32, #tpu.memory_space<hbm>>, %arg3: memref<81920x128xf32, #tpu.memory_space<hbm>>, %arg4: memref<10240x128xf32, #tpu.memory_space<hbm>>, %arg5: memref<2x10240x128xf32, #tpu.memory_space<hbm>>, %arg6: memref<10240x128xf32, #tpu.memory_space<vmem_shared>>, %arg7: memref<64xi32, #tpu.memory_space<vmem>>, %arg8: memref<64xi32, #tpu.memory_space<vmem>>, %arg9: memref<64x128xf32, #tpu.memory_space<vmem>>, %arg10: memref<64x128xf32, #tpu.memory_space<vmem>>, %arg11: memref<!tpu.dma_semaphore, #tpu.memory_space<semaphore_mem>>, %arg12: memref<!tpu.dma_semaphore, #tpu.memory_space<semaphore_mem>>, %arg13: memref<!tpu.dma_semaphore, #tpu.memory_space<semaphore_mem>>, %arg14: memref<!tpu.dma_semaphore, #tpu.memory_space<semaphore_mem>>) attributes {dimension_semantics = [#tpu.dimension_semantics<core_parallel>, #tpu.dimension_semantics<subcore_parallel>], iteration_bounds = array<i64: 2, 16>, scalar_prefetch = 0 : i64, scratch_operands = 9 : i64, tpu.core_type = #tpu.core_type<sc_vector_subcore>, window_params = [{transform_indices = #map}, {transform_indices = #map1}, {transform_indices = #map1}, {transform_indices = #map2}]} {
    %mul3A = arith.constant 2 : i32
    %mul3A_0 = arith.muli %arg1, %mul3A : i32
    %add3A = arith.addi %mul3A_0, %arg0 : i32
    %mul3A_1 = arith.constant 640 : i32
    %mul3A_2 = arith.muli %arg1, %mul3A_1 : i32
    "tpu.region"() ({
      %run_scoped3A = tpu.sem_alloc : memref<!tpu.dma_semaphore, #tpu.memory_space<semaphore_mem>>
      %dma_start3A_20 = arith.constant 0 : i32
      %dma_start3A_21 = tpu.memref_slice %arg6[%mul3A_2, %dma_start3A_20] : memref<10240x128xf32, #tpu.memory_space<vmem_shared>> -> memref<640x128xf32, #tpu.memory_space<vmem_shared>>
      %dma_start3A_22 = arith.constant 0 : i32
      %dma_start3A_23 = tpu.memref_slice %arg4[%mul3A_2, %dma_start3A_22] : memref<10240x128xf32, #tpu.memory_space<hbm>> -> memref<640x128xf32, #tpu.memory_space<hbm>>
      tpu.enqueue_dma source(%dma_start3A_23 : memref<640x128xf32, #tpu.memory_space<hbm>>) target(%dma_start3A_21 : memref<640x128xf32, #tpu.memory_space<vmem_shared>>) target_semaphore(%run_scoped3A : memref<!tpu.dma_semaphore, #tpu.memory_space<semaphore_mem>>)
      %dma_wait3A_24 = arith.constant 0 : i32
      %dma_wait3A_25 = tpu.memref_slice %arg6[%mul3A_2, %dma_wait3A_24] : memref<10240x128xf32, #tpu.memory_space<vmem_shared>> -> memref<640x128xf32, #tpu.memory_space<vmem_shared>>
      %dma_wait3A_26 = arith.constant 0 : i32
      %dma_wait3A_27 = tpu.memref_slice %arg4[%mul3A_2, %dma_wait3A_26] : memref<10240x128xf32, #tpu.memory_space<hbm>> -> memref<640x128xf32, #tpu.memory_space<hbm>>
      tpu.wait_dma2 semaphore(%run_scoped3A : memref<!tpu.dma_semaphore, #tpu.memory_space<semaphore_mem>>) src(%dma_wait3A_27 : memref<640x128xf32, #tpu.memory_space<hbm>>) dst(%dma_wait3A_25 : memref<640x128xf32, #tpu.memory_space<vmem_shared>>)
      tpu.yield
    }) : () -> ()
    %barrier3A = arith.constant 0 : index
    tpu.barrier barrier_id(%barrier3A)
    %mul3A_3 = arith.constant 2560 : i32
    %mul3A_4 = arith.muli %add3A, %mul3A_3 : i32
    %add3A_5 = arith.constant 0 : i32
    %add3A_6 = arith.addi %mul3A_4, %add3A_5 : i32
    %dma_start3A = tpu.memref_slice %arg2[%add3A_6] : memref<81920xi32, #tpu.memory_space<hbm>> -> memref<64xi32, #tpu.memory_space<hbm>>
    %dma_start3A_7 = tpu.memref_slice %arg2[%add3A_6] : memref<81920xi32, #tpu.memory_space<hbm>> -> memref<64xi32, #tpu.memory_space<hbm>>
    tpu.enqueue_dma source(%dma_start3A_7 : memref<64xi32, #tpu.memory_space<hbm>>) target(%arg7 : memref<64xi32, #tpu.memory_space<vmem>>) target_semaphore(%arg11 : memref<!tpu.dma_semaphore, #tpu.memory_space<semaphore_mem>>)
    %dma_start3A_8 = arith.constant 0 : i32
    %dma_start3A_9 = tpu.memref_slice %arg3[%add3A_6, %dma_start3A_8] : memref<81920x128xf32, #tpu.memory_space<hbm>> -> memref<64x128xf32, #tpu.memory_space<hbm>>
    %dma_start3A_10 = arith.constant 0 : i32
    %dma_start3A_11 = tpu.memref_slice %arg3[%add3A_6, %dma_start3A_10] : memref<81920x128xf32, #tpu.memory_space<hbm>> -> memref<64x128xf32, #tpu.memory_space<hbm>>
    tpu.enqueue_dma source(%dma_start3A_11 : memref<64x128xf32, #tpu.memory_space<hbm>>) target(%arg9 : memref<64x128xf32, #tpu.memory_space<vmem>>) target_semaphore(%arg11 : memref<!tpu.dma_semaphore, #tpu.memory_space<semaphore_mem>>)
    %scan3A = arith.constant 0 : i32
    %scan3A_12 = arith.constant 0 : i32
    %scan3A_13 = arith.constant 20 : i32
    %scan3A_14 = arith.addi %scan3A_12, %scan3A_13 : i32
    %scan3A_15 = arith.constant 1 : i32
    scf.for %scan3A_20 = %scan3A_12 to %scan3A_14 step %scan3A_15  : i32 {
      %mul3A_21 = arith.constant 2 : i32
      %mul3A_22 = arith.muli %mul3A_21, %scan3A_20 : i32
      %mul3A_23 = arith.constant 64 : i32
      %mul3A_24 = arith.muli %mul3A_22, %mul3A_23 : i32
      %add3A_25 = arith.addi %mul3A_4, %mul3A_24 : i32
      %dma_wait3A_26 = tpu.memref_slice %arg2[%add3A_25] : memref<81920xi32, #tpu.memory_space<hbm>> -> memref<64xi32, #tpu.memory_space<hbm>>
      %dma_wait3A_27 = tpu.memref_slice %arg2[%add3A_25] : memref<81920xi32, #tpu.memory_space<hbm>> -> memref<64xi32, #tpu.memory_space<hbm>>
      tpu.wait_dma2 semaphore(%arg11 : memref<!tpu.dma_semaphore, #tpu.memory_space<semaphore_mem>>) src(%dma_wait3A_27 : memref<64xi32, #tpu.memory_space<hbm>>) dst(%arg7 : memref<64xi32, #tpu.memory_space<vmem>>)
      %dma_wait3A_28 = arith.constant 0 : i32
      %dma_wait3A_29 = tpu.memref_slice %arg3[%add3A_25, %dma_wait3A_28] : memref<81920x128xf32, #tpu.memory_space<hbm>> -> memref<64x128xf32, #tpu.memory_space<hbm>>
      %dma_wait3A_30 = arith.constant 0 : i32
      %dma_wait3A_31 = tpu.memref_slice %arg3[%add3A_25, %dma_wait3A_30] : memref<81920x128xf32, #tpu.memory_space<hbm>> -> memref<64x128xf32, #tpu.memory_space<hbm>>
      tpu.wait_dma2 semaphore(%arg11 : memref<!tpu.dma_semaphore, #tpu.memory_space<semaphore_mem>>) src(%dma_wait3A_31 : memref<64x128xf32, #tpu.memory_space<hbm>>) dst(%arg9 : memref<64x128xf32, #tpu.memory_space<vmem>>)
      %dma_start3A_32 = arith.constant 0 : i32
      %dma_start3A_33 = arith.constant 0 : i32
      %dma_start3A_34 = tpu.memref_slice %arg6[%dma_start3A_32, %dma_start3A_33] : memref<10240x128xf32, #tpu.memory_space<vmem_shared>> -> memref<10240x128xf32, #tpu.memory_space<vmem_shared>>
      tpu.enqueue_indirect_dma source(%arg9 : memref<64x128xf32, #tpu.memory_space<vmem>>) target(%dma_start3A_34 : memref<10240x128xf32, #tpu.memory_space<vmem_shared>>) offsets(%arg7 : memref<64xi32, #tpu.memory_space<vmem>>) semaphore(%arg13 : memref<!tpu.dma_semaphore, #tpu.memory_space<semaphore_mem>>) {add = true}
      %gt3A = arith.constant 0 : i32
      %gt3A_35 = arith.cmpi sgt, %scan3A_20, %gt3A : i32
      %convert_element_type3A = arith.extui %gt3A_35 : i1 to i32
      %cond3A = arith.constant 0 : i32
      %cond3A_36 = arith.cmpi ne, %convert_element_type3A, %cond3A : i32
      scf.if %cond3A_36 {
        %dma_wait3A_73 = arith.constant 0 : i32
        %dma_wait3A_74 = arith.constant 0 : i32
        %dma_wait3A_75 = tpu.memref_slice %arg6[%dma_wait3A_73, %dma_wait3A_74] : memref<10240x128xf32, #tpu.memory_space<vmem_shared>> -> memref<10240x128xf32, #tpu.memory_space<vmem_shared>>
        tpu.wait_indirect_dma semaphore(%arg14 : memref<!tpu.dma_semaphore, #tpu.memory_space<semaphore_mem>>) src(%arg10 : memref<64x128xf32, #tpu.memory_space<vmem>>) dst(%dma_wait3A_75 : memref<10240x128xf32, #tpu.memory_space<vmem_shared>>)
      } else {
      }
      %mul3A_37 = arith.constant 2 : i32
      %mul3A_38 = arith.muli %mul3A_37, %scan3A_20 : i32
      %add3A_39 = arith.constant 1 : i32
      %add3A_40 = arith.addi %mul3A_38, %add3A_39 : i32
      %mul3A_41 = arith.constant 64 : i32
      %mul3A_42 = arith.muli %add3A_40, %mul3A_41 : i32
      %add3A_43 = arith.addi %mul3A_4, %mul3A_42 : i32
      %dma_start3A_44 = tpu.memref_slice %arg2[%add3A_43] : memref<81920xi32, #tpu.memory_space<hbm>> -> memref<64xi32, #tpu.memory_space<hbm>>
      %dma_start3A_45 = tpu.memref_slice %arg2[%add3A_43] : memref<81920xi32, #tpu.memory_space<hbm>> -> memref<64xi32, #tpu.memory_space<hbm>>
      tpu.enqueue_dma source(%dma_start3A_45 : memref<64xi32, #tpu.memory_space<hbm>>) target(%arg8 : memref<64xi32, #tpu.memory_space<vmem>>) target_semaphore(%arg12 : memref<!tpu.dma_semaphore, #tpu.memory_space<semaphore_mem>>)
      %dma_start3A_46 = arith.constant 0 : i32
      %dma_start3A_47 = tpu.memref_slice %arg3[%add3A_43, %dma_start3A_46] : memref<81920x128xf32, #tpu.memory_space<hbm>> -> memref<64x128xf32, #tpu.memory_space<hbm>>
      %dma_start3A_48 = arith.constant 0 : i32
      %dma_start3A_49 = tpu.memref_slice %arg3[%add3A_43, %dma_start3A_48] : memref<81920x128xf32, #tpu.memory_space<hbm>> -> memref<64x128xf32, #tpu.memory_space<hbm>>
      tpu.enqueue_dma source(%dma_start3A_49 : memref<64x128xf32, #tpu.memory_space<hbm>>) target(%arg10 : memref<64x128xf32, #tpu.memory_space<vmem>>) target_semaphore(%arg12 : memref<!tpu.dma_semaphore, #tpu.memory_space<semaphore_mem>>)
      %mul3A_50 = arith.constant 2 : i32
      %mul3A_51 = arith.muli %mul3A_50, %scan3A_20 : i32
      %add3A_52 = arith.constant 1 : i32
      %add3A_53 = arith.addi %mul3A_51, %add3A_52 : i32
      %mul3A_54 = arith.constant 64 : i32
      %mul3A_55 = arith.muli %add3A_53, %mul3A_54 : i32
      %add3A_56 = arith.addi %mul3A_4, %mul3A_55 : i32
      %dma_wait3A_57 = tpu.memref_slice %arg2[%add3A_56] : memref<81920xi32, #tpu.memory_space<hbm>> -> memref<64xi32, #tpu.memory_space<hbm>>
      %dma_wait3A_58 = tpu.memref_slice %arg2[%add3A_56] : memref<81920xi32, #tpu.memory_space<hbm>> -> memref<64xi32, #tpu.memory_space<hbm>>
      tpu.wait_dma2 semaphore(%arg12 : memref<!tpu.dma_semaphore, #tpu.memory_space<semaphore_mem>>) src(%dma_wait3A_58 : memref<64xi32, #tpu.memory_space<hbm>>) dst(%arg8 : memref<64xi32, #tpu.memory_space<vmem>>)
      %dma_wait3A_59 = arith.constant 0 : i32
      %dma_wait3A_60 = tpu.memref_slice %arg3[%add3A_56, %dma_wait3A_59] : memref<81920x128xf32, #tpu.memory_space<hbm>> -> memref<64x128xf32, #tpu.memory_space<hbm>>
      %dma_wait3A_61 = arith.constant 0 : i32
      %dma_wait3A_62 = tpu.memref_slice %arg3[%add3A_56, %dma_wait3A_61] : memref<81920x128xf32, #tpu.memory_space<hbm>> -> memref<64x128xf32, #tpu.memory_space<hbm>>
      tpu.wait_dma2 semaphore(%arg12 : memref<!tpu.dma_semaphore, #tpu.memory_space<semaphore_mem>>) src(%dma_wait3A_62 : memref<64x128xf32, #tpu.memory_space<hbm>>) dst(%arg10 : memref<64x128xf32, #tpu.memory_space<vmem>>)
      %dma_start3A_63 = arith.constant 0 : i32
      %dma_start3A_64 = arith.constant 0 : i32
      %dma_start3A_65 = tpu.memref_slice %arg6[%dma_start3A_63, %dma_start3A_64] : memref<10240x128xf32, #tpu.memory_space<vmem_shared>> -> memref<10240x128xf32, #tpu.memory_space<vmem_shared>>
      tpu.enqueue_indirect_dma source(%arg10 : memref<64x128xf32, #tpu.memory_space<vmem>>) target(%dma_start3A_65 : memref<10240x128xf32, #tpu.memory_space<vmem_shared>>) offsets(%arg8 : memref<64xi32, #tpu.memory_space<vmem>>) semaphore(%arg14 : memref<!tpu.dma_semaphore, #tpu.memory_space<semaphore_mem>>) {add = true}
      %dma_wait3A_66 = arith.constant 0 : i32
      %dma_wait3A_67 = arith.constant 0 : i32
      %dma_wait3A_68 = tpu.memref_slice %arg6[%dma_wait3A_66, %dma_wait3A_67] : memref<10240x128xf32, #tpu.memory_space<vmem_shared>> -> memref<10240x128xf32, #tpu.memory_space<vmem_shared>>
      tpu.wait_indirect_dma semaphore(%arg13 : memref<!tpu.dma_semaphore, #tpu.memory_space<semaphore_mem>>) src(%arg9 : memref<64x128xf32, #tpu.memory_space<vmem>>) dst(%dma_wait3A_68 : memref<10240x128xf32, #tpu.memory_space<vmem_shared>>)
      %lt3A = arith.constant 19 : i32
      %lt3A_69 = arith.cmpi slt, %scan3A_20, %lt3A : i32
      %convert_element_type3A_70 = arith.extui %lt3A_69 : i1 to i32
      %cond3A_71 = arith.constant 0 : i32
      %cond3A_72 = arith.cmpi ne, %convert_element_type3A_70, %cond3A_71 : i32
      scf.if %cond3A_72 {
        %mul3A_73 = arith.constant 2 : i32
        %mul3A_74 = arith.muli %mul3A_73, %scan3A_20 : i32
        %add3A_75 = arith.constant 2 : i32
        %add3A_76 = arith.addi %mul3A_74, %add3A_75 : i32
        %mul3A_77 = arith.constant 64 : i32
        %mul3A_78 = arith.muli %add3A_76, %mul3A_77 : i32
        %add3A_79 = arith.addi %mul3A_4, %mul3A_78 : i32
        %dma_start3A_80 = tpu.memref_slice %arg2[%add3A_79] : memref<81920xi32, #tpu.memory_space<hbm>> -> memref<64xi32, #tpu.memory_space<hbm>>
        %dma_start3A_81 = tpu.memref_slice %arg2[%add3A_79] : memref<81920xi32, #tpu.memory_space<hbm>> -> memref<64xi32, #tpu.memory_space<hbm>>
        tpu.enqueue_dma source(%dma_start3A_81 : memref<64xi32, #tpu.memory_space<hbm>>) target(%arg7 : memref<64xi32, #tpu.memory_space<vmem>>) target_semaphore(%arg11 : memref<!tpu.dma_semaphore, #tpu.memory_space<semaphore_mem>>)
        %dma_start3A_82 = arith.constant 0 : i32
        %dma_start3A_83 = tpu.memref_slice %arg3[%add3A_79, %dma_start3A_82] : memref<81920x128xf32, #tpu.memory_space<hbm>> -> memref<64x128xf32, #tpu.memory_space<hbm>>
        %dma_start3A_84 = arith.constant 0 : i32
        %dma_start3A_85 = tpu.memref_slice %arg3[%add3A_79, %dma_start3A_84] : memref<81920x128xf32, #tpu.memory_space<hbm>> -> memref<64x128xf32, #tpu.memory_space<hbm>>
        tpu.enqueue_dma source(%dma_start3A_85 : memref<64x128xf32, #tpu.memory_space<hbm>>) target(%arg9 : memref<64x128xf32, #tpu.memory_space<vmem>>) target_semaphore(%arg11 : memref<!tpu.dma_semaphore, #tpu.memory_space<semaphore_mem>>)
      } else {
      }
    }
    %scan3A_16 = arith.constant 20 : i32
    %dma_wait3A = arith.constant 0 : i32
    %dma_wait3A_17 = arith.constant 0 : i32
    %dma_wait3A_18 = tpu.memref_slice %arg6[%dma_wait3A, %dma_wait3A_17] : memref<10240x128xf32, #tpu.memory_space<vmem_shared>> -> memref<10240x128xf32, #tpu.memory_space<vmem_shared>>
    tpu.wait_indirect_dma semaphore(%arg14 : memref<!tpu.dma_semaphore, #tpu.memory_space<semaphore_mem>>) src(%arg10 : memref<64x128xf32, #tpu.memory_space<vmem>>) dst(%dma_wait3A_18 : memref<10240x128xf32, #tpu.memory_space<vmem_shared>>)
    %barrier3A_19 = arith.constant 0 : index
    tpu.barrier barrier_id(%barrier3A_19)
    "tpu.region"() ({
      %run_scoped3A = tpu.sem_alloc : memref<!tpu.dma_semaphore, #tpu.memory_space<semaphore_mem>>
      %dma_start3A_20 = arith.constant 0 : i32
      %dma_start3A_21 = tpu.memref_slice %arg5[%arg0, %mul3A_2, %dma_start3A_20] : memref<2x10240x128xf32, #tpu.memory_space<hbm>> -> memref<1x640x128xf32, #tpu.memory_space<hbm>>
      %dma_start3A_22 = tpu.memref_squeeze %dma_start3A_21 : memref<1x640x128xf32, #tpu.memory_space<hbm>> -> memref<640x128xf32, #tpu.memory_space<hbm>>
      %dma_start3A_23 = arith.constant 0 : i32
      %dma_start3A_24 = tpu.memref_slice %arg6[%mul3A_2, %dma_start3A_23] : memref<10240x128xf32, #tpu.memory_space<vmem_shared>> -> memref<640x128xf32, #tpu.memory_space<vmem_shared>>
      tpu.enqueue_dma source(%dma_start3A_24 : memref<640x128xf32, #tpu.memory_space<vmem_shared>>) target(%dma_start3A_22 : memref<640x128xf32, #tpu.memory_space<hbm>>) target_semaphore(%run_scoped3A : memref<!tpu.dma_semaphore, #tpu.memory_space<semaphore_mem>>)
      %dma_wait3A_25 = arith.constant 0 : i32
      %dma_wait3A_26 = tpu.memref_slice %arg5[%arg0, %mul3A_2, %dma_wait3A_25] : memref<2x10240x128xf32, #tpu.memory_space<hbm>> -> memref<1x640x128xf32, #tpu.memory_space<hbm>>
      %dma_wait3A_27 = tpu.memref_squeeze %dma_wait3A_26 : memref<1x640x128xf32, #tpu.memory_space<hbm>> -> memref<640x128xf32, #tpu.memory_space<hbm>>
      %dma_wait3A_28 = arith.constant 0 : i32
      %dma_wait3A_29 = tpu.memref_slice %arg6[%mul3A_2, %dma_wait3A_28] : memref<10240x128xf32, #tpu.memory_space<vmem_shared>> -> memref<640x128xf32, #tpu.memory_space<vmem_shared>>
      tpu.wait_dma2 semaphore(%run_scoped3A : memref<!tpu.dma_semaphore, #tpu.memory_space<semaphore_mem>>) src(%dma_wait3A_29 : memref<640x128xf32, #tpu.memory_space<vmem_shared>>) dst(%dma_wait3A_27 : memref<640x128xf32, #tpu.memory_space<hbm>>)
      tpu.yield
    }) : () -> ()
    return
  }
}

#map = affine_map<(d0, d1) -> (0, 0)>
#map1 = affine_map<(d0, d1) -> (0)>
module attributes {stable_mosaic.version = 14 : i64} {
  func.func @_gather_body(%arg0: i32, %arg1: i32, %arg2: memref<10240x128xf32, #tpu.memory_space<hbm>>, %arg3: memref<10240x256xf32, #tpu.memory_space<hbm>>, %arg4: memref<81920xi32, #tpu.memory_space<hbm>>, %arg5: memref<81920xi32, #tpu.memory_space<hbm>>, %arg6: memref<81920x128xf32, #tpu.memory_space<hbm>>, %arg7: memref<81920x256xf32, #tpu.memory_space<hbm>>, %arg8: memref<64xi32, #tpu.memory_space<vmem>>, %arg9: memref<64xi32, #tpu.memory_space<vmem>>, %arg10: memref<64xi32, #tpu.memory_space<vmem>>, %arg11: memref<64xi32, #tpu.memory_space<vmem>>, %arg12: memref<64x128xf32, #tpu.memory_space<vmem>>, %arg13: memref<64x128xf32, #tpu.memory_space<vmem>>, %arg14: memref<64x256xf32, #tpu.memory_space<vmem>>, %arg15: memref<64x256xf32, #tpu.memory_space<vmem>>, %arg16: memref<!tpu.dma_semaphore, #tpu.memory_space<semaphore_mem>>, %arg17: memref<!tpu.dma_semaphore, #tpu.memory_space<semaphore_mem>>, %arg18: memref<!tpu.dma_semaphore, #tpu.memory_space<semaphore_mem>>, %arg19: memref<!tpu.dma_semaphore, #tpu.memory_space<semaphore_mem>>, %arg20: memref<!tpu.dma_semaphore, #tpu.memory_space<semaphore_mem>>, %arg21: memref<!tpu.dma_semaphore, #tpu.memory_space<semaphore_mem>>) attributes {dimension_semantics = [#tpu.dimension_semantics<core_parallel>, #tpu.dimension_semantics<subcore_parallel>], iteration_bounds = array<i64: 2, 16>, scalar_prefetch = 0 : i64, scratch_operands = 14 : i64, tpu.core_type = #tpu.core_type<sc_vector_subcore>, window_params = [{transform_indices = #map}, {transform_indices = #map}, {transform_indices = #map1}, {transform_indices = #map1}, {transform_indices = #map}, {transform_indices = #map}]} {
    %mul3A = arith.constant 2 : i32
    %mul3A_0 = arith.muli %arg1, %mul3A : i32
    %add3A = arith.addi %mul3A_0, %arg0 : i32
    %mul3A_1 = arith.constant 2560 : i32
    %mul3A_2 = arith.muli %add3A, %mul3A_1 : i32
    %add3A_3 = arith.constant 0 : i32
    %add3A_4 = arith.addi %mul3A_2, %add3A_3 : i32
    %dma_start3A = tpu.memref_slice %arg4[%add3A_4] : memref<81920xi32, #tpu.memory_space<hbm>> -> memref<64xi32, #tpu.memory_space<hbm>>
    %dma_start3A_5 = tpu.memref_slice %arg4[%add3A_4] : memref<81920xi32, #tpu.memory_space<hbm>> -> memref<64xi32, #tpu.memory_space<hbm>>
    tpu.enqueue_dma source(%dma_start3A_5 : memref<64xi32, #tpu.memory_space<hbm>>) target(%arg8 : memref<64xi32, #tpu.memory_space<vmem>>) target_semaphore(%arg16 : memref<!tpu.dma_semaphore, #tpu.memory_space<semaphore_mem>>)
    %dma_start3A_6 = tpu.memref_slice %arg5[%add3A_4] : memref<81920xi32, #tpu.memory_space<hbm>> -> memref<64xi32, #tpu.memory_space<hbm>>
    %dma_start3A_7 = tpu.memref_slice %arg5[%add3A_4] : memref<81920xi32, #tpu.memory_space<hbm>> -> memref<64xi32, #tpu.memory_space<hbm>>
    tpu.enqueue_dma source(%dma_start3A_7 : memref<64xi32, #tpu.memory_space<hbm>>) target(%arg9 : memref<64xi32, #tpu.memory_space<vmem>>) target_semaphore(%arg16 : memref<!tpu.dma_semaphore, #tpu.memory_space<semaphore_mem>>)
    %add3A_8 = arith.constant 0 : i32
    %add3A_9 = arith.addi %mul3A_2, %add3A_8 : i32
    %dma_wait3A = tpu.memref_slice %arg4[%add3A_9] : memref<81920xi32, #tpu.memory_space<hbm>> -> memref<64xi32, #tpu.memory_space<hbm>>
    %dma_wait3A_10 = tpu.memref_slice %arg4[%add3A_9] : memref<81920xi32, #tpu.memory_space<hbm>> -> memref<64xi32, #tpu.memory_space<hbm>>
    tpu.wait_dma2 semaphore(%arg16 : memref<!tpu.dma_semaphore, #tpu.memory_space<semaphore_mem>>) src(%dma_wait3A_10 : memref<64xi32, #tpu.memory_space<hbm>>) dst(%arg8 : memref<64xi32, #tpu.memory_space<vmem>>)
    %dma_wait3A_11 = tpu.memref_slice %arg5[%add3A_9] : memref<81920xi32, #tpu.memory_space<hbm>> -> memref<64xi32, #tpu.memory_space<hbm>>
    %dma_wait3A_12 = tpu.memref_slice %arg5[%add3A_9] : memref<81920xi32, #tpu.memory_space<hbm>> -> memref<64xi32, #tpu.memory_space<hbm>>
    tpu.wait_dma2 semaphore(%arg16 : memref<!tpu.dma_semaphore, #tpu.memory_space<semaphore_mem>>) src(%dma_wait3A_12 : memref<64xi32, #tpu.memory_space<hbm>>) dst(%arg9 : memref<64xi32, #tpu.memory_space<vmem>>)
    %dma_start3A_13 = arith.constant 0 : i32
    %dma_start3A_14 = arith.constant 0 : i32
    %dma_start3A_15 = tpu.memref_slice %arg2[%dma_start3A_13, %dma_start3A_14] : memref<10240x128xf32, #tpu.memory_space<hbm>> -> memref<10240x128xf32, #tpu.memory_space<hbm>>
    tpu.enqueue_indirect_dma source(%dma_start3A_15 : memref<10240x128xf32, #tpu.memory_space<hbm>>) target(%arg12 : memref<64x128xf32, #tpu.memory_space<vmem>>) offsets(%arg9 : memref<64xi32, #tpu.memory_space<vmem>>) semaphore(%arg18 : memref<!tpu.dma_semaphore, #tpu.memory_space<semaphore_mem>>)
    %dma_start3A_16 = arith.constant 0 : i32
    %dma_start3A_17 = arith.constant 0 : i32
    %dma_start3A_18 = tpu.memref_slice %arg3[%dma_start3A_16, %dma_start3A_17] : memref<10240x256xf32, #tpu.memory_space<hbm>> -> memref<10240x256xf32, #tpu.memory_space<hbm>>
    tpu.enqueue_indirect_dma source(%dma_start3A_18 : memref<10240x256xf32, #tpu.memory_space<hbm>>) target(%arg14 : memref<64x256xf32, #tpu.memory_space<vmem>>) offsets(%arg8 : memref<64xi32, #tpu.memory_space<vmem>>) semaphore(%arg18 : memref<!tpu.dma_semaphore, #tpu.memory_space<semaphore_mem>>)
    %add3A_19 = arith.constant 64 : i32
    %add3A_20 = arith.addi %mul3A_2, %add3A_19 : i32
    %dma_start3A_21 = tpu.memref_slice %arg4[%add3A_20] : memref<81920xi32, #tpu.memory_space<hbm>> -> memref<64xi32, #tpu.memory_space<hbm>>
    %dma_start3A_22 = tpu.memref_slice %arg4[%add3A_20] : memref<81920xi32, #tpu.memory_space<hbm>> -> memref<64xi32, #tpu.memory_space<hbm>>
    tpu.enqueue_dma source(%dma_start3A_22 : memref<64xi32, #tpu.memory_space<hbm>>) target(%arg10 : memref<64xi32, #tpu.memory_space<vmem>>) target_semaphore(%arg17 : memref<!tpu.dma_semaphore, #tpu.memory_space<semaphore_mem>>)
    %dma_start3A_23 = tpu.memref_slice %arg5[%add3A_20] : memref<81920xi32, #tpu.memory_space<hbm>> -> memref<64xi32, #tpu.memory_space<hbm>>
    %dma_start3A_24 = tpu.memref_slice %arg5[%add3A_20] : memref<81920xi32, #tpu.memory_space<hbm>> -> memref<64xi32, #tpu.memory_space<hbm>>
    tpu.enqueue_dma source(%dma_start3A_24 : memref<64xi32, #tpu.memory_space<hbm>>) target(%arg11 : memref<64xi32, #tpu.memory_space<vmem>>) target_semaphore(%arg17 : memref<!tpu.dma_semaphore, #tpu.memory_space<semaphore_mem>>)
    %scan3A = arith.constant 0 : i32
    %scan3A_25 = arith.constant 0 : i32
    %scan3A_26 = arith.constant 19 : i32
    %scan3A_27 = arith.addi %scan3A_25, %scan3A_26 : i32
    %scan3A_28 = arith.constant 1 : i32
    scf.for %scan3A_104 = %scan3A_25 to %scan3A_27 step %scan3A_28  : i32 {
      %dma_wait3A_105 = arith.constant 0 : i32
      %dma_wait3A_106 = arith.constant 0 : i32
      %dma_wait3A_107 = tpu.memref_slice %arg2[%dma_wait3A_105, %dma_wait3A_106] : memref<10240x128xf32, #tpu.memory_space<hbm>> -> memref<10240x128xf32, #tpu.memory_space<hbm>>
      tpu.wait_indirect_dma semaphore(%arg18 : memref<!tpu.dma_semaphore, #tpu.memory_space<semaphore_mem>>) src(%dma_wait3A_107 : memref<10240x128xf32, #tpu.memory_space<hbm>>) dst(%arg12 : memref<64x128xf32, #tpu.memory_space<vmem>>)
      %dma_wait3A_108 = arith.constant 0 : i32
      %dma_wait3A_109 = arith.constant 0 : i32
      %dma_wait3A_110 = tpu.memref_slice %arg3[%dma_wait3A_108, %dma_wait3A_109] : memref<10240x256xf32, #tpu.memory_space<hbm>> -> memref<10240x256xf32, #tpu.memory_space<hbm>>
      tpu.wait_indirect_dma semaphore(%arg18 : memref<!tpu.dma_semaphore, #tpu.memory_space<semaphore_mem>>) src(%dma_wait3A_110 : memref<10240x256xf32, #tpu.memory_space<hbm>>) dst(%arg14 : memref<64x256xf32, #tpu.memory_space<vmem>>)
      %mul3A_111 = arith.constant 2 : i32
      %mul3A_112 = arith.muli %mul3A_111, %scan3A_104 : i32
      %mul3A_113 = arith.constant 64 : i32
      %mul3A_114 = arith.muli %mul3A_112, %mul3A_113 : i32
      %add3A_115 = arith.addi %mul3A_2, %mul3A_114 : i32
      %dma_start3A_116 = arith.constant 0 : i32
      %dma_start3A_117 = tpu.memref_slice %arg6[%add3A_115, %dma_start3A_116] : memref<81920x128xf32, #tpu.memory_space<hbm>> -> memref<64x128xf32, #tpu.memory_space<hbm>>
      %dma_start3A_118 = arith.constant 0 : i32
      %dma_start3A_119 = tpu.memref_slice %arg6[%add3A_115, %dma_start3A_118] : memref<81920x128xf32, #tpu.memory_space<hbm>> -> memref<64x128xf32, #tpu.memory_space<hbm>>
      tpu.enqueue_dma source(%arg12 : memref<64x128xf32, #tpu.memory_space<vmem>>) target(%dma_start3A_119 : memref<64x128xf32, #tpu.memory_space<hbm>>) target_semaphore(%arg20 : memref<!tpu.dma_semaphore, #tpu.memory_space<semaphore_mem>>)
      %dma_start3A_120 = arith.constant 0 : i32
      %dma_start3A_121 = tpu.memref_slice %arg7[%add3A_115, %dma_start3A_120] : memref<81920x256xf32, #tpu.memory_space<hbm>> -> memref<64x256xf32, #tpu.memory_space<hbm>>
      %dma_start3A_122 = arith.constant 0 : i32
      %dma_start3A_123 = tpu.memref_slice %arg7[%add3A_115, %dma_start3A_122] : memref<81920x256xf32, #tpu.memory_space<hbm>> -> memref<64x256xf32, #tpu.memory_space<hbm>>
      tpu.enqueue_dma source(%arg14 : memref<64x256xf32, #tpu.memory_space<vmem>>) target(%dma_start3A_123 : memref<64x256xf32, #tpu.memory_space<hbm>>) target_semaphore(%arg20 : memref<!tpu.dma_semaphore, #tpu.memory_space<semaphore_mem>>)
      %mul3A_124 = arith.constant 2 : i32
      %mul3A_125 = arith.muli %mul3A_124, %scan3A_104 : i32
      %add3A_126 = arith.constant 1 : i32
      %add3A_127 = arith.addi %mul3A_125, %add3A_126 : i32
      %mul3A_128 = arith.constant 64 : i32
      %mul3A_129 = arith.muli %add3A_127, %mul3A_128 : i32
      %add3A_130 = arith.addi %mul3A_2, %mul3A_129 : i32
      %dma_wait3A_131 = tpu.memref_slice %arg4[%add3A_130] : memref<81920xi32, #tpu.memory_space<hbm>> -> memref<64xi32, #tpu.memory_space<hbm>>
      %dma_wait3A_132 = tpu.memref_slice %arg4[%add3A_130] : memref<81920xi32, #tpu.memory_space<hbm>> -> memref<64xi32, #tpu.memory_space<hbm>>
      tpu.wait_dma2 semaphore(%arg17 : memref<!tpu.dma_semaphore, #tpu.memory_space<semaphore_mem>>) src(%dma_wait3A_132 : memref<64xi32, #tpu.memory_space<hbm>>) dst(%arg10 : memref<64xi32, #tpu.memory_space<vmem>>)
      %dma_wait3A_133 = tpu.memref_slice %arg5[%add3A_130] : memref<81920xi32, #tpu.memory_space<hbm>> -> memref<64xi32, #tpu.memory_space<hbm>>
      %dma_wait3A_134 = tpu.memref_slice %arg5[%add3A_130] : memref<81920xi32, #tpu.memory_space<hbm>> -> memref<64xi32, #tpu.memory_space<hbm>>
      tpu.wait_dma2 semaphore(%arg17 : memref<!tpu.dma_semaphore, #tpu.memory_space<semaphore_mem>>) src(%dma_wait3A_134 : memref<64xi32, #tpu.memory_space<hbm>>) dst(%arg11 : memref<64xi32, #tpu.memory_space<vmem>>)
      %gt3A = arith.constant 0 : i32
      %gt3A_135 = arith.cmpi sgt, %scan3A_104, %gt3A : i32
      %convert_element_type3A = arith.extui %gt3A_135 : i1 to i32
      %cond3A = arith.constant 0 : i32
      %cond3A_136 = arith.cmpi ne, %convert_element_type3A, %cond3A : i32
      scf.if %cond3A_136 {
        %mul3A_216 = arith.constant 2 : i32
        %mul3A_217 = arith.muli %mul3A_216, %scan3A_104 : i32
        %sub3A = arith.constant 1 : i32
        %sub3A_218 = arith.subi %mul3A_217, %sub3A : i32
        %mul3A_219 = arith.constant 64 : i32
        %mul3A_220 = arith.muli %sub3A_218, %mul3A_219 : i32
        %add3A_221 = arith.addi %mul3A_2, %mul3A_220 : i32
        %dma_wait3A_222 = arith.constant 0 : i32
        %dma_wait3A_223 = tpu.memref_slice %arg6[%add3A_221, %dma_wait3A_222] : memref<81920x128xf32, #tpu.memory_space<hbm>> -> memref<64x128xf32, #tpu.memory_space<hbm>>
        %dma_wait3A_224 = arith.constant 0 : i32
        %dma_wait3A_225 = tpu.memref_slice %arg6[%add3A_221, %dma_wait3A_224] : memref<81920x128xf32, #tpu.memory_space<hbm>> -> memref<64x128xf32, #tpu.memory_space<hbm>>
        tpu.wait_dma2 semaphore(%arg21 : memref<!tpu.dma_semaphore, #tpu.memory_space<semaphore_mem>>) src(%arg13 : memref<64x128xf32, #tpu.memory_space<vmem>>) dst(%dma_wait3A_225 : memref<64x128xf32, #tpu.memory_space<hbm>>)
        %dma_wait3A_226 = arith.constant 0 : i32
        %dma_wait3A_227 = tpu.memref_slice %arg7[%add3A_221, %dma_wait3A_226] : memref<81920x256xf32, #tpu.memory_space<hbm>> -> memref<64x256xf32, #tpu.memory_space<hbm>>
        %dma_wait3A_228 = arith.constant 0 : i32
        %dma_wait3A_229 = tpu.memref_slice %arg7[%add3A_221, %dma_wait3A_228] : memref<81920x256xf32, #tpu.memory_space<hbm>> -> memref<64x256xf32, #tpu.memory_space<hbm>>
        tpu.wait_dma2 semaphore(%arg21 : memref<!tpu.dma_semaphore, #tpu.memory_space<semaphore_mem>>) src(%arg15 : memref<64x256xf32, #tpu.memory_space<vmem>>) dst(%dma_wait3A_229 : memref<64x256xf32, #tpu.memory_space<hbm>>)
      } else {
      }
      %dma_start3A_137 = arith.constant 0 : i32
      %dma_start3A_138 = arith.constant 0 : i32
      %dma_start3A_139 = tpu.memref_slice %arg2[%dma_start3A_137, %dma_start3A_138] : memref<10240x128xf32, #tpu.memory_space<hbm>> -> memref<10240x128xf32, #tpu.memory_space<hbm>>
      tpu.enqueue_indirect_dma source(%dma_start3A_139 : memref<10240x128xf32, #tpu.memory_space<hbm>>) target(%arg13 : memref<64x128xf32, #tpu.memory_space<vmem>>) offsets(%arg11 : memref<64xi32, #tpu.memory_space<vmem>>) semaphore(%arg19 : memref<!tpu.dma_semaphore, #tpu.memory_space<semaphore_mem>>)
      %dma_start3A_140 = arith.constant 0 : i32
      %dma_start3A_141 = arith.constant 0 : i32
      %dma_start3A_142 = tpu.memref_slice %arg3[%dma_start3A_140, %dma_start3A_141] : memref<10240x256xf32, #tpu.memory_space<hbm>> -> memref<10240x256xf32, #tpu.memory_space<hbm>>
      tpu.enqueue_indirect_dma source(%dma_start3A_142 : memref<10240x256xf32, #tpu.memory_space<hbm>>) target(%arg15 : memref<64x256xf32, #tpu.memory_space<vmem>>) offsets(%arg10 : memref<64xi32, #tpu.memory_space<vmem>>) semaphore(%arg19 : memref<!tpu.dma_semaphore, #tpu.memory_space<semaphore_mem>>)
      %mul3A_143 = arith.constant 2 : i32
      %mul3A_144 = arith.muli %mul3A_143, %scan3A_104 : i32
      %add3A_145 = arith.constant 2 : i32
      %add3A_146 = arith.addi %mul3A_144, %add3A_145 : i32
      %mul3A_147 = arith.constant 64 : i32
      %mul3A_148 = arith.muli %add3A_146, %mul3A_147 : i32
      %add3A_149 = arith.addi %mul3A_2, %mul3A_148 : i32
      %dma_start3A_150 = tpu.memref_slice %arg4[%add3A_149] : memref<81920xi32, #tpu.memory_space<hbm>> -> memref<64xi32, #tpu.memory_space<hbm>>
      %dma_start3A_151 = tpu.memref_slice %arg4[%add3A_149] : memref<81920xi32, #tpu.memory_space<hbm>> -> memref<64xi32, #tpu.memory_space<hbm>>
      tpu.enqueue_dma source(%dma_start3A_151 : memref<64xi32, #tpu.memory_space<hbm>>) target(%arg8 : memref<64xi32, #tpu.memory_space<vmem>>) target_semaphore(%arg16 : memref<!tpu.dma_semaphore, #tpu.memory_space<semaphore_mem>>)
      %dma_start3A_152 = tpu.memref_slice %arg5[%add3A_149] : memref<81920xi32, #tpu.memory_space<hbm>> -> memref<64xi32, #tpu.memory_space<hbm>>
      %dma_start3A_153 = tpu.memref_slice %arg5[%add3A_149] : memref<81920xi32, #tpu.memory_space<hbm>> -> memref<64xi32, #tpu.memory_space<hbm>>
      tpu.enqueue_dma source(%dma_start3A_153 : memref<64xi32, #tpu.memory_space<hbm>>) target(%arg9 : memref<64xi32, #tpu.memory_space<vmem>>) target_semaphore(%arg16 : memref<!tpu.dma_semaphore, #tpu.memory_space<semaphore_mem>>)
      %dma_wait3A_154 = arith.constant 0 : i32
      %dma_wait3A_155 = arith.constant 0 : i32
      %dma_wait3A_156 = tpu.memref_slice %arg2[%dma_wait3A_154, %dma_wait3A_155] : memref<10240x128xf32, #tpu.memory_space<hbm>> -> memref<10240x128xf32, #tpu.memory_space<hbm>>
      tpu.wait_indirect_dma semaphore(%arg19 : memref<!tpu.dma_semaphore, #tpu.memory_space<semaphore_mem>>) src(%dma_wait3A_156 : memref<10240x128xf32, #tpu.memory_space<hbm>>) dst(%arg13 : memref<64x128xf32, #tpu.memory_space<vmem>>)
      %dma_wait3A_157 = arith.constant 0 : i32
      %dma_wait3A_158 = arith.constant 0 : i32
      %dma_wait3A_159 = tpu.memref_slice %arg3[%dma_wait3A_157, %dma_wait3A_158] : memref<10240x256xf32, #tpu.memory_space<hbm>> -> memref<10240x256xf32, #tpu.memory_space<hbm>>
      tpu.wait_indirect_dma semaphore(%arg19 : memref<!tpu.dma_semaphore, #tpu.memory_space<semaphore_mem>>) src(%dma_wait3A_159 : memref<10240x256xf32, #tpu.memory_space<hbm>>) dst(%arg15 : memref<64x256xf32, #tpu.memory_space<vmem>>)
      %mul3A_160 = arith.constant 2 : i32
      %mul3A_161 = arith.muli %mul3A_160, %scan3A_104 : i32
      %add3A_162 = arith.constant 1 : i32
      %add3A_163 = arith.addi %mul3A_161, %add3A_162 : i32
      %mul3A_164 = arith.constant 64 : i32
      %mul3A_165 = arith.muli %add3A_163, %mul3A_164 : i32
      %add3A_166 = arith.addi %mul3A_2, %mul3A_165 : i32
      %dma_start3A_167 = arith.constant 0 : i32
      %dma_start3A_168 = tpu.memref_slice %arg6[%add3A_166, %dma_start3A_167] : memref<81920x128xf32, #tpu.memory_space<hbm>> -> memref<64x128xf32, #tpu.memory_space<hbm>>
      %dma_start3A_169 = arith.constant 0 : i32
      %dma_start3A_170 = tpu.memref_slice %arg6[%add3A_166, %dma_start3A_169] : memref<81920x128xf32, #tpu.memory_space<hbm>> -> memref<64x128xf32, #tpu.memory_space<hbm>>
      tpu.enqueue_dma source(%arg13 : memref<64x128xf32, #tpu.memory_space<vmem>>) target(%dma_start3A_170 : memref<64x128xf32, #tpu.memory_space<hbm>>) target_semaphore(%arg21 : memref<!tpu.dma_semaphore, #tpu.memory_space<semaphore_mem>>)
      %dma_start3A_171 = arith.constant 0 : i32
      %dma_start3A_172 = tpu.memref_slice %arg7[%add3A_166, %dma_start3A_171] : memref<81920x256xf32, #tpu.memory_space<hbm>> -> memref<64x256xf32, #tpu.memory_space<hbm>>
      %dma_start3A_173 = arith.constant 0 : i32
      %dma_start3A_174 = tpu.memref_slice %arg7[%add3A_166, %dma_start3A_173] : memref<81920x256xf32, #tpu.memory_space<hbm>> -> memref<64x256xf32, #tpu.memory_space<hbm>>
      tpu.enqueue_dma source(%arg15 : memref<64x256xf32, #tpu.memory_space<vmem>>) target(%dma_start3A_174 : memref<64x256xf32, #tpu.memory_space<hbm>>) target_semaphore(%arg21 : memref<!tpu.dma_semaphore, #tpu.memory_space<semaphore_mem>>)
      %mul3A_175 = arith.constant 2 : i32
      %mul3A_176 = arith.muli %mul3A_175, %scan3A_104 : i32
      %add3A_177 = arith.constant 2 : i32
      %add3A_178 = arith.addi %mul3A_176, %add3A_177 : i32
      %mul3A_179 = arith.constant 64 : i32
      %mul3A_180 = arith.muli %add3A_178, %mul3A_179 : i32
      %add3A_181 = arith.addi %mul3A_2, %mul3A_180 : i32
      %dma_wait3A_182 = tpu.memref_slice %arg4[%add3A_181] : memref<81920xi32, #tpu.memory_space<hbm>> -> memref<64xi32, #tpu.memory_space<hbm>>
      %dma_wait3A_183 = tpu.memref_slice %arg4[%add3A_181] : memref<81920xi32, #tpu.memory_space<hbm>> -> memref<64xi32, #tpu.memory_space<hbm>>
      tpu.wait_dma2 semaphore(%arg16 : memref<!tpu.dma_semaphore, #tpu.memory_space<semaphore_mem>>) src(%dma_wait3A_183 : memref<64xi32, #tpu.memory_space<hbm>>) dst(%arg8 : memref<64xi32, #tpu.memory_space<vmem>>)
      %dma_wait3A_184 = tpu.memref_slice %arg5[%add3A_181] : memref<81920xi32, #tpu.memory_space<hbm>> -> memref<64xi32, #tpu.memory_space<hbm>>
      %dma_wait3A_185 = tpu.memref_slice %arg5[%add3A_181] : memref<81920xi32, #tpu.memory_space<hbm>> -> memref<64xi32, #tpu.memory_space<hbm>>
      tpu.wait_dma2 semaphore(%arg16 : memref<!tpu.dma_semaphore, #tpu.memory_space<semaphore_mem>>) src(%dma_wait3A_185 : memref<64xi32, #tpu.memory_space<hbm>>) dst(%arg9 : memref<64xi32, #tpu.memory_space<vmem>>)
      %mul3A_186 = arith.constant 2 : i32
      %mul3A_187 = arith.muli %mul3A_186, %scan3A_104 : i32
      %mul3A_188 = arith.constant 64 : i32
      %mul3A_189 = arith.muli %mul3A_187, %mul3A_188 : i32
      %add3A_190 = arith.addi %mul3A_2, %mul3A_189 : i32
      %dma_wait3A_191 = arith.constant 0 : i32
      %dma_wait3A_192 = tpu.memref_slice %arg6[%add3A_190, %dma_wait3A_191] : memref<81920x128xf32, #tpu.memory_space<hbm>> -> memref<64x128xf32, #tpu.memory_space<hbm>>
      %dma_wait3A_193 = arith.constant 0 : i32
      %dma_wait3A_194 = tpu.memref_slice %arg6[%add3A_190, %dma_wait3A_193] : memref<81920x128xf32, #tpu.memory_space<hbm>> -> memref<64x128xf32, #tpu.memory_space<hbm>>
      tpu.wait_dma2 semaphore(%arg20 : memref<!tpu.dma_semaphore, #tpu.memory_space<semaphore_mem>>) src(%arg12 : memref<64x128xf32, #tpu.memory_space<vmem>>) dst(%dma_wait3A_194 : memref<64x128xf32, #tpu.memory_space<hbm>>)
      %dma_wait3A_195 = arith.constant 0 : i32
      %dma_wait3A_196 = tpu.memref_slice %arg7[%add3A_190, %dma_wait3A_195] : memref<81920x256xf32, #tpu.memory_space<hbm>> -> memref<64x256xf32, #tpu.memory_space<hbm>>
      %dma_wait3A_197 = arith.constant 0 : i32
      %dma_wait3A_198 = tpu.memref_slice %arg7[%add3A_190, %dma_wait3A_197] : memref<81920x256xf32, #tpu.memory_space<hbm>> -> memref<64x256xf32, #tpu.memory_space<hbm>>
      tpu.wait_dma2 semaphore(%arg20 : memref<!tpu.dma_semaphore, #tpu.memory_space<semaphore_mem>>) src(%arg14 : memref<64x256xf32, #tpu.memory_space<vmem>>) dst(%dma_wait3A_198 : memref<64x256xf32, #tpu.memory_space<hbm>>)
      %dma_start3A_199 = arith.constant 0 : i32
      %dma_start3A_200 = arith.constant 0 : i32
      %dma_start3A_201 = tpu.memref_slice %arg2[%dma_start3A_199, %dma_start3A_200] : memref<10240x128xf32, #tpu.memory_space<hbm>> -> memref<10240x128xf32, #tpu.memory_space<hbm>>
      tpu.enqueue_indirect_dma source(%dma_start3A_201 : memref<10240x128xf32, #tpu.memory_space<hbm>>) target(%arg12 : memref<64x128xf32, #tpu.memory_space<vmem>>) offsets(%arg9 : memref<64xi32, #tpu.memory_space<vmem>>) semaphore(%arg18 : memref<!tpu.dma_semaphore, #tpu.memory_space<semaphore_mem>>)
      %dma_start3A_202 = arith.constant 0 : i32
      %dma_start3A_203 = arith.constant 0 : i32
      %dma_start3A_204 = tpu.memref_slice %arg3[%dma_start3A_202, %dma_start3A_203] : memref<10240x256xf32, #tpu.memory_space<hbm>> -> memref<10240x256xf32, #tpu.memory_space<hbm>>
      tpu.enqueue_indirect_dma source(%dma_start3A_204 : memref<10240x256xf32, #tpu.memory_space<hbm>>) target(%arg14 : memref<64x256xf32, #tpu.memory_space<vmem>>) offsets(%arg8 : memref<64xi32, #tpu.memory_space<vmem>>) semaphore(%arg18 : memref<!tpu.dma_semaphore, #tpu.memory_space<semaphore_mem>>)
      %mul3A_205 = arith.constant 2 : i32
      %mul3A_206 = arith.muli %mul3A_205, %scan3A_104 : i32
      %add3A_207 = arith.constant 3 : i32
      %add3A_208 = arith.addi %mul3A_206, %add3A_207 : i32
      %mul3A_209 = arith.constant 64 : i32
      %mul3A_210 = arith.muli %add3A_208, %mul3A_209 : i32
      %add3A_211 = arith.addi %mul3A_2, %mul3A_210 : i32
      %dma_start3A_212 = tpu.memref_slice %arg4[%add3A_211] : memref<81920xi32, #tpu.memory_space<hbm>> -> memref<64xi32, #tpu.memory_space<hbm>>
      %dma_start3A_213 = tpu.memref_slice %arg4[%add3A_211] : memref<81920xi32, #tpu.memory_space<hbm>> -> memref<64xi32, #tpu.memory_space<hbm>>
      tpu.enqueue_dma source(%dma_start3A_213 : memref<64xi32, #tpu.memory_space<hbm>>) target(%arg10 : memref<64xi32, #tpu.memory_space<vmem>>) target_semaphore(%arg17 : memref<!tpu.dma_semaphore, #tpu.memory_space<semaphore_mem>>)
      %dma_start3A_214 = tpu.memref_slice %arg5[%add3A_211] : memref<81920xi32, #tpu.memory_space<hbm>> -> memref<64xi32, #tpu.memory_space<hbm>>
      %dma_start3A_215 = tpu.memref_slice %arg5[%add3A_211] : memref<81920xi32, #tpu.memory_space<hbm>> -> memref<64xi32, #tpu.memory_space<hbm>>
      tpu.enqueue_dma source(%dma_start3A_215 : memref<64xi32, #tpu.memory_space<hbm>>) target(%arg11 : memref<64xi32, #tpu.memory_space<vmem>>) target_semaphore(%arg17 : memref<!tpu.dma_semaphore, #tpu.memory_space<semaphore_mem>>)
    }
    %scan3A_29 = arith.constant 19 : i32
    %dma_wait3A_30 = arith.constant 0 : i32
    %dma_wait3A_31 = arith.constant 0 : i32
    %dma_wait3A_32 = tpu.memref_slice %arg2[%dma_wait3A_30, %dma_wait3A_31] : memref<10240x128xf32, #tpu.memory_space<hbm>> -> memref<10240x128xf32, #tpu.memory_space<hbm>>
    tpu.wait_indirect_dma semaphore(%arg18 : memref<!tpu.dma_semaphore, #tpu.memory_space<semaphore_mem>>) src(%dma_wait3A_32 : memref<10240x128xf32, #tpu.memory_space<hbm>>) dst(%arg12 : memref<64x128xf32, #tpu.memory_space<vmem>>)
    %dma_wait3A_33 = arith.constant 0 : i32
    %dma_wait3A_34 = arith.constant 0 : i32
    %dma_wait3A_35 = tpu.memref_slice %arg3[%dma_wait3A_33, %dma_wait3A_34] : memref<10240x256xf32, #tpu.memory_space<hbm>> -> memref<10240x256xf32, #tpu.memory_space<hbm>>
    tpu.wait_indirect_dma semaphore(%arg18 : memref<!tpu.dma_semaphore, #tpu.memory_space<semaphore_mem>>) src(%dma_wait3A_35 : memref<10240x256xf32, #tpu.memory_space<hbm>>) dst(%arg14 : memref<64x256xf32, #tpu.memory_space<vmem>>)
    %add3A_36 = arith.constant 2432 : i32
    %add3A_37 = arith.addi %mul3A_2, %add3A_36 : i32
    %dma_start3A_38 = arith.constant 0 : i32
    %dma_start3A_39 = tpu.memref_slice %arg6[%add3A_37, %dma_start3A_38] : memref<81920x128xf32, #tpu.memory_space<hbm>> -> memref<64x128xf32, #tpu.memory_space<hbm>>
    %dma_start3A_40 = arith.constant 0 : i32
    %dma_start3A_41 = tpu.memref_slice %arg6[%add3A_37, %dma_start3A_40] : memref<81920x128xf32, #tpu.memory_space<hbm>> -> memref<64x128xf32, #tpu.memory_space<hbm>>
    tpu.enqueue_dma source(%arg12 : memref<64x128xf32, #tpu.memory_space<vmem>>) target(%dma_start3A_41 : memref<64x128xf32, #tpu.memory_space<hbm>>) target_semaphore(%arg20 : memref<!tpu.dma_semaphore, #tpu.memory_space<semaphore_mem>>)
    %dma_start3A_42 = arith.constant 0 : i32
    %dma_start3A_43 = tpu.memref_slice %arg7[%add3A_37, %dma_start3A_42] : memref<81920x256xf32, #tpu.memory_space<hbm>> -> memref<64x256xf32, #tpu.memory_space<hbm>>
    %dma_start3A_44 = arith.constant 0 : i32
    %dma_start3A_45 = tpu.memref_slice %arg7[%add3A_37, %dma_start3A_44] : memref<81920x256xf32, #tpu.memory_space<hbm>> -> memref<64x256xf32, #tpu.memory_space<hbm>>
    tpu.enqueue_dma source(%arg14 : memref<64x256xf32, #tpu.memory_space<vmem>>) target(%dma_start3A_45 : memref<64x256xf32, #tpu.memory_space<hbm>>) target_semaphore(%arg20 : memref<!tpu.dma_semaphore, #tpu.memory_space<semaphore_mem>>)
    %add3A_46 = arith.constant 2496 : i32
    %add3A_47 = arith.addi %mul3A_2, %add3A_46 : i32
    %dma_wait3A_48 = tpu.memref_slice %arg4[%add3A_47] : memref<81920xi32, #tpu.memory_space<hbm>> -> memref<64xi32, #tpu.memory_space<hbm>>
    %dma_wait3A_49 = tpu.memref_slice %arg4[%add3A_47] : memref<81920xi32, #tpu.memory_space<hbm>> -> memref<64xi32, #tpu.memory_space<hbm>>
    tpu.wait_dma2 semaphore(%arg17 : memref<!tpu.dma_semaphore, #tpu.memory_space<semaphore_mem>>) src(%dma_wait3A_49 : memref<64xi32, #tpu.memory_space<hbm>>) dst(%arg10 : memref<64xi32, #tpu.memory_space<vmem>>)
    %dma_wait3A_50 = tpu.memref_slice %arg5[%add3A_47] : memref<81920xi32, #tpu.memory_space<hbm>> -> memref<64xi32, #tpu.memory_space<hbm>>
    %dma_wait3A_51 = tpu.memref_slice %arg5[%add3A_47] : memref<81920xi32, #tpu.memory_space<hbm>> -> memref<64xi32, #tpu.memory_space<hbm>>
    tpu.wait_dma2 semaphore(%arg17 : memref<!tpu.dma_semaphore, #tpu.memory_space<semaphore_mem>>) src(%dma_wait3A_51 : memref<64xi32, #tpu.memory_space<hbm>>) dst(%arg11 : memref<64xi32, #tpu.memory_space<vmem>>)
    %add3A_52 = arith.constant 2368 : i32
    %add3A_53 = arith.addi %mul3A_2, %add3A_52 : i32
    %dma_wait3A_54 = arith.constant 0 : i32
    %dma_wait3A_55 = tpu.memref_slice %arg6[%add3A_53, %dma_wait3A_54] : memref<81920x128xf32, #tpu.memory_space<hbm>> -> memref<64x128xf32, #tpu.memory_space<hbm>>
    %dma_wait3A_56 = arith.constant 0 : i32
    %dma_wait3A_57 = tpu.memref_slice %arg6[%add3A_53, %dma_wait3A_56] : memref<81920x128xf32, #tpu.memory_space<hbm>> -> memref<64x128xf32, #tpu.memory_space<hbm>>
    tpu.wait_dma2 semaphore(%arg21 : memref<!tpu.dma_semaphore, #tpu.memory_space<semaphore_mem>>) src(%arg13 : memref<64x128xf32, #tpu.memory_space<vmem>>) dst(%dma_wait3A_57 : memref<64x128xf32, #tpu.memory_space<hbm>>)
    %dma_wait3A_58 = arith.constant 0 : i32
    %dma_wait3A_59 = tpu.memref_slice %arg7[%add3A_53, %dma_wait3A_58] : memref<81920x256xf32, #tpu.memory_space<hbm>> -> memref<64x256xf32, #tpu.memory_space<hbm>>
    %dma_wait3A_60 = arith.constant 0 : i32
    %dma_wait3A_61 = tpu.memref_slice %arg7[%add3A_53, %dma_wait3A_60] : memref<81920x256xf32, #tpu.memory_space<hbm>> -> memref<64x256xf32, #tpu.memory_space<hbm>>
    tpu.wait_dma2 semaphore(%arg21 : memref<!tpu.dma_semaphore, #tpu.memory_space<semaphore_mem>>) src(%arg15 : memref<64x256xf32, #tpu.memory_space<vmem>>) dst(%dma_wait3A_61 : memref<64x256xf32, #tpu.memory_space<hbm>>)
    %dma_start3A_62 = arith.constant 0 : i32
    %dma_start3A_63 = arith.constant 0 : i32
    %dma_start3A_64 = tpu.memref_slice %arg2[%dma_start3A_62, %dma_start3A_63] : memref<10240x128xf32, #tpu.memory_space<hbm>> -> memref<10240x128xf32, #tpu.memory_space<hbm>>
    tpu.enqueue_indirect_dma source(%dma_start3A_64 : memref<10240x128xf32, #tpu.memory_space<hbm>>) target(%arg13 : memref<64x128xf32, #tpu.memory_space<vmem>>) offsets(%arg11 : memref<64xi32, #tpu.memory_space<vmem>>) semaphore(%arg19 : memref<!tpu.dma_semaphore, #tpu.memory_space<semaphore_mem>>)
    %dma_start3A_65 = arith.constant 0 : i32
    %dma_start3A_66 = arith.constant 0 : i32
    %dma_start3A_67 = tpu.memref_slice %arg3[%dma_start3A_65, %dma_start3A_66] : memref<10240x256xf32, #tpu.memory_space<hbm>> -> memref<10240x256xf32, #tpu.memory_space<hbm>>
    tpu.enqueue_indirect_dma source(%dma_start3A_67 : memref<10240x256xf32, #tpu.memory_space<hbm>>) target(%arg15 : memref<64x256xf32, #tpu.memory_space<vmem>>) offsets(%arg10 : memref<64xi32, #tpu.memory_space<vmem>>) semaphore(%arg19 : memref<!tpu.dma_semaphore, #tpu.memory_space<semaphore_mem>>)
    %dma_wait3A_68 = arith.constant 0 : i32
    %dma_wait3A_69 = arith.constant 0 : i32
    %dma_wait3A_70 = tpu.memref_slice %arg2[%dma_wait3A_68, %dma_wait3A_69] : memref<10240x128xf32, #tpu.memory_space<hbm>> -> memref<10240x128xf32, #tpu.memory_space<hbm>>
    tpu.wait_indirect_dma semaphore(%arg19 : memref<!tpu.dma_semaphore, #tpu.memory_space<semaphore_mem>>) src(%dma_wait3A_70 : memref<10240x128xf32, #tpu.memory_space<hbm>>) dst(%arg13 : memref<64x128xf32, #tpu.memory_space<vmem>>)
    %dma_wait3A_71 = arith.constant 0 : i32
    %dma_wait3A_72 = arith.constant 0 : i32
    %dma_wait3A_73 = tpu.memref_slice %arg3[%dma_wait3A_71, %dma_wait3A_72] : memref<10240x256xf32, #tpu.memory_space<hbm>> -> memref<10240x256xf32, #tpu.memory_space<hbm>>
    tpu.wait_indirect_dma semaphore(%arg19 : memref<!tpu.dma_semaphore, #tpu.memory_space<semaphore_mem>>) src(%dma_wait3A_73 : memref<10240x256xf32, #tpu.memory_space<hbm>>) dst(%arg15 : memref<64x256xf32, #tpu.memory_space<vmem>>)
    %add3A_74 = arith.constant 2496 : i32
    %add3A_75 = arith.addi %mul3A_2, %add3A_74 : i32
    %dma_start3A_76 = arith.constant 0 : i32
    %dma_start3A_77 = tpu.memref_slice %arg6[%add3A_75, %dma_start3A_76] : memref<81920x128xf32, #tpu.memory_space<hbm>> -> memref<64x128xf32, #tpu.memory_space<hbm>>
    %dma_start3A_78 = arith.constant 0 : i32
    %dma_start3A_79 = tpu.memref_slice %arg6[%add3A_75, %dma_start3A_78] : memref<81920x128xf32, #tpu.memory_space<hbm>> -> memref<64x128xf32, #tpu.memory_space<hbm>>
    tpu.enqueue_dma source(%arg13 : memref<64x128xf32, #tpu.memory_space<vmem>>) target(%dma_start3A_79 : memref<64x128xf32, #tpu.memory_space<hbm>>) target_semaphore(%arg21 : memref<!tpu.dma_semaphore, #tpu.memory_space<semaphore_mem>>)
    %dma_start3A_80 = arith.constant 0 : i32
    %dma_start3A_81 = tpu.memref_slice %arg7[%add3A_75, %dma_start3A_80] : memref<81920x256xf32, #tpu.memory_space<hbm>> -> memref<64x256xf32, #tpu.memory_space<hbm>>
    %dma_start3A_82 = arith.constant 0 : i32
    %dma_start3A_83 = tpu.memref_slice %arg7[%add3A_75, %dma_start3A_82] : memref<81920x256xf32, #tpu.memory_space<hbm>> -> memref<64x256xf32, #tpu.memory_space<hbm>>
    tpu.enqueue_dma source(%arg15 : memref<64x256xf32, #tpu.memory_space<vmem>>) target(%dma_start3A_83 : memref<64x256xf32, #tpu.memory_space<hbm>>) target_semaphore(%arg21 : memref<!tpu.dma_semaphore, #tpu.memory_space<semaphore_mem>>)
    %add3A_84 = arith.constant 2432 : i32
    %add3A_85 = arith.addi %mul3A_2, %add3A_84 : i32
    %dma_wait3A_86 = arith.constant 0 : i32
    %dma_wait3A_87 = tpu.memref_slice %arg6[%add3A_85, %dma_wait3A_86] : memref<81920x128xf32, #tpu.memory_space<hbm>> -> memref<64x128xf32, #tpu.memory_space<hbm>>
    %dma_wait3A_88 = arith.constant 0 : i32
    %dma_wait3A_89 = tpu.memref_slice %arg6[%add3A_85, %dma_wait3A_88] : memref<81920x128xf32, #tpu.memory_space<hbm>> -> memref<64x128xf32, #tpu.memory_space<hbm>>
    tpu.wait_dma2 semaphore(%arg20 : memref<!tpu.dma_semaphore, #tpu.memory_space<semaphore_mem>>) src(%arg12 : memref<64x128xf32, #tpu.memory_space<vmem>>) dst(%dma_wait3A_89 : memref<64x128xf32, #tpu.memory_space<hbm>>)
    %dma_wait3A_90 = arith.constant 0 : i32
    %dma_wait3A_91 = tpu.memref_slice %arg7[%add3A_85, %dma_wait3A_90] : memref<81920x256xf32, #tpu.memory_space<hbm>> -> memref<64x256xf32, #tpu.memory_space<hbm>>
    %dma_wait3A_92 = arith.constant 0 : i32
    %dma_wait3A_93 = tpu.memref_slice %arg7[%add3A_85, %dma_wait3A_92] : memref<81920x256xf32, #tpu.memory_space<hbm>> -> memref<64x256xf32, #tpu.memory_space<hbm>>
    tpu.wait_dma2 semaphore(%arg20 : memref<!tpu.dma_semaphore, #tpu.memory_space<semaphore_mem>>) src(%arg14 : memref<64x256xf32, #tpu.memory_space<vmem>>) dst(%dma_wait3A_93 : memref<64x256xf32, #tpu.memory_space<hbm>>)
    %add3A_94 = arith.constant 2496 : i32
    %add3A_95 = arith.addi %mul3A_2, %add3A_94 : i32
    %dma_wait3A_96 = arith.constant 0 : i32
    %dma_wait3A_97 = tpu.memref_slice %arg6[%add3A_95, %dma_wait3A_96] : memref<81920x128xf32, #tpu.memory_space<hbm>> -> memref<64x128xf32, #tpu.memory_space<hbm>>
    %dma_wait3A_98 = arith.constant 0 : i32
    %dma_wait3A_99 = tpu.memref_slice %arg6[%add3A_95, %dma_wait3A_98] : memref<81920x128xf32, #tpu.memory_space<hbm>> -> memref<64x128xf32, #tpu.memory_space<hbm>>
    tpu.wait_dma2 semaphore(%arg21 : memref<!tpu.dma_semaphore, #tpu.memory_space<semaphore_mem>>) src(%arg13 : memref<64x128xf32, #tpu.memory_space<vmem>>) dst(%dma_wait3A_99 : memref<64x128xf32, #tpu.memory_space<hbm>>)
    %dma_wait3A_100 = arith.constant 0 : i32
    %dma_wait3A_101 = tpu.memref_slice %arg7[%add3A_95, %dma_wait3A_100] : memref<81920x256xf32, #tpu.memory_space<hbm>> -> memref<64x256xf32, #tpu.memory_space<hbm>>
    %dma_wait3A_102 = arith.constant 0 : i32
    %dma_wait3A_103 = tpu.memref_slice %arg7[%add3A_95, %dma_wait3A_102] : memref<81920x256xf32, #tpu.memory_space<hbm>> -> memref<64x256xf32, #tpu.memory_space<hbm>>
    tpu.wait_dma2 semaphore(%arg21 : memref<!tpu.dma_semaphore, #tpu.memory_space<semaphore_mem>>) src(%arg15 : memref<64x256xf32, #tpu.memory_space<vmem>>) dst(%dma_wait3A_103 : memref<64x256xf32, #tpu.memory_space<hbm>>)
    return
  }
}

#map = affine_map<(d0, d1) -> (0)>
#map1 = affine_map<(d0, d1) -> (0, 0)>
#map2 = affine_map<(d0, d1) -> (0, 0, 0)>
module attributes {stable_mosaic.version = 14 : i64} {
  func.func @_scatter_body(%arg0: i32, %arg1: i32, %arg2: memref<81920xi32, #tpu.memory_space<hbm>>, %arg3: memref<81920x128xf32, #tpu.memory_space<hbm>>, %arg4: memref<10240x128xf32, #tpu.memory_space<hbm>>, %arg5: memref<2x10240x128xf32, #tpu.memory_space<hbm>>, %arg6: memref<10240x128xf32, #tpu.memory_space<vmem_shared>>, %arg7: memref<64xi32, #tpu.memory_space<vmem>>, %arg8: memref<64xi32, #tpu.memory_space<vmem>>, %arg9: memref<64x128xf32, #tpu.memory_space<vmem>>, %arg10: memref<64x128xf32, #tpu.memory_space<vmem>>, %arg11: memref<!tpu.dma_semaphore, #tpu.memory_space<semaphore_mem>>, %arg12: memref<!tpu.dma_semaphore, #tpu.memory_space<semaphore_mem>>, %arg13: memref<!tpu.dma_semaphore, #tpu.memory_space<semaphore_mem>>, %arg14: memref<!tpu.dma_semaphore, #tpu.memory_space<semaphore_mem>>) attributes {dimension_semantics = [#tpu.dimension_semantics<core_parallel>, #tpu.dimension_semantics<subcore_parallel>], iteration_bounds = array<i64: 2, 16>, scalar_prefetch = 0 : i64, scratch_operands = 9 : i64, tpu.core_type = #tpu.core_type<sc_vector_subcore>, window_params = [{transform_indices = #map}, {transform_indices = #map1}, {transform_indices = #map1}, {transform_indices = #map2}]} {
    %mul3A = arith.constant 2 : i32
    %mul3A_0 = arith.muli %arg1, %mul3A : i32
    %add3A = arith.addi %mul3A_0, %arg0 : i32
    %mul3A_1 = arith.constant 640 : i32
    %mul3A_2 = arith.muli %arg1, %mul3A_1 : i32
    "tpu.region"() ({
      %run_scoped3A = tpu.sem_alloc : memref<!tpu.dma_semaphore, #tpu.memory_space<semaphore_mem>>
      %dma_start3A_20 = arith.constant 0 : i32
      %dma_start3A_21 = tpu.memref_slice %arg6[%mul3A_2, %dma_start3A_20] : memref<10240x128xf32, #tpu.memory_space<vmem_shared>> -> memref<640x128xf32, #tpu.memory_space<vmem_shared>>
      %dma_start3A_22 = arith.constant 0 : i32
      %dma_start3A_23 = tpu.memref_slice %arg4[%mul3A_2, %dma_start3A_22] : memref<10240x128xf32, #tpu.memory_space<hbm>> -> memref<640x128xf32, #tpu.memory_space<hbm>>
      tpu.enqueue_dma source(%dma_start3A_23 : memref<640x128xf32, #tpu.memory_space<hbm>>) target(%dma_start3A_21 : memref<640x128xf32, #tpu.memory_space<vmem_shared>>) target_semaphore(%run_scoped3A : memref<!tpu.dma_semaphore, #tpu.memory_space<semaphore_mem>>)
      %dma_wait3A_24 = arith.constant 0 : i32
      %dma_wait3A_25 = tpu.memref_slice %arg6[%mul3A_2, %dma_wait3A_24] : memref<10240x128xf32, #tpu.memory_space<vmem_shared>> -> memref<640x128xf32, #tpu.memory_space<vmem_shared>>
      %dma_wait3A_26 = arith.constant 0 : i32
      %dma_wait3A_27 = tpu.memref_slice %arg4[%mul3A_2, %dma_wait3A_26] : memref<10240x128xf32, #tpu.memory_space<hbm>> -> memref<640x128xf32, #tpu.memory_space<hbm>>
      tpu.wait_dma2 semaphore(%run_scoped3A : memref<!tpu.dma_semaphore, #tpu.memory_space<semaphore_mem>>) src(%dma_wait3A_27 : memref<640x128xf32, #tpu.memory_space<hbm>>) dst(%dma_wait3A_25 : memref<640x128xf32, #tpu.memory_space<vmem_shared>>)
      tpu.yield
    }) : () -> ()
    %barrier3A = arith.constant 0 : index
    tpu.barrier barrier_id(%barrier3A)
    %mul3A_3 = arith.constant 2560 : i32
    %mul3A_4 = arith.muli %add3A, %mul3A_3 : i32
    %add3A_5 = arith.constant 0 : i32
    %add3A_6 = arith.addi %mul3A_4, %add3A_5 : i32
    %dma_start3A = tpu.memref_slice %arg2[%add3A_6] : memref<81920xi32, #tpu.memory_space<hbm>> -> memref<64xi32, #tpu.memory_space<hbm>>
    %dma_start3A_7 = tpu.memref_slice %arg2[%add3A_6] : memref<81920xi32, #tpu.memory_space<hbm>> -> memref<64xi32, #tpu.memory_space<hbm>>
    tpu.enqueue_dma source(%dma_start3A_7 : memref<64xi32, #tpu.memory_space<hbm>>) target(%arg7 : memref<64xi32, #tpu.memory_space<vmem>>) target_semaphore(%arg11 : memref<!tpu.dma_semaphore, #tpu.memory_space<semaphore_mem>>)
    %dma_start3A_8 = arith.constant 0 : i32
    %dma_start3A_9 = tpu.memref_slice %arg3[%add3A_6, %dma_start3A_8] : memref<81920x128xf32, #tpu.memory_space<hbm>> -> memref<64x128xf32, #tpu.memory_space<hbm>>
    %dma_start3A_10 = arith.constant 0 : i32
    %dma_start3A_11 = tpu.memref_slice %arg3[%add3A_6, %dma_start3A_10] : memref<81920x128xf32, #tpu.memory_space<hbm>> -> memref<64x128xf32, #tpu.memory_space<hbm>>
    tpu.enqueue_dma source(%dma_start3A_11 : memref<64x128xf32, #tpu.memory_space<hbm>>) target(%arg9 : memref<64x128xf32, #tpu.memory_space<vmem>>) target_semaphore(%arg11 : memref<!tpu.dma_semaphore, #tpu.memory_space<semaphore_mem>>)
    %scan3A = arith.constant 0 : i32
    %scan3A_12 = arith.constant 0 : i32
    %scan3A_13 = arith.constant 20 : i32
    %scan3A_14 = arith.addi %scan3A_12, %scan3A_13 : i32
    %scan3A_15 = arith.constant 1 : i32
    scf.for %scan3A_20 = %scan3A_12 to %scan3A_14 step %scan3A_15  : i32 {
      %mul3A_21 = arith.constant 2 : i32
      %mul3A_22 = arith.muli %mul3A_21, %scan3A_20 : i32
      %mul3A_23 = arith.constant 64 : i32
      %mul3A_24 = arith.muli %mul3A_22, %mul3A_23 : i32
      %add3A_25 = arith.addi %mul3A_4, %mul3A_24 : i32
      %dma_wait3A_26 = tpu.memref_slice %arg2[%add3A_25] : memref<81920xi32, #tpu.memory_space<hbm>> -> memref<64xi32, #tpu.memory_space<hbm>>
      %dma_wait3A_27 = tpu.memref_slice %arg2[%add3A_25] : memref<81920xi32, #tpu.memory_space<hbm>> -> memref<64xi32, #tpu.memory_space<hbm>>
      tpu.wait_dma2 semaphore(%arg11 : memref<!tpu.dma_semaphore, #tpu.memory_space<semaphore_mem>>) src(%dma_wait3A_27 : memref<64xi32, #tpu.memory_space<hbm>>) dst(%arg7 : memref<64xi32, #tpu.memory_space<vmem>>)
      %dma_wait3A_28 = arith.constant 0 : i32
      %dma_wait3A_29 = tpu.memref_slice %arg3[%add3A_25, %dma_wait3A_28] : memref<81920x128xf32, #tpu.memory_space<hbm>> -> memref<64x128xf32, #tpu.memory_space<hbm>>
      %dma_wait3A_30 = arith.constant 0 : i32
      %dma_wait3A_31 = tpu.memref_slice %arg3[%add3A_25, %dma_wait3A_30] : memref<81920x128xf32, #tpu.memory_space<hbm>> -> memref<64x128xf32, #tpu.memory_space<hbm>>
      tpu.wait_dma2 semaphore(%arg11 : memref<!tpu.dma_semaphore, #tpu.memory_space<semaphore_mem>>) src(%dma_wait3A_31 : memref<64x128xf32, #tpu.memory_space<hbm>>) dst(%arg9 : memref<64x128xf32, #tpu.memory_space<vmem>>)
      %dma_start3A_32 = arith.constant 0 : i32
      %dma_start3A_33 = arith.constant 0 : i32
      %dma_start3A_34 = tpu.memref_slice %arg6[%dma_start3A_32, %dma_start3A_33] : memref<10240x128xf32, #tpu.memory_space<vmem_shared>> -> memref<10240x128xf32, #tpu.memory_space<vmem_shared>>
      tpu.enqueue_indirect_dma source(%arg9 : memref<64x128xf32, #tpu.memory_space<vmem>>) target(%dma_start3A_34 : memref<10240x128xf32, #tpu.memory_space<vmem_shared>>) offsets(%arg7 : memref<64xi32, #tpu.memory_space<vmem>>) semaphore(%arg13 : memref<!tpu.dma_semaphore, #tpu.memory_space<semaphore_mem>>) {add = true}
      %gt3A = arith.constant 0 : i32
      %gt3A_35 = arith.cmpi sgt, %scan3A_20, %gt3A : i32
      %convert_element_type3A = arith.extui %gt3A_35 : i1 to i32
      %cond3A = arith.constant 0 : i32
      %cond3A_36 = arith.cmpi ne, %convert_element_type3A, %cond3A : i32
      scf.if %cond3A_36 {
        %dma_wait3A_73 = arith.constant 0 : i32
        %dma_wait3A_74 = arith.constant 0 : i32
        %dma_wait3A_75 = tpu.memref_slice %arg6[%dma_wait3A_73, %dma_wait3A_74] : memref<10240x128xf32, #tpu.memory_space<vmem_shared>> -> memref<10240x128xf32, #tpu.memory_space<vmem_shared>>
        tpu.wait_indirect_dma semaphore(%arg14 : memref<!tpu.dma_semaphore, #tpu.memory_space<semaphore_mem>>) src(%arg10 : memref<64x128xf32, #tpu.memory_space<vmem>>) dst(%dma_wait3A_75 : memref<10240x128xf32, #tpu.memory_space<vmem_shared>>)
      } else {
      }
      %mul3A_37 = arith.constant 2 : i32
      %mul3A_38 = arith.muli %mul3A_37, %scan3A_20 : i32
      %add3A_39 = arith.constant 1 : i32
      %add3A_40 = arith.addi %mul3A_38, %add3A_39 : i32
      %mul3A_41 = arith.constant 64 : i32
      %mul3A_42 = arith.muli %add3A_40, %mul3A_41 : i32
      %add3A_43 = arith.addi %mul3A_4, %mul3A_42 : i32
      %dma_start3A_44 = tpu.memref_slice %arg2[%add3A_43] : memref<81920xi32, #tpu.memory_space<hbm>> -> memref<64xi32, #tpu.memory_space<hbm>>
      %dma_start3A_45 = tpu.memref_slice %arg2[%add3A_43] : memref<81920xi32, #tpu.memory_space<hbm>> -> memref<64xi32, #tpu.memory_space<hbm>>
      tpu.enqueue_dma source(%dma_start3A_45 : memref<64xi32, #tpu.memory_space<hbm>>) target(%arg8 : memref<64xi32, #tpu.memory_space<vmem>>) target_semaphore(%arg12 : memref<!tpu.dma_semaphore, #tpu.memory_space<semaphore_mem>>)
      %dma_start3A_46 = arith.constant 0 : i32
      %dma_start3A_47 = tpu.memref_slice %arg3[%add3A_43, %dma_start3A_46] : memref<81920x128xf32, #tpu.memory_space<hbm>> -> memref<64x128xf32, #tpu.memory_space<hbm>>
      %dma_start3A_48 = arith.constant 0 : i32
      %dma_start3A_49 = tpu.memref_slice %arg3[%add3A_43, %dma_start3A_48] : memref<81920x128xf32, #tpu.memory_space<hbm>> -> memref<64x128xf32, #tpu.memory_space<hbm>>
      tpu.enqueue_dma source(%dma_start3A_49 : memref<64x128xf32, #tpu.memory_space<hbm>>) target(%arg10 : memref<64x128xf32, #tpu.memory_space<vmem>>) target_semaphore(%arg12 : memref<!tpu.dma_semaphore, #tpu.memory_space<semaphore_mem>>)
      %mul3A_50 = arith.constant 2 : i32
      %mul3A_51 = arith.muli %mul3A_50, %scan3A_20 : i32
      %add3A_52 = arith.constant 1 : i32
      %add3A_53 = arith.addi %mul3A_51, %add3A_52 : i32
      %mul3A_54 = arith.constant 64 : i32
      %mul3A_55 = arith.muli %add3A_53, %mul3A_54 : i32
      %add3A_56 = arith.addi %mul3A_4, %mul3A_55 : i32
      %dma_wait3A_57 = tpu.memref_slice %arg2[%add3A_56] : memref<81920xi32, #tpu.memory_space<hbm>> -> memref<64xi32, #tpu.memory_space<hbm>>
      %dma_wait3A_58 = tpu.memref_slice %arg2[%add3A_56] : memref<81920xi32, #tpu.memory_space<hbm>> -> memref<64xi32, #tpu.memory_space<hbm>>
      tpu.wait_dma2 semaphore(%arg12 : memref<!tpu.dma_semaphore, #tpu.memory_space<semaphore_mem>>) src(%dma_wait3A_58 : memref<64xi32, #tpu.memory_space<hbm>>) dst(%arg8 : memref<64xi32, #tpu.memory_space<vmem>>)
      %dma_wait3A_59 = arith.constant 0 : i32
      %dma_wait3A_60 = tpu.memref_slice %arg3[%add3A_56, %dma_wait3A_59] : memref<81920x128xf32, #tpu.memory_space<hbm>> -> memref<64x128xf32, #tpu.memory_space<hbm>>
      %dma_wait3A_61 = arith.constant 0 : i32
      %dma_wait3A_62 = tpu.memref_slice %arg3[%add3A_56, %dma_wait3A_61] : memref<81920x128xf32, #tpu.memory_space<hbm>> -> memref<64x128xf32, #tpu.memory_space<hbm>>
      tpu.wait_dma2 semaphore(%arg12 : memref<!tpu.dma_semaphore, #tpu.memory_space<semaphore_mem>>) src(%dma_wait3A_62 : memref<64x128xf32, #tpu.memory_space<hbm>>) dst(%arg10 : memref<64x128xf32, #tpu.memory_space<vmem>>)
      %dma_start3A_63 = arith.constant 0 : i32
      %dma_start3A_64 = arith.constant 0 : i32
      %dma_start3A_65 = tpu.memref_slice %arg6[%dma_start3A_63, %dma_start3A_64] : memref<10240x128xf32, #tpu.memory_space<vmem_shared>> -> memref<10240x128xf32, #tpu.memory_space<vmem_shared>>
      tpu.enqueue_indirect_dma source(%arg10 : memref<64x128xf32, #tpu.memory_space<vmem>>) target(%dma_start3A_65 : memref<10240x128xf32, #tpu.memory_space<vmem_shared>>) offsets(%arg8 : memref<64xi32, #tpu.memory_space<vmem>>) semaphore(%arg14 : memref<!tpu.dma_semaphore, #tpu.memory_space<semaphore_mem>>) {add = true}
      %dma_wait3A_66 = arith.constant 0 : i32
      %dma_wait3A_67 = arith.constant 0 : i32
      %dma_wait3A_68 = tpu.memref_slice %arg6[%dma_wait3A_66, %dma_wait3A_67] : memref<10240x128xf32, #tpu.memory_space<vmem_shared>> -> memref<10240x128xf32, #tpu.memory_space<vmem_shared>>
      tpu.wait_indirect_dma semaphore(%arg13 : memref<!tpu.dma_semaphore, #tpu.memory_space<semaphore_mem>>) src(%arg9 : memref<64x128xf32, #tpu.memory_space<vmem>>) dst(%dma_wait3A_68 : memref<10240x128xf32, #tpu.memory_space<vmem_shared>>)
      %lt3A = arith.constant 19 : i32
      %lt3A_69 = arith.cmpi slt, %scan3A_20, %lt3A : i32
      %convert_element_type3A_70 = arith.extui %lt3A_69 : i1 to i32
      %cond3A_71 = arith.constant 0 : i32
      %cond3A_72 = arith.cmpi ne, %convert_element_type3A_70, %cond3A_71 : i32
      scf.if %cond3A_72 {
        %mul3A_73 = arith.constant 2 : i32
        %mul3A_74 = arith.muli %mul3A_73, %scan3A_20 : i32
        %add3A_75 = arith.constant 2 : i32
        %add3A_76 = arith.addi %mul3A_74, %add3A_75 : i32
        %mul3A_77 = arith.constant 64 : i32
        %mul3A_78 = arith.muli %add3A_76, %mul3A_77 : i32
        %add3A_79 = arith.addi %mul3A_4, %mul3A_78 : i32
        %dma_start3A_80 = tpu.memref_slice %arg2[%add3A_79] : memref<81920xi32, #tpu.memory_space<hbm>> -> memref<64xi32, #tpu.memory_space<hbm>>
        %dma_start3A_81 = tpu.memref_slice %arg2[%add3A_79] : memref<81920xi32, #tpu.memory_space<hbm>> -> memref<64xi32, #tpu.memory_space<hbm>>
        tpu.enqueue_dma source(%dma_start3A_81 : memref<64xi32, #tpu.memory_space<hbm>>) target(%arg7 : memref<64xi32, #tpu.memory_space<vmem>>) target_semaphore(%arg11 : memref<!tpu.dma_semaphore, #tpu.memory_space<semaphore_mem>>)
        %dma_start3A_82 = arith.constant 0 : i32
        %dma_start3A_83 = tpu.memref_slice %arg3[%add3A_79, %dma_start3A_82] : memref<81920x128xf32, #tpu.memory_space<hbm>> -> memref<64x128xf32, #tpu.memory_space<hbm>>
        %dma_start3A_84 = arith.constant 0 : i32
        %dma_start3A_85 = tpu.memref_slice %arg3[%add3A_79, %dma_start3A_84] : memref<81920x128xf32, #tpu.memory_space<hbm>> -> memref<64x128xf32, #tpu.memory_space<hbm>>
        tpu.enqueue_dma source(%dma_start3A_85 : memref<64x128xf32, #tpu.memory_space<hbm>>) target(%arg9 : memref<64x128xf32, #tpu.memory_space<vmem>>) target_semaphore(%arg11 : memref<!tpu.dma_semaphore, #tpu.memory_space<semaphore_mem>>)
      } else {
      }
    }
    %scan3A_16 = arith.constant 20 : i32
    %dma_wait3A = arith.constant 0 : i32
    %dma_wait3A_17 = arith.constant 0 : i32
    %dma_wait3A_18 = tpu.memref_slice %arg6[%dma_wait3A, %dma_wait3A_17] : memref<10240x128xf32, #tpu.memory_space<vmem_shared>> -> memref<10240x128xf32, #tpu.memory_space<vmem_shared>>
    tpu.wait_indirect_dma semaphore(%arg14 : memref<!tpu.dma_semaphore, #tpu.memory_space<semaphore_mem>>) src(%arg10 : memref<64x128xf32, #tpu.memory_space<vmem>>) dst(%dma_wait3A_18 : memref<10240x128xf32, #tpu.memory_space<vmem_shared>>)
    %barrier3A_19 = arith.constant 0 : index
    tpu.barrier barrier_id(%barrier3A_19)
    "tpu.region"() ({
      %run_scoped3A = tpu.sem_alloc : memref<!tpu.dma_semaphore, #tpu.memory_space<semaphore_mem>>
      %dma_start3A_20 = arith.constant 0 : i32
      %dma_start3A_21 = tpu.memref_slice %arg5[%arg0, %mul3A_2, %dma_start3A_20] : memref<2x10240x128xf32, #tpu.memory_space<hbm>> -> memref<1x640x128xf32, #tpu.memory_space<hbm>>
      %dma_start3A_22 = tpu.memref_squeeze %dma_start3A_21 : memref<1x640x128xf32, #tpu.memory_space<hbm>> -> memref<640x128xf32, #tpu.memory_space<hbm>>
      %dma_start3A_23 = arith.constant 0 : i32
      %dma_start3A_24 = tpu.memref_slice %arg6[%mul3A_2, %dma_start3A_23] : memref<10240x128xf32, #tpu.memory_space<vmem_shared>> -> memref<640x128xf32, #tpu.memory_space<vmem_shared>>
      tpu.enqueue_dma source(%dma_start3A_24 : memref<640x128xf32, #tpu.memory_space<vmem_shared>>) target(%dma_start3A_22 : memref<640x128xf32, #tpu.memory_space<hbm>>) target_semaphore(%run_scoped3A : memref<!tpu.dma_semaphore, #tpu.memory_space<semaphore_mem>>)
      %dma_wait3A_25 = arith.constant 0 : i32
      %dma_wait3A_26 = tpu.memref_slice %arg5[%arg0, %mul3A_2, %dma_wait3A_25] : memref<2x10240x128xf32, #tpu.memory_space<hbm>> -> memref<1x640x128xf32, #tpu.memory_space<hbm>>
      %dma_wait3A_27 = tpu.memref_squeeze %dma_wait3A_26 : memref<1x640x128xf32, #tpu.memory_space<hbm>> -> memref<640x128xf32, #tpu.memory_space<hbm>>
      %dma_wait3A_28 = arith.constant 0 : i32
      %dma_wait3A_29 = tpu.memref_slice %arg6[%mul3A_2, %dma_wait3A_28] : memref<10240x128xf32, #tpu.memory_space<vmem_shared>> -> memref<640x128xf32, #tpu.memory_space<vmem_shared>>
      tpu.wait_dma2 semaphore(%run_scoped3A : memref<!tpu.dma_semaphore, #tpu.memory_space<semaphore_mem>>) src(%dma_wait3A_29 : memref<640x128xf32, #tpu.memory_space<vmem_shared>>) dst(%dma_wait3A_27 : memref<640x128xf32, #tpu.memory_space<hbm>>)
      tpu.yield
    }) : () -> ()
    return
  }
}

#map = affine_map<(d0, d1) -> (0)>
#map1 = affine_map<(d0, d1) -> (0, 0)>
#map2 = affine_map<(d0, d1) -> (0, 0, 0)>
module attributes {stable_mosaic.version = 14 : i64} {
  func.func @_scatter_body(%arg0: i32, %arg1: i32, %arg2: memref<81920xi32, #tpu.memory_space<hbm>>, %arg3: memref<81920x128xf32, #tpu.memory_space<hbm>>, %arg4: memref<10240x128xf32, #tpu.memory_space<hbm>>, %arg5: memref<2x10240x128xf32, #tpu.memory_space<hbm>>, %arg6: memref<10240x128xf32, #tpu.memory_space<vmem_shared>>, %arg7: memref<64xi32, #tpu.memory_space<vmem>>, %arg8: memref<64xi32, #tpu.memory_space<vmem>>, %arg9: memref<64x128xf32, #tpu.memory_space<vmem>>, %arg10: memref<64x128xf32, #tpu.memory_space<vmem>>, %arg11: memref<!tpu.dma_semaphore, #tpu.memory_space<semaphore_mem>>, %arg12: memref<!tpu.dma_semaphore, #tpu.memory_space<semaphore_mem>>, %arg13: memref<!tpu.dma_semaphore, #tpu.memory_space<semaphore_mem>>, %arg14: memref<!tpu.dma_semaphore, #tpu.memory_space<semaphore_mem>>) attributes {dimension_semantics = [#tpu.dimension_semantics<core_parallel>, #tpu.dimension_semantics<subcore_parallel>], iteration_bounds = array<i64: 2, 16>, scalar_prefetch = 0 : i64, scratch_operands = 9 : i64, tpu.core_type = #tpu.core_type<sc_vector_subcore>, window_params = [{transform_indices = #map}, {transform_indices = #map1}, {transform_indices = #map1}, {transform_indices = #map2}]} {
    %mul3A = arith.constant 2 : i32
    %mul3A_0 = arith.muli %arg1, %mul3A : i32
    %add3A = arith.addi %mul3A_0, %arg0 : i32
    %mul3A_1 = arith.constant 640 : i32
    %mul3A_2 = arith.muli %arg1, %mul3A_1 : i32
    "tpu.region"() ({
      %run_scoped3A = tpu.sem_alloc : memref<!tpu.dma_semaphore, #tpu.memory_space<semaphore_mem>>
      %dma_start3A_20 = arith.constant 0 : i32
      %dma_start3A_21 = tpu.memref_slice %arg6[%mul3A_2, %dma_start3A_20] : memref<10240x128xf32, #tpu.memory_space<vmem_shared>> -> memref<640x128xf32, #tpu.memory_space<vmem_shared>>
      %dma_start3A_22 = arith.constant 0 : i32
      %dma_start3A_23 = tpu.memref_slice %arg4[%mul3A_2, %dma_start3A_22] : memref<10240x128xf32, #tpu.memory_space<hbm>> -> memref<640x128xf32, #tpu.memory_space<hbm>>
      tpu.enqueue_dma source(%dma_start3A_23 : memref<640x128xf32, #tpu.memory_space<hbm>>) target(%dma_start3A_21 : memref<640x128xf32, #tpu.memory_space<vmem_shared>>) target_semaphore(%run_scoped3A : memref<!tpu.dma_semaphore, #tpu.memory_space<semaphore_mem>>)
      %dma_wait3A_24 = arith.constant 0 : i32
      %dma_wait3A_25 = tpu.memref_slice %arg6[%mul3A_2, %dma_wait3A_24] : memref<10240x128xf32, #tpu.memory_space<vmem_shared>> -> memref<640x128xf32, #tpu.memory_space<vmem_shared>>
      %dma_wait3A_26 = arith.constant 0 : i32
      %dma_wait3A_27 = tpu.memref_slice %arg4[%mul3A_2, %dma_wait3A_26] : memref<10240x128xf32, #tpu.memory_space<hbm>> -> memref<640x128xf32, #tpu.memory_space<hbm>>
      tpu.wait_dma2 semaphore(%run_scoped3A : memref<!tpu.dma_semaphore, #tpu.memory_space<semaphore_mem>>) src(%dma_wait3A_27 : memref<640x128xf32, #tpu.memory_space<hbm>>) dst(%dma_wait3A_25 : memref<640x128xf32, #tpu.memory_space<vmem_shared>>)
      tpu.yield
    }) : () -> ()
    %barrier3A = arith.constant 0 : index
    tpu.barrier barrier_id(%barrier3A)
    %mul3A_3 = arith.constant 2560 : i32
    %mul3A_4 = arith.muli %add3A, %mul3A_3 : i32
    %add3A_5 = arith.constant 0 : i32
    %add3A_6 = arith.addi %mul3A_4, %add3A_5 : i32
    %dma_start3A = tpu.memref_slice %arg2[%add3A_6] : memref<81920xi32, #tpu.memory_space<hbm>> -> memref<64xi32, #tpu.memory_space<hbm>>
    %dma_start3A_7 = tpu.memref_slice %arg2[%add3A_6] : memref<81920xi32, #tpu.memory_space<hbm>> -> memref<64xi32, #tpu.memory_space<hbm>>
    tpu.enqueue_dma source(%dma_start3A_7 : memref<64xi32, #tpu.memory_space<hbm>>) target(%arg7 : memref<64xi32, #tpu.memory_space<vmem>>) target_semaphore(%arg11 : memref<!tpu.dma_semaphore, #tpu.memory_space<semaphore_mem>>)
    %dma_start3A_8 = arith.constant 0 : i32
    %dma_start3A_9 = tpu.memref_slice %arg3[%add3A_6, %dma_start3A_8] : memref<81920x128xf32, #tpu.memory_space<hbm>> -> memref<64x128xf32, #tpu.memory_space<hbm>>
    %dma_start3A_10 = arith.constant 0 : i32
    %dma_start3A_11 = tpu.memref_slice %arg3[%add3A_6, %dma_start3A_10] : memref<81920x128xf32, #tpu.memory_space<hbm>> -> memref<64x128xf32, #tpu.memory_space<hbm>>
    tpu.enqueue_dma source(%dma_start3A_11 : memref<64x128xf32, #tpu.memory_space<hbm>>) target(%arg9 : memref<64x128xf32, #tpu.memory_space<vmem>>) target_semaphore(%arg11 : memref<!tpu.dma_semaphore, #tpu.memory_space<semaphore_mem>>)
    %scan3A = arith.constant 0 : i32
    %scan3A_12 = arith.constant 0 : i32
    %scan3A_13 = arith.constant 20 : i32
    %scan3A_14 = arith.addi %scan3A_12, %scan3A_13 : i32
    %scan3A_15 = arith.constant 1 : i32
    scf.for %scan3A_20 = %scan3A_12 to %scan3A_14 step %scan3A_15  : i32 {
      %mul3A_21 = arith.constant 2 : i32
      %mul3A_22 = arith.muli %mul3A_21, %scan3A_20 : i32
      %mul3A_23 = arith.constant 64 : i32
      %mul3A_24 = arith.muli %mul3A_22, %mul3A_23 : i32
      %add3A_25 = arith.addi %mul3A_4, %mul3A_24 : i32
      %dma_wait3A_26 = tpu.memref_slice %arg2[%add3A_25] : memref<81920xi32, #tpu.memory_space<hbm>> -> memref<64xi32, #tpu.memory_space<hbm>>
      %dma_wait3A_27 = tpu.memref_slice %arg2[%add3A_25] : memref<81920xi32, #tpu.memory_space<hbm>> -> memref<64xi32, #tpu.memory_space<hbm>>
      tpu.wait_dma2 semaphore(%arg11 : memref<!tpu.dma_semaphore, #tpu.memory_space<semaphore_mem>>) src(%dma_wait3A_27 : memref<64xi32, #tpu.memory_space<hbm>>) dst(%arg7 : memref<64xi32, #tpu.memory_space<vmem>>)
      %dma_wait3A_28 = arith.constant 0 : i32
      %dma_wait3A_29 = tpu.memref_slice %arg3[%add3A_25, %dma_wait3A_28] : memref<81920x128xf32, #tpu.memory_space<hbm>> -> memref<64x128xf32, #tpu.memory_space<hbm>>
      %dma_wait3A_30 = arith.constant 0 : i32
      %dma_wait3A_31 = tpu.memref_slice %arg3[%add3A_25, %dma_wait3A_30] : memref<81920x128xf32, #tpu.memory_space<hbm>> -> memref<64x128xf32, #tpu.memory_space<hbm>>
      tpu.wait_dma2 semaphore(%arg11 : memref<!tpu.dma_semaphore, #tpu.memory_space<semaphore_mem>>) src(%dma_wait3A_31 : memref<64x128xf32, #tpu.memory_space<hbm>>) dst(%arg9 : memref<64x128xf32, #tpu.memory_space<vmem>>)
      %dma_start3A_32 = arith.constant 0 : i32
      %dma_start3A_33 = arith.constant 0 : i32
      %dma_start3A_34 = tpu.memref_slice %arg6[%dma_start3A_32, %dma_start3A_33] : memref<10240x128xf32, #tpu.memory_space<vmem_shared>> -> memref<10240x128xf32, #tpu.memory_space<vmem_shared>>
      tpu.enqueue_indirect_dma source(%arg9 : memref<64x128xf32, #tpu.memory_space<vmem>>) target(%dma_start3A_34 : memref<10240x128xf32, #tpu.memory_space<vmem_shared>>) offsets(%arg7 : memref<64xi32, #tpu.memory_space<vmem>>) semaphore(%arg13 : memref<!tpu.dma_semaphore, #tpu.memory_space<semaphore_mem>>) {add = true}
      %gt3A = arith.constant 0 : i32
      %gt3A_35 = arith.cmpi sgt, %scan3A_20, %gt3A : i32
      %convert_element_type3A = arith.extui %gt3A_35 : i1 to i32
      %cond3A = arith.constant 0 : i32
      %cond3A_36 = arith.cmpi ne, %convert_element_type3A, %cond3A : i32
      scf.if %cond3A_36 {
        %dma_wait3A_73 = arith.constant 0 : i32
        %dma_wait3A_74 = arith.constant 0 : i32
        %dma_wait3A_75 = tpu.memref_slice %arg6[%dma_wait3A_73, %dma_wait3A_74] : memref<10240x128xf32, #tpu.memory_space<vmem_shared>> -> memref<10240x128xf32, #tpu.memory_space<vmem_shared>>
        tpu.wait_indirect_dma semaphore(%arg14 : memref<!tpu.dma_semaphore, #tpu.memory_space<semaphore_mem>>) src(%arg10 : memref<64x128xf32, #tpu.memory_space<vmem>>) dst(%dma_wait3A_75 : memref<10240x128xf32, #tpu.memory_space<vmem_shared>>)
      } else {
      }
      %mul3A_37 = arith.constant 2 : i32
      %mul3A_38 = arith.muli %mul3A_37, %scan3A_20 : i32
      %add3A_39 = arith.constant 1 : i32
      %add3A_40 = arith.addi %mul3A_38, %add3A_39 : i32
      %mul3A_41 = arith.constant 64 : i32
      %mul3A_42 = arith.muli %add3A_40, %mul3A_41 : i32
      %add3A_43 = arith.addi %mul3A_4, %mul3A_42 : i32
      %dma_start3A_44 = tpu.memref_slice %arg2[%add3A_43] : memref<81920xi32, #tpu.memory_space<hbm>> -> memref<64xi32, #tpu.memory_space<hbm>>
      %dma_start3A_45 = tpu.memref_slice %arg2[%add3A_43] : memref<81920xi32, #tpu.memory_space<hbm>> -> memref<64xi32, #tpu.memory_space<hbm>>
      tpu.enqueue_dma source(%dma_start3A_45 : memref<64xi32, #tpu.memory_space<hbm>>) target(%arg8 : memref<64xi32, #tpu.memory_space<vmem>>) target_semaphore(%arg12 : memref<!tpu.dma_semaphore, #tpu.memory_space<semaphore_mem>>)
      %dma_start3A_46 = arith.constant 0 : i32
      %dma_start3A_47 = tpu.memref_slice %arg3[%add3A_43, %dma_start3A_46] : memref<81920x128xf32, #tpu.memory_space<hbm>> -> memref<64x128xf32, #tpu.memory_space<hbm>>
      %dma_start3A_48 = arith.constant 0 : i32
      %dma_start3A_49 = tpu.memref_slice %arg3[%add3A_43, %dma_start3A_48] : memref<81920x128xf32, #tpu.memory_space<hbm>> -> memref<64x128xf32, #tpu.memory_space<hbm>>
      tpu.enqueue_dma source(%dma_start3A_49 : memref<64x128xf32, #tpu.memory_space<hbm>>) target(%arg10 : memref<64x128xf32, #tpu.memory_space<vmem>>) target_semaphore(%arg12 : memref<!tpu.dma_semaphore, #tpu.memory_space<semaphore_mem>>)
      %mul3A_50 = arith.constant 2 : i32
      %mul3A_51 = arith.muli %mul3A_50, %scan3A_20 : i32
      %add3A_52 = arith.constant 1 : i32
      %add3A_53 = arith.addi %mul3A_51, %add3A_52 : i32
      %mul3A_54 = arith.constant 64 : i32
      %mul3A_55 = arith.muli %add3A_53, %mul3A_54 : i32
      %add3A_56 = arith.addi %mul3A_4, %mul3A_55 : i32
      %dma_wait3A_57 = tpu.memref_slice %arg2[%add3A_56] : memref<81920xi32, #tpu.memory_space<hbm>> -> memref<64xi32, #tpu.memory_space<hbm>>
      %dma_wait3A_58 = tpu.memref_slice %arg2[%add3A_56] : memref<81920xi32, #tpu.memory_space<hbm>> -> memref<64xi32, #tpu.memory_space<hbm>>
      tpu.wait_dma2 semaphore(%arg12 : memref<!tpu.dma_semaphore, #tpu.memory_space<semaphore_mem>>) src(%dma_wait3A_58 : memref<64xi32, #tpu.memory_space<hbm>>) dst(%arg8 : memref<64xi32, #tpu.memory_space<vmem>>)
      %dma_wait3A_59 = arith.constant 0 : i32
      %dma_wait3A_60 = tpu.memref_slice %arg3[%add3A_56, %dma_wait3A_59] : memref<81920x128xf32, #tpu.memory_space<hbm>> -> memref<64x128xf32, #tpu.memory_space<hbm>>
      %dma_wait3A_61 = arith.constant 0 : i32
      %dma_wait3A_62 = tpu.memref_slice %arg3[%add3A_56, %dma_wait3A_61] : memref<81920x128xf32, #tpu.memory_space<hbm>> -> memref<64x128xf32, #tpu.memory_space<hbm>>
      tpu.wait_dma2 semaphore(%arg12 : memref<!tpu.dma_semaphore, #tpu.memory_space<semaphore_mem>>) src(%dma_wait3A_62 : memref<64x128xf32, #tpu.memory_space<hbm>>) dst(%arg10 : memref<64x128xf32, #tpu.memory_space<vmem>>)
      %dma_start3A_63 = arith.constant 0 : i32
      %dma_start3A_64 = arith.constant 0 : i32
      %dma_start3A_65 = tpu.memref_slice %arg6[%dma_start3A_63, %dma_start3A_64] : memref<10240x128xf32, #tpu.memory_space<vmem_shared>> -> memref<10240x128xf32, #tpu.memory_space<vmem_shared>>
      tpu.enqueue_indirect_dma source(%arg10 : memref<64x128xf32, #tpu.memory_space<vmem>>) target(%dma_start3A_65 : memref<10240x128xf32, #tpu.memory_space<vmem_shared>>) offsets(%arg8 : memref<64xi32, #tpu.memory_space<vmem>>) semaphore(%arg14 : memref<!tpu.dma_semaphore, #tpu.memory_space<semaphore_mem>>) {add = true}
      %dma_wait3A_66 = arith.constant 0 : i32
      %dma_wait3A_67 = arith.constant 0 : i32
      %dma_wait3A_68 = tpu.memref_slice %arg6[%dma_wait3A_66, %dma_wait3A_67] : memref<10240x128xf32, #tpu.memory_space<vmem_shared>> -> memref<10240x128xf32, #tpu.memory_space<vmem_shared>>
      tpu.wait_indirect_dma semaphore(%arg13 : memref<!tpu.dma_semaphore, #tpu.memory_space<semaphore_mem>>) src(%arg9 : memref<64x128xf32, #tpu.memory_space<vmem>>) dst(%dma_wait3A_68 : memref<10240x128xf32, #tpu.memory_space<vmem_shared>>)
      %lt3A = arith.constant 19 : i32
      %lt3A_69 = arith.cmpi slt, %scan3A_20, %lt3A : i32
      %convert_element_type3A_70 = arith.extui %lt3A_69 : i1 to i32
      %cond3A_71 = arith.constant 0 : i32
      %cond3A_72 = arith.cmpi ne, %convert_element_type3A_70, %cond3A_71 : i32
      scf.if %cond3A_72 {
        %mul3A_73 = arith.constant 2 : i32
        %mul3A_74 = arith.muli %mul3A_73, %scan3A_20 : i32
        %add3A_75 = arith.constant 2 : i32
        %add3A_76 = arith.addi %mul3A_74, %add3A_75 : i32
        %mul3A_77 = arith.constant 64 : i32
        %mul3A_78 = arith.muli %add3A_76, %mul3A_77 : i32
        %add3A_79 = arith.addi %mul3A_4, %mul3A_78 : i32
        %dma_start3A_80 = tpu.memref_slice %arg2[%add3A_79] : memref<81920xi32, #tpu.memory_space<hbm>> -> memref<64xi32, #tpu.memory_space<hbm>>
        %dma_start3A_81 = tpu.memref_slice %arg2[%add3A_79] : memref<81920xi32, #tpu.memory_space<hbm>> -> memref<64xi32, #tpu.memory_space<hbm>>
        tpu.enqueue_dma source(%dma_start3A_81 : memref<64xi32, #tpu.memory_space<hbm>>) target(%arg7 : memref<64xi32, #tpu.memory_space<vmem>>) target_semaphore(%arg11 : memref<!tpu.dma_semaphore, #tpu.memory_space<semaphore_mem>>)
        %dma_start3A_82 = arith.constant 0 : i32
        %dma_start3A_83 = tpu.memref_slice %arg3[%add3A_79, %dma_start3A_82] : memref<81920x128xf32, #tpu.memory_space<hbm>> -> memref<64x128xf32, #tpu.memory_space<hbm>>
        %dma_start3A_84 = arith.constant 0 : i32
        %dma_start3A_85 = tpu.memref_slice %arg3[%add3A_79, %dma_start3A_84] : memref<81920x128xf32, #tpu.memory_space<hbm>> -> memref<64x128xf32, #tpu.memory_space<hbm>>
        tpu.enqueue_dma source(%dma_start3A_85 : memref<64x128xf32, #tpu.memory_space<hbm>>) target(%arg9 : memref<64x128xf32, #tpu.memory_space<vmem>>) target_semaphore(%arg11 : memref<!tpu.dma_semaphore, #tpu.memory_space<semaphore_mem>>)
      } else {
      }
    }
    %scan3A_16 = arith.constant 20 : i32
    %dma_wait3A = arith.constant 0 : i32
    %dma_wait3A_17 = arith.constant 0 : i32
    %dma_wait3A_18 = tpu.memref_slice %arg6[%dma_wait3A, %dma_wait3A_17] : memref<10240x128xf32, #tpu.memory_space<vmem_shared>> -> memref<10240x128xf32, #tpu.memory_space<vmem_shared>>
    tpu.wait_indirect_dma semaphore(%arg14 : memref<!tpu.dma_semaphore, #tpu.memory_space<semaphore_mem>>) src(%arg10 : memref<64x128xf32, #tpu.memory_space<vmem>>) dst(%dma_wait3A_18 : memref<10240x128xf32, #tpu.memory_space<vmem_shared>>)
    %barrier3A_19 = arith.constant 0 : index
    tpu.barrier barrier_id(%barrier3A_19)
    "tpu.region"() ({
      %run_scoped3A = tpu.sem_alloc : memref<!tpu.dma_semaphore, #tpu.memory_space<semaphore_mem>>
      %dma_start3A_20 = arith.constant 0 : i32
      %dma_start3A_21 = tpu.memref_slice %arg5[%arg0, %mul3A_2, %dma_start3A_20] : memref<2x10240x128xf32, #tpu.memory_space<hbm>> -> memref<1x640x128xf32, #tpu.memory_space<hbm>>
      %dma_start3A_22 = tpu.memref_squeeze %dma_start3A_21 : memref<1x640x128xf32, #tpu.memory_space<hbm>> -> memref<640x128xf32, #tpu.memory_space<hbm>>
      %dma_start3A_23 = arith.constant 0 : i32
      %dma_start3A_24 = tpu.memref_slice %arg6[%mul3A_2, %dma_start3A_23] : memref<10240x128xf32, #tpu.memory_space<vmem_shared>> -> memref<640x128xf32, #tpu.memory_space<vmem_shared>>
      tpu.enqueue_dma source(%dma_start3A_24 : memref<640x128xf32, #tpu.memory_space<vmem_shared>>) target(%dma_start3A_22 : memref<640x128xf32, #tpu.memory_space<hbm>>) target_semaphore(%run_scoped3A : memref<!tpu.dma_semaphore, #tpu.memory_space<semaphore_mem>>)
      %dma_wait3A_25 = arith.constant 0 : i32
      %dma_wait3A_26 = tpu.memref_slice %arg5[%arg0, %mul3A_2, %dma_wait3A_25] : memref<2x10240x128xf32, #tpu.memory_space<hbm>> -> memref<1x640x128xf32, #tpu.memory_space<hbm>>
      %dma_wait3A_27 = tpu.memref_squeeze %dma_wait3A_26 : memref<1x640x128xf32, #tpu.memory_space<hbm>> -> memref<640x128xf32, #tpu.memory_space<hbm>>
      %dma_wait3A_28 = arith.constant 0 : i32
      %dma_wait3A_29 = tpu.memref_slice %arg6[%mul3A_2, %dma_wait3A_28] : memref<10240x128xf32, #tpu.memory_space<vmem_shared>> -> memref<640x128xf32, #tpu.memory_space<vmem_shared>>
      tpu.wait_dma2 semaphore(%run_scoped3A : memref<!tpu.dma_semaphore, #tpu.memory_space<semaphore_mem>>) src(%dma_wait3A_29 : memref<640x128xf32, #tpu.memory_space<vmem_shared>>) dst(%dma_wait3A_27 : memref<640x128xf32, #tpu.memory_space<hbm>>)
      tpu.yield
    }) : () -> ()
    return
  }
}

module attributes {stable_mosaic.version = 14 : i64} {
  func.func @_proj_body(%arg0: i32, %arg1: memref<1024x128xf32, #tpu.memory_space<vmem>>, %arg2: memref<1024x16xf32, #tpu.memory_space<vmem>>, %arg3: memref<128x128xf32, #tpu.memory_space<vmem>>, %arg4: memref<128x256xf32, #tpu.memory_space<vmem>>, %arg5: memref<1024x128xf32, #tpu.memory_space<vmem>>, %arg6: memref<1024x256xf32, #tpu.memory_space<vmem>>) attributes {dimension_semantics = [#tpu.dimension_semantics<arbitrary>], iteration_bounds = array<i64: 10>, scalar_prefetch = 0 : i64, scratch_operands = 0 : i64, tpu.core_type = #tpu.core_type<tc>, window_params = [{transform_indices = @transform_0, window_bounds = array<i64: 1024, 128>}, {transform_indices = @transform_1, window_bounds = array<i64: 1024, 16>}, {pipeline_mode = #tpu.pipeline_mode<synchronous>, transform_indices = @transform_2, window_bounds = array<i64: 128, 128>}, {pipeline_mode = #tpu.pipeline_mode<synchronous>, transform_indices = @transform_3, window_bounds = array<i64: 128, 256>}, {transform_indices = @transform_4, window_bounds = array<i64: 1024, 128>}, {transform_indices = @transform_5, window_bounds = array<i64: 1024, 256>}]} {
    %get3A = arith.constant 0 : index
    %get3A_0 = arith.constant 0 : index
    %get3A_1 = vector.load %arg1[%get3A, %get3A_0] : memref<1024x128xf32, #tpu.memory_space<vmem>>, vector<1024x128xf32>
    %get3A_2 = arith.constant 0 : index
    %get3A_3 = arith.constant 0 : index
    %get3A_4 = vector.load %arg2[%get3A_2, %get3A_3] : memref<1024x16xf32, #tpu.memory_space<vmem>>, vector<1024x16xf32>
    %convert_element_type3A = arith.truncf %get3A_4 : vector<1024x16xf32> to vector<1024x16xbf16>
    %convert_element_type3A_5 = arith.extf %convert_element_type3A : vector<1024x16xbf16> to vector<1024x16xf32>
    %sub3A = arith.subf %get3A_4, %convert_element_type3A_5 : vector<1024x16xf32>
    %concatenate3A = tpu.concatenate %convert_element_type3A_5, %sub3A in 1 : vector<1024x16xf32>, vector<1024x16xf32> -> vector<1024x32xf32>
    %slice3A = vector.extract_strided_slice %concatenate3A {offsets = [0, 0], sizes = [1024, 16], strides = [1, 1]} : vector<1024x32xf32> to vector<1024x16xf32>
    %bitcast_convert_type3A = tpu.bitcast %slice3A : vector<1024x16xf32> -> vector<1024x16xi32>
    %shift_right_logical3A = arith.constant 16 : i32
    %shift_right_logical3A_6 = vector.broadcast %shift_right_logical3A : i32 to vector<1024x16xi32>
    %shift_right_logical3A_7 = arith.shrui %bitcast_convert_type3A, %shift_right_logical3A_6 : vector<1024x16xi32>
    %and3A = arith.constant 1 : i32
    %and3A_8 = vector.broadcast %and3A : i32 to vector<1024x16xi32>
    %and3A_9 = arith.andi %shift_right_logical3A_7, %and3A_8 : vector<1024x16xi32>
    %add3A = arith.constant 32767 : i32
    %add3A_10 = vector.broadcast %add3A : i32 to vector<1024x16xi32>
    %add3A_11 = arith.addi %add3A_10, %and3A_9 : vector<1024x16xi32>
    %add3A_12 = arith.addi %bitcast_convert_type3A, %add3A_11 : vector<1024x16xi32>
    %shift_right_logical3A_13 = arith.constant 16 : i32
    %shift_right_logical3A_14 = vector.broadcast %shift_right_logical3A_13 : i32 to vector<1024x16xi32>
    %shift_right_logical3A_15 = arith.shrui %add3A_12, %shift_right_logical3A_14 : vector<1024x16xi32>
    %shift_left3A = arith.constant 16 : i32
    %shift_left3A_16 = vector.broadcast %shift_left3A : i32 to vector<1024x16xi32>
    %shift_left3A_17 = arith.shli %shift_right_logical3A_15, %shift_left3A_16 : vector<1024x16xi32>
    %slice3A_18 = vector.extract_strided_slice %concatenate3A {offsets = [0, 16], sizes = [1024, 16], strides = [1, 1]} : vector<1024x32xf32> to vector<1024x16xf32>
    %bitcast_convert_type3A_19 = tpu.bitcast %slice3A_18 : vector<1024x16xf32> -> vector<1024x16xi32>
    %shift_right_logical3A_20 = arith.constant 16 : i32
    %shift_right_logical3A_21 = vector.broadcast %shift_right_logical3A_20 : i32 to vector<1024x16xi32>
    %shift_right_logical3A_22 = arith.shrui %bitcast_convert_type3A_19, %shift_right_logical3A_21 : vector<1024x16xi32>
    %and3A_23 = arith.constant 1 : i32
    %and3A_24 = vector.broadcast %and3A_23 : i32 to vector<1024x16xi32>
    %and3A_25 = arith.andi %shift_right_logical3A_22, %and3A_24 : vector<1024x16xi32>
    %add3A_26 = arith.constant 32767 : i32
    %add3A_27 = vector.broadcast %add3A_26 : i32 to vector<1024x16xi32>
    %add3A_28 = arith.addi %add3A_27, %and3A_25 : vector<1024x16xi32>
    %add3A_29 = arith.addi %bitcast_convert_type3A_19, %add3A_28 : vector<1024x16xi32>
    %shift_right_logical3A_30 = arith.constant 16 : i32
    %shift_right_logical3A_31 = vector.broadcast %shift_right_logical3A_30 : i32 to vector<1024x16xi32>
    %shift_right_logical3A_32 = arith.shrui %add3A_29, %shift_right_logical3A_31 : vector<1024x16xi32>
    %or3A = arith.ori %shift_left3A_17, %shift_right_logical3A_32 : vector<1024x16xi32>
    %bitcast_convert_type3A_33 = tpu.bitcast %or3A : vector<1024x16xi32> -> vector<1024x16xf32>
    %get3A_34 = arith.constant 0 : index
    %get3A_35 = arith.constant 0 : index
    %get3A_36 = vector.load %arg3[%get3A_34, %get3A_35] : memref<128x128xf32, #tpu.memory_space<vmem>>, vector<128x128xf32>
    %dot_general3A = arith.constant dense<0.000000e+00> : vector<1024x128xf32>
    %dot_general3A_37 = tpu.matmul %get3A_1, %get3A_36, %dot_general3A {dimension_numbers = #tpu.dot_dimension_numbers<[1], [0], [0], [1], [0, 0, 1, 1], [], []>, transpose_lhs_hint = false} : vector<1024x128xf32>, vector<128x128xf32>, vector<1024x128xf32> -> vector<1024x128xf32>
    %slice3A_38 = vector.extract_strided_slice %dot_general3A_37 {offsets = [0, 0], sizes = [1024, 64], strides = [1, 1]} : vector<1024x128xf32> to vector<1024x64xf32>
    %bitcast_convert_type3A_39 = tpu.bitcast %slice3A_38 : vector<1024x64xf32> -> vector<1024x64xi32>
    %shift_right_logical3A_40 = arith.constant 16 : i32
    %shift_right_logical3A_41 = vector.broadcast %shift_right_logical3A_40 : i32 to vector<1024x64xi32>
    %shift_right_logical3A_42 = arith.shrui %bitcast_convert_type3A_39, %shift_right_logical3A_41 : vector<1024x64xi32>
    %and3A_43 = arith.constant 1 : i32
    %and3A_44 = vector.broadcast %and3A_43 : i32 to vector<1024x64xi32>
    %and3A_45 = arith.andi %shift_right_logical3A_42, %and3A_44 : vector<1024x64xi32>
    %add3A_46 = arith.constant 32767 : i32
    %add3A_47 = vector.broadcast %add3A_46 : i32 to vector<1024x64xi32>
    %add3A_48 = arith.addi %add3A_47, %and3A_45 : vector<1024x64xi32>
    %add3A_49 = arith.addi %bitcast_convert_type3A_39, %add3A_48 : vector<1024x64xi32>
    %shift_right_logical3A_50 = arith.constant 16 : i32
    %shift_right_logical3A_51 = vector.broadcast %shift_right_logical3A_50 : i32 to vector<1024x64xi32>
    %shift_right_logical3A_52 = arith.shrui %add3A_49, %shift_right_logical3A_51 : vector<1024x64xi32>
    %shift_left3A_53 = arith.constant 16 : i32
    %shift_left3A_54 = vector.broadcast %shift_left3A_53 : i32 to vector<1024x64xi32>
    %shift_left3A_55 = arith.shli %shift_right_logical3A_52, %shift_left3A_54 : vector<1024x64xi32>
    %slice3A_56 = vector.extract_strided_slice %dot_general3A_37 {offsets = [0, 64], sizes = [1024, 64], strides = [1, 1]} : vector<1024x128xf32> to vector<1024x64xf32>
    %bitcast_convert_type3A_57 = tpu.bitcast %slice3A_56 : vector<1024x64xf32> -> vector<1024x64xi32>
    %shift_right_logical3A_58 = arith.constant 16 : i32
    %shift_right_logical3A_59 = vector.broadcast %shift_right_logical3A_58 : i32 to vector<1024x64xi32>
    %shift_right_logical3A_60 = arith.shrui %bitcast_convert_type3A_57, %shift_right_logical3A_59 : vector<1024x64xi32>
    %and3A_61 = arith.constant 1 : i32
    %and3A_62 = vector.broadcast %and3A_61 : i32 to vector<1024x64xi32>
    %and3A_63 = arith.andi %shift_right_logical3A_60, %and3A_62 : vector<1024x64xi32>
    %add3A_64 = arith.constant 32767 : i32
    %add3A_65 = vector.broadcast %add3A_64 : i32 to vector<1024x64xi32>
    %add3A_66 = arith.addi %add3A_65, %and3A_63 : vector<1024x64xi32>
    %add3A_67 = arith.addi %bitcast_convert_type3A_57, %add3A_66 : vector<1024x64xi32>
    %shift_right_logical3A_68 = arith.constant 16 : i32
    %shift_right_logical3A_69 = vector.broadcast %shift_right_logical3A_68 : i32 to vector<1024x64xi32>
    %shift_right_logical3A_70 = arith.shrui %add3A_67, %shift_right_logical3A_69 : vector<1024x64xi32>
    %or3A_71 = arith.ori %shift_left3A_55, %shift_right_logical3A_70 : vector<1024x64xi32>
    %bitcast_convert_type3A_72 = tpu.bitcast %or3A_71 : vector<1024x64xi32> -> vector<1024x64xf32>
    %broadcast_in_dim3A = arith.constant 0.000000e+00 : f32
    %broadcast_in_dim3A_73 = vector.broadcast %broadcast_in_dim3A : f32 to vector<1024x48xf32>
    %concatenate3A_74 = tpu.concatenate %bitcast_convert_type3A_72, %bitcast_convert_type3A_33, %broadcast_in_dim3A_73 in 1 : vector<1024x64xf32>, vector<1024x16xf32>, vector<1024x48xf32> -> vector<1024x128xf32>
    %swap3A = arith.constant 0 : index
    %swap3A_75 = arith.constant 0 : index
    %swap3A_76 = vector.load %arg5[%swap3A, %swap3A_75] : memref<1024x128xf32, #tpu.memory_space<vmem>>, vector<1024x128xf32>
    tpu.vector_store %arg5[%swap3A, %swap3A_75], %concatenate3A_74 {strides = array<i32>} : memref<1024x128xf32, #tpu.memory_space<vmem>>, vector<1024x128xf32>,
    %get3A_77 = arith.constant 0 : index
    %get3A_78 = arith.constant 0 : index
    %get3A_79 = vector.load %arg4[%get3A_77, %get3A_78] : memref<128x256xf32, #tpu.memory_space<vmem>>, vector<128x256xf32>
    %dot_general3A_80 = arith.constant dense<0.000000e+00> : vector<1024x256xf32>
    %dot_general3A_81 = tpu.matmul %get3A_1, %get3A_79, %dot_general3A_80 {dimension_numbers = #tpu.dot_dimension_numbers<[1], [0], [0], [1], [0, 0, 1, 1], [], []>, transpose_lhs_hint = false} : vector<1024x128xf32>, vector<128x256xf32>, vector<1024x256xf32> -> vector<1024x256xf32>
    %slice3A_82 = vector.extract_strided_slice %dot_general3A_81 {offsets = [0, 0], sizes = [1024, 128], strides = [1, 1]} : vector<1024x256xf32> to vector<1024x128xf32>
    %bitcast_convert_type3A_83 = tpu.bitcast %slice3A_82 : vector<1024x128xf32> -> vector<1024x128xi32>
    %shift_right_logical3A_84 = arith.constant 16 : i32
    %shift_right_logical3A_85 = vector.broadcast %shift_right_logical3A_84 : i32 to vector<1024x128xi32>
    %shift_right_logical3A_86 = arith.shrui %bitcast_convert_type3A_83, %shift_right_logical3A_85 : vector<1024x128xi32>
    %and3A_87 = arith.constant 1 : i32
    %and3A_88 = vector.broadcast %and3A_87 : i32 to vector<1024x128xi32>
    %and3A_89 = arith.andi %shift_right_logical3A_86, %and3A_88 : vector<1024x128xi32>
    %add3A_90 = arith.constant 32767 : i32
    %add3A_91 = vector.broadcast %add3A_90 : i32 to vector<1024x128xi32>
    %add3A_92 = arith.addi %add3A_91, %and3A_89 : vector<1024x128xi32>
    %add3A_93 = arith.addi %bitcast_convert_type3A_83, %add3A_92 : vector<1024x128xi32>
    %shift_right_logical3A_94 = arith.constant 16 : i32
    %shift_right_logical3A_95 = vector.broadcast %shift_right_logical3A_94 : i32 to vector<1024x128xi32>
    %shift_right_logical3A_96 = arith.shrui %add3A_93, %shift_right_logical3A_95 : vector<1024x128xi32>
    %shift_left3A_97 = arith.constant 16 : i32
    %shift_left3A_98 = vector.broadcast %shift_left3A_97 : i32 to vector<1024x128xi32>
    %shift_left3A_99 = arith.shli %shift_right_logical3A_96, %shift_left3A_98 : vector<1024x128xi32>
    %slice3A_100 = vector.extract_strided_slice %dot_general3A_81 {offsets = [0, 128], sizes = [1024, 128], strides = [1, 1]} : vector<1024x256xf32> to vector<1024x128xf32>
    %bitcast_convert_type3A_101 = tpu.bitcast %slice3A_100 : vector<1024x128xf32> -> vector<1024x128xi32>
    %shift_right_logical3A_102 = arith.constant 16 : i32
    %shift_right_logical3A_103 = vector.broadcast %shift_right_logical3A_102 : i32 to vector<1024x128xi32>
    %shift_right_logical3A_104 = arith.shrui %bitcast_convert_type3A_101, %shift_right_logical3A_103 : vector<1024x128xi32>
    %and3A_105 = arith.constant 1 : i32
    %and3A_106 = vector.broadcast %and3A_105 : i32 to vector<1024x128xi32>
    %and3A_107 = arith.andi %shift_right_logical3A_104, %and3A_106 : vector<1024x128xi32>
    %add3A_108 = arith.constant 32767 : i32
    %add3A_109 = vector.broadcast %add3A_108 : i32 to vector<1024x128xi32>
    %add3A_110 = arith.addi %add3A_109, %and3A_107 : vector<1024x128xi32>
    %add3A_111 = arith.addi %bitcast_convert_type3A_101, %add3A_110 : vector<1024x128xi32>
    %shift_right_logical3A_112 = arith.constant 16 : i32
    %shift_right_logical3A_113 = vector.broadcast %shift_right_logical3A_112 : i32 to vector<1024x128xi32>
    %shift_right_logical3A_114 = arith.shrui %add3A_111, %shift_right_logical3A_113 : vector<1024x128xi32>
    %or3A_115 = arith.ori %shift_left3A_99, %shift_right_logical3A_114 : vector<1024x128xi32>
    %bitcast_convert_type3A_116 = tpu.bitcast %or3A_115 : vector<1024x128xi32> -> vector<1024x128xf32>
    %broadcast_in_dim3A_117 = arith.constant 0.000000e+00 : f32
    %broadcast_in_dim3A_118 = vector.broadcast %broadcast_in_dim3A_117 : f32 to vector<1024x112xf32>
    %concatenate3A_119 = tpu.concatenate %bitcast_convert_type3A_116, %bitcast_convert_type3A_33, %broadcast_in_dim3A_118 in 1 : vector<1024x128xf32>, vector<1024x16xf32>, vector<1024x112xf32> -> vector<1024x256xf32>
    %swap3A_120 = arith.constant 0 : index
    %swap3A_121 = arith.constant 0 : index
    %swap3A_122 = vector.load %arg6[%swap3A_120, %swap3A_121] : memref<1024x256xf32, #tpu.memory_space<vmem>>, vector<1024x256xf32>
    tpu.vector_store %arg6[%swap3A_120, %swap3A_121], %concatenate3A_119 {strides = array<i32>} : memref<1024x256xf32, #tpu.memory_space<vmem>>, vector<1024x256xf32>,
    return
  }
  func.func @transform_0(%arg0: i32) -> (i32, i32) {
    %c0_i32 = arith.constant 0 : i32
    %c0_i32_0 = arith.constant 0 : i32
    return %arg0, %c0_i32 : i32, i32
  }
  func.func @transform_1(%arg0: i32) -> (i32, i32) {
    %c0_i32 = arith.constant 0 : i32
    %c0_i32_0 = arith.constant 0 : i32
    return %arg0, %c0_i32 : i32, i32
  }
  func.func @transform_2(%arg0: i32) -> (i32, i32) {
    %c0_i32 = arith.constant 0 : i32
    %c0_i32_0 = arith.constant 0 : i32
    %c0_i32_1 = arith.constant 0 : i32
    return %c0_i32, %c0_i32_0 : i32, i32
  }
  func.func @transform_3(%arg0: i32) -> (i32, i32) {
    %c0_i32 = arith.constant 0 : i32
    %c0_i32_0 = arith.constant 0 : i32
    %c0_i32_1 = arith.constant 0 : i32
    return %c0_i32, %c0_i32_0 : i32, i32
  }
  func.func @transform_4(%arg0: i32) -> (i32, i32) {
    %c0_i32 = arith.constant 0 : i32
    %c0_i32_0 = arith.constant 0 : i32
    return %arg0, %c0_i32 : i32, i32
  }
  func.func @transform_5(%arg0: i32) -> (i32, i32) {
    %c0_i32 = arith.constant 0 : i32
    %c0_i32_0 = arith.constant 0 : i32
    return %arg0, %c0_i32 : i32, i32
  }
}

module attributes {stable_mosaic.version = 14 : i64} {
  func.func @_edge_body(%arg0: i32, %arg1: memref<1024x16xf32, #tpu.memory_space<vmem>>, %arg2: memref<1024x16xf32, #tpu.memory_space<vmem>>, %arg3: memref<1024x128xf32, #tpu.memory_space<vmem>>, %arg4: memref<1024x256xf32, #tpu.memory_space<vmem>>, %arg5: memref<16x128xf32, #tpu.memory_space<vmem>>, %arg6: memref<1x128xf32, #tpu.memory_space<vmem>>, %arg7: memref<128x128xf32, #tpu.memory_space<vmem>>, %arg8: memref<1x128xf32, #tpu.memory_space<vmem>>, %arg9: memref<16x128xf32, #tpu.memory_space<vmem>>, %arg10: memref<1x128xf32, #tpu.memory_space<vmem>>, %arg11: memref<128x128xf32, #tpu.memory_space<vmem>>, %arg12: memref<1x128xf32, #tpu.memory_space<vmem>>, %arg13: memref<16x128xf32, #tpu.memory_space<vmem>>, %arg14: memref<1x128xf32, #tpu.memory_space<vmem>>, %arg15: memref<128x16xf32, #tpu.memory_space<vmem>>, %arg16: memref<1x16xf32, #tpu.memory_space<vmem>>, %arg17: memref<16x128xf32, #tpu.memory_space<vmem>>, %arg18: memref<1x128xf32, #tpu.memory_space<vmem>>, %arg19: memref<128x16xf32, #tpu.memory_space<vmem>>, %arg20: memref<1x16xf32, #tpu.memory_space<vmem>>, %arg21: memref<16x16xf32, #tpu.memory_space<vmem>>, %arg22: memref<16x16xf32, #tpu.memory_space<vmem>>, %arg23: memref<128x128xf32, #tpu.memory_space<vmem>>, %arg24: memref<1024x128xf32, #tpu.memory_space<vmem>>, %arg25: memref<1024x128xf32, #tpu.memory_space<vmem>>) attributes {dimension_semantics = [#tpu.dimension_semantics<arbitrary>], iteration_bounds = array<i64: 80>, scalar_prefetch = 0 : i64, scratch_operands = 0 : i64, tpu.core_type = #tpu.core_type<tc>, window_params = [{transform_indices = @transform_0, window_bounds = array<i64: 1024, 16>}, {transform_indices = @transform_1, window_bounds = array<i64: 1024, 16>}, {transform_indices = @transform_2, window_bounds = array<i64: 1024, 128>}, {transform_indices = @transform_3, window_bounds = array<i64: 1024, 256>}, {pipeline_mode = #tpu.pipeline_mode<synchronous>, transform_indices = @transform_4, window_bounds = array<i64: 16, 128>}, {pipeline_mode = #tpu.pipeline_mode<synchronous>, transform_indices = @transform_5, window_bounds = array<i64: 1, 128>}, {pipeline_mode = #tpu.pipeline_mode<synchronous>, transform_indices = @transform_6, window_bounds = array<i64: 128, 128>}, {pipeline_mode = #tpu.pipeline_mode<synchronous>, transform_indices = @transform_7, window_bounds = array<i64: 1, 128>}, {pipeline_mode = #tpu.pipeline_mode<synchronous>, transform_indices = @transform_8, window_bounds = array<i64: 16, 128>}, {pipeline_mode = #tpu.pipeline_mode<synchronous>, transform_indices = @transform_9, window_bounds = array<i64: 1, 128>}, {pipeline_mode = #tpu.pipeline_mode<synchronous>, transform_indices = @transform_10, window_bounds = array<i64: 128, 128>}, {pipeline_mode = #tpu.pipeline_mode<synchronous>, transform_indices = @transform_11, window_bounds = array<i64: 1, 128>}, {pipeline_mode = #tpu.pipeline_mode<synchronous>, transform_indices = @transform_12, window_bounds = array<i64: 16, 128>}, {pipeline_mode = #tpu.pipeline_mode<synchronous>, transform_indices = @transform_13, window_bounds = array<i64: 1, 128>}, {pipeline_mode = #tpu.pipeline_mode<synchronous>, transform_indices = @transform_14, window_bounds = array<i64: 128, 16>}, {pipeline_mode = #tpu.pipeline_mode<synchronous>, transform_indices = @transform_15, window_bounds = array<i64: 1, 16>}, {pipeline_mode = #tpu.pipeline_mode<synchronous>, transform_indices = @transform_16, window_bounds = array<i64: 16, 128>}, {pipeline_mode = #tpu.pipeline_mode<synchronous>, transform_indices = @transform_17, window_bounds = array<i64: 1, 128>}, {pipeline_mode = #tpu.pipeline_mode<synchronous>, transform_indices = @transform_18, window_bounds = array<i64: 128, 16>}, {pipeline_mode = #tpu.pipeline_mode<synchronous>, transform_indices = @transform_19, window_bounds = array<i64: 1, 16>}, {pipeline_mode = #tpu.pipeline_mode<synchronous>, transform_indices = @transform_20, window_bounds = array<i64: 16, 16>}, {pipeline_mode = #tpu.pipeline_mode<synchronous>, transform_indices = @transform_21, window_bounds = array<i64: 16, 16>}, {pipeline_mode = #tpu.pipeline_mode<synchronous>, transform_indices = @transform_22, window_bounds = array<i64: 128, 128>}, {transform_indices = @transform_23, window_bounds = array<i64: 1024, 128>}, {transform_indices = @transform_24, window_bounds = array<i64: 1024, 128>}]} {
    %get3A = arith.constant 0 : index
    %get3A_0 = arith.constant 0 : index
    %get3A_1 = vector.load %arg3[%get3A, %get3A_0] : memref<1024x128xf32, #tpu.memory_space<vmem>>, vector<1024x128xf32>
    %get3A_2 = arith.constant 0 : index
    %get3A_3 = arith.constant 0 : index
    %get3A_4 = vector.load %arg4[%get3A_2, %get3A_3] : memref<1024x256xf32, #tpu.memory_space<vmem>>, vector<1024x256xf32>
    %slice3A = vector.extract_strided_slice %get3A_1 {offsets = [0, 0], sizes = [1024, 64], strides = [1, 1]} : vector<1024x128xf32> to vector<1024x64xf32>
    %bitcast_convert_type3A = tpu.bitcast %slice3A : vector<1024x64xf32> -> vector<1024x64xi32>
    %and3A = arith.constant -65536 : i32
    %and3A_5 = vector.broadcast %and3A : i32 to vector<1024x64xi32>
    %and3A_6 = arith.andi %bitcast_convert_type3A, %and3A_5 : vector<1024x64xi32>
    %shift_left3A = arith.constant 16 : i32
    %shift_left3A_7 = vector.broadcast %shift_left3A : i32 to vector<1024x64xi32>
    %shift_left3A_8 = arith.shli %bitcast_convert_type3A, %shift_left3A_7 : vector<1024x64xi32>
    %bitcast_convert_type3A_9 = tpu.bitcast %and3A_6 : vector<1024x64xi32> -> vector<1024x64xf32>
    %bitcast_convert_type3A_10 = tpu.bitcast %shift_left3A_8 : vector<1024x64xi32> -> vector<1024x64xf32>
    %concatenate3A = tpu.concatenate %bitcast_convert_type3A_9, %bitcast_convert_type3A_10 in 1 : vector<1024x64xf32>, vector<1024x64xf32> -> vector<1024x128xf32>
    %slice3A_11 = vector.extract_strided_slice %get3A_1 {offsets = [0, 64], sizes = [1024, 16], strides = [1, 1]} : vector<1024x128xf32> to vector<1024x16xf32>
    %bitcast_convert_type3A_12 = tpu.bitcast %slice3A_11 : vector<1024x16xf32> -> vector<1024x16xi32>
    %and3A_13 = arith.constant -65536 : i32
    %and3A_14 = vector.broadcast %and3A_13 : i32 to vector<1024x16xi32>
    %and3A_15 = arith.andi %bitcast_convert_type3A_12, %and3A_14 : vector<1024x16xi32>
    %shift_left3A_16 = arith.constant 16 : i32
    %shift_left3A_17 = vector.broadcast %shift_left3A_16 : i32 to vector<1024x16xi32>
    %shift_left3A_18 = arith.shli %bitcast_convert_type3A_12, %shift_left3A_17 : vector<1024x16xi32>
    %bitcast_convert_type3A_19 = tpu.bitcast %and3A_15 : vector<1024x16xi32> -> vector<1024x16xf32>
    %bitcast_convert_type3A_20 = tpu.bitcast %shift_left3A_18 : vector<1024x16xi32> -> vector<1024x16xf32>
    %concatenate3A_21 = tpu.concatenate %bitcast_convert_type3A_19, %bitcast_convert_type3A_20 in 1 : vector<1024x16xf32>, vector<1024x16xf32> -> vector<1024x32xf32>
    %slice3A_22 = vector.extract_strided_slice %get3A_4 {offsets = [0, 0], sizes = [1024, 128], strides = [1, 1]} : vector<1024x256xf32> to vector<1024x128xf32>
    %bitcast_convert_type3A_23 = tpu.bitcast %slice3A_22 : vector<1024x128xf32> -> vector<1024x128xi32>
    %and3A_24 = arith.constant -65536 : i32
    %and3A_25 = vector.broadcast %and3A_24 : i32 to vector<1024x128xi32>
    %and3A_26 = arith.andi %bitcast_convert_type3A_23, %and3A_25 : vector<1024x128xi32>
    %shift_left3A_27 = arith.constant 16 : i32
    %shift_left3A_28 = vector.broadcast %shift_left3A_27 : i32 to vector<1024x128xi32>
    %shift_left3A_29 = arith.shli %bitcast_convert_type3A_23, %shift_left3A_28 : vector<1024x128xi32>
    %bitcast_convert_type3A_30 = tpu.bitcast %and3A_26 : vector<1024x128xi32> -> vector<1024x128xf32>
    %bitcast_convert_type3A_31 = tpu.bitcast %shift_left3A_29 : vector<1024x128xi32> -> vector<1024x128xf32>
    %concatenate3A_32 = tpu.concatenate %bitcast_convert_type3A_30, %bitcast_convert_type3A_31 in 1 : vector<1024x128xf32>, vector<1024x128xf32> -> vector<1024x256xf32>
    %slice3A_33 = vector.extract_strided_slice %get3A_4 {offsets = [0, 128], sizes = [1024, 16], strides = [1, 1]} : vector<1024x256xf32> to vector<1024x16xf32>
    %bitcast_convert_type3A_34 = tpu.bitcast %slice3A_33 : vector<1024x16xf32> -> vector<1024x16xi32>
    %and3A_35 = arith.constant -65536 : i32
    %and3A_36 = vector.broadcast %and3A_35 : i32 to vector<1024x16xi32>
    %and3A_37 = arith.andi %bitcast_convert_type3A_34, %and3A_36 : vector<1024x16xi32>
    %shift_left3A_38 = arith.constant 16 : i32
    %shift_left3A_39 = vector.broadcast %shift_left3A_38 : i32 to vector<1024x16xi32>
    %shift_left3A_40 = arith.shli %bitcast_convert_type3A_34, %shift_left3A_39 : vector<1024x16xi32>
    %bitcast_convert_type3A_41 = tpu.bitcast %and3A_37 : vector<1024x16xi32> -> vector<1024x16xf32>
    %bitcast_convert_type3A_42 = tpu.bitcast %shift_left3A_40 : vector<1024x16xi32> -> vector<1024x16xf32>
    %concatenate3A_43 = tpu.concatenate %bitcast_convert_type3A_41, %bitcast_convert_type3A_42 in 1 : vector<1024x16xf32>, vector<1024x16xf32> -> vector<1024x32xf32>
    %slice3A_44 = vector.extract_strided_slice %concatenate3A_43 {offsets = [0, 0], sizes = [1024, 16], strides = [1, 1]} : vector<1024x32xf32> to vector<1024x16xf32>
    %slice3A_45 = vector.extract_strided_slice %concatenate3A_43 {offsets = [0, 16], sizes = [1024, 16], strides = [1, 1]} : vector<1024x32xf32> to vector<1024x16xf32>
    %add3A = arith.addf %slice3A_44, %slice3A_45 : vector<1024x16xf32>
    %slice3A_46 = vector.extract_strided_slice %concatenate3A_21 {offsets = [0, 0], sizes = [1024, 16], strides = [1, 1]} : vector<1024x32xf32> to vector<1024x16xf32>
    %slice3A_47 = vector.extract_strided_slice %concatenate3A_21 {offsets = [0, 16], sizes = [1024, 16], strides = [1, 1]} : vector<1024x32xf32> to vector<1024x16xf32>
    %add3A_48 = arith.addf %slice3A_46, %slice3A_47 : vector<1024x16xf32>
    %sub3A = arith.subf %add3A, %add3A_48 : vector<1024x16xf32>
    %mul3A = arith.mulf %sub3A, %sub3A : vector<1024x16xf32>
    %get3A_49 = arith.constant 0 : index
    %get3A_50 = arith.constant 0 : index
    %get3A_51 = vector.load %arg21[%get3A_49, %get3A_50] : memref<16x16xf32, #tpu.memory_space<vmem>>, vector<16x16xf32>
    %dot_general3A = arith.constant dense<0.000000e+00> : vector<1024x16xf32>
    %dot_general3A_52 = tpu.matmul %mul3A, %get3A_51, %dot_general3A {dimension_numbers = #tpu.dot_dimension_numbers<[1], [0], [0], [1], [0, 0, 1, 1], [], []>, transpose_lhs_hint = false} : vector<1024x16xf32>, vector<16x16xf32>, vector<1024x16xf32> -> vector<1024x16xf32>
    %get3A_53 = arith.constant 0 : index
    %get3A_54 = arith.constant 0 : index
    %get3A_55 = vector.load %arg1[%get3A_53, %get3A_54] : memref<1024x16xf32, #tpu.memory_space<vmem>>, vector<1024x16xf32>
    %get3A_56 = arith.constant 0 : index
    %get3A_57 = arith.constant 0 : index
    %get3A_58 = vector.load %arg5[%get3A_56, %get3A_57] : memref<16x128xf32, #tpu.memory_space<vmem>>, vector<16x128xf32>
    %dot_general3A_59 = arith.constant dense<0.000000e+00> : vector<1024x128xf32>
    %dot_general3A_60 = tpu.matmul %get3A_55, %get3A_58, %dot_general3A_59 {dimension_numbers = #tpu.dot_dimension_numbers<[1], [0], [0], [1], [0, 0, 1, 1], [], []>, transpose_lhs_hint = false} : vector<1024x16xf32>, vector<16x128xf32>, vector<1024x128xf32> -> vector<1024x128xf32>
    %get3A_61 = arith.constant 0 : index
    %get3A_62 = arith.constant 0 : index
    %get3A_63 = vector.load %arg6[%get3A_61, %get3A_62] : memref<1x128xf32, #tpu.memory_space<vmem>>, vector<1x128xf32>
    %add3A_64 = vector.broadcast %get3A_63 : vector<1x128xf32> to vector<1024x128xf32>
    %add3A_65 = arith.addf %dot_general3A_60, %add3A_64 : vector<1024x128xf32>
    %logistic3A = arith.negf %add3A_65 : vector<1024x128xf32>
    %logistic3A_66 = math.exp %logistic3A : vector<1024x128xf32>
    %logistic3A_67 = arith.constant 1.000000e+00 : f32
    %logistic3A_68 = vector.broadcast %logistic3A_67 : f32 to vector<1024x128xf32>
    %logistic3A_69 = arith.addf %logistic3A_68, %logistic3A_66 : vector<1024x128xf32>
    %logistic3A_70 = arith.divf %logistic3A_68, %logistic3A_69 : vector<1024x128xf32>
    %mul3A_71 = arith.mulf %add3A_65, %logistic3A_70 : vector<1024x128xf32>
    %get3A_72 = arith.constant 0 : index
    %get3A_73 = arith.constant 0 : index
    %get3A_74 = vector.load %arg9[%get3A_72, %get3A_73] : memref<16x128xf32, #tpu.memory_space<vmem>>, vector<16x128xf32>
    %dot_general3A_75 = arith.constant dense<0.000000e+00> : vector<1024x128xf32>
    %dot_general3A_76 = tpu.matmul %dot_general3A_52, %get3A_74, %dot_general3A_75 {dimension_numbers = #tpu.dot_dimension_numbers<[1], [0], [0], [1], [0, 0, 1, 1], [], []>, transpose_lhs_hint = false} : vector<1024x16xf32>, vector<16x128xf32>, vector<1024x128xf32> -> vector<1024x128xf32>
    %get3A_77 = arith.constant 0 : index
    %get3A_78 = arith.constant 0 : index
    %get3A_79 = vector.load %arg10[%get3A_77, %get3A_78] : memref<1x128xf32, #tpu.memory_space<vmem>>, vector<1x128xf32>
    %add3A_80 = vector.broadcast %get3A_79 : vector<1x128xf32> to vector<1024x128xf32>
    %add3A_81 = arith.addf %dot_general3A_76, %add3A_80 : vector<1024x128xf32>
    %logistic3A_82 = arith.negf %add3A_81 : vector<1024x128xf32>
    %logistic3A_83 = math.exp %logistic3A_82 : vector<1024x128xf32>
    %logistic3A_84 = arith.constant 1.000000e+00 : f32
    %logistic3A_85 = vector.broadcast %logistic3A_84 : f32 to vector<1024x128xf32>
    %logistic3A_86 = arith.addf %logistic3A_85, %logistic3A_83 : vector<1024x128xf32>
    %logistic3A_87 = arith.divf %logistic3A_85, %logistic3A_86 : vector<1024x128xf32>
    %mul3A_88 = arith.mulf %add3A_81, %logistic3A_87 : vector<1024x128xf32>
    %get3A_89 = arith.constant 0 : index
    %get3A_90 = arith.constant 0 : index
    %get3A_91 = vector.load %arg7[%get3A_89, %get3A_90] : memref<128x128xf32, #tpu.memory_space<vmem>>, vector<128x128xf32>
    %dot_general3A_92 = arith.constant dense<0.000000e+00> : vector<1024x128xf32>
    %dot_general3A_93 = tpu.matmul %mul3A_71, %get3A_91, %dot_general3A_92 {dimension_numbers = #tpu.dot_dimension_numbers<[1], [0], [0], [1], [0, 0, 1, 1], [], []>, transpose_lhs_hint = false} : vector<1024x128xf32>, vector<128x128xf32>, vector<1024x128xf32> -> vector<1024x128xf32>
    %get3A_94 = arith.constant 0 : index
    %get3A_95 = arith.constant 0 : index
    %get3A_96 = vector.load %arg8[%get3A_94, %get3A_95] : memref<1x128xf32, #tpu.memory_space<vmem>>, vector<1x128xf32>
    %add3A_97 = vector.broadcast %get3A_96 : vector<1x128xf32> to vector<1024x128xf32>
    %add3A_98 = arith.addf %dot_general3A_93, %add3A_97 : vector<1024x128xf32>
    %get3A_99 = arith.constant 0 : index
    %get3A_100 = arith.constant 0 : index
    %get3A_101 = vector.load %arg11[%get3A_99, %get3A_100] : memref<128x128xf32, #tpu.memory_space<vmem>>, vector<128x128xf32>
    %dot_general3A_102 = arith.constant dense<0.000000e+00> : vector<1024x128xf32>
    %dot_general3A_103 = tpu.matmul %mul3A_88, %get3A_101, %dot_general3A_102 {dimension_numbers = #tpu.dot_dimension_numbers<[1], [0], [0], [1], [0, 0, 1, 1], [], []>, transpose_lhs_hint = false} : vector<1024x128xf32>, vector<128x128xf32>, vector<1024x128xf32> -> vector<1024x128xf32>
    %add3A_104 = arith.addf %add3A_98, %dot_general3A_103 : vector<1024x128xf32>
    %get3A_105 = arith.constant 0 : index
    %get3A_106 = arith.constant 0 : index
    %get3A_107 = vector.load %arg12[%get3A_105, %get3A_106] : memref<1x128xf32, #tpu.memory_space<vmem>>, vector<1x128xf32>
    %add3A_108 = vector.broadcast %get3A_107 : vector<1x128xf32> to vector<1024x128xf32>
    %add3A_109 = arith.addf %add3A_104, %add3A_108 : vector<1024x128xf32>
    %get3A_110 = arith.constant 0 : index
    %get3A_111 = arith.constant 0 : index
    %get3A_112 = vector.load %arg2[%get3A_110, %get3A_111] : memref<1024x16xf32, #tpu.memory_space<vmem>>, vector<1024x16xf32>
    %slice3A_113 = vector.extract_strided_slice %get3A_112 {offsets = [0, 15], sizes = [1024, 1], strides = [1, 1]} : vector<1024x16xf32> to vector<1024x1xf32>
    %mul3A_114 = arith.mulf %concatenate3A, %add3A_109 : vector<1024x128xf32>
    %slice3A_115 = vector.extract_strided_slice %concatenate3A_32 {offsets = [0, 0], sizes = [1024, 128], strides = [1, 1]} : vector<1024x256xf32> to vector<1024x128xf32>
    %mul3A_116 = arith.mulf %mul3A_114, %slice3A_115 : vector<1024x128xf32>
    %get3A_117 = arith.constant 0 : index
    %get3A_118 = arith.constant 0 : index
    %get3A_119 = vector.load %arg23[%get3A_117, %get3A_118] : memref<128x128xf32, #tpu.memory_space<vmem>>, vector<128x128xf32>
    %dot_general3A_120 = arith.constant dense<0.000000e+00> : vector<1024x128xf32>
    %dot_general3A_121 = tpu.matmul %mul3A_116, %get3A_119, %dot_general3A_120 {dimension_numbers = #tpu.dot_dimension_numbers<[1], [0], [0], [1], [0, 0, 1, 1], [], []>, transpose_lhs_hint = false} : vector<1024x128xf32>, vector<128x128xf32>, vector<1024x128xf32> -> vector<1024x128xf32>
    %mul3A_122 = arith.constant 0.0110485433 : f32
    %mul3A_123 = vector.broadcast %mul3A_122 : f32 to vector<1024x1xf32>
    %mul3A_124 = arith.mulf %slice3A_113, %mul3A_123 : vector<1024x1xf32>
    %mul3A_125 = vector.broadcast %mul3A_124 : vector<1024x1xf32> to vector<1024x128xf32>
    %mul3A_126 = arith.mulf %dot_general3A_121, %mul3A_125 : vector<1024x128xf32>
    %slice3A_127 = vector.extract_strided_slice %concatenate3A_32 {offsets = [0, 128], sizes = [1024, 128], strides = [1, 1]} : vector<1024x256xf32> to vector<1024x128xf32>
    %mul3A_128 = arith.mulf %mul3A_126, %slice3A_127 : vector<1024x128xf32>
    %swap3A = arith.constant 0 : index
    %swap3A_129 = arith.constant 0 : index
    %swap3A_130 = vector.load %arg24[%swap3A, %swap3A_129] : memref<1024x128xf32, #tpu.memory_space<vmem>>, vector<1024x128xf32>
    tpu.vector_store %arg24[%swap3A, %swap3A_129], %mul3A_128 {strides = array<i32>} : memref<1024x128xf32, #tpu.memory_space<vmem>>, vector<1024x128xf32>,
    %get3A_131 = arith.constant 0 : index
    %get3A_132 = arith.constant 0 : index
    %get3A_133 = vector.load %arg13[%get3A_131, %get3A_132] : memref<16x128xf32, #tpu.memory_space<vmem>>, vector<16x128xf32>
    %dot_general3A_134 = arith.constant dense<0.000000e+00> : vector<1024x128xf32>
    %dot_general3A_135 = tpu.matmul %get3A_55, %get3A_133, %dot_general3A_134 {dimension_numbers = #tpu.dot_dimension_numbers<[1], [0], [0], [1], [0, 0, 1, 1], [], []>, transpose_lhs_hint = false} : vector<1024x16xf32>, vector<16x128xf32>, vector<1024x128xf32> -> vector<1024x128xf32>
    %get3A_136 = arith.constant 0 : index
    %get3A_137 = arith.constant 0 : index
    %get3A_138 = vector.load %arg14[%get3A_136, %get3A_137] : memref<1x128xf32, #tpu.memory_space<vmem>>, vector<1x128xf32>
    %add3A_139 = vector.broadcast %get3A_138 : vector<1x128xf32> to vector<1024x128xf32>
    %add3A_140 = arith.addf %dot_general3A_135, %add3A_139 : vector<1024x128xf32>
    %logistic3A_141 = arith.negf %add3A_140 : vector<1024x128xf32>
    %logistic3A_142 = math.exp %logistic3A_141 : vector<1024x128xf32>
    %logistic3A_143 = arith.constant 1.000000e+00 : f32
    %logistic3A_144 = vector.broadcast %logistic3A_143 : f32 to vector<1024x128xf32>
    %logistic3A_145 = arith.addf %logistic3A_144, %logistic3A_142 : vector<1024x128xf32>
    %logistic3A_146 = arith.divf %logistic3A_144, %logistic3A_145 : vector<1024x128xf32>
    %mul3A_147 = arith.mulf %add3A_140, %logistic3A_146 : vector<1024x128xf32>
    %get3A_148 = arith.constant 0 : index
    %get3A_149 = arith.constant 0 : index
    %get3A_150 = vector.load %arg17[%get3A_148, %get3A_149] : memref<16x128xf32, #tpu.memory_space<vmem>>, vector<16x128xf32>
    %dot_general3A_151 = arith.constant dense<0.000000e+00> : vector<1024x128xf32>
    %dot_general3A_152 = tpu.matmul %dot_general3A_52, %get3A_150, %dot_general3A_151 {dimension_numbers = #tpu.dot_dimension_numbers<[1], [0], [0], [1], [0, 0, 1, 1], [], []>, transpose_lhs_hint = false} : vector<1024x16xf32>, vector<16x128xf32>, vector<1024x128xf32> -> vector<1024x128xf32>
    %get3A_153 = arith.constant 0 : index
    %get3A_154 = arith.constant 0 : index
    %get3A_155 = vector.load %arg18[%get3A_153, %get3A_154] : memref<1x128xf32, #tpu.memory_space<vmem>>, vector<1x128xf32>
    %add3A_156 = vector.broadcast %get3A_155 : vector<1x128xf32> to vector<1024x128xf32>
    %add3A_157 = arith.addf %dot_general3A_152, %add3A_156 : vector<1024x128xf32>
    %logistic3A_158 = arith.negf %add3A_157 : vector<1024x128xf32>
    %logistic3A_159 = math.exp %logistic3A_158 : vector<1024x128xf32>
    %logistic3A_160 = arith.constant 1.000000e+00 : f32
    %logistic3A_161 = vector.broadcast %logistic3A_160 : f32 to vector<1024x128xf32>
    %logistic3A_162 = arith.addf %logistic3A_161, %logistic3A_159 : vector<1024x128xf32>
    %logistic3A_163 = arith.divf %logistic3A_161, %logistic3A_162 : vector<1024x128xf32>
    %mul3A_164 = arith.mulf %add3A_157, %logistic3A_163 : vector<1024x128xf32>
    %get3A_165 = arith.constant 0 : index
    %get3A_166 = arith.constant 0 : index
    %get3A_167 = vector.load %arg15[%get3A_165, %get3A_166] : memref<128x16xf32, #tpu.memory_space<vmem>>, vector<128x16xf32>
    %dot_general3A_168 = arith.constant dense<0.000000e+00> : vector<1024x16xf32>
    %dot_general3A_169 = tpu.matmul %mul3A_147, %get3A_167, %dot_general3A_168 {dimension_numbers = #tpu.dot_dimension_numbers<[1], [0], [0], [1], [0, 0, 1, 1], [], []>, transpose_lhs_hint = false} : vector<1024x128xf32>, vector<128x16xf32>, vector<1024x16xf32> -> vector<1024x16xf32>
    %get3A_170 = arith.constant 0 : index
    %get3A_171 = arith.constant 0 : index
    %get3A_172 = vector.load %arg16[%get3A_170, %get3A_171] : memref<1x16xf32, #tpu.memory_space<vmem>>, vector<1x16xf32>
    %add3A_173 = vector.broadcast %get3A_172 : vector<1x16xf32> to vector<1024x16xf32>
    %add3A_174 = arith.addf %dot_general3A_169, %add3A_173 : vector<1024x16xf32>
    %get3A_175 = arith.constant 0 : index
    %get3A_176 = arith.constant 0 : index
    %get3A_177 = vector.load %arg19[%get3A_175, %get3A_176] : memref<128x16xf32, #tpu.memory_space<vmem>>, vector<128x16xf32>
    %dot_general3A_178 = arith.constant dense<0.000000e+00> : vector<1024x16xf32>
    %dot_general3A_179 = tpu.matmul %mul3A_164, %get3A_177, %dot_general3A_178 {dimension_numbers = #tpu.dot_dimension_numbers<[1], [0], [0], [1], [0, 0, 1, 1], [], []>, transpose_lhs_hint = false} : vector<1024x128xf32>, vector<128x16xf32>, vector<1024x16xf32> -> vector<1024x16xf32>
    %add3A_180 = arith.addf %add3A_174, %dot_general3A_179 : vector<1024x16xf32>
    %get3A_181 = arith.constant 0 : index
    %get3A_182 = arith.constant 0 : index
    %get3A_183 = vector.load %arg20[%get3A_181, %get3A_182] : memref<1x16xf32, #tpu.memory_space<vmem>>, vector<1x16xf32>
    %add3A_184 = vector.broadcast %get3A_183 : vector<1x16xf32> to vector<1024x16xf32>
    %add3A_185 = arith.addf %add3A_180, %add3A_184 : vector<1024x16xf32>
    %mul3A_186 = arith.constant 6.250000e-02 : f32
    %mul3A_187 = vector.broadcast %mul3A_186 : f32 to vector<1024x1xf32>
    %mul3A_188 = arith.mulf %slice3A_113, %mul3A_187 : vector<1024x1xf32>
    %mul3A_189 = vector.broadcast %mul3A_188 : vector<1024x1xf32> to vector<1024x16xf32>
    %mul3A_190 = arith.mulf %add3A_185, %mul3A_189 : vector<1024x16xf32>
    %get3A_191 = arith.constant 0 : index
    %get3A_192 = arith.constant 0 : index
    %get3A_193 = vector.load %arg22[%get3A_191, %get3A_192] : memref<16x16xf32, #tpu.memory_space<vmem>>, vector<16x16xf32>
    %dot_general3A_194 = arith.constant dense<0.000000e+00> : vector<1024x16xf32>
    %dot_general3A_195 = tpu.matmul %mul3A_190, %get3A_193, %dot_general3A_194 {dimension_numbers = #tpu.dot_dimension_numbers<[1], [0], [0], [1], [0, 0, 1, 1], [], []>, transpose_lhs_hint = false} : vector<1024x16xf32>, vector<16x16xf32>, vector<1024x16xf32> -> vector<1024x16xf32>
    %mul3A_196 = arith.mulf %dot_general3A_195, %get3A_112 : vector<1024x16xf32>
    %broadcast_in_dim3A = arith.constant 0.000000e+00 : f32
    %broadcast_in_dim3A_197 = vector.broadcast %broadcast_in_dim3A : f32 to vector<1024x112xf32>
    %concatenate3A_198 = tpu.concatenate %mul3A_196, %broadcast_in_dim3A_197 in 1 : vector<1024x16xf32>, vector<1024x112xf32> -> vector<1024x128xf32>
    %swap3A_199 = arith.constant 0 : index
    %swap3A_200 = arith.constant 0 : index
    %swap3A_201 = vector.load %arg25[%swap3A_199, %swap3A_200] : memref<1024x128xf32, #tpu.memory_space<vmem>>, vector<1024x128xf32>
    tpu.vector_store %arg25[%swap3A_199, %swap3A_200], %concatenate3A_198 {strides = array<i32>} : memref<1024x128xf32, #tpu.memory_space<vmem>>, vector<1024x128xf32>,
    return
  }
  func.func @transform_0(%arg0: i32) -> (i32, i32) {
    %c0_i32 = arith.constant 0 : i32
    %c0_i32_0 = arith.constant 0 : i32
    return %arg0, %c0_i32 : i32, i32
  }
  func.func @transform_1(%arg0: i32) -> (i32, i32) {
    %c0_i32 = arith.constant 0 : i32
    %c0_i32_0 = arith.constant 0 : i32
    return %arg0, %c0_i32 : i32, i32
  }
  func.func @transform_2(%arg0: i32) -> (i32, i32) {
    %c0_i32 = arith.constant 0 : i32
    %c0_i32_0 = arith.constant 0 : i32
    return %arg0, %c0_i32 : i32, i32
  }
  func.func @transform_3(%arg0: i32) -> (i32, i32) {
    %c0_i32 = arith.constant 0 : i32
    %c0_i32_0 = arith.constant 0 : i32
    return %arg0, %c0_i32 : i32, i32
  }
  func.func @transform_4(%arg0: i32) -> (i32, i32) {
    %c0_i32 = arith.constant 0 : i32
    %c0_i32_0 = arith.constant 0 : i32
    %c0_i32_1 = arith.constant 0 : i32
    return %c0_i32, %c0_i32_0 : i32, i32
  }
  func.func @transform_5(%arg0: i32) -> (i32, i32) {
    %c0_i32 = arith.constant 0 : i32
    %c0_i32_0 = arith.constant 0 : i32
    %c0_i32_1 = arith.constant 0 : i32
    return %c0_i32, %c0_i32_0 : i32, i32
  }
  func.func @transform_6(%arg0: i32) -> (i32, i32) {
    %c0_i32 = arith.constant 0 : i32
    %c0_i32_0 = arith.constant 0 : i32
    %c0_i32_1 = arith.constant 0 : i32
    return %c0_i32, %c0_i32_0 : i32, i32
  }
  func.func @transform_7(%arg0: i32) -> (i32, i32) {
    %c0_i32 = arith.constant 0 : i32
    %c0_i32_0 = arith.constant 0 : i32
    %c0_i32_1 = arith.constant 0 : i32
    return %c0_i32, %c0_i32_0 : i32, i32
  }
  func.func @transform_8(%arg0: i32) -> (i32, i32) {
    %c0_i32 = arith.constant 0 : i32
    %c0_i32_0 = arith.constant 0 : i32
    %c0_i32_1 = arith.constant 0 : i32
    return %c0_i32, %c0_i32_0 : i32, i32
  }
  func.func @transform_9(%arg0: i32) -> (i32, i32) {
    %c0_i32 = arith.constant 0 : i32
    %c0_i32_0 = arith.constant 0 : i32
    %c0_i32_1 = arith.constant 0 : i32
    return %c0_i32, %c0_i32_0 : i32, i32
  }
  func.func @transform_10(%arg0: i32) -> (i32, i32) {
    %c0_i32 = arith.constant 0 : i32
    %c0_i32_0 = arith.constant 0 : i32
    %c0_i32_1 = arith.constant 0 : i32
    return %c0_i32, %c0_i32_0 : i32, i32
  }
  func.func @transform_11(%arg0: i32) -> (i32, i32) {
    %c0_i32 = arith.constant 0 : i32
    %c0_i32_0 = arith.constant 0 : i32
    %c0_i32_1 = arith.constant 0 : i32
    return %c0_i32, %c0_i32_0 : i32, i32
  }
  func.func @transform_12(%arg0: i32) -> (i32, i32) {
    %c0_i32 = arith.constant 0 : i32
    %c0_i32_0 = arith.constant 0 : i32
    %c0_i32_1 = arith.constant 0 : i32
    return %c0_i32, %c0_i32_0 : i32, i32
  }
  func.func @transform_13(%arg0: i32) -> (i32, i32) {
    %c0_i32 = arith.constant 0 : i32
    %c0_i32_0 = arith.constant 0 : i32
    %c0_i32_1 = arith.constant 0 : i32
    return %c0_i32, %c0_i32_0 : i32, i32
  }
  func.func @transform_14(%arg0: i32) -> (i32, i32) {
    %c0_i32 = arith.constant 0 : i32
    %c0_i32_0 = arith.constant 0 : i32
    %c0_i32_1 = arith.constant 0 : i32
    return %c0_i32, %c0_i32_0 : i32, i32
  }
  func.func @transform_15(%arg0: i32) -> (i32, i32) {
    %c0_i32 = arith.constant 0 : i32
    %c0_i32_0 = arith.constant 0 : i32
    %c0_i32_1 = arith.constant 0 : i32
    return %c0_i32, %c0_i32_0 : i32, i32
  }
  func.func @transform_16(%arg0: i32) -> (i32, i32) {
    %c0_i32 = arith.constant 0 : i32
    %c0_i32_0 = arith.constant 0 : i32
    %c0_i32_1 = arith.constant 0 : i32
    return %c0_i32, %c0_i32_0 : i32, i32
  }
  func.func @transform_17(%arg0: i32) -> (i32, i32) {
    %c0_i32 = arith.constant 0 : i32
    %c0_i32_0 = arith.constant 0 : i32
    %c0_i32_1 = arith.constant 0 : i32
    return %c0_i32, %c0_i32_0 : i32, i32
  }
  func.func @transform_18(%arg0: i32) -> (i32, i32) {
    %c0_i32 = arith.constant 0 : i32
    %c0_i32_0 = arith.constant 0 : i32
    %c0_i32_1 = arith.constant 0 : i32
    return %c0_i32, %c0_i32_0 : i32, i32
  }
  func.func @transform_19(%arg0: i32) -> (i32, i32) {
    %c0_i32 = arith.constant 0 : i32
    %c0_i32_0 = arith.constant 0 : i32
    %c0_i32_1 = arith.constant 0 : i32
    return %c0_i32, %c0_i32_0 : i32, i32
  }
  func.func @transform_20(%arg0: i32) -> (i32, i32) {
    %c0_i32 = arith.constant 0 : i32
    %c0_i32_0 = arith.constant 0 : i32
    %c0_i32_1 = arith.constant 0 : i32
    return %c0_i32, %c0_i32_0 : i32, i32
  }
  func.func @transform_21(%arg0: i32) -> (i32, i32) {
    %c0_i32 = arith.constant 0 : i32
    %c0_i32_0 = arith.constant 0 : i32
    %c0_i32_1 = arith.constant 0 : i32
    return %c0_i32, %c0_i32_0 : i32, i32
  }
  func.func @transform_22(%arg0: i32) -> (i32, i32) {
    %c0_i32 = arith.constant 0 : i32
    %c0_i32_0 = arith.constant 0 : i32
    %c0_i32_1 = arith.constant 0 : i32
    return %c0_i32, %c0_i32_0 : i32, i32
  }
  func.func @transform_23(%arg0: i32) -> (i32, i32) {
    %c0_i32 = arith.constant 0 : i32
    %c0_i32_0 = arith.constant 0 : i32
    return %arg0, %c0_i32 : i32, i32
  }
  func.func @transform_24(%arg0: i32) -> (i32, i32) {
    %c0_i32 = arith.constant 0 : i32
    %c0_i32_0 = arith.constant 0 : i32
    return %arg0, %c0_i32 : i32, i32
  }
}

module attributes {stable_mosaic.version = 14 : i64} {
  func.func @_fin_body(%arg0: i32, %arg1: memref<1024x128xf32, #tpu.memory_space<vmem>>, %arg2: memref<1024x16xf32, #tpu.memory_space<vmem>>, %arg3: memref<2x1024x128xf32, #tpu.memory_space<vmem>>, %arg4: memref<2x1024x128xf32, #tpu.memory_space<vmem>>, %arg5: memref<2x1024x128xf32, #tpu.memory_space<vmem>>, %arg6: memref<2x1024x128xf32, #tpu.memory_space<vmem>>, %arg7: memref<136x128xf32, #tpu.memory_space<vmem>>, %arg8: memref<1x128xf32, #tpu.memory_space<vmem>>, %arg9: memref<128x136xf32, #tpu.memory_space<vmem>>, %arg10: memref<1x136xf32, #tpu.memory_space<vmem>>, %arg11: memref<16x16xf32, #tpu.memory_space<vmem>>, %arg12: memref<8x16xf32, #tpu.memory_space<vmem>>, %arg13: memref<1024x128xf32, #tpu.memory_space<vmem>>, %arg14: memref<1024x16xf32, #tpu.memory_space<vmem>>) attributes {dimension_semantics = [#tpu.dimension_semantics<arbitrary>], iteration_bounds = array<i64: 10>, scalar_prefetch = 0 : i64, scratch_operands = 0 : i64, tpu.core_type = #tpu.core_type<tc>, window_params = [{transform_indices = @transform_0, window_bounds = array<i64: 1024, 128>}, {transform_indices = @transform_1, window_bounds = array<i64: 1024, 16>}, {transform_indices = @transform_2, window_bounds = array<i64: 2, 1024, 128>}, {transform_indices = @transform_3, window_bounds = array<i64: 2, 1024, 128>}, {transform_indices = @transform_4, window_bounds = array<i64: 2, 1024, 128>}, {transform_indices = @transform_5, window_bounds = array<i64: 2, 1024, 128>}, {pipeline_mode = #tpu.pipeline_mode<synchronous>, transform_indices = @transform_6, window_bounds = array<i64: 136, 128>}, {pipeline_mode = #tpu.pipeline_mode<synchronous>, transform_indices = @transform_7, window_bounds = array<i64: 1, 128>}, {pipeline_mode = #tpu.pipeline_mode<synchronous>, transform_indices = @transform_8, window_bounds = array<i64: 128, 136>}, {pipeline_mode = #tpu.pipeline_mode<synchronous>, transform_indices = @transform_9, window_bounds = array<i64: 1, 136>}, {pipeline_mode = #tpu.pipeline_mode<synchronous>, transform_indices = @transform_10, window_bounds = array<i64: 16, 16>}, {pipeline_mode = #tpu.pipeline_mode<synchronous>, transform_indices = @transform_11, window_bounds = array<i64: 8, 16>}, {transform_indices = @transform_12, window_bounds = array<i64: 1024, 128>}, {transform_indices = @transform_13, window_bounds = array<i64: 1024, 16>}]} {
    %get3A = arith.constant 0 : index
    %get3A_0 = arith.constant 0 : index
    %get3A_1 = vector.load %arg1[%get3A, %get3A_0] : memref<1024x128xf32, #tpu.memory_space<vmem>>, vector<1024x128xf32>
    %get3A_2 = arith.constant 0 : index
    %get3A_3 = arith.constant 0 : index
    %get3A_4 = arith.constant 0 : index
    %get3A_5 = vector.load %arg3[%get3A_2, %get3A_3, %get3A_4] : memref<2x1024x128xf32, #tpu.memory_space<vmem>>, vector<1x1024x128xf32>
    %get3A_6 = vector.shape_cast %get3A_5 : vector<1x1024x128xf32> to vector<1024x128xf32>
    %add3A = arith.addf %get3A_1, %get3A_6 : vector<1024x128xf32>
    %get3A_7 = arith.constant 1 : index
    %get3A_8 = arith.constant 0 : index
    %get3A_9 = arith.constant 0 : index
    %get3A_10 = vector.load %arg3[%get3A_7, %get3A_8, %get3A_9] : memref<2x1024x128xf32, #tpu.memory_space<vmem>>, vector<1x1024x128xf32>
    %get3A_11 = vector.shape_cast %get3A_10 : vector<1x1024x128xf32> to vector<1024x128xf32>
    %add3A_12 = arith.addf %add3A, %get3A_11 : vector<1024x128xf32>
    %get3A_13 = arith.constant 0 : index
    %get3A_14 = arith.constant 0 : index
    %get3A_15 = arith.constant 0 : index
    %get3A_16 = vector.load %arg4[%get3A_13, %get3A_14, %get3A_15] : memref<2x1024x128xf32, #tpu.memory_space<vmem>>, vector<1x1024x128xf32>
    %get3A_17 = vector.shape_cast %get3A_16 : vector<1x1024x128xf32> to vector<1024x128xf32>
    %add3A_18 = arith.addf %add3A_12, %get3A_17 : vector<1024x128xf32>
    %get3A_19 = arith.constant 1 : index
    %get3A_20 = arith.constant 0 : index
    %get3A_21 = arith.constant 0 : index
    %get3A_22 = vector.load %arg4[%get3A_19, %get3A_20, %get3A_21] : memref<2x1024x128xf32, #tpu.memory_space<vmem>>, vector<1x1024x128xf32>
    %get3A_23 = vector.shape_cast %get3A_22 : vector<1x1024x128xf32> to vector<1024x128xf32>
    %add3A_24 = arith.addf %add3A_18, %get3A_23 : vector<1024x128xf32>
    %get3A_25 = arith.constant 0 : index
    %get3A_26 = arith.constant 0 : index
    %get3A_27 = vector.load %arg2[%get3A_25, %get3A_26] : memref<1024x16xf32, #tpu.memory_space<vmem>>, vector<1024x16xf32>
    %get3A_28 = arith.constant 0 : index
    %get3A_29 = arith.constant 0 : index
    %get3A_30 = arith.constant 0 : index
    %get3A_31 = vector.load %arg5[%get3A_28, %get3A_29, %get3A_30] : memref<2x1024x128xf32, #tpu.memory_space<vmem>>, vector<1x1024x16xf32>
    %get3A_32 = vector.shape_cast %get3A_31 : vector<1x1024x16xf32> to vector<1024x16xf32>
    %add3A_33 = arith.addf %get3A_27, %get3A_32 : vector<1024x16xf32>
    %get3A_34 = arith.constant 1 : index
    %get3A_35 = arith.constant 0 : index
    %get3A_36 = arith.constant 0 : index
    %get3A_37 = vector.load %arg5[%get3A_34, %get3A_35, %get3A_36] : memref<2x1024x128xf32, #tpu.memory_space<vmem>>, vector<1x1024x16xf32>
    %get3A_38 = vector.shape_cast %get3A_37 : vector<1x1024x16xf32> to vector<1024x16xf32>
    %add3A_39 = arith.addf %add3A_33, %get3A_38 : vector<1024x16xf32>
    %get3A_40 = arith.constant 0 : index
    %get3A_41 = arith.constant 0 : index
    %get3A_42 = arith.constant 0 : index
    %get3A_43 = vector.load %arg6[%get3A_40, %get3A_41, %get3A_42] : memref<2x1024x128xf32, #tpu.memory_space<vmem>>, vector<1x1024x16xf32>
    %get3A_44 = vector.shape_cast %get3A_43 : vector<1x1024x16xf32> to vector<1024x16xf32>
    %add3A_45 = arith.addf %add3A_39, %get3A_44 : vector<1024x16xf32>
    %get3A_46 = arith.constant 1 : index
    %get3A_47 = arith.constant 0 : index
    %get3A_48 = arith.constant 0 : index
    %get3A_49 = vector.load %arg6[%get3A_46, %get3A_47, %get3A_48] : memref<2x1024x128xf32, #tpu.memory_space<vmem>>, vector<1x1024x16xf32>
    %get3A_50 = vector.shape_cast %get3A_49 : vector<1x1024x16xf32> to vector<1024x16xf32>
    %add3A_51 = arith.addf %add3A_45, %get3A_50 : vector<1024x16xf32>
    %mul3A = arith.mulf %add3A_51, %add3A_51 : vector<1024x16xf32>
    %get3A_52 = arith.constant 0 : index
    %get3A_53 = arith.constant 0 : index
    %get3A_54 = vector.load %arg11[%get3A_52, %get3A_53] : memref<16x16xf32, #tpu.memory_space<vmem>>, vector<16x16xf32>
    %dot_general3A = arith.constant dense<0.000000e+00> : vector<1024x16xf32>
    %dot_general3A_55 = tpu.matmul %mul3A, %get3A_54, %dot_general3A {dimension_numbers = #tpu.dot_dimension_numbers<[1], [0], [0], [1], [0, 0, 1, 1], [], []>, transpose_lhs_hint = false} : vector<1024x16xf32>, vector<16x16xf32>, vector<1024x16xf32> -> vector<1024x16xf32>
    %slice3A = vector.extract_strided_slice %dot_general3A_55 {offsets = [0, 0], sizes = [1024, 8], strides = [1, 1]} : vector<1024x16xf32> to vector<1024x8xf32>
    %concatenate3A = tpu.concatenate %add3A_24, %slice3A in 1 : vector<1024x128xf32>, vector<1024x8xf32> -> vector<1024x136xf32>
    %get3A_56 = arith.constant 0 : index
    %get3A_57 = arith.constant 0 : index
    %get3A_58 = vector.load %arg7[%get3A_56, %get3A_57] : memref<136x128xf32, #tpu.memory_space<vmem>>, vector<136x128xf32>
    %dot_general3A_59 = arith.constant dense<0.000000e+00> : vector<1024x128xf32>
    %dot_general3A_60 = tpu.matmul %concatenate3A, %get3A_58, %dot_general3A_59 {dimension_numbers = #tpu.dot_dimension_numbers<[1], [0], [0], [1], [0, 0, 1, 1], [], []>, transpose_lhs_hint = false} : vector<1024x136xf32>, vector<136x128xf32>, vector<1024x128xf32> -> vector<1024x128xf32>
    %get3A_61 = arith.constant 0 : index
    %get3A_62 = arith.constant 0 : index
    %get3A_63 = vector.load %arg8[%get3A_61, %get3A_62] : memref<1x128xf32, #tpu.memory_space<vmem>>, vector<1x128xf32>
    %add3A_64 = vector.broadcast %get3A_63 : vector<1x128xf32> to vector<1024x128xf32>
    %add3A_65 = arith.addf %dot_general3A_60, %add3A_64 : vector<1024x128xf32>
    %logistic3A = arith.negf %add3A_65 : vector<1024x128xf32>
    %logistic3A_66 = math.exp %logistic3A : vector<1024x128xf32>
    %logistic3A_67 = arith.constant 1.000000e+00 : f32
    %logistic3A_68 = vector.broadcast %logistic3A_67 : f32 to vector<1024x128xf32>
    %logistic3A_69 = arith.addf %logistic3A_68, %logistic3A_66 : vector<1024x128xf32>
    %logistic3A_70 = arith.divf %logistic3A_68, %logistic3A_69 : vector<1024x128xf32>
    %mul3A_71 = arith.mulf %add3A_65, %logistic3A_70 : vector<1024x128xf32>
    %get3A_72 = arith.constant 0 : index
    %get3A_73 = arith.constant 0 : index
    %get3A_74 = vector.load %arg9[%get3A_72, %get3A_73] : memref<128x136xf32, #tpu.memory_space<vmem>>, vector<128x136xf32>
    %dot_general3A_75 = arith.constant dense<0.000000e+00> : vector<1024x136xf32>
    %dot_general3A_76 = tpu.matmul %mul3A_71, %get3A_74, %dot_general3A_75 {dimension_numbers = #tpu.dot_dimension_numbers<[1], [0], [0], [1], [0, 0, 1, 1], [], []>, transpose_lhs_hint = false} : vector<1024x128xf32>, vector<128x136xf32>, vector<1024x136xf32> -> vector<1024x136xf32>
    %get3A_77 = arith.constant 0 : index
    %get3A_78 = arith.constant 0 : index
    %get3A_79 = vector.load %arg10[%get3A_77, %get3A_78] : memref<1x136xf32, #tpu.memory_space<vmem>>, vector<1x136xf32>
    %add3A_80 = vector.broadcast %get3A_79 : vector<1x136xf32> to vector<1024x136xf32>
    %add3A_81 = arith.addf %dot_general3A_76, %add3A_80 : vector<1024x136xf32>
    %slice3A_82 = vector.extract_strided_slice %add3A_81 {offsets = [0, 0], sizes = [1024, 128], strides = [1, 1]} : vector<1024x136xf32> to vector<1024x128xf32>
    %add3A_83 = arith.addf %add3A_24, %slice3A_82 : vector<1024x128xf32>
    %swap3A = arith.constant 0 : index
    %swap3A_84 = arith.constant 0 : index
    %swap3A_85 = vector.load %arg13[%swap3A, %swap3A_84] : memref<1024x128xf32, #tpu.memory_space<vmem>>, vector<1024x128xf32>
    tpu.vector_store %arg13[%swap3A, %swap3A_84], %add3A_83 {strides = array<i32>} : memref<1024x128xf32, #tpu.memory_space<vmem>>, vector<1024x128xf32>,
    %slice3A_86 = vector.extract_strided_slice %add3A_81 {offsets = [0, 128], sizes = [1024, 8], strides = [1, 1]} : vector<1024x136xf32> to vector<1024x8xf32>
    %get3A_87 = arith.constant 0 : index
    %get3A_88 = arith.constant 0 : index
    %get3A_89 = vector.load %arg12[%get3A_87, %get3A_88] : memref<8x16xf32, #tpu.memory_space<vmem>>, vector<8x16xf32>
    %dot_general3A_90 = arith.constant dense<0.000000e+00> : vector<1024x16xf32>
    %dot_general3A_91 = tpu.matmul %slice3A_86, %get3A_89, %dot_general3A_90 {dimension_numbers = #tpu.dot_dimension_numbers<[1], [0], [0], [1], [0, 0, 1, 1], [], []>, transpose_lhs_hint = false} : vector<1024x8xf32>, vector<8x16xf32>, vector<1024x16xf32> -> vector<1024x16xf32>
    %mul3A_92 = arith.mulf %dot_general3A_91, %add3A_51 : vector<1024x16xf32>
    %add3A_93 = arith.addf %add3A_51, %mul3A_92 : vector<1024x16xf32>
    %swap3A_94 = arith.constant 0 : index
    %swap3A_95 = arith.constant 0 : index
    %swap3A_96 = vector.load %arg14[%swap3A_94, %swap3A_95] : memref<1024x16xf32, #tpu.memory_space<vmem>>, vector<1024x16xf32>
    tpu.vector_store %arg14[%swap3A_94, %swap3A_95], %add3A_93 {strides = array<i32>} : memref<1024x16xf32, #tpu.memory_space<vmem>>, vector<1024x16xf32>,
    return
  }
  func.func @transform_0(%arg0: i32) -> (i32, i32) {
    %c0_i32 = arith.constant 0 : i32
    %c0_i32_0 = arith.constant 0 : i32
    return %arg0, %c0_i32 : i32, i32
  }
  func.func @transform_1(%arg0: i32) -> (i32, i32) {
    %c0_i32 = arith.constant 0 : i32
    %c0_i32_0 = arith.constant 0 : i32
    return %arg0, %c0_i32 : i32, i32
  }
  func.func @transform_2(%arg0: i32) -> (i32, i32, i32) {
    %c0_i32 = arith.constant 0 : i32
    %c0_i32_0 = arith.constant 0 : i32
    %c0_i32_1 = arith.constant 0 : i32
    return %c0_i32, %arg0, %c0_i32_0 : i32, i32, i32
  }
  func.func @transform_3(%arg0: i32) -> (i32, i32, i32) {
    %c0_i32 = arith.constant 0 : i32
    %c0_i32_0 = arith.constant 0 : i32
    %c0_i32_1 = arith.constant 0 : i32
    return %c0_i32, %arg0, %c0_i32_0 : i32, i32, i32
  }
  func.func @transform_4(%arg0: i32) -> (i32, i32, i32) {
    %c0_i32 = arith.constant 0 : i32
    %c0_i32_0 = arith.constant 0 : i32
    %c0_i32_1 = arith.constant 0 : i32
    return %c0_i32, %arg0, %c0_i32_0 : i32, i32, i32
  }
  func.func @transform_5(%arg0: i32) -> (i32, i32, i32) {
    %c0_i32 = arith.constant 0 : i32
    %c0_i32_0 = arith.constant 0 : i32
    %c0_i32_1 = arith.constant 0 : i32
    return %c0_i32, %arg0, %c0_i32_0 : i32, i32, i32
  }
  func.func @transform_6(%arg0: i32) -> (i32, i32) {
    %c0_i32 = arith.constant 0 : i32
    %c0_i32_0 = arith.constant 0 : i32
    %c0_i32_1 = arith.constant 0 : i32
    return %c0_i32, %c0_i32_0 : i32, i32
  }
  func.func @transform_7(%arg0: i32) -> (i32, i32) {
    %c0_i32 = arith.constant 0 : i32
    %c0_i32_0 = arith.constant 0 : i32
    %c0_i32_1 = arith.constant 0 : i32
    return %c0_i32, %c0_i32_0 : i32, i32
  }
  func.func @transform_8(%arg0: i32) -> (i32, i32) {
    %c0_i32 = arith.constant 0 : i32
    %c0_i32_0 = arith.constant 0 : i32
    %c0_i32_1 = arith.constant 0 : i32
    return %c0_i32, %c0_i32_0 : i32, i32
  }
  func.func @transform_9(%arg0: i32) -> (i32, i32) {
    %c0_i32 = arith.constant 0 : i32
    %c0_i32_0 = arith.constant 0 : i32
    %c0_i32_1 = arith.constant 0 : i32
    return %c0_i32, %c0_i32_0 : i32, i32
  }
  func.func @transform_10(%arg0: i32) -> (i32, i32) {
    %c0_i32 = arith.constant 0 : i32
    %c0_i32_0 = arith.constant 0 : i32
    %c0_i32_1 = arith.constant 0 : i32
    return %c0_i32, %c0_i32_0 : i32, i32
  }
  func.func @transform_11(%arg0: i32) -> (i32, i32) {
    %c0_i32 = arith.constant 0 : i32
    %c0_i32_0 = arith.constant 0 : i32
    %c0_i32_1 = arith.constant 0 : i32
    return %c0_i32, %c0_i32_0 : i32, i32
  }
  func.func @transform_12(%arg0: i32) -> (i32, i32) {
    %c0_i32 = arith.constant 0 : i32
    %c0_i32_0 = arith.constant 0 : i32
    return %arg0, %c0_i32 : i32, i32
  }
  func.func @transform_13(%arg0: i32) -> (i32, i32) {
    %c0_i32 = arith.constant 0 : i32
    %c0_i32_0 = arith.constant 0 : i32
    return %arg0, %c0_i32 : i32, i32
  }
}

</mosaic_0001>

<sc_bundles>
// kernel: kernel.12.cloned.1.call-start
scs
__scs_entry_jumppad:
0x0: {  	(pc) =	sbr.rel $0x88, $3  }
0x1: {  	(tag) =	ssettag $0x0;
	lr =	simm.s32 $0x1  }
0x2: {  	[smem:$0x3F83] =	sst lr;
	_ =	strace $0xD0000000  }
0x3: {  	_ = 	snop  }
0x4: {  	_ = 	snop  }
0x5: {  	_ = 	snop  }
0x6: {  	_ = 	snop  }
0x7: {  	_ = 	snop  }
__scs_overlays_trampoline_lowered:
0x8: {  	[smem:$0x3F92] =	sst s0  }
0x9: {  	[smem:$0x3F93] =	sst s1  }
0xa: {  	[smem:$0x3F94] =	sst s2  }
0xb: {  	[smem:$0x3F95] =	sst s3  }
0xc: {  	[smem:$0x3F96] =	sst s4  }
0xd: {  	[smem:$0x3F97] =	sst s5  }
0xe: {  	[smem:$0x3F98] =	sst s6  }
0xf: {  	[smem:$0x3F99] =	sst s7  }
0x10: {  	[smem:$0x3F9A] =	sst s8  }
0x11: {  	[smem:$0x3F9B] =	sst s9;
	s0 =	simm.s32 @!p0 $0x0  }
0x12: {  	s1 =	sld [smem:$0x3F81];
	s0 =	simm.s32 @p0 $0x1  }
0x13: {  	[smem:$0x3F9C] =	sst s0;
	s0 =	simm.s32 @!p1 $0x0  }
0x14: {  	s2 =	sld [smem:$0x3F80];
	s0 =	simm.s32 @p1 $0x1  }
0x15: {  	[smem:$0x3F9D] =	sst s0;
	s0 =	simm.s32 @!p2 $0x0  }
0x16: {  	s3 =	sld [smem:$0x3FDB];
	s0 =	simm.s32 @p2 $0x1  }
0x17: {  	s4 =	simm.s32 $0x1BF5;
	[smem:$0x3F9F] =	sst s0  }
0x18: {  	s0 =	sld [smem:$0x3F82];
	_ =	swait.ge [sflag:s4], $0x0  }
0x19: {  	s7 =	sld [smem:$0x3F83]  }
0x1a: {  	s8 =	sadd.s32 $0xFFFFE003, lr  }
0x1b: {  	s9 =	sadd.s32 $0xFFFFFEF7, lr;
	s5 =	simm.s32 $0xFFFFFFFF;
	p2 =	slt.u32 s8, $0xFFFFF086  }
0x1c: {  	p1 =	slt.u32 s9, $0xF7A;
	s5 =	simm.s32 @!p2 $0x0  }
0x1d: {  	s5 =	simm.s32 @p1 $0x1;
	p0 =	seq.s32 s7, s2  }
0x1e: {  	s7 =	smul.u32 @!p0 $0xF7A, s2;
	p2 =	seq.s32 @!p0 s5, $0x0  }
0x1f: {  	s9 =	smul.u32 $0xF7A, s1;
	s8 =	simm.s32 @!p0 $0x1BF5;
	p2 =	por !p2, p0  }
0x20: {  	[sflag:s8] =	ssyncset.s32 @!p0 $0xFFFFF086;
	s6 =	sadd.s32 @!p0 s3, s7;
	s7 =	simm.s32 @!p0 $0x108  }
0x21: {  	s3 =	sadd.s32 s3, s9;
	s6 =	sadd.s32 @!p0 $0x88, s6;
	s7 =	simm.s32 @p2 $0x1082  }
0x22: {  	[simem:s7], [sflag:s8] =	dma.local @!p0 [hbm:s6], $0xF7A  }
0x23: {  	s9 =	sor.u32 $0xD0000000, s2;
	s6 =	simm.s32 $0x108;
	_ =	swait.ge @!p0 [sflag:s8], $0x0  }
0x24: {  	s3 =	sadd.s32 $0x88, s3;
	s6 =	simm.s32 @!p1 $0x1082;
	[sflag:s4] =	ssyncset.s32 $0xFFFFF086  }
0x25: {  	[simem:s6], [sflag:s4] =	dma.local [hbm:s3], $0xF7A  }
0x26: {  	[smem:$0x3F83] =	sst s1;
	(tag) =	ssettag s2;
	_ =	strace s9  }
0x27: {  	s1 =	sld [smem:$0x3F93]  }
0x28: {  	s2 =	sld [smem:$0x3F94]  }
0x29: {  	s4 =	sld [smem:$0x3F96]  }
0x2a: {  	p0 =	seq.s32 s5, $0x0;
	s5 =	sld [smem:$0x3F97]  }
0x2b: {  	s6 =	sld [smem:$0x3F98]  }
0x2c: {  	s7 =	sld [smem:$0x3F99]  }
0x2d: {  	s3 =	simm.s32 $0x108;
	s8 =	sld [smem:$0x3F9A]  }
0x2e: {  	s3 =	simm.s32 @!p0 $0x1082;
	s9 =	sld [smem:$0x3F9B]  }
0x2f: {  	lr =	sadd.s32 s0, s3;
	s0 =	sld [smem:$0x3F92]  }
0x30: {  	s3 =	sld [smem:$0x3F95]  }
0x31: {  	[smem:$0x3F9E] =	sst s10  }
0x32: {  	s10 =	sld [smem:$0x3F9C];
	_ =	sdelay $0x3  }
0x33: {  	p0 =	seq.s32 s10, $0x1;
	s10 =	sld [smem:$0x3F9E];
	_ =	sdelay $0x3  }
0x34: {  	[smem:$0x3F9E] =	sst s10  }
0x35: {  	s10 =	sld [smem:$0x3F9D];
	_ =	sdelay $0x3  }
0x36: {  	p1 =	seq.s32 s10, $0x1;
	s10 =	sld [smem:$0x3F9E];
	_ =	sdelay $0x3  }
0x37: {  	[smem:$0x3F9E] =	sst s10  }
0x38: {  	s10 =	sld [smem:$0x3F9F]  }
0x39: {  	_ = 	snop;
	(pc) =	sbr.ind lr, $3  }
0x3a: {  	_ = 	snop  }
0x3b: {  	_ = 	snop  }
0x3c: {  	p2 =	seq.s32 s10, $0x1;
	s10 =	sld [smem:$0x3F9E]  }
0x3d: {  	_ =	shalt  }
0x3e: {  	_ =	shalt  }
0x3f: {  	_ =	shalt  }
0x40: {  	_ =	shalt  }
0x41: {  	_ =	shalt  }
0x42: {  	_ =	shalt  }
0x43: {  	_ =	shalt  }
0x44: {  	_ =	shalt  }
0x45: {  	_ =	shalt  }
0x46: {  	_ =	shalt  }
0x47: {  	_ =	shalt  }
0x48: {  	_ =	shalt  }
0x49: {  	_ =	shalt  }
0x4a: {  	_ =	shalt  }
0x4b: {  	_ =	shalt  }
0x4c: {  	_ =	shalt  }
0x4d: {  	_ =	shalt  }
0x4e: {  	_ =	shalt  }
0x4f: {  	_ =	shalt  }
0x50: {  	_ =	shalt  }
0x51: {  	_ =	shalt  }
0x52: {  	_ =	shalt  }
0x53: {  	_ =	shalt  }
0x54: {  	_ =	shalt  }
0x55: {  	_ =	shalt  }
0x56: {  	_ =	shalt  }
0x57: {  	_ =	shalt  }
0x58: {  	_ =	shalt  }
0x59: {  	_ =	shalt  }
0x5a: {  	_ =	shalt  }
0x5b: {  	_ =	shalt  }
0x5c: {  	_ =	shalt  }
0x5d: {  	_ =	shalt  }
0x5e: {  	_ =	shalt  }
0x5f: {  	_ =	shalt  }
0x60: {  	_ =	shalt  }
0x61: {  	_ =	shalt  }
0x62: {  	_ =	shalt  }
0x63: {  	_ =	shalt  }
0x64: {  	_ =	shalt  }
0x65: {  	_ =	shalt  }
0x66: {  	_ =	shalt  }
0x67: {  	_ =	shalt  }
0x68: {  	_ =	shalt  }
0x69: {  	_ =	shalt  }
0x6a: {  	_ =	shalt  }
0x6b: {  	_ =	shalt  }
0x6c: {  	_ =	shalt  }
0x6d: {  	_ =	shalt  }
0x6e: {  	_ =	shalt  }
0x6f: {  	_ =	shalt  }
0x70: {  	_ =	shalt  }
0x71: {  	_ =	shalt  }
0x72: {  	_ =	shalt  }
0x73: {  	_ =	shalt  }
0x74: {  	_ =	shalt  }
0x75: {  	_ =	shalt  }
0x76: {  	_ =	shalt  }
0x77: {  	_ =	shalt  }
0x78: {  	_ =	shalt  }
0x79: {  	_ =	shalt  }
0x7a: {  	_ =	shalt  }
0x7b: {  	_ =	shalt  }
0x7c: {  	_ =	shalt  }
0x7d: {  	_ =	shalt  }
0x7e: {  	_ =	shalt  }
0x7f: {  	_ =	shalt  }
0x80: {  	_ =	shalt  }
0x81: {  	_ =	shalt  }
0x82: {  	_ =	shalt  }
0x83: {  	_ =	shalt  }
0x84: {  	_ =	shalt  }
0x85: {  	_ =	shalt  }
0x86: {  	_ =	shalt  }
0x87: {  	_ =	shalt  }
.Lfunc_end0:
.L_simem_size_0:
called_computation_lowered:
.L_overlay_start_0:
0x88: {  	s2 =	sld [smem:$0x3FD9]  }
0x89: {  	s3 =	sld [smem:$0x3FFE];
	_ =	sdelay $0x1  }
0x8a: {  	s1 =	srdreg.scid  }
0x8b: {  	s0 =	sand.u32 $0x1, s1  }
0x8c: {  	s14 =	sshll.u32 s0, $0xA;
	s2 =	sadd.s32 s3, s2  }
0x8d: {  	s2 =	sadd.s32 s2, s14  }
0x8e: {  	[smem:$0x3FAA] =	sst s2  }
0x8f: {  	_ = 	snop  }
0x90: {  	s2 =	sld [smem:$0x3FD0];
	_ =	sdelay $0x2  }
0x91: {  	s15 =	simm.s32 $0xD;
	s4 =	simm.s32 $0x10  }
0x92: {  	[smem:s4], [sflag:s15] =	dma.local [hbm:s2], $0x1  }
0x93: {  	_ =	swait.eq [sflag:s15], $0x1  }
0x94: {  	[sflag:s15] =	ssyncset.done $0x0  }
0x95: {  	[sflag:s15] =	ssyncadd.s32 $0xFFFFFFFF  }
0x96: {  	s16 =	sld [smem:$0x10];
	(tm) =	ssettm $0x1  }
0x97: {  	s17 =	sld [smem:$0x3FFB];
	_ =	sdelay $0x3  }
0x98: {  	_ =	strace s17  }
0x99: {  	s3 =	sld [smem:$0x3FFC];
	_ =	sdelay $0x3  }
0x9a: {  	_ =	strace s3  }
0x9b: {  	s3 =	sld [smem:$0x3FFD];
	_ =	sdelay $0x3  }
0x9c: {  	_ =	strace s3  }
0x9d: {  	_ =	strace $0x8FFFFFFF  }
0x9e: {  	s18 =	sld [smem:$0x3FDB];
	_ =	sdelay $0x1  }
0x9f: {  	s19 =	simm.s32 $_scs_section_size  }
0xa0: {  	s5 =	simm.s32 $_size__tile_overlayer_lowered;
	s6 =	simm.s32 $_tile_overlayer_lowered  }
0xa1: {  	s22 =	simm.s32 $0x1BFF;
	s21 =	sshll.u32 s6, $0x1;
	s3 =	sadd.s32 s19, s18  }
0xa2: {  	s7 =	simm.s32 $0x0;
	s20 =	sshll.u32 s5, $0x1;
	s5 =	sadd.s32 s21, s3  }
0xa3: {  	[timem:s7], [sflag:s22] =	dma.local [hbm:s5], s20  }
0xa4: {  	_ =	swait.ge [sflag:s22], s20  }
0xa5: {  	s4 =	ssub.s32 $0x0, s20;
	[sflag:s22] =	ssyncset.done $0x0  }
0xa6: {  	[sflag:s22] =	ssyncadd.s32 s4;
	_ =	sdelay $0x1  }
0xa7: {  	s23 =	simm.s32 $0x1B8B  }
0xa8: {  	_ =	swait.ge [sflag:s23], $0x1  }
0xa9: {  	[sflag:s23] =	ssyncset.done $0x0  }
0xaa: {  	s25 =	simm.s32 $0x1B8E;
	s24 =	sld [smem:$0x3FFE];
	[sflag:s23] =	ssyncadd.s32 $0xFFFFFFFF  }
0xab: {  	s26 =	simm.s32 $execute0_lowered;
	[smem:$0x3FD2] =	sst s25  }
0xac: {  	s5 =	sshll.u32 s26, $0x1;
	_ =	strace $0x80000046;
	[dreg:$0x1] =	wrdreg $0xFFFFFFFF  }
0xad: {  	s28 =	simm.s32 $_size_execute0_lowered;
	s3 =	sadd.s32 s3, s5;
	[dreg:$0x0] =	wrdreg $0x0  }
0xae: {  	s5 =	sshll.u32 s28, $0x1;
	[dreg:$0x2] =	wrdreg s3  }
0xaf: {  	[dreg:$0x3] =	wrdreg s5  }
0xb0: {  	[dreg:$0x4] =	wrdreg $0xC0  }
0xb1: {  	_ =	task [dreg:s7], $0x5FFFF  }
0xb2: {  	[dreg:$0x1] =	wrdreg $0xFFFFFFFF  }
0xb3: {  	[dreg:$0x0] =	wrdreg $0x60  }
0xb4: {  	[dreg:$0x2] =	wrdreg s24  }
0xb5: {  	[dreg:$0x3] =	wrdreg s16  }
0xb6: {  	[dreg:$0x4] =	wrdreg $0x9  }
0xb7: {  	_ =	task.clear_ibuf [dreg:s7], $0x5FFFF;
	_ =	strace $0x90000046  }
0xb8: {  	s29 =	simm.s32 $0x9;
	_ =	strace $0x80000048  }
0xb9: {  	_ =	swait.ge [sflag:s29], $0x1  }
0xba: {  	[sflag:s29] =	ssyncadd.s32 $0xFFFFFFFF  }
0xbb: {  	_ =	strace $0x90000048  }
0xbc: {  	_ =	sfence  }
0xbd: {  	s30 =	sld [smem:$0x0];
	_ =	sdelay $0x2  }
0xbe: {  	s31 =	sshll.u32 s1, $0xD;
	s1 =	sshrl.u32 s1, $0x2  }
0xbf: {  	s3 =	sand.u32 $0x4000, s31;
	s1 =	sadd.s32 s1, s30  }
0xc0: {  	s0 =	sor.u32 s3, s0;
	s1 =	sshll.u32 s1, $0x11  }
0xc1: {  	s0 =	sor.u32 s1, s0  }
0xc2: {  	s0 =	sadd.s32 $0x8F2B, s0  }
0xc3: {  	[sflag:s0] =	ssyncadd.remote.s32 $0x1  }
0xc4: {  	_ =	sfence.sel $0xFFFF  }
0xc5: {  	[dreg:$0x0] =	wrdreg $0xFFFFFFFF;
	(pc) =	sbr.abs _section_cstart, $3  }
0xc6: {  	[dreg:$0x1] =	wrdreg $0xFFFFFFFF  }
0xc7: {  	_ =	task.clear_ibuf [dreg:s7], $0x2FFFF;
	_ =	strace $0x9FFFFFFF  }
0xc8: {  	(tm) =	ssettm $0x7FFFFFFF  }
0xc9: {  	_ =	shalt  }
tec
execute0_lowered:
.L_overlay_start_1:
0x0: {  	(tag) =	ssettag $0x1  }
0x1: {  	s0 =	rddreg [dreg:$0x0]  }
0x2: {  	s1 =	rddreg [dreg:$0x1];
	s3 =	srdreg.scid  }
0x3: {  	s15 =	stileid.u32;
	s2 =	simm.s32 $0x0;
	s30 =	simm.s32 $0x180  }
0x4: {  	s31 =	simm.s32 $0x3;
	s28 =	simm.s32 $0x5A00;
	s12 =	smul.u32 $0x1400, s15  }
0x5: {  	s29 =	simm.s32 $0x6200;
	s5 =	sand.u32 $0x1, s3;
	s22 =	smul.u32 $0x28000, s15  }
0x6: {  	s23 =	sshll.u32 s15, $0x1;
	[smem:$0x7FF] =	sst s2;
	s14 =	smul.u32 $0xA00, s5  }
0x7: {  	s3 =	sadd.s32 $0xAD800, s0;
	s4 =	sor.u32 s5, s23;
	s23 =	smul.u32 $0x14000, s5  }
0x8: {  	s7 =	sadd.s32 $0x58800, s0;
	s8 =	ssub.s32 $0x2, s5;
	s5 =	smul.u32 $0xA000, s5  }
0x9: {  	s9 =	sadd.s32 $0xD5800, s0;
	_ =	strace $0x80000047;
	s6 =	smul.u32 $0xA00, s4  }
0xa: {  	s4 =	sadd.s32 $0x5D800, s0;
	s10 =	sshrl.u32 s8, $0x1;
	s0 =	sadd.s32 $0x215800, s0  }
0xb: {  	s8 =	ssub.s32 s8, s10;
	s11 =	sshrl.u32 s6, $0x3;
	s26 =	sadd.s32 $0x980, s6  }
0xc: {  	s6 =	sadd.s32 $0x9C0, s6;
	s19 =	smax.u32 s8, $0x1;
	s8 =	simm.s32 $0x7A00  }
0xd: {  	s24 =	sadd.s32 s1, s11;
	s25 =	sadd.s32 s7, s11;
	s11 =	sor.u32 $0x8, s11  }
0xe: {  	s13 =	sshll.u32 s26, $0x4;
	s10 =	sshll.u32 s26, $0x5;
	[dreg:$0xf] =	wrdreg s19  }
0xf: {  	s17 =	sshll.u32 s6, $0x4;
	s6 =	sshll.u32 s6, $0x5;
	[dreg:$0x7] =	wrdreg s24  }
0x10: {  	s19 =	simm.s32 $0x200;
	[dreg:$0x8] =	wrdreg s25;
	s16 =	sadd.s32 s1, s11  }
0x11: {  	s11 =	sadd.s32 s7, s11;
	s13 =	sadd.s32 s9, s13;
	[dreg:$0x9] =	wrdreg s16  }
0x12: {  	s10 =	sadd.s32 s0, s10;
	s6 =	sadd.s32 s0, s6;
	[dreg:$0xa] =	wrdreg s11  }
0x13: {  	s24 =	smul.u32 $0x14000, s15;
	s0 =	sadd.s32 s22, s0;
	[dreg:$0xb] =	wrdreg s13  }
0x14: {  	s22 =	simm.s32 $0x5200;
	s16 =	sadd.s32 s14, s12;
	[dreg:$0xc] =	wrdreg s10  }
0x15: {  	s10 =	sadd.s32 s9, s17;
	[dreg:$0xe] =	wrdreg s6;
	s0 =	sadd.s32 s23, s0  }
0x16: {  	s17 =	simm.s32 $0x1;
	s23 =	simm.s32 $0x5A00;
	s13 =	simm.s32 $0x4  }
0x17: {  	s14 =	simm.s32 $0x5;
	s11 =	simm.s32 $0x9200;
	s12 =	sor.u32 $0xC0, s16  }
0x18: {  	[dreg:$0xd] =	wrdreg s10;
	s21 =	sor.u32 $0x80, s16;
	s25 =	sadd.s32 s24, s9  }
0x19: {  	s0 =	sadd.s32 $0x800, s0;
	s16 =	simm.s32 $0x80;
	s24 =	simm.s32 $0x6200  }
0x1a: {  	s9 =	simm.s32 $0x100;
	s18 =	sshrl.u32 s12, $0x3;
	s6 =	sshrl.u32 s21, $0x3  }
0x1b: {  	[dreg:$0x10] =	wrdreg s0;
	s26 =	sadd.s32 s5, s25;
	s21 =	simm.s32 $0x4A00  }
0x1c: {  	s5 =	simm.s32 $0x8200;
	s12 =	simm.s32 $0x9A00;
	s20 =	sadd.s32 s18, s7  }
0x1d: {  	s25 =	simm.s32 $0x4A00;
	s10 =	sadd.s32 s18, s1;
	[dreg:$0x3] =	wrdreg s20  }
0x1e: {  	s7 =	sadd.s32 s6, s7;
	s1 =	sadd.s32 s6, s1;
	[dreg:$0x4] =	wrdreg s10  }
0x1f: {  	s0 =	sadd.s32 $0x400, s26;
	s18 =	simm.s32 $0x40;
	[dreg:$0x5] =	wrdreg s7  }
0x20: {  	v2 =	vlaneseq.u32;
	s6 =	simm.s32 $0x6A00;
	s26 =	simm.s32 $0x5200;
	[dreg:$0x6] =	wrdreg s1  }
0x21: {  	vm0 =	vmmov $0xffff;
	v1 =	vshrl.u32 v2, $0x3;
	[dreg:$0x11] =	wrdreg s0;
	s20 =	simm.s32 $0x4200;
	s7 =	simm.s32 $0x7200  }
0x22: {  	v0 =	vand.u32 $0x7, v2;
	v2 =	vor.u32 $0x8, v2;
	v1 =	vmul.u32 $0x8, v1;
	s0 =	simm.s32 $0x2;
	s1 =	simm.s32 $0x2200;
	s10 =	simm.s32 $0x0  }
.LBB2_1:
0x23: {  	[dreg:$0x12] =	wrdreg s10  }
0x24: {  	s15 =	rddreg [dreg:$0x7]  }
0x25: {  	[tilespmem:s2], [sflag:$0x1] =	stream.linear.gather [hbm4b:s15+s2], $0x40, $0x38;
	[tilespmem:$0xC200] =	vst v63  }
0x26: {  	s10 =	rddreg [dreg:$0x8]  }
0x27: {  	[tilespmem:s16], [sflag:$0x1] =	stream.linear.gather [hbm4b:s10+s2], $0x40, $0x38;
	[tilespmem:$0xC200] =	vst v63  }
0x28: {  	_ =	swait.ge [sflag:s17], $0x40  }
0x29: {  	[sflag:s17] =	ssyncset.done $0x0  }
0x2a: {  	[sflag:s17] =	ssyncadd.s32 $0xFFFFFFC0  }
0x2b: {  	_ =	swait.ge [sflag:s17], $0x40  }
0x2c: {  	[sflag:s17] =	ssyncset.done $0x0  }
0x2d: {  	[sflag:s17] =	ssyncadd.s32 $0xFFFFFFC0  }
0x2e: {  	[tilespmem:s19], [sflag:$0x3] =	stream.indirect.gather [hbm4b:s3+s18], $0x80, s16, s18, $0xb8;
	[tilespmem:$0xC200] =	vst v63  }
0x2f: {  	v3 =	vld [tilespmem:$0x0];
	_ =	sdelay $0x4  }
0x30: {  	v4 =	vshll.u32 v3, $0x1  }
0x31: {  	v3 =	vand.u32 $0x7, v3;
	v4 =	vand.u32 $0xFFFFFFF0, v4  }
0x32: {  	v3 =	vor.u32 v3, v4  }
0x33: {  	v4 =	vperm.xlane v3, v0;
	_ =	sdelay $0x1  }
0x34: {  	v3 =	vperm.xlane v3, v2;
	v4 =	vadd.s32 v1, v4;
	_ =	sdelay $0x1  }
0x35: {  	v3 =	vadd.s32 v1, v3;
	_ =	sdelay $0x2  }
0x36: {  	[tilespmem:s20], [sflag:$0x3] =	stream.indirect_vreg.gather [hbm4b:s4+s2], $0x80, v4, vm0, $0xb8;
	[tilespmem:$0xC200] =	vst v63  }
0x37: {  	_ = 	snop  }
0x38: {  	[tilespmem:s21], [sflag:$0x3] =	stream.indirect_vreg.gather [hbm4b:s4+s2], $0x80, v3, vm0, $0xb8;
	[tilespmem:$0xC200] =	vst v63  }
0x39: {  	v3 =	vld [tilespmem:$0x10];
	_ =	sdelay $0x4  }
0x3a: {  	v61 =	vshll.u32 v3, $0x1  }
0x3b: {  	v3 =	vand.u32 $0x7, v3;
	v4 =	vand.u32 $0xFFFFFFF0, v61  }
0x3c: {  	v3 =	vor.u32 v3, v4  }
0x3d: {  	v4 =	vperm.xlane v3, v0;
	_ =	sdelay $0x1  }
0x3e: {  	v3 =	vperm.xlane v3, v2;
	v4 =	vadd.s32 v1, v4;
	_ =	sdelay $0x1  }
0x3f: {  	v3 =	vadd.s32 v1, v3;
	_ =	sdelay $0x2  }
0x40: {  	[tilespmem:s22], [sflag:$0x3] =	stream.indirect_vreg.gather [hbm4b:s4+s2], $0x80, v4, vm0, $0xb8;
	[tilespmem:$0xC200] =	vst v63  }
0x41: {  	_ = 	snop  }
0x42: {  	[tilespmem:s23], [sflag:$0x3] =	stream.indirect_vreg.gather [hbm4b:s4+s2], $0x80, v3, vm0, $0xb8;
	[tilespmem:$0xC200] =	vst v63  }
0x43: {  	v3 =	vld [tilespmem:$0x20];
	_ =	sdelay $0x4  }
0x44: {  	v62 =	vshll.u32 v3, $0x1  }
0x45: {  	v3 =	vand.u32 $0x7, v3;
	v4 =	vand.u32 $0xFFFFFFF0, v62  }
0x46: {  	v3 =	vor.u32 v3, v4  }
0x47: {  	v4 =	vperm.xlane v3, v0;
	_ =	sdelay $0x1  }
0x48: {  	v3 =	vperm.xlane v3, v2;
	v4 =	vadd.s32 v1, v4;
	_ =	sdelay $0x1  }
0x49: {  	v3 =	vadd.s32 v1, v3;
	_ =	sdelay $0x2  }
0x4a: {  	[tilespmem:s24], [sflag:$0x3] =	stream.indirect_vreg.gather [hbm4b:s4+s2], $0x80, v4, vm0, $0xb8;
	[tilespmem:$0xC200] =	vst v63  }
0x4b: {  	_ = 	snop  }
0x4c: {  	[tilespmem:s6], [sflag:$0x3] =	stream.indirect_vreg.gather [hbm4b:s4+s2], $0x80, v3, vm0, $0xb8;
	[tilespmem:$0xC200] =	vst v63  }
0x4d: {  	v3 =	vld [tilespmem:$0x30];
	_ =	sdelay $0x4  }
0x4e: {  	v63 =	vshll.u32 v3, $0x1  }
0x4f: {  	v3 =	vand.u32 $0x7, v3;
	v4 =	vand.u32 $0xFFFFFFF0, v63  }
0x50: {  	v3 =	vor.u32 v3, v4  }
0x51: {  	v4 =	vperm.xlane v3, v0;
	_ =	sdelay $0x1  }
0x52: {  	v3 =	vperm.xlane v3, v2;
	v4 =	vadd.s32 v1, v4;
	_ =	sdelay $0x1  }
0x53: {  	v3 =	vadd.s32 v1, v3  }
0x54: {  	s15 =	rddreg [dreg:$0x11]  }
0x55: {  	s21 =	rddreg [dreg:$0x10]  }
0x56: {  	[tilespmem:s7], [sflag:$0x3] =	stream.indirect_vreg.gather [hbm4b:s4+s2], $0x80, v4, vm0, $0xb8;
	[tilespmem:$0xC200] =	vst v63  }
0x57: {  	s10 =	simm.s32 $0x8A00;
	s23 =	rddreg [dreg:$0x9]  }
0x58: {  	[tilespmem:s8], [sflag:$0x3] =	stream.indirect_vreg.gather [hbm4b:s4+s2], $0x80, v3, vm0, $0xb8;
	[tilespmem:$0xC200] =	vst v63  }
0x59: {  	s22 =	simm.s32 $0x0;
	s24 =	rddreg [dreg:$0xa];
	s6 =	simm.s32 $0x6A00  }
0x5a: {  	[tilespmem:s9], [sflag:$0x2] =	stream.linear.gather [hbm4b:s23+s2], $0x40, $0x38;
	[tilespmem:$0xC200] =	vst v63  }
0x5b: {  	s7 =	simm.s32 $0x7200;
	s8 =	simm.s32 $0x7A00;
	s9 =	simm.s32 $0x100  }
0x5c: {  	[tilespmem:s30], [sflag:$0x2] =	stream.linear.gather [hbm4b:s24+s2], $0x40, $0x38;
	[tilespmem:$0xC200] =	vst v63  }
.LBB2_2:
0x5d: {  	_ =	swait.ge [sflag:s31], $0x2000  }
0x5e: {  	[sflag:s31] =	ssyncset.done $0x0  }
0x5f: {  	[sflag:s31] =	ssyncadd.s32 $0xFFFFE000  }
0x60: {  	_ =	swait.ge [sflag:s31], $0x4000  }
0x61: {  	[sflag:s31] =	ssyncset.done $0x0  }
0x62: {  	s23 =	sadd.s32 $0xFFFFFC00, s15;
	[sflag:s31] =	ssyncadd.s32 $0xFFFFC000  }
0x63: {  	[hbm4b:s23+s2] =	stream.linear.scatter [tilespmem:s19], [sflag:$0x5], $0x2000, $0x38;
	[tilespmem:$0xC200] =	vst v63  }
0x64: {  	s24 =	sadd.s32 $0xFFFFF800, s21  }
0x65: {  	[hbm4b:s24+s2] =	stream.linear.scatter [tilespmem:s20], [sflag:$0x5], $0x4000, $0x38;
	[tilespmem:$0xC200] =	vst v63  }
0x66: {  	_ =	swait.ge [sflag:s0], $0x40  }
0x67: {  	[sflag:s0] =	ssyncset.done $0x0  }
0x68: {  	[sflag:s0] =	ssyncadd.s32 $0xFFFFFFC0  }
0x69: {  	_ =	swait.ge [sflag:s0], $0x40  }
0x6a: {  	p0 =	seq.s32 s22, $0x0;
	[sflag:s0] =	ssyncset.done $0x0  }
0x6b: {  	s23 =	simm.s32 @!p0 $0x6;
	[sflag:s0] =	ssyncadd.s32 $0xFFFFFFC0  }
0x6c: {  	_ =	swait.ge @!p0 [sflag:s23], $0x2000  }
0x6d: {  	[sflag:s23] =	ssyncset.done @!p0 $0x0  }
0x6e: {  	[sflag:s23] =	ssyncadd.s32 @!p0 $0xFFFFE000  }
0x6f: {  	_ =	swait.ge @!p0 [sflag:s23], $0x4000  }
0x70: {  	[sflag:s23] =	ssyncset.done @!p0 $0x0  }
0x71: {  	[sflag:s23] =	ssyncadd.s32 @!p0 $0xFFFFC000  }
0x72: {  	[tilespmem:s1], [sflag:$0x4] =	stream.indirect.gather [hbm4b:s3+s18], $0x80, s30, s18, $0xb8;
	[tilespmem:$0xC200] =	vst v63  }
0x73: {  	v3 =	vld [tilespmem:$0x100];
	_ =	sdelay $0x4  }
0x74: {  	v4 =	vshll.u32 v3, $0x1  }
0x75: {  	v3 =	vand.u32 $0x7, v3;
	v4 =	vand.u32 $0xFFFFFFF0, v4  }
0x76: {  	v3 =	vor.u32 v3, v4  }
0x77: {  	v4 =	vperm.xlane v3, v0;
	_ =	sdelay $0x1  }
0x78: {  	v3 =	vperm.xlane v3, v2;
	v4 =	vadd.s32 v1, v4;
	_ =	sdelay $0x1  }
0x79: {  	v3 =	vadd.s32 v1, v3;
	_ =	sdelay $0x2  }
0x7a: {  	[tilespmem:s5], [sflag:$0x4] =	stream.indirect_vreg.gather [hbm4b:s4+s2], $0x80, v4, vm0, $0xb8;
	[tilespmem:$0xC200] =	vst v63  }
0x7b: {  	_ = 	snop  }
0x7c: {  	[tilespmem:s10], [sflag:$0x4] =	stream.indirect_vreg.gather [hbm4b:s4+s2], $0x80, v3, vm0, $0xb8;
	[tilespmem:$0xC200] =	vst v63  }
0x7d: {  	v3 =	vld [tilespmem:$0x110];
	_ =	sdelay $0x4  }
0x7e: {  	v57 =	vshll.u32 v3, $0x1  }
0x7f: {  	v3 =	vand.u32 $0x7, v3;
	v4 =	vand.u32 $0xFFFFFFF0, v57  }
0x80: {  	v3 =	vor.u32 v3, v4  }
0x81: {  	v4 =	vperm.xlane v3, v0;
	_ =	sdelay $0x1  }
0x82: {  	v3 =	vperm.xlane v3, v2;
	v4 =	vadd.s32 v1, v4;
	_ =	sdelay $0x1  }
0x83: {  	v3 =	vadd.s32 v1, v3;
	_ =	sdelay $0x2  }
0x84: {  	[tilespmem:s11], [sflag:$0x4] =	stream.indirect_vreg.gather [hbm4b:s4+s2], $0x80, v4, vm0, $0xb8;
	[tilespmem:$0xC200] =	vst v63  }
0x85: {  	_ = 	snop  }
0x86: {  	[tilespmem:s12], [sflag:$0x4] =	stream.indirect_vreg.gather [hbm4b:s4+s2], $0x80, v3, vm0, $0xb8;
	[tilespmem:$0xC200] =	vst v63  }
0x87: {  	v3 =	vld [tilespmem:$0x120];
	_ =	sdelay $0x4  }
0x88: {  	v58 =	vshll.u32 v3, $0x1  }
0x89: {  	v3 =	vand.u32 $0x7, v3;
	v4 =	vand.u32 $0xFFFFFFF0, v58  }
0x8a: {  	v3 =	vor.u32 v3, v4  }
0x8b: {  	v4 =	vperm.xlane v3, v0;
	_ =	sdelay $0x1  }
0x8c: {  	v3 =	vperm.xlane v3, v2;
	v4 =	vadd.s32 v1, v4;
	_ =	sdelay $0x1  }
0x8d: {  	v3 =	vadd.s32 v1, v3;
	_ =	sdelay $0x1  }
0x8e: {  	s24 =	simm.s32 $0xA200  }
0x8f: {  	[tilespmem:s24], [sflag:$0x4] =	stream.indirect_vreg.gather [hbm4b:s4+s2], $0x80, v4, vm0, $0xb8;
	[tilespmem:$0xC200] =	vst v63  }
0x90: {  	s24 =	simm.s32 $0xAA00  }
0x91: {  	[tilespmem:s24], [sflag:$0x4] =	stream.indirect_vreg.gather [hbm4b:s4+s2], $0x80, v3, vm0, $0xb8;
	[tilespmem:$0xC200] =	vst v63  }
0x92: {  	v3 =	vld [tilespmem:$0x130];
	_ =	sdelay $0x4  }
0x93: {  	v59 =	vshll.u32 v3, $0x1  }
0x94: {  	v3 =	vand.u32 $0x7, v3;
	v4 =	vand.u32 $0xFFFFFFF0, v59  }
0x95: {  	v3 =	vor.u32 v3, v4  }
0x96: {  	v4 =	vperm.xlane v3, v0;
	_ =	sdelay $0x1  }
0x97: {  	v3 =	vperm.xlane v3, v2;
	v4 =	vadd.s32 v1, v4;
	_ =	sdelay $0x1  }
0x98: {  	v3 =	vadd.s32 v1, v3;
	_ =	sdelay $0x1  }
0x99: {  	s24 =	simm.s32 $0xB200  }
0x9a: {  	[tilespmem:s24], [sflag:$0x4] =	stream.indirect_vreg.gather [hbm4b:s4+s2], $0x80, v4, vm0, $0xb8;
	[tilespmem:$0xC200] =	vst v63  }
0x9b: {  	s23 =	rddreg [dreg:$0x6];
	s24 =	simm.s32 $0xBA00  }
0x9c: {  	[tilespmem:s24], [sflag:$0x4] =	stream.indirect_vreg.gather [hbm4b:s4+s2], $0x80, v3, vm0, $0xb8;
	[tilespmem:$0xC200] =	vst v63  }
0x9d: {  	s23 =	sadd.s32 s22, s23;
	s24 =	rddreg [dreg:$0x5]  }
0x9e: {  	[tilespmem:s2], [sflag:$0x1] =	stream.linear.gather [hbm4b:s23+s2], $0x40, $0x38;
	[tilespmem:$0xC200] =	vst v63  }
0x9f: {  	s24 =	sadd.s32 s22, s24  }
0xa0: {  	[tilespmem:s16], [sflag:$0x1] =	stream.linear.gather [hbm4b:s24+s2], $0x40, $0x38;
	[tilespmem:$0xC200] =	vst v63  }
0xa1: {  	_ =	swait.ge [sflag:s13], $0x2000  }
0xa2: {  	[sflag:s13] =	ssyncset.done $0x0  }
0xa3: {  	[sflag:s13] =	ssyncadd.s32 $0xFFFFE000  }
0xa4: {  	_ =	swait.ge [sflag:s13], $0x4000  }
0xa5: {  	[sflag:s13] =	ssyncset.done $0x0  }
0xa6: {  	[sflag:s13] =	ssyncadd.s32 $0xFFFFC000  }
0xa7: {  	[hbm4b:s15+s2] =	stream.linear.scatter [tilespmem:s1], [sflag:$0x6], $0x2000, $0x38;
	[tilespmem:$0xC200] =	vst v63  }
0xa8: {  	_ = 	snop  }
0xa9: {  	[hbm4b:s21+s2] =	stream.linear.scatter [tilespmem:s5], [sflag:$0x6], $0x4000, $0x38;
	[tilespmem:$0xC200] =	vst v63  }
0xaa: {  	_ =	swait.ge [sflag:s17], $0x40  }
0xab: {  	[sflag:s17] =	ssyncset.done $0x0  }
0xac: {  	[sflag:s17] =	ssyncadd.s32 $0xFFFFFFC0  }
0xad: {  	_ =	swait.ge [sflag:s17], $0x40  }
0xae: {  	[sflag:s17] =	ssyncset.done $0x0  }
0xaf: {  	[sflag:s17] =	ssyncadd.s32 $0xFFFFFFC0  }
0xb0: {  	_ =	swait.ge [sflag:s14], $0x2000  }
0xb1: {  	[sflag:s14] =	ssyncset.done $0x0  }
0xb2: {  	[sflag:s14] =	ssyncadd.s32 $0xFFFFE000  }
0xb3: {  	_ =	swait.ge [sflag:s14], $0x4000  }
0xb4: {  	[sflag:s14] =	ssyncset.done $0x0  }
0xb5: {  	[sflag:s14] =	ssyncadd.s32 $0xFFFFC000  }
0xb6: {  	[tilespmem:s19], [sflag:$0x3] =	stream.indirect.gather [hbm4b:s3+s18], $0x80, s16, s18, $0xb8;
	[tilespmem:$0xC200] =	vst v63  }
0xb7: {  	v3 =	vld [tilespmem:$0x0];
	_ =	sdelay $0x4  }
0xb8: {  	v60 =	vshll.u32 v3, $0x1  }
0xb9: {  	v3 =	vand.u32 $0x7, v3;
	v4 =	vand.u32 $0xFFFFFFF0, v60  }
0xba: {  	v3 =	vor.u32 v3, v4  }
0xbb: {  	v4 =	vperm.xlane v3, v0;
	_ =	sdelay $0x1  }
0xbc: {  	v3 =	vperm.xlane v3, v2;
	v4 =	vadd.s32 v1, v4;
	_ =	sdelay $0x1  }
0xbd: {  	v3 =	vadd.s32 v1, v3;
	_ =	sdelay $0x2  }
0xbe: {  	[tilespmem:s20], [sflag:$0x3] =	stream.indirect_vreg.gather [hbm4b:s4+s2], $0x80, v4, vm0, $0xb8;
	[tilespmem:$0xC200] =	vst v63  }
0xbf: {  	_ = 	snop  }
0xc0: {  	[tilespmem:s25], [sflag:$0x3] =	stream.indirect_vreg.gather [hbm4b:s4+s2], $0x80, v3, vm0, $0xb8;
	[tilespmem:$0xC200] =	vst v63  }
0xc1: {  	v3 =	vld [tilespmem:$0x10];
	_ =	sdelay $0x4  }
0xc2: {  	v61 =	vshll.u32 v3, $0x1  }
0xc3: {  	v3 =	vand.u32 $0x7, v3;
	v4 =	vand.u32 $0xFFFFFFF0, v61  }
0xc4: {  	v3 =	vor.u32 v3, v4  }
0xc5: {  	v4 =	vperm.xlane v3, v0;
	_ =	sdelay $0x1  }
0xc6: {  	v3 =	vperm.xlane v3, v2;
	v4 =	vadd.s32 v1, v4;
	_ =	sdelay $0x1  }
0xc7: {  	v3 =	vadd.s32 v1, v3;
	_ =	sdelay $0x2  }
0xc8: {  	[tilespmem:s26], [sflag:$0x3] =	stream.indirect_vreg.gather [hbm4b:s4+s2], $0x80, v4, vm0, $0xb8;
	[tilespmem:$0xC200] =	vst v63  }
0xc9: {  	_ = 	snop  }
0xca: {  	[tilespmem:s28], [sflag:$0x3] =	stream.indirect_vreg.gather [hbm4b:s4+s2], $0x80, v3, vm0, $0xb8;
	[tilespmem:$0xC200] =	vst v63  }
0xcb: {  	v3 =	vld [tilespmem:$0x20];
	_ =	sdelay $0x4  }
0xcc: {  	v62 =	vshll.u32 v3, $0x1  }
0xcd: {  	v3 =	vand.u32 $0x7, v3;
	v4 =	vand.u32 $0xFFFFFFF0, v62  }
0xce: {  	v3 =	vor.u32 v3, v4  }
0xcf: {  	v4 =	vperm.xlane v3, v0;
	_ =	sdelay $0x1  }
0xd0: {  	v3 =	vperm.xlane v3, v2;
	v4 =	vadd.s32 v1, v4;
	_ =	sdelay $0x1  }
0xd1: {  	v3 =	vadd.s32 v1, v3;
	_ =	sdelay $0x2  }
0xd2: {  	[tilespmem:s29], [sflag:$0x3] =	stream.indirect_vreg.gather [hbm4b:s4+s2], $0x80, v4, vm0, $0xb8;
	[tilespmem:$0xC200] =	vst v63  }
0xd3: {  	_ = 	snop  }
0xd4: {  	[tilespmem:s6], [sflag:$0x3] =	stream.indirect_vreg.gather [hbm4b:s4+s2], $0x80, v3, vm0, $0xb8;
	[tilespmem:$0xC200] =	vst v63  }
0xd5: {  	v3 =	vld [tilespmem:$0x30];
	_ =	sdelay $0x4  }
0xd6: {  	v63 =	vshll.u32 v3, $0x1  }
0xd7: {  	v3 =	vand.u32 $0x7, v3;
	v4 =	vand.u32 $0xFFFFFFF0, v63  }
0xd8: {  	v3 =	vor.u32 v3, v4  }
0xd9: {  	v4 =	vperm.xlane v3, v0;
	_ =	sdelay $0x1  }
0xda: {  	v3 =	vperm.xlane v3, v2;
	v4 =	vadd.s32 v1, v4;
	_ =	sdelay $0x1  }
0xdb: {  	s23 =	rddreg [dreg:$0x4];
	v3 =	vadd.s32 v1, v3  }
0xdc: {  	s24 =	rddreg [dreg:$0x3]  }
0xdd: {  	s23 =	sadd.s32 s22, s23;
	s24 =	sadd.s32 s22, s24;
	s22 =	sadd.s32 $0x10, s22  }
0xde: {  	[tilespmem:s7], [sflag:$0x3] =	stream.indirect_vreg.gather [hbm4b:s4+s2], $0x80, v4, vm0, $0xb8;
	[tilespmem:$0xC200] =	vst v63  }
0xdf: {  	p0 =	sne.s32 s22, $0x130  }
0xe0: {  	[tilespmem:s8], [sflag:$0x3] =	stream.indirect_vreg.gather [hbm4b:s4+s2], $0x80, v3, vm0, $0xb8;
	[tilespmem:$0xC200] =	vst v63  }
.Ltmp0:
0xe1: {  	_ = 	snop;
	(pc) =	sbr.rel @p0 .LBB2_2-.Ltmp0, $4  }
0xe2: {  	_ = 	snop  }
0xe3: {  	[tilespmem:s9], [sflag:$0x2] =	stream.linear.gather [hbm4b:s23+s2], $0x40, $0x38;
	[tilespmem:$0xC200] =	vst v63  }
0xe4: {  	s15 =	sadd.s32 $0x800, s15;
	s21 =	sadd.s32 $0x1000, s21  }
0xe5: {  	[tilespmem:s30], [sflag:$0x2] =	stream.linear.gather [hbm4b:s24+s2], $0x40, $0x38;
	[tilespmem:$0xC200] =	vst v63  }
0xe6: {  	_ =	swait.ge [sflag:s31], $0x2000  }
0xe7: {  	[sflag:s31] =	ssyncset.done $0x0  }
0xe8: {  	[sflag:s31] =	ssyncadd.s32 $0xFFFFE000  }
0xe9: {  	_ =	swait.ge [sflag:s31], $0x4000  }
0xea: {  	[sflag:s31] =	ssyncset.done $0x0  }
0xeb: {  	s15 =	rddreg [dreg:$0xb];
	[sflag:s31] =	ssyncadd.s32 $0xFFFFC000  }
0xec: {  	[hbm4b:s15+s2] =	stream.linear.scatter [tilespmem:s19], [sflag:$0x5], $0x2000, $0x38;
	[tilespmem:$0xC200] =	vst v63  }
0xed: {  	s8 =	rddreg [dreg:$0xc]  }
0xee: {  	[hbm4b:s8+s2] =	stream.linear.scatter [tilespmem:s20], [sflag:$0x5], $0x4000, $0x38;
	[tilespmem:$0xC200] =	vst v63  }
0xef: {  	_ =	swait.ge [sflag:s0], $0x40  }
0xf0: {  	[sflag:s0] =	ssyncset.done $0x0  }
0xf1: {  	[sflag:s0] =	ssyncadd.s32 $0xFFFFFFC0  }
0xf2: {  	_ =	swait.ge [sflag:s0], $0x40  }
0xf3: {  	[sflag:s0] =	ssyncset.done $0x0  }
0xf4: {  	s6 =	simm.s32 $0x6;
	[sflag:s0] =	ssyncadd.s32 $0xFFFFFFC0  }
0xf5: {  	_ =	swait.ge [sflag:s6], $0x2000  }
0xf6: {  	[sflag:s6] =	ssyncset.done $0x0  }
0xf7: {  	[sflag:s6] =	ssyncadd.s32 $0xFFFFE000  }
0xf8: {  	_ =	swait.ge [sflag:s6], $0x4000  }
0xf9: {  	[sflag:s6] =	ssyncset.done $0x0  }
0xfa: {  	[sflag:s6] =	ssyncadd.s32 $0xFFFFC000  }
0xfb: {  	[tilespmem:s1], [sflag:$0x4] =	stream.indirect.gather [hbm4b:s3+s18], $0x80, s30, s18, $0xb8;
	[tilespmem:$0xC200] =	vst v63  }
0xfc: {  	v3 =	vld [tilespmem:$0x100];
	_ =	sdelay $0x4  }
0xfd: {  	v4 =	vshll.u32 v3, $0x1  }
0xfe: {  	v3 =	vand.u32 $0x7, v3;
	v4 =	vand.u32 $0xFFFFFFF0, v4  }
0xff: {  	v3 =	vor.u32 v3, v4  }
0x100: {  	v4 =	vperm.xlane v3, v0;
	_ =	sdelay $0x1  }
0x101: {  	v3 =	vperm.xlane v3, v2;
	v4 =	vadd.s32 v1, v4;
	_ =	sdelay $0x1  }
0x102: {  	v3 =	vadd.s32 v1, v3;
	_ =	sdelay $0x2  }
0x103: {  	[tilespmem:s5], [sflag:$0x4] =	stream.indirect_vreg.gather [hbm4b:s4+s2], $0x80, v4, vm0, $0xb8;
	[tilespmem:$0xC200] =	vst v63  }
0x104: {  	_ = 	snop  }
0x105: {  	[tilespmem:s10], [sflag:$0x4] =	stream.indirect_vreg.gather [hbm4b:s4+s2], $0x80, v3, vm0, $0xb8;
	[tilespmem:$0xC200] =	vst v63  }
0x106: {  	v3 =	vld [tilespmem:$0x110];
	_ =	sdelay $0x4  }
0x107: {  	v61 =	vshll.u32 v3, $0x1  }
0x108: {  	v3 =	vand.u32 $0x7, v3;
	v4 =	vand.u32 $0xFFFFFFF0, v61  }
0x109: {  	v3 =	vor.u32 v3, v4  }
0x10a: {  	v4 =	vperm.xlane v3, v0;
	_ =	sdelay $0x1  }
0x10b: {  	v3 =	vperm.xlane v3, v2;
	v4 =	vadd.s32 v1, v4;
	_ =	sdelay $0x1  }
0x10c: {  	v3 =	vadd.s32 v1, v3;
	_ =	sdelay $0x2  }
0x10d: {  	[tilespmem:s11], [sflag:$0x4] =	stream.indirect_vreg.gather [hbm4b:s4+s2], $0x80, v4, vm0, $0xb8;
	[tilespmem:$0xC200] =	vst v63  }
0x10e: {  	_ = 	snop  }
0x10f: {  	[tilespmem:s12], [sflag:$0x4] =	stream.indirect_vreg.gather [hbm4b:s4+s2], $0x80, v3, vm0, $0xb8;
	[tilespmem:$0xC200] =	vst v63  }
0x110: {  	v3 =	vld [tilespmem:$0x120];
	_ =	sdelay $0x4  }
0x111: {  	v62 =	vshll.u32 v3, $0x1  }
0x112: {  	v3 =	vand.u32 $0x7, v3;
	v4 =	vand.u32 $0xFFFFFFF0, v62  }
0x113: {  	v3 =	vor.u32 v3, v4  }
0x114: {  	v4 =	vperm.xlane v3, v0;
	_ =	sdelay $0x1  }
0x115: {  	v3 =	vperm.xlane v3, v2;
	v4 =	vadd.s32 v1, v4;
	_ =	sdelay $0x1  }
0x116: {  	v3 =	vadd.s32 v1, v3;
	_ =	sdelay $0x1  }
0x117: {  	s7 =	simm.s32 $0xA200  }
0x118: {  	[tilespmem:s7], [sflag:$0x4] =	stream.indirect_vreg.gather [hbm4b:s4+s2], $0x80, v4, vm0, $0xb8;
	[tilespmem:$0xC200] =	vst v63  }
0x119: {  	s9 =	simm.s32 $0xAA00  }
0x11a: {  	[tilespmem:s9], [sflag:$0x4] =	stream.indirect_vreg.gather [hbm4b:s4+s2], $0x80, v3, vm0, $0xb8;
	[tilespmem:$0xC200] =	vst v63  }
0x11b: {  	v3 =	vld [tilespmem:$0x130];
	_ =	sdelay $0x4  }
0x11c: {  	v63 =	vshll.u32 v3, $0x1  }
0x11d: {  	v3 =	vand.u32 $0x7, v3;
	v4 =	vand.u32 $0xFFFFFFF0, v63  }
0x11e: {  	v3 =	vor.u32 v3, v4  }
0x11f: {  	v4 =	vperm.xlane v3, v0;
	_ =	sdelay $0x1  }
0x120: {  	v3 =	vperm.xlane v3, v2;
	v4 =	vadd.s32 v1, v4;
	_ =	sdelay $0x1  }
0x121: {  	v3 =	vadd.s32 v1, v3;
	_ =	sdelay $0x1  }
0x122: {  	s10 =	simm.s32 $0xB200  }
0x123: {  	[tilespmem:s10], [sflag:$0x4] =	stream.indirect_vreg.gather [hbm4b:s4+s2], $0x80, v4, vm0, $0xb8;
	[tilespmem:$0xC200] =	vst v63  }
0x124: {  	s15 =	simm.s32 $0xBA00  }
0x125: {  	[tilespmem:s15], [sflag:$0x4] =	stream.indirect_vreg.gather [hbm4b:s4+s2], $0x80, v3, vm0, $0xb8;
	[tilespmem:$0xC200] =	vst v63  }
0x126: {  	_ =	swait.ge [sflag:s13], $0x2000  }
0x127: {  	[sflag:s13] =	ssyncset.done $0x0  }
0x128: {  	[sflag:s13] =	ssyncadd.s32 $0xFFFFE000  }
0x129: {  	_ =	swait.ge [sflag:s13], $0x4000  }
0x12a: {  	[sflag:s13] =	ssyncset.done $0x0  }
0x12b: {  	s21 =	rddreg [dreg:$0xd];
	[sflag:s13] =	ssyncadd.s32 $0xFFFFC000  }
0x12c: {  	[hbm4b:s21+s2] =	stream.linear.scatter [tilespmem:s1], [sflag:$0x6], $0x2000, $0x38;
	[tilespmem:$0xC200] =	vst v63  }
0x12d: {  	s22 =	rddreg [dreg:$0xe]  }
0x12e: {  	[hbm4b:s22+s2] =	stream.linear.scatter [tilespmem:s5], [sflag:$0x6], $0x4000, $0x38;
	[tilespmem:$0xC200] =	vst v63  }
0x12f: {  	_ =	swait.ge [sflag:s14], $0x2000  }
0x130: {  	[sflag:s14] =	ssyncset.done $0x0  }
0x131: {  	[sflag:s14] =	ssyncadd.s32 $0xFFFFE000  }
0x132: {  	_ =	swait.ge [sflag:s14], $0x4000  }
0x133: {  	[sflag:s14] =	ssyncset.done $0x0  }
0x134: {  	[sflag:s14] =	ssyncadd.s32 $0xFFFFC000  }
0x135: {  	_ =	swait.ge [sflag:s6], $0x2000  }
0x136: {  	[sflag:s6] =	ssyncset.done $0x0  }
0x137: {  	[sflag:s6] =	ssyncadd.s32 $0xFFFFE000  }
0x138: {  	_ =	swait.ge [sflag:s6], $0x4000  }
0x139: {  	s23 =	rddreg [dreg:$0x12]  }
0x13a: {  	s24 =	rddreg [dreg:$0xf];
	s10 =	sadd.s32 $0x1, s23  }
0x13b: {  	p0 =	sne.s32 s10, s24  }
.Ltmp1:
0x13c: {  	_ = 	snop;
	(pc) =	sbr.rel @p0 .LBB2_1-.Ltmp1, $4  }
0x13d: {  	s8 =	simm.s32 $0x7A00  }
0x13e: {  	s7 =	simm.s32 $0x7200;
	s9 =	simm.s32 $0x100;
	[sflag:s6] =	ssyncset.done $0x0  }
0x13f: {  	s21 =	simm.s32 $0x4A00;
	s22 =	simm.s32 $0x5200;
	[sflag:s6] =	ssyncadd.s32 $0xFFFFC000  }
0x140: {  	s23 =	simm.s32 $0x5A00;
	s6 =	simm.s32 $0x6A00;
	s24 =	simm.s32 $0x6200  }
0x141: {  	_ =	sfence.sel $0x180000  }
0x142: {  	[bflag:$0x0] =	sbarrier.arrive $0xFFFF  }
0x143: {  	_ =	strace $0x90000047  }
0x144: {  	s0 =	stileid.u32;
	[bflag:$0x2] =	sbarrier.arrive $0xFFFF  }
0x145: {  	p0 =	sne.s32 s0, $0x0;
	s0 =	rddreg [dreg:$0x2]  }
0x146: {  	s0 =	sadd.s32 @!p0 $0x100000, s0  }
0x147: {  	[sflag:s0] =	ssyncadd.tile.s32 @!p0 $0x1;
	_ =	shalt  }
.Lfunc_end2:
_tile_overlayer_lowered:
.L_overlay_start_2:
0x148: {  	(tag) =	ssettag $0x2  }
0x149: {  	s0 =	rddreg [dreg:$0x0];
	s2 =	stileid.u32  }
0x14a: {  	s1 =	rddreg [dreg:$0x1];
	p0 =	sne.s32 s2, $0x0  }
0x14b: {  	s3 =	rddreg [dreg:$0x2];
	[bflag:$0x3] =	sbarrier.arrive $0xFFFF;
	s2 =	simm.s32 @!p0 $0x1C07  }
0x14c: {  	[timem:s3], [sflag:s2] =	dma.local @!p0 [hbm:s0], s1  }
0x14d: {  	s0 =	simm.s32 @!p0 $0x7  }
0x14e: {  	_ =	swait.ge @!p0 [sflag:s0], s1  }
0x14f: {  	s1 =	ssub.s32 @!p0 $0x0, s1;
	[sflag:s0] =	ssyncset.done @!p0 $0x0  }
0x150: {  	[sflag:s0] =	ssyncadd.s32 @!p0 s1  }
0x151: {  	[bflag:$0x3] =	sbarrier.arrive $0xFFFF  }
0x152: {  	_ =	shalt  }

// kernel: kernel.15.cloned.1.call-start
scs
__scs_entry_jumppad:
0x0: {  	(pc) =	sbr.rel $0x88, $3  }
0x1: {  	(tag) =	ssettag $0x0;
	lr =	simm.s32 $0x1  }
0x2: {  	[smem:$0x3F83] =	sst lr;
	_ =	strace $0xD0000000  }
0x3: {  	_ = 	snop  }
0x4: {  	_ = 	snop  }
0x5: {  	_ = 	snop  }
0x6: {  	_ = 	snop  }
0x7: {  	_ = 	snop  }
__scs_overlays_trampoline_lowered:
0x8: {  	[smem:$0x3F92] =	sst s0  }
0x9: {  	[smem:$0x3F93] =	sst s1  }
0xa: {  	[smem:$0x3F94] =	sst s2  }
0xb: {  	[smem:$0x3F95] =	sst s3  }
0xc: {  	[smem:$0x3F96] =	sst s4  }
0xd: {  	[smem:$0x3F97] =	sst s5  }
0xe: {  	[smem:$0x3F98] =	sst s6  }
0xf: {  	[smem:$0x3F99] =	sst s7  }
0x10: {  	[smem:$0x3F9A] =	sst s8  }
0x11: {  	[smem:$0x3F9B] =	sst s9;
	s0 =	simm.s32 @!p0 $0x0  }
0x12: {  	s1 =	sld [smem:$0x3F81];
	s0 =	simm.s32 @p0 $0x1  }
0x13: {  	[smem:$0x3F9C] =	sst s0;
	s0 =	simm.s32 @!p1 $0x0  }
0x14: {  	s2 =	sld [smem:$0x3F80];
	s0 =	simm.s32 @p1 $0x1  }
0x15: {  	[smem:$0x3F9D] =	sst s0;
	s0 =	simm.s32 @!p2 $0x0  }
0x16: {  	s3 =	sld [smem:$0x3FDB];
	s0 =	simm.s32 @p2 $0x1  }
0x17: {  	s4 =	simm.s32 $0x1BF5;
	[smem:$0x3F9F] =	sst s0  }
0x18: {  	s0 =	sld [smem:$0x3F82];
	_ =	swait.ge [sflag:s4], $0x0  }
0x19: {  	s7 =	sld [smem:$0x3F83]  }
0x1a: {  	s8 =	sadd.s32 $0xFFFFE003, lr  }
0x1b: {  	s9 =	sadd.s32 $0xFFFFFEF7, lr;
	s5 =	simm.s32 $0xFFFFFFFF;
	p2 =	slt.u32 s8, $0xFFFFF086  }
0x1c: {  	p1 =	slt.u32 s9, $0xF7A;
	s5 =	simm.s32 @!p2 $0x0  }
0x1d: {  	s5 =	simm.s32 @p1 $0x1;
	p0 =	seq.s32 s7, s2  }
0x1e: {  	s7 =	smul.u32 @!p0 $0xF7A, s2;
	p2 =	seq.s32 @!p0 s5, $0x0  }
0x1f: {  	s9 =	smul.u32 $0xF7A, s1;
	s8 =	simm.s32 @!p0 $0x1BF5;
	p2 =	por !p2, p0  }
0x20: {  	[sflag:s8] =	ssyncset.s32 @!p0 $0xFFFFF086;
	s6 =	sadd.s32 @!p0 s3, s7;
	s7 =	simm.s32 @!p0 $0x108  }
0x21: {  	s3 =	sadd.s32 s3, s9;
	s6 =	sadd.s32 @!p0 $0x88, s6;
	s7 =	simm.s32 @p2 $0x1082  }
0x22: {  	[simem:s7], [sflag:s8] =	dma.local @!p0 [hbm:s6], $0xF7A  }
0x23: {  	s9 =	sor.u32 $0xD0000000, s2;
	s6 =	simm.s32 $0x108;
	_ =	swait.ge @!p0 [sflag:s8], $0x0  }
0x24: {  	s3 =	sadd.s32 $0x88, s3;
	s6 =	simm.s32 @!p1 $0x1082;
	[sflag:s4] =	ssyncset.s32 $0xFFFFF086  }
0x25: {  	[simem:s6], [sflag:s4] =	dma.local [hbm:s3], $0xF7A  }
0x26: {  	[smem:$0x3F83] =	sst s1;
	(tag) =	ssettag s2;
	_ =	strace s9  }
0x27: {  	s1 =	sld [smem:$0x3F93]  }
0x28: {  	s2 =	sld [smem:$0x3F94]  }
0x29: {  	s4 =	sld [smem:$0x3F96]  }
0x2a: {  	p0 =	seq.s32 s5, $0x0;
	s5 =	sld [smem:$0x3F97]  }
0x2b: {  	s6 =	sld [smem:$0x3F98]  }
0x2c: {  	s7 =	sld [smem:$0x3F99]  }
0x2d: {  	s3 =	simm.s32 $0x108;
	s8 =	sld [smem:$0x3F9A]  }
0x2e: {  	s3 =	simm.s32 @!p0 $0x1082;
	s9 =	sld [smem:$0x3F9B]  }
0x2f: {  	lr =	sadd.s32 s0, s3;
	s0 =	sld [smem:$0x3F92]  }
0x30: {  	s3 =	sld [smem:$0x3F95]  }
0x31: {  	[smem:$0x3F9E] =	sst s10  }
0x32: {  	s10 =	sld [smem:$0x3F9C];
	_ =	sdelay $0x3  }
0x33: {  	p0 =	seq.s32 s10, $0x1;
	s10 =	sld [smem:$0x3F9E];
	_ =	sdelay $0x3  }
0x34: {  	[smem:$0x3F9E] =	sst s10  }
0x35: {  	s10 =	sld [smem:$0x3F9D];
	_ =	sdelay $0x3  }
0x36: {  	p1 =	seq.s32 s10, $0x1;
	s10 =	sld [smem:$0x3F9E];
	_ =	sdelay $0x3  }
0x37: {  	[smem:$0x3F9E] =	sst s10  }
0x38: {  	s10 =	sld [smem:$0x3F9F]  }
0x39: {  	_ = 	snop;
	(pc) =	sbr.ind lr, $3  }
0x3a: {  	_ = 	snop  }
0x3b: {  	_ = 	snop  }
0x3c: {  	p2 =	seq.s32 s10, $0x1;
	s10 =	sld [smem:$0x3F9E]  }
0x3d: {  	_ =	shalt  }
0x3e: {  	_ =	shalt  }
0x3f: {  	_ =	shalt  }
0x40: {  	_ =	shalt  }
0x41: {  	_ =	shalt  }
0x42: {  	_ =	shalt  }
0x43: {  	_ =	shalt  }
0x44: {  	_ =	shalt  }
0x45: {  	_ =	shalt  }
0x46: {  	_ =	shalt  }
0x47: {  	_ =	shalt  }
0x48: {  	_ =	shalt  }
0x49: {  	_ =	shalt  }
0x4a: {  	_ =	shalt  }
0x4b: {  	_ =	shalt  }
0x4c: {  	_ =	shalt  }
0x4d: {  	_ =	shalt  }
0x4e: {  	_ =	shalt  }
0x4f: {  	_ =	shalt  }
0x50: {  	_ =	shalt  }
0x51: {  	_ =	shalt  }
0x52: {  	_ =	shalt  }
0x53: {  	_ =	shalt  }
0x54: {  	_ =	shalt  }
0x55: {  	_ =	shalt  }
0x56: {  	_ =	shalt  }
0x57: {  	_ =	shalt  }
0x58: {  	_ =	shalt  }
0x59: {  	_ =	shalt  }
0x5a: {  	_ =	shalt  }
0x5b: {  	_ =	shalt  }
0x5c: {  	_ =	shalt  }
0x5d: {  	_ =	shalt  }
0x5e: {  	_ =	shalt  }
0x5f: {  	_ =	shalt  }
0x60: {  	_ =	shalt  }
0x61: {  	_ =	shalt  }
0x62: {  	_ =	shalt  }
0x63: {  	_ =	shalt  }
0x64: {  	_ =	shalt  }
0x65: {  	_ =	shalt  }
0x66: {  	_ =	shalt  }
0x67: {  	_ =	shalt  }
0x68: {  	_ =	shalt  }
0x69: {  	_ =	shalt  }
0x6a: {  	_ =	shalt  }
0x6b: {  	_ =	shalt  }
0x6c: {  	_ =	shalt  }
0x6d: {  	_ =	shalt  }
0x6e: {  	_ =	shalt  }
0x6f: {  	_ =	shalt  }
0x70: {  	_ =	shalt  }
0x71: {  	_ =	shalt  }
0x72: {  	_ =	shalt  }
0x73: {  	_ =	shalt  }
0x74: {  	_ =	shalt  }
0x75: {  	_ =	shalt  }
0x76: {  	_ =	shalt  }
0x77: {  	_ =	shalt  }
0x78: {  	_ =	shalt  }
0x79: {  	_ =	shalt  }
0x7a: {  	_ =	shalt  }
0x7b: {  	_ =	shalt  }
0x7c: {  	_ =	shalt  }
0x7d: {  	_ =	shalt  }
0x7e: {  	_ =	shalt  }
0x7f: {  	_ =	shalt  }
0x80: {  	_ =	shalt  }
0x81: {  	_ =	shalt  }
0x82: {  	_ =	shalt  }
0x83: {  	_ =	shalt  }
0x84: {  	_ =	shalt  }
0x85: {  	_ =	shalt  }
0x86: {  	_ =	shalt  }
0x87: {  	_ =	shalt  }
.Lfunc_end0:
.L_simem_size_0:
called_computation.1_lowered:
.L_overlay_start_0:
0x88: {  	s2 =	sld [smem:$0x3FD9]  }
0x89: {  	s3 =	sld [smem:$0x3FFE];
	_ =	sdelay $0x1  }
0x8a: {  	s1 =	srdreg.scid  }
0x8b: {  	s0 =	sand.u32 $0x1, s1  }
0x8c: {  	s15 =	sshll.u32 s0, $0xA;
	s2 =	sadd.s32 s3, s2  }
0x8d: {  	s2 =	sadd.s32 s2, s15  }
0x8e: {  	[smem:$0x3FAA] =	sst s2  }
0x8f: {  	_ = 	snop  }
0x90: {  	s2 =	sld [smem:$0x3FD0];
	_ =	sdelay $0x2  }
0x91: {  	s16 =	simm.s32 $0xD;
	s4 =	simm.s32 $0x10  }
0x92: {  	[smem:s4], [sflag:s16] =	dma.local [hbm:s2], $0x1  }
0x93: {  	_ =	swait.eq [sflag:s16], $0x1  }
0x94: {  	[sflag:s16] =	ssyncset.done $0x0  }
0x95: {  	[sflag:s16] =	ssyncadd.s32 $0xFFFFFFFF  }
0x96: {  	s17 =	sld [smem:$0x11];
	(tm) =	ssettm $0x1  }
0x97: {  	s18 =	sld [smem:$0x3FFB];
	_ =	sdelay $0x3  }
0x98: {  	_ =	strace s18  }
0x99: {  	s2 =	sld [smem:$0x3FFC];
	_ =	sdelay $0x3  }
0x9a: {  	_ =	strace s2  }
0x9b: {  	s2 =	sld [smem:$0x3FFD];
	_ =	sdelay $0x3  }
0x9c: {  	_ =	strace s2  }
0x9d: {  	_ =	strace $0x8FFFFFFF  }
0x9e: {  	s19 =	sld [smem:$0x3FDB];
	_ =	sdelay $0x1  }
0x9f: {  	s20 =	simm.s32 $_scs_section_size  }
0xa0: {  	s5 =	simm.s32 $_size__tile_overlayer_lowered;
	s6 =	simm.s32 $_tile_overlayer_lowered  }
0xa1: {  	s7 =	simm.s32 $0x1BFF;
	s21 =	sshll.u32 s6, $0x1;
	s4 =	sadd.s32 s20, s19  }
0xa2: {  	s22 =	simm.s32 $0x0;
	s5 =	sshll.u32 s5, $0x1;
	s6 =	sadd.s32 s21, s4  }
0xa3: {  	[timem:s22], [sflag:s7] =	dma.local [hbm:s6], s5  }
0xa4: {  	_ =	swait.ge [sflag:s7], s5  }
0xa5: {  	s5 =	ssub.s32 $0x0, s5;
	[sflag:s7] =	ssyncset.done $0x0  }
0xa6: {  	[sflag:s7] =	ssyncadd.s32 s5;
	_ =	sdelay $0x1  }
0xa7: {  	s23 =	simm.s32 $0x1B8B  }
0xa8: {  	_ =	swait.ge [sflag:s23], $0x1  }
0xa9: {  	[sflag:s23] =	ssyncset.done $0x0  }
0xaa: {  	[sflag:s23] =	ssyncadd.s32 $0xFFFFFFFF  }
0xab: {  	s5 =	sld [smem:$0x0]  }
0xac: {  	s6 =	sand.u32 $0xFFFFFFFE, s1  }
0xad: {  	p0 =	sne.s32 s1, s6  }
0xae: {  	s6 =	sshll.u32 @p0 s6, $0xE  }
0xaf: {  	s6 =	sadd.s32 @p0 $0x11B8D, s6;
	s7 =	sshll.u32 @p0 s5, $0x11  }
0xb0: {  	s6 =	sor.u32 @p0 s7, s6  }
0xb1: {  	[sflag:s6] =	ssyncadd.remote.s32 @p0 $0x1;
	_ =	sdelay $0x1  }
0xb2: {  	s6 =	simm.s32 @p0 $0x1B8D  }
0xb3: {  	_ =	swait.eq @p0 [sflag:s6], $0x1  }
0xb4: {  	[sflag:s6] =	ssyncadd.s32 @p0 $0xFFFFFFFF  }
0xb5: {  	s7 =	sshll.u32 @!p0 s1, $0xE  }
0xb6: {  	s7 =	sor.u32 @!p0 $0x4000, s7;
	s6 =	simm.s32 @!p0 $0x1B8D  }
0xb7: {  	s5 =	sshll.u32 @!p0 s5, $0x11;
	s7 =	sadd.s32 @!p0 $0x11B8D, s7;
	_ =	swait.eq @!p0 [sflag:s6], $0x1  }
0xb8: {  	s5 =	sor.u32 @!p0 s5, s7;
	[sflag:s6] =	ssyncadd.s32 @!p0 $0xFFFFFFFF  }
0xb9: {  	s25 =	simm.s32 $0x1B8E;
	s24 =	sld [smem:$0x3FFE];
	[sflag:s5] =	ssyncadd.remote.s32 @!p0 $0x1  }
0xba: {  	s26 =	simm.s32 $execute0_lowered;
	[smem:$0x3FD2] =	sst s25  }
0xbb: {  	s6 =	sshll.u32 s26, $0x1;
	_ =	strace $0x80000049;
	[dreg:$0x1] =	wrdreg $0xFFFFFFFF  }
0xbc: {  	s28 =	simm.s32 $_size_execute0_lowered;
	s4 =	sadd.s32 s4, s6;
	[dreg:$0x0] =	wrdreg $0x0  }
0xbd: {  	s6 =	sshll.u32 s28, $0x1;
	[dreg:$0x2] =	wrdreg s4  }
0xbe: {  	[dreg:$0x3] =	wrdreg s6  }
0xbf: {  	[dreg:$0x4] =	wrdreg $0xC0  }
0xc0: {  	_ =	task [dreg:s22], $0x5FFFF  }
0xc1: {  	[dreg:$0x1] =	wrdreg $0xFFFFFFFF  }
0xc2: {  	[dreg:$0x0] =	wrdreg $0x60  }
0xc3: {  	[dreg:$0x2] =	wrdreg s24  }
0xc4: {  	[dreg:$0x3] =	wrdreg s17  }
0xc5: {  	[dreg:$0x4] =	wrdreg $0xA  }
0xc6: {  	_ =	task.clear_ibuf [dreg:s22], $0x5FFFF;
	_ =	strace $0x90000049  }
0xc7: {  	s29 =	simm.s32 $0xA;
	_ =	strace $0x8000004B  }
0xc8: {  	_ =	swait.ge [sflag:s29], $0x1  }
0xc9: {  	[sflag:s29] =	ssyncadd.s32 $0xFFFFFFFF  }
0xca: {  	_ =	strace $0x9000004B  }
0xcb: {  	_ =	sfence  }
0xcc: {  	s30 =	sld [smem:$0x0];
	_ =	sdelay $0x2  }
0xcd: {  	s31 =	sshll.u32 s1, $0xD;
	s1 =	sshrl.u32 s1, $0x2  }
0xce: {  	s4 =	sand.u32 $0x4000, s31;
	s1 =	sadd.s32 s1, s30  }
0xcf: {  	s0 =	sor.u32 s4, s0;
	s1 =	sshll.u32 s1, $0x11  }
0xd0: {  	s0 =	sor.u32 s1, s0  }
0xd1: {  	s0 =	sadd.s32 $0x8F2B, s0  }
0xd2: {  	[sflag:s0] =	ssyncadd.remote.s32 $0x1  }
0xd3: {  	_ =	sfence.sel $0xFFFF  }
0xd4: {  	[dreg:$0x0] =	wrdreg $0xFFFFFFFF;
	(pc) =	sbr.abs _section_cstart, $3  }
0xd5: {  	[dreg:$0x1] =	wrdreg $0xFFFFFFFF  }
0xd6: {  	_ =	task.clear_ibuf [dreg:s22], $0x2FFFF;
	_ =	strace $0x9FFFFFFF  }
0xd7: {  	(tm) =	ssettm $0x7FFFFFFF  }
tec
execute0_lowered:
.L_overlay_start_1:
0x0: {  	(tag) =	ssettag $0x1  }
0x1: {  	s0 =	rddreg [dreg:$0x0]  }
0x2: {  	s1 =	rddreg [dreg:$0x1];
	s3 =	srdreg.scid  }
0x3: {  	s15 =	stileid.u32;
	s2 =	simm.s32 $0x0;
	s30 =	simm.s32 $0x180  }
0x4: {  	s31 =	simm.s32 $0x3;
	s28 =	simm.s32 $0x5A00;
	s12 =	smul.u32 $0x1400, s15  }
0x5: {  	s29 =	simm.s32 $0x6200;
	s5 =	sand.u32 $0x1, s3;
	s22 =	smul.u32 $0x28000, s15  }
0x6: {  	s23 =	sshll.u32 s15, $0x1;
	[smem:$0x7FF] =	sst s2;
	s14 =	smul.u32 $0xA00, s5  }
0x7: {  	s3 =	sadd.s32 $0xAD800, s0;
	s4 =	sor.u32 s5, s23;
	s23 =	smul.u32 $0x14000, s5  }
0x8: {  	s9 =	sadd.s32 $0x495800, s0;
	s8 =	ssub.s32 $0x2, s5;
	s5 =	smul.u32 $0xA000, s5  }
0x9: {  	s7 =	sadd.s32 $0x5B000, s0;
	_ =	strace $0x8000004A;
	s6 =	smul.u32 $0xA00, s4  }
0xa: {  	s4 =	sadd.s32 $0x5D800, s0;
	s10 =	sshrl.u32 s8, $0x1;
	s0 =	sadd.s32 $0x5D5800, s0  }
0xb: {  	s8 =	ssub.s32 s8, s10;
	s11 =	sshrl.u32 s6, $0x3;
	s26 =	sadd.s32 $0x980, s6  }
0xc: {  	s6 =	sadd.s32 $0x9C0, s6;
	s19 =	smax.u32 s8, $0x1;
	s8 =	simm.s32 $0x7A00  }
0xd: {  	s24 =	sadd.s32 s1, s11;
	s25 =	sadd.s32 s7, s11;
	s11 =	sor.u32 $0x8, s11  }
0xe: {  	s13 =	sshll.u32 s26, $0x4;
	s10 =	sshll.u32 s26, $0x5;
	[dreg:$0xf] =	wrdreg s19  }
0xf: {  	s17 =	sshll.u32 s6, $0x4;
	s6 =	sshll.u32 s6, $0x5;
	[dreg:$0x7] =	wrdreg s24  }
0x10: {  	s19 =	simm.s32 $0x200;
	[dreg:$0x8] =	wrdreg s25;
	s16 =	sadd.s32 s1, s11  }
0x11: {  	s11 =	sadd.s32 s7, s11;
	s13 =	sadd.s32 s9, s13;
	[dreg:$0x9] =	wrdreg s16  }
0x12: {  	s10 =	sadd.s32 s0, s10;
	s6 =	sadd.s32 s0, s6;
	[dreg:$0xa] =	wrdreg s11  }
0x13: {  	s24 =	smul.u32 $0x14000, s15;
	s0 =	sadd.s32 s22, s0;
	[dreg:$0xb] =	wrdreg s13  }
0x14: {  	s22 =	simm.s32 $0x5200;
	s16 =	sadd.s32 s14, s12;
	[dreg:$0xc] =	wrdreg s10  }
0x15: {  	s10 =	sadd.s32 s9, s17;
	[dreg:$0xe] =	wrdreg s6;
	s0 =	sadd.s32 s23, s0  }
0x16: {  	s17 =	simm.s32 $0x1;
	s23 =	simm.s32 $0x5A00;
	s13 =	simm.s32 $0x4  }
0x17: {  	s14 =	simm.s32 $0x5;
	s11 =	simm.s32 $0x9200;
	s12 =	sor.u32 $0xC0, s16  }
0x18: {  	[dreg:$0xd] =	wrdreg s10;
	s21 =	sor.u32 $0x80, s16;
	s25 =	sadd.s32 s24, s9  }
0x19: {  	s0 =	sadd.s32 $0x800, s0;
	s16 =	simm.s32 $0x80;
	s24 =	simm.s32 $0x6200  }
0x1a: {  	s9 =	simm.s32 $0x100;
	s18 =	sshrl.u32 s12, $0x3;
	s6 =	sshrl.u32 s21, $0x3  }
0x1b: {  	[dreg:$0x10] =	wrdreg s0;
	s26 =	sadd.s32 s5, s25;
	s21 =	simm.s32 $0x4A00  }
0x1c: {  	s5 =	simm.s32 $0x8200;
	s12 =	simm.s32 $0x9A00;
	s20 =	sadd.s32 s18, s7  }
0x1d: {  	s25 =	simm.s32 $0x4A00;
	s10 =	sadd.s32 s18, s1;
	[dreg:$0x3] =	wrdreg s20  }
0x1e: {  	s7 =	sadd.s32 s6, s7;
	s1 =	sadd.s32 s6, s1;
	[dreg:$0x4] =	wrdreg s10  }
0x1f: {  	s0 =	sadd.s32 $0x400, s26;
	s18 =	simm.s32 $0x40;
	[dreg:$0x5] =	wrdreg s7  }
0x20: {  	v2 =	vlaneseq.u32;
	s6 =	simm.s32 $0x6A00;
	s26 =	simm.s32 $0x5200;
	[dreg:$0x6] =	wrdreg s1  }
0x21: {  	vm0 =	vmmov $0xffff;
	v1 =	vshrl.u32 v2, $0x3;
	[dreg:$0x11] =	wrdreg s0;
	s20 =	simm.s32 $0x4200;
	s7 =	simm.s32 $0x7200  }
0x22: {  	v0 =	vand.u32 $0x7, v2;
	v2 =	vor.u32 $0x8, v2;
	v1 =	vmul.u32 $0x8, v1;
	s0 =	simm.s32 $0x2;
	s1 =	simm.s32 $0x2200;
	s10 =	simm.s32 $0x0  }
.LBB2_1:
0x23: {  	[dreg:$0x12] =	wrdreg s10  }
0x24: {  	s15 =	rddreg [dreg:$0x7]  }
0x25: {  	[tilespmem:s2], [sflag:$0x1] =	stream.linear.gather [hbm4b:s15+s2], $0x40, $0x38;
	[tilespmem:$0xC200] =	vst v63  }
0x26: {  	s10 =	rddreg [dreg:$0x8]  }
0x27: {  	[tilespmem:s16], [sflag:$0x1] =	stream.linear.gather [hbm4b:s10+s2], $0x40, $0x38;
	[tilespmem:$0xC200] =	vst v63  }
0x28: {  	_ =	swait.ge [sflag:s17], $0x40  }
0x29: {  	[sflag:s17] =	ssyncset.done $0x0  }
0x2a: {  	[sflag:s17] =	ssyncadd.s32 $0xFFFFFFC0  }
0x2b: {  	_ =	swait.ge [sflag:s17], $0x40  }
0x2c: {  	[sflag:s17] =	ssyncset.done $0x0  }
0x2d: {  	[sflag:s17] =	ssyncadd.s32 $0xFFFFFFC0  }
0x2e: {  	[tilespmem:s19], [sflag:$0x3] =	stream.indirect.gather [hbm4b:s3+s18], $0x80, s16, s18, $0xb8;
	[tilespmem:$0xC200] =	vst v63  }
0x2f: {  	v3 =	vld [tilespmem:$0x0];
	_ =	sdelay $0x4  }
0x30: {  	v4 =	vshll.u32 v3, $0x1  }
0x31: {  	v3 =	vand.u32 $0x7, v3;
	v4 =	vand.u32 $0xFFFFFFF0, v4  }
0x32: {  	v3 =	vor.u32 v3, v4  }
0x33: {  	v4 =	vperm.xlane v3, v0;
	_ =	sdelay $0x1  }
0x34: {  	v3 =	vperm.xlane v3, v2;
	v4 =	vadd.s32 v1, v4;
	_ =	sdelay $0x1  }
0x35: {  	v3 =	vadd.s32 v1, v3;
	_ =	sdelay $0x2  }
0x36: {  	[tilespmem:s20], [sflag:$0x3] =	stream.indirect_vreg.gather [hbm4b:s4+s2], $0x80, v4, vm0, $0xb8;
	[tilespmem:$0xC200] =	vst v63  }
0x37: {  	_ = 	snop  }
0x38: {  	[tilespmem:s21], [sflag:$0x3] =	stream.indirect_vreg.gather [hbm4b:s4+s2], $0x80, v3, vm0, $0xb8;
	[tilespmem:$0xC200] =	vst v63  }
0x39: {  	v3 =	vld [tilespmem:$0x10];
	_ =	sdelay $0x4  }
0x3a: {  	v61 =	vshll.u32 v3, $0x1  }
0x3b: {  	v3 =	vand.u32 $0x7, v3;
	v4 =	vand.u32 $0xFFFFFFF0, v61  }
0x3c: {  	v3 =	vor.u32 v3, v4  }
0x3d: {  	v4 =	vperm.xlane v3, v0;
	_ =	sdelay $0x1  }
0x3e: {  	v3 =	vperm.xlane v3, v2;
	v4 =	vadd.s32 v1, v4;
	_ =	sdelay $0x1  }
0x3f: {  	v3 =	vadd.s32 v1, v3;
	_ =	sdelay $0x2  }
0x40: {  	[tilespmem:s22], [sflag:$0x3] =	stream.indirect_vreg.gather [hbm4b:s4+s2], $0x80, v4, vm0, $0xb8;
	[tilespmem:$0xC200] =	vst v63  }
0x41: {  	_ = 	snop  }
0x42: {  	[tilespmem:s23], [sflag:$0x3] =	stream.indirect_vreg.gather [hbm4b:s4+s2], $0x80, v3, vm0, $0xb8;
	[tilespmem:$0xC200] =	vst v63  }
0x43: {  	v3 =	vld [tilespmem:$0x20];
	_ =	sdelay $0x4  }
0x44: {  	v62 =	vshll.u32 v3, $0x1  }
0x45: {  	v3 =	vand.u32 $0x7, v3;
	v4 =	vand.u32 $0xFFFFFFF0, v62  }
0x46: {  	v3 =	vor.u32 v3, v4  }
0x47: {  	v4 =	vperm.xlane v3, v0;
	_ =	sdelay $0x1  }
0x48: {  	v3 =	vperm.xlane v3, v2;
	v4 =	vadd.s32 v1, v4;
	_ =	sdelay $0x1  }
0x49: {  	v3 =	vadd.s32 v1, v3;
	_ =	sdelay $0x2  }
0x4a: {  	[tilespmem:s24], [sflag:$0x3] =	stream.indirect_vreg.gather [hbm4b:s4+s2], $0x80, v4, vm0, $0xb8;
	[tilespmem:$0xC200] =	vst v63  }
0x4b: {  	_ = 	snop  }
0x4c: {  	[tilespmem:s6], [sflag:$0x3] =	stream.indirect_vreg.gather [hbm4b:s4+s2], $0x80, v3, vm0, $0xb8;
	[tilespmem:$0xC200] =	vst v63  }
0x4d: {  	v3 =	vld [tilespmem:$0x30];
	_ =	sdelay $0x4  }
0x4e: {  	v63 =	vshll.u32 v3, $0x1  }
0x4f: {  	v3 =	vand.u32 $0x7, v3;
	v4 =	vand.u32 $0xFFFFFFF0, v63  }
0x50: {  	v3 =	vor.u32 v3, v4  }
0x51: {  	v4 =	vperm.xlane v3, v0;
	_ =	sdelay $0x1  }
0x52: {  	v3 =	vperm.xlane v3, v2;
	v4 =	vadd.s32 v1, v4;
	_ =	sdelay $0x1  }
0x53: {  	v3 =	vadd.s32 v1, v3  }
0x54: {  	s15 =	rddreg [dreg:$0x11]  }
0x55: {  	s21 =	rddreg [dreg:$0x10]  }
0x56: {  	[tilespmem:s7], [sflag:$0x3] =	stream.indirect_vreg.gather [hbm4b:s4+s2], $0x80, v4, vm0, $0xb8;
	[tilespmem:$0xC200] =	vst v63  }
0x57: {  	s10 =	simm.s32 $0x8A00;
	s23 =	rddreg [dreg:$0x9]  }
0x58: {  	[tilespmem:s8], [sflag:$0x3] =	stream.indirect_vreg.gather [hbm4b:s4+s2], $0x80, v3, vm0, $0xb8;
	[tilespmem:$0xC200] =	vst v63  }
0x59: {  	s22 =	simm.s32 $0x0;
	s24 =	rddreg [dreg:$0xa];
	s6 =	simm.s32 $0x6A00  }
0x5a: {  	[tilespmem:s9], [sflag:$0x2] =	stream.linear.gather [hbm4b:s23+s2], $0x40, $0x38;
	[tilespmem:$0xC200] =	vst v63  }
0x5b: {  	s7 =	simm.s32 $0x7200;
	s8 =	simm.s32 $0x7A00;
	s9 =	simm.s32 $0x100  }
0x5c: {  	[tilespmem:s30], [sflag:$0x2] =	stream.linear.gather [hbm4b:s24+s2], $0x40, $0x38;
	[tilespmem:$0xC200] =	vst v63  }
.LBB2_2:
0x5d: {  	_ =	swait.ge [sflag:s31], $0x2000  }
0x5e: {  	[sflag:s31] =	ssyncset.done $0x0  }
0x5f: {  	[sflag:s31] =	ssyncadd.s32 $0xFFFFE000  }
0x60: {  	_ =	swait.ge [sflag:s31], $0x4000  }
0x61: {  	[sflag:s31] =	ssyncset.done $0x0  }
0x62: {  	s23 =	sadd.s32 $0xFFFFFC00, s15;
	[sflag:s31] =	ssyncadd.s32 $0xFFFFC000  }
0x63: {  	[hbm4b:s23+s2] =	stream.linear.scatter [tilespmem:s19], [sflag:$0x5], $0x2000, $0x38;
	[tilespmem:$0xC200] =	vst v63  }
0x64: {  	s24 =	sadd.s32 $0xFFFFF800, s21  }
0x65: {  	[hbm4b:s24+s2] =	stream.linear.scatter [tilespmem:s20], [sflag:$0x5], $0x4000, $0x38;
	[tilespmem:$0xC200] =	vst v63  }
0x66: {  	_ =	swait.ge [sflag:s0], $0x40  }
0x67: {  	[sflag:s0] =	ssyncset.done $0x0  }
0x68: {  	[sflag:s0] =	ssyncadd.s32 $0xFFFFFFC0  }
0x69: {  	_ =	swait.ge [sflag:s0], $0x40  }
0x6a: {  	p0 =	seq.s32 s22, $0x0;
	[sflag:s0] =	ssyncset.done $0x0  }
0x6b: {  	s23 =	simm.s32 @!p0 $0x6;
	[sflag:s0] =	ssyncadd.s32 $0xFFFFFFC0  }
0x6c: {  	_ =	swait.ge @!p0 [sflag:s23], $0x2000  }
0x6d: {  	[sflag:s23] =	ssyncset.done @!p0 $0x0  }
0x6e: {  	[sflag:s23] =	ssyncadd.s32 @!p0 $0xFFFFE000  }
0x6f: {  	_ =	swait.ge @!p0 [sflag:s23], $0x4000  }
0x70: {  	[sflag:s23] =	ssyncset.done @!p0 $0x0  }
0x71: {  	[sflag:s23] =	ssyncadd.s32 @!p0 $0xFFFFC000  }
0x72: {  	[tilespmem:s1], [sflag:$0x4] =	stream.indirect.gather [hbm4b:s3+s18], $0x80, s30, s18, $0xb8;
	[tilespmem:$0xC200] =	vst v63  }
0x73: {  	v3 =	vld [tilespmem:$0x100];
	_ =	sdelay $0x4  }
0x74: {  	v4 =	vshll.u32 v3, $0x1  }
0x75: {  	v3 =	vand.u32 $0x7, v3;
	v4 =	vand.u32 $0xFFFFFFF0, v4  }
0x76: {  	v3 =	vor.u32 v3, v4  }
0x77: {  	v4 =	vperm.xlane v3, v0;
	_ =	sdelay $0x1  }
0x78: {  	v3 =	vperm.xlane v3, v2;
	v4 =	vadd.s32 v1, v4;
	_ =	sdelay $0x1  }
0x79: {  	v3 =	vadd.s32 v1, v3;
	_ =	sdelay $0x2  }
0x7a: {  	[tilespmem:s5], [sflag:$0x4] =	stream.indirect_vreg.gather [hbm4b:s4+s2], $0x80, v4, vm0, $0xb8;
	[tilespmem:$0xC200] =	vst v63  }
0x7b: {  	_ = 	snop  }
0x7c: {  	[tilespmem:s10], [sflag:$0x4] =	stream.indirect_vreg.gather [hbm4b:s4+s2], $0x80, v3, vm0, $0xb8;
	[tilespmem:$0xC200] =	vst v63  }
0x7d: {  	v3 =	vld [tilespmem:$0x110];
	_ =	sdelay $0x4  }
0x7e: {  	v57 =	vshll.u32 v3, $0x1  }
0x7f: {  	v3 =	vand.u32 $0x7, v3;
	v4 =	vand.u32 $0xFFFFFFF0, v57  }
0x80: {  	v3 =	vor.u32 v3, v4  }
0x81: {  	v4 =	vperm.xlane v3, v0;
	_ =	sdelay $0x1  }
0x82: {  	v3 =	vperm.xlane v3, v2;
	v4 =	vadd.s32 v1, v4;
	_ =	sdelay $0x1  }
0x83: {  	v3 =	vadd.s32 v1, v3;
	_ =	sdelay $0x2  }
0x84: {  	[tilespmem:s11], [sflag:$0x4] =	stream.indirect_vreg.gather [hbm4b:s4+s2], $0x80, v4, vm0, $0xb8;
	[tilespmem:$0xC200] =	vst v63  }
0x85: {  	_ = 	snop  }
0x86: {  	[tilespmem:s12], [sflag:$0x4] =	stream.indirect_vreg.gather [hbm4b:s4+s2], $0x80, v3, vm0, $0xb8;
	[tilespmem:$0xC200] =	vst v63  }
0x87: {  	v3 =	vld [tilespmem:$0x120];
	_ =	sdelay $0x4  }
0x88: {  	v58 =	vshll.u32 v3, $0x1  }
0x89: {  	v3 =	vand.u32 $0x7, v3;
	v4 =	vand.u32 $0xFFFFFFF0, v58  }
0x8a: {  	v3 =	vor.u32 v3, v4  }
0x8b: {  	v4 =	vperm.xlane v3, v0;
	_ =	sdelay $0x1  }
0x8c: {  	v3 =	vperm.xlane v3, v2;
	v4 =	vadd.s32 v1, v4;
	_ =	sdelay $0x1  }
0x8d: {  	v3 =	vadd.s32 v1, v3;
	_ =	sdelay $0x1  }
0x8e: {  	s24 =	simm.s32 $0xA200  }
0x8f: {  	[tilespmem:s24], [sflag:$0x4] =	stream.indirect_vreg.gather [hbm4b:s4+s2], $0x80, v4, vm0, $0xb8;
	[tilespmem:$0xC200] =	vst v63  }
0x90: {  	s24 =	simm.s32 $0xAA00  }
0x91: {  	[tilespmem:s24], [sflag:$0x4] =	stream.indirect_vreg.gather [hbm4b:s4+s2], $0x80, v3, vm0, $0xb8;
	[tilespmem:$0xC200] =	vst v63  }
0x92: {  	v3 =	vld [tilespmem:$0x130];
	_ =	sdelay $0x4  }
0x93: {  	v59 =	vshll.u32 v3, $0x1  }
0x94: {  	v3 =	vand.u32 $0x7, v3;
	v4 =	vand.u32 $0xFFFFFFF0, v59  }
0x95: {  	v3 =	vor.u32 v3, v4  }
0x96: {  	v4 =	vperm.xlane v3, v0;
	_ =	sdelay $0x1  }
0x97: {  	v3 =	vperm.xlane v3, v2;
	v4 =	vadd.s32 v1, v4;
	_ =	sdelay $0x1  }
0x98: {  	v3 =	vadd.s32 v1, v3;
	_ =	sdelay $0x1  }
0x99: {  	s24 =	simm.s32 $0xB200  }
0x9a: {  	[tilespmem:s24], [sflag:$0x4] =	stream.indirect_vreg.gather [hbm4b:s4+s2], $0x80, v4, vm0, $0xb8;
	[tilespmem:$0xC200] =	vst v63  }
0x9b: {  	s23 =	rddreg [dreg:$0x6];
	s24 =	simm.s32 $0xBA00  }
0x9c: {  	[tilespmem:s24], [sflag:$0x4] =	stream.indirect_vreg.gather [hbm4b:s4+s2], $0x80, v3, vm0, $0xb8;
	[tilespmem:$0xC200] =	vst v63  }
0x9d: {  	s23 =	sadd.s32 s22, s23;
	s24 =	rddreg [dreg:$0x5]  }
0x9e: {  	[tilespmem:s2], [sflag:$0x1] =	stream.linear.gather [hbm4b:s23+s2], $0x40, $0x38;
	[tilespmem:$0xC200] =	vst v63  }
0x9f: {  	s24 =	sadd.s32 s22, s24  }
0xa0: {  	[tilespmem:s16], [sflag:$0x1] =	stream.linear.gather [hbm4b:s24+s2], $0x40, $0x38;
	[tilespmem:$0xC200] =	vst v63  }
0xa1: {  	_ =	swait.ge [sflag:s13], $0x2000  }
0xa2: {  	[sflag:s13] =	ssyncset.done $0x0  }
0xa3: {  	[sflag:s13] =	ssyncadd.s32 $0xFFFFE000  }
0xa4: {  	_ =	swait.ge [sflag:s13], $0x4000  }
0xa5: {  	[sflag:s13] =	ssyncset.done $0x0  }
0xa6: {  	[sflag:s13] =	ssyncadd.s32 $0xFFFFC000  }
0xa7: {  	[hbm4b:s15+s2] =	stream.linear.scatter [tilespmem:s1], [sflag:$0x6], $0x2000, $0x38;
	[tilespmem:$0xC200] =	vst v63  }
0xa8: {  	_ = 	snop  }
0xa9: {  	[hbm4b:s21+s2] =	stream.linear.scatter [tilespmem:s5], [sflag:$0x6], $0x4000, $0x38;
	[tilespmem:$0xC200] =	vst v63  }
0xaa: {  	_ =	swait.ge [sflag:s17], $0x40  }
0xab: {  	[sflag:s17] =	ssyncset.done $0x0  }
0xac: {  	[sflag:s17] =	ssyncadd.s32 $0xFFFFFFC0  }
0xad: {  	_ =	swait.ge [sflag:s17], $0x40  }
0xae: {  	[sflag:s17] =	ssyncset.done $0x0  }
0xaf: {  	[sflag:s17] =	ssyncadd.s32 $0xFFFFFFC0  }
0xb0: {  	_ =	swait.ge [sflag:s14], $0x2000  }
0xb1: {  	[sflag:s14] =	ssyncset.done $0x0  }
0xb2: {  	[sflag:s14] =	ssyncadd.s32 $0xFFFFE000  }
0xb3: {  	_ =	swait.ge [sflag:s14], $0x4000  }
0xb4: {  	[sflag:s14] =	ssyncset.done $0x0  }
0xb5: {  	[sflag:s14] =	ssyncadd.s32 $0xFFFFC000  }
0xb6: {  	[tilespmem:s19], [sflag:$0x3] =	stream.indirect.gather [hbm4b:s3+s18], $0x80, s16, s18, $0xb8;
	[tilespmem:$0xC200] =	vst v63  }
0xb7: {  	v3 =	vld [tilespmem:$0x0];
	_ =	sdelay $0x4  }
0xb8: {  	v60 =	vshll.u32 v3, $0x1  }
0xb9: {  	v3 =	vand.u32 $0x7, v3;
	v4 =	vand.u32 $0xFFFFFFF0, v60  }
0xba: {  	v3 =	vor.u32 v3, v4  }
0xbb: {  	v4 =	vperm.xlane v3, v0;
	_ =	sdelay $0x1  }
0xbc: {  	v3 =	vperm.xlane v3, v2;
	v4 =	vadd.s32 v1, v4;
	_ =	sdelay $0x1  }
0xbd: {  	v3 =	vadd.s32 v1, v3;
	_ =	sdelay $0x2  }
0xbe: {  	[tilespmem:s20], [sflag:$0x3] =	stream.indirect_vreg.gather [hbm4b:s4+s2], $0x80, v4, vm0, $0xb8;
	[tilespmem:$0xC200] =	vst v63  }
0xbf: {  	_ = 	snop  }
0xc0: {  	[tilespmem:s25], [sflag:$0x3] =	stream.indirect_vreg.gather [hbm4b:s4+s2], $0x80, v3, vm0, $0xb8;
	[tilespmem:$0xC200] =	vst v63  }
0xc1: {  	v3 =	vld [tilespmem:$0x10];
	_ =	sdelay $0x4  }
0xc2: {  	v61 =	vshll.u32 v3, $0x1  }
0xc3: {  	v3 =	vand.u32 $0x7, v3;
	v4 =	vand.u32 $0xFFFFFFF0, v61  }
0xc4: {  	v3 =	vor.u32 v3, v4  }
0xc5: {  	v4 =	vperm.xlane v3, v0;
	_ =	sdelay $0x1  }
0xc6: {  	v3 =	vperm.xlane v3, v2;
	v4 =	vadd.s32 v1, v4;
	_ =	sdelay $0x1  }
0xc7: {  	v3 =	vadd.s32 v1, v3;
	_ =	sdelay $0x2  }
0xc8: {  	[tilespmem:s26], [sflag:$0x3] =	stream.indirect_vreg.gather [hbm4b:s4+s2], $0x80, v4, vm0, $0xb8;
	[tilespmem:$0xC200] =	vst v63  }
0xc9: {  	_ = 	snop  }
0xca: {  	[tilespmem:s28], [sflag:$0x3] =	stream.indirect_vreg.gather [hbm4b:s4+s2], $0x80, v3, vm0, $0xb8;
	[tilespmem:$0xC200] =	vst v63  }
0xcb: {  	v3 =	vld [tilespmem:$0x20];
	_ =	sdelay $0x4  }
0xcc: {  	v62 =	vshll.u32 v3, $0x1  }
0xcd: {  	v3 =	vand.u32 $0x7, v3;
	v4 =	vand.u32 $0xFFFFFFF0, v62  }
0xce: {  	v3 =	vor.u32 v3, v4  }
0xcf: {  	v4 =	vperm.xlane v3, v0;
	_ =	sdelay $0x1  }
0xd0: {  	v3 =	vperm.xlane v3, v2;
	v4 =	vadd.s32 v1, v4;
	_ =	sdelay $0x1  }
0xd1: {  	v3 =	vadd.s32 v1, v3;
	_ =	sdelay $0x2  }
0xd2: {  	[tilespmem:s29], [sflag:$0x3] =	stream.indirect_vreg.gather [hbm4b:s4+s2], $0x80, v4, vm0, $0xb8;
	[tilespmem:$0xC200] =	vst v63  }
0xd3: {  	_ = 	snop  }
0xd4: {  	[tilespmem:s6], [sflag:$0x3] =	stream.indirect_vreg.gather [hbm4b:s4+s2], $0x80, v3, vm0, $0xb8;
	[tilespmem:$0xC200] =	vst v63  }
0xd5: {  	v3 =	vld [tilespmem:$0x30];
	_ =	sdelay $0x4  }
0xd6: {  	v63 =	vshll.u32 v3, $0x1  }
0xd7: {  	v3 =	vand.u32 $0x7, v3;
	v4 =	vand.u32 $0xFFFFFFF0, v63  }
0xd8: {  	v3 =	vor.u32 v3, v4  }
0xd9: {  	v4 =	vperm.xlane v3, v0;
	_ =	sdelay $0x1  }
0xda: {  	v3 =	vperm.xlane v3, v2;
	v4 =	vadd.s32 v1, v4;
	_ =	sdelay $0x1  }
0xdb: {  	s23 =	rddreg [dreg:$0x4];
	v3 =	vadd.s32 v1, v3  }
0xdc: {  	s24 =	rddreg [dreg:$0x3]  }
0xdd: {  	s23 =	sadd.s32 s22, s23;
	s24 =	sadd.s32 s22, s24;
	s22 =	sadd.s32 $0x10, s22  }
0xde: {  	[tilespmem:s7], [sflag:$0x3] =	stream.indirect_vreg.gather [hbm4b:s4+s2], $0x80, v4, vm0, $0xb8;
	[tilespmem:$0xC200] =	vst v63  }
0xdf: {  	p0 =	sne.s32 s22, $0x130  }
0xe0: {  	[tilespmem:s8], [sflag:$0x3] =	stream.indirect_vreg.gather [hbm4b:s4+s2], $0x80, v3, vm0, $0xb8;
	[tilespmem:$0xC200] =	vst v63  }
.Ltmp0:
0xe1: {  	_ = 	snop;
	(pc) =	sbr.rel @p0 .LBB2_2-.Ltmp0, $4  }
0xe2: {  	_ = 	snop  }
0xe3: {  	[tilespmem:s9], [sflag:$0x2] =	stream.linear.gather [hbm4b:s23+s2], $0x40, $0x38;
	[tilespmem:$0xC200] =	vst v63  }
0xe4: {  	s15 =	sadd.s32 $0x800, s15;
	s21 =	sadd.s32 $0x1000, s21  }
0xe5: {  	[tilespmem:s30], [sflag:$0x2] =	stream.linear.gather [hbm4b:s24+s2], $0x40, $0x38;
	[tilespmem:$0xC200] =	vst v63  }
0xe6: {  	_ =	swait.ge [sflag:s31], $0x2000  }
0xe7: {  	[sflag:s31] =	ssyncset.done $0x0  }
0xe8: {  	[sflag:s31] =	ssyncadd.s32 $0xFFFFE000  }
0xe9: {  	_ =	swait.ge [sflag:s31], $0x4000  }
0xea: {  	[sflag:s31] =	ssyncset.done $0x0  }
0xeb: {  	s15 =	rddreg [dreg:$0xb];
	[sflag:s31] =	ssyncadd.s32 $0xFFFFC000  }
0xec: {  	[hbm4b:s15+s2] =	stream.linear.scatter [tilespmem:s19], [sflag:$0x5], $0x2000, $0x38;
	[tilespmem:$0xC200] =	vst v63  }
0xed: {  	s8 =	rddreg [dreg:$0xc]  }
0xee: {  	[hbm4b:s8+s2] =	stream.linear.scatter [tilespmem:s20], [sflag:$0x5], $0x4000, $0x38;
	[tilespmem:$0xC200] =	vst v63  }
0xef: {  	_ =	swait.ge [sflag:s0], $0x40  }
0xf0: {  	[sflag:s0] =	ssyncset.done $0x0  }
0xf1: {  	[sflag:s0] =	ssyncadd.s32 $0xFFFFFFC0  }
0xf2: {  	_ =	swait.ge [sflag:s0], $0x40  }
0xf3: {  	[sflag:s0] =	ssyncset.done $0x0  }
0xf4: {  	s6 =	simm.s32 $0x6;
	[sflag:s0] =	ssyncadd.s32 $0xFFFFFFC0  }
0xf5: {  	_ =	swait.ge [sflag:s6], $0x2000  }
0xf6: {  	[sflag:s6] =	ssyncset.done $0x0  }
0xf7: {  	[sflag:s6] =	ssyncadd.s32 $0xFFFFE000  }
0xf8: {  	_ =	swait.ge [sflag:s6], $0x4000  }
0xf9: {  	[sflag:s6] =	ssyncset.done $0x0  }
0xfa: {  	[sflag:s6] =	ssyncadd.s32 $0xFFFFC000  }
0xfb: {  	[tilespmem:s1], [sflag:$0x4] =	stream.indirect.gather [hbm4b:s3+s18], $0x80, s30, s18, $0xb8;
	[tilespmem:$0xC200] =	vst v63  }
0xfc: {  	v3 =	vld [tilespmem:$0x100];
	_ =	sdelay $0x4  }
0xfd: {  	v4 =	vshll.u32 v3, $0x1  }
0xfe: {  	v3 =	vand.u32 $0x7, v3;
	v4 =	vand.u32 $0xFFFFFFF0, v4  }
0xff: {  	v3 =	vor.u32 v3, v4  }
0x100: {  	v4 =	vperm.xlane v3, v0;
	_ =	sdelay $0x1  }
0x101: {  	v3 =	vperm.xlane v3, v2;
	v4 =	vadd.s32 v1, v4;
	_ =	sdelay $0x1  }
0x102: {  	v3 =	vadd.s32 v1, v3;
	_ =	sdelay $0x2  }
0x103: {  	[tilespmem:s5], [sflag:$0x4] =	stream.indirect_vreg.gather [hbm4b:s4+s2], $0x80, v4, vm0, $0xb8;
	[tilespmem:$0xC200] =	vst v63  }
0x104: {  	_ = 	snop  }
0x105: {  	[tilespmem:s10], [sflag:$0x4] =	stream.indirect_vreg.gather [hbm4b:s4+s2], $0x80, v3, vm0, $0xb8;
	[tilespmem:$0xC200] =	vst v63  }
0x106: {  	v3 =	vld [tilespmem:$0x110];
	_ =	sdelay $0x4  }
0x107: {  	v61 =	vshll.u32 v3, $0x1  }
0x108: {  	v3 =	vand.u32 $0x7, v3;
	v4 =	vand.u32 $0xFFFFFFF0, v61  }
0x109: {  	v3 =	vor.u32 v3, v4  }
0x10a: {  	v4 =	vperm.xlane v3, v0;
	_ =	sdelay $0x1  }
0x10b: {  	v3 =	vperm.xlane v3, v2;
	v4 =	vadd.s32 v1, v4;
	_ =	sdelay $0x1  }
0x10c: {  	v3 =	vadd.s32 v1, v3;
	_ =	sdelay $0x2  }
0x10d: {  	[tilespmem:s11], [sflag:$0x4] =	stream.indirect_vreg.gather [hbm4b:s4+s2], $0x80, v4, vm0, $0xb8;
	[tilespmem:$0xC200] =	vst v63  }
0x10e: {  	_ = 	snop  }
0x10f: {  	[tilespmem:s12], [sflag:$0x4] =	stream.indirect_vreg.gather [hbm4b:s4+s2], $0x80, v3, vm0, $0xb8;
	[tilespmem:$0xC200] =	vst v63  }
0x110: {  	v3 =	vld [tilespmem:$0x120];
	_ =	sdelay $0x4  }
0x111: {  	v62 =	vshll.u32 v3, $0x1  }
0x112: {  	v3 =	vand.u32 $0x7, v3;
	v4 =	vand.u32 $0xFFFFFFF0, v62  }
0x113: {  	v3 =	vor.u32 v3, v4  }
0x114: {  	v4 =	vperm.xlane v3, v0;
	_ =	sdelay $0x1  }
0x115: {  	v3 =	vperm.xlane v3, v2;
	v4 =	vadd.s32 v1, v4;
	_ =	sdelay $0x1  }
0x116: {  	v3 =	vadd.s32 v1, v3;
	_ =	sdelay $0x1  }
0x117: {  	s7 =	simm.s32 $0xA200  }
0x118: {  	[tilespmem:s7], [sflag:$0x4] =	stream.indirect_vreg.gather [hbm4b:s4+s2], $0x80, v4, vm0, $0xb8;
	[tilespmem:$0xC200] =	vst v63  }
0x119: {  	s9 =	simm.s32 $0xAA00  }
0x11a: {  	[tilespmem:s9], [sflag:$0x4] =	stream.indirect_vreg.gather [hbm4b:s4+s2], $0x80, v3, vm0, $0xb8;
	[tilespmem:$0xC200] =	vst v63  }
0x11b: {  	v3 =	vld [tilespmem:$0x130];
	_ =	sdelay $0x4  }
0x11c: {  	v63 =	vshll.u32 v3, $0x1  }
0x11d: {  	v3 =	vand.u32 $0x7, v3;
	v4 =	vand.u32 $0xFFFFFFF0, v63  }
0x11e: {  	v3 =	vor.u32 v3, v4  }
0x11f: {  	v4 =	vperm.xlane v3, v0;
	_ =	sdelay $0x1  }
0x120: {  	v3 =	vperm.xlane v3, v2;
	v4 =	vadd.s32 v1, v4;
	_ =	sdelay $0x1  }
0x121: {  	v3 =	vadd.s32 v1, v3;
	_ =	sdelay $0x1  }
0x122: {  	s10 =	simm.s32 $0xB200  }
0x123: {  	[tilespmem:s10], [sflag:$0x4] =	stream.indirect_vreg.gather [hbm4b:s4+s2], $0x80, v4, vm0, $0xb8;
	[tilespmem:$0xC200] =	vst v63  }
0x124: {  	s15 =	simm.s32 $0xBA00  }
0x125: {  	[tilespmem:s15], [sflag:$0x4] =	stream.indirect_vreg.gather [hbm4b:s4+s2], $0x80, v3, vm0, $0xb8;
	[tilespmem:$0xC200] =	vst v63  }
0x126: {  	_ =	swait.ge [sflag:s13], $0x2000  }
0x127: {  	[sflag:s13] =	ssyncset.done $0x0  }
0x128: {  	[sflag:s13] =	ssyncadd.s32 $0xFFFFE000  }
0x129: {  	_ =	swait.ge [sflag:s13], $0x4000  }
0x12a: {  	[sflag:s13] =	ssyncset.done $0x0  }
0x12b: {  	s21 =	rddreg [dreg:$0xd];
	[sflag:s13] =	ssyncadd.s32 $0xFFFFC000  }
0x12c: {  	[hbm4b:s21+s2] =	stream.linear.scatter [tilespmem:s1], [sflag:$0x6], $0x2000, $0x38;
	[tilespmem:$0xC200] =	vst v63  }
0x12d: {  	s22 =	rddreg [dreg:$0xe]  }
0x12e: {  	[hbm4b:s22+s2] =	stream.linear.scatter [tilespmem:s5], [sflag:$0x6], $0x4000, $0x38;
	[tilespmem:$0xC200] =	vst v63  }
0x12f: {  	_ =	swait.ge [sflag:s14], $0x2000  }
0x130: {  	[sflag:s14] =	ssyncset.done $0x0  }
0x131: {  	[sflag:s14] =	ssyncadd.s32 $0xFFFFE000  }
0x132: {  	_ =	swait.ge [sflag:s14], $0x4000  }
0x133: {  	[sflag:s14] =	ssyncset.done $0x0  }
0x134: {  	[sflag:s14] =	ssyncadd.s32 $0xFFFFC000  }
0x135: {  	_ =	swait.ge [sflag:s6], $0x2000  }
0x136: {  	[sflag:s6] =	ssyncset.done $0x0  }
0x137: {  	[sflag:s6] =	ssyncadd.s32 $0xFFFFE000  }
0x138: {  	_ =	swait.ge [sflag:s6], $0x4000  }
0x139: {  	s23 =	rddreg [dreg:$0x12]  }
0x13a: {  	s24 =	rddreg [dreg:$0xf];
	s10 =	sadd.s32 $0x1, s23  }
0x13b: {  	p0 =	sne.s32 s10, s24  }
.Ltmp1:
0x13c: {  	_ = 	snop;
	(pc) =	sbr.rel @p0 .LBB2_1-.Ltmp1, $4  }
0x13d: {  	s8 =	simm.s32 $0x7A00  }
0x13e: {  	s7 =	simm.s32 $0x7200;
	s9 =	simm.s32 $0x100;
	[sflag:s6] =	ssyncset.done $0x0  }
0x13f: {  	s21 =	simm.s32 $0x4A00;
	s22 =	simm.s32 $0x5200;
	[sflag:s6] =	ssyncadd.s32 $0xFFFFC000  }
0x140: {  	s23 =	simm.s32 $0x5A00;
	s6 =	simm.s32 $0x6A00;
	s24 =	simm.s32 $0x6200  }
0x141: {  	_ =	sfence.sel $0x180000  }
0x142: {  	[bflag:$0x0] =	sbarrier.arrive $0xFFFF  }
0x143: {  	_ =	strace $0x9000004A  }
0x144: {  	s0 =	stileid.u32;
	[bflag:$0x2] =	sbarrier.arrive $0xFFFF  }
0x145: {  	p0 =	sne.s32 s0, $0x0;
	s0 =	rddreg [dreg:$0x2]  }
0x146: {  	s0 =	sadd.s32 @!p0 $0x100000, s0  }
0x147: {  	[sflag:s0] =	ssyncadd.tile.s32 @!p0 $0x1;
	_ =	shalt  }
.Lfunc_end2:
_tile_overlayer_lowered:
.L_overlay_start_2:
0x148: {  	(tag) =	ssettag $0x2  }
0x149: {  	s0 =	rddreg [dreg:$0x0];
	s2 =	stileid.u32  }
0x14a: {  	s1 =	rddreg [dreg:$0x1];
	p0 =	sne.s32 s2, $0x0  }
0x14b: {  	s3 =	rddreg [dreg:$0x2];
	[bflag:$0x3] =	sbarrier.arrive $0xFFFF;
	s2 =	simm.s32 @!p0 $0x1C07  }
0x14c: {  	[timem:s3], [sflag:s2] =	dma.local @!p0 [hbm:s0], s1  }
0x14d: {  	s0 =	simm.s32 @!p0 $0x7  }
0x14e: {  	_ =	swait.ge @!p0 [sflag:s0], s1  }
0x14f: {  	s1 =	ssub.s32 @!p0 $0x0, s1;
	[sflag:s0] =	ssyncset.done @!p0 $0x0  }
0x150: {  	[sflag:s0] =	ssyncadd.s32 @!p0 s1  }
0x151: {  	[bflag:$0x3] =	sbarrier.arrive $0xFFFF  }
0x152: {  	_ =	shalt  }

// kernel: kernel.18.cloned.1.call-start
scs
__scs_entry_jumppad:
0x0: {  	(pc) =	sbr.rel $0x88, $3  }
0x1: {  	(tag) =	ssettag $0x0;
	lr =	simm.s32 $0x1  }
0x2: {  	[smem:$0x3F83] =	sst lr;
	_ =	strace $0xD0000000  }
0x3: {  	_ = 	snop  }
0x4: {  	_ = 	snop  }
0x5: {  	_ = 	snop  }
0x6: {  	_ = 	snop  }
0x7: {  	_ = 	snop  }
__scs_overlays_trampoline_lowered:
0x8: {  	[smem:$0x3F92] =	sst s0  }
0x9: {  	[smem:$0x3F93] =	sst s1  }
0xa: {  	[smem:$0x3F94] =	sst s2  }
0xb: {  	[smem:$0x3F95] =	sst s3  }
0xc: {  	[smem:$0x3F96] =	sst s4  }
0xd: {  	[smem:$0x3F97] =	sst s5  }
0xe: {  	[smem:$0x3F98] =	sst s6  }
0xf: {  	[smem:$0x3F99] =	sst s7  }
0x10: {  	[smem:$0x3F9A] =	sst s8  }
0x11: {  	[smem:$0x3F9B] =	sst s9;
	s0 =	simm.s32 @!p0 $0x0  }
0x12: {  	s1 =	sld [smem:$0x3F81];
	s0 =	simm.s32 @p0 $0x1  }
0x13: {  	[smem:$0x3F9C] =	sst s0;
	s0 =	simm.s32 @!p1 $0x0  }
0x14: {  	s2 =	sld [smem:$0x3F80];
	s0 =	simm.s32 @p1 $0x1  }
0x15: {  	[smem:$0x3F9D] =	sst s0;
	s0 =	simm.s32 @!p2 $0x0  }
0x16: {  	s3 =	sld [smem:$0x3FDB];
	s0 =	simm.s32 @p2 $0x1  }
0x17: {  	s4 =	simm.s32 $0x1BF5;
	[smem:$0x3F9F] =	sst s0  }
0x18: {  	s0 =	sld [smem:$0x3F82];
	_ =	swait.ge [sflag:s4], $0x0  }
0x19: {  	s7 =	sld [smem:$0x3F83]  }
0x1a: {  	s8 =	sadd.s32 $0xFFFFE003, lr  }
0x1b: {  	s9 =	sadd.s32 $0xFFFFFEF7, lr;
	s5 =	simm.s32 $0xFFFFFFFF;
	p2 =	slt.u32 s8, $0xFFFFF086  }
0x1c: {  	p1 =	slt.u32 s9, $0xF7A;
	s5 =	simm.s32 @!p2 $0x0  }
0x1d: {  	s5 =	simm.s32 @p1 $0x1;
	p0 =	seq.s32 s7, s2  }
0x1e: {  	s7 =	smul.u32 @!p0 $0xF7A, s2;
	p2 =	seq.s32 @!p0 s5, $0x0  }
0x1f: {  	s9 =	smul.u32 $0xF7A, s1;
	s8 =	simm.s32 @!p0 $0x1BF5;
	p2 =	por !p2, p0  }
0x20: {  	[sflag:s8] =	ssyncset.s32 @!p0 $0xFFFFF086;
	s6 =	sadd.s32 @!p0 s3, s7;
	s7 =	simm.s32 @!p0 $0x108  }
0x21: {  	s3 =	sadd.s32 s3, s9;
	s6 =	sadd.s32 @!p0 $0x88, s6;
	s7 =	simm.s32 @p2 $0x1082  }
0x22: {  	[simem:s7], [sflag:s8] =	dma.local @!p0 [hbm:s6], $0xF7A  }
0x23: {  	s9 =	sor.u32 $0xD0000000, s2;
	s6 =	simm.s32 $0x108;
	_ =	swait.ge @!p0 [sflag:s8], $0x0  }
0x24: {  	s3 =	sadd.s32 $0x88, s3;
	s6 =	simm.s32 @!p1 $0x1082;
	[sflag:s4] =	ssyncset.s32 $0xFFFFF086  }
0x25: {  	[simem:s6], [sflag:s4] =	dma.local [hbm:s3], $0xF7A  }
0x26: {  	[smem:$0x3F83] =	sst s1;
	(tag) =	ssettag s2;
	_ =	strace s9  }
0x27: {  	s1 =	sld [smem:$0x3F93]  }
0x28: {  	s2 =	sld [smem:$0x3F94]  }
0x29: {  	s4 =	sld [smem:$0x3F96]  }
0x2a: {  	p0 =	seq.s32 s5, $0x0;
	s5 =	sld [smem:$0x3F97]  }
0x2b: {  	s6 =	sld [smem:$0x3F98]  }
0x2c: {  	s7 =	sld [smem:$0x3F99]  }
0x2d: {  	s3 =	simm.s32 $0x108;
	s8 =	sld [smem:$0x3F9A]  }
0x2e: {  	s3 =	simm.s32 @!p0 $0x1082;
	s9 =	sld [smem:$0x3F9B]  }
0x2f: {  	lr =	sadd.s32 s0, s3;
	s0 =	sld [smem:$0x3F92]  }
0x30: {  	s3 =	sld [smem:$0x3F95]  }
0x31: {  	[smem:$0x3F9E] =	sst s10  }
0x32: {  	s10 =	sld [smem:$0x3F9C];
	_ =	sdelay $0x3  }
0x33: {  	p0 =	seq.s32 s10, $0x1;
	s10 =	sld [smem:$0x3F9E];
	_ =	sdelay $0x3  }
0x34: {  	[smem:$0x3F9E] =	sst s10  }
0x35: {  	s10 =	sld [smem:$0x3F9D];
	_ =	sdelay $0x3  }
0x36: {  	p1 =	seq.s32 s10, $0x1;
	s10 =	sld [smem:$0x3F9E];
	_ =	sdelay $0x3  }
0x37: {  	[smem:$0x3F9E] =	sst s10  }
0x38: {  	s10 =	sld [smem:$0x3F9F]  }
0x39: {  	_ = 	snop;
	(pc) =	sbr.ind lr, $3  }
0x3a: {  	_ = 	snop  }
0x3b: {  	_ = 	snop  }
0x3c: {  	p2 =	seq.s32 s10, $0x1;
	s10 =	sld [smem:$0x3F9E]  }
0x3d: {  	_ =	shalt  }
0x3e: {  	_ =	shalt  }
0x3f: {  	_ =	shalt  }
0x40: {  	_ =	shalt  }
0x41: {  	_ =	shalt  }
0x42: {  	_ =	shalt  }
0x43: {  	_ =	shalt  }
0x44: {  	_ =	shalt  }
0x45: {  	_ =	shalt  }
0x46: {  	_ =	shalt  }
0x47: {  	_ =	shalt  }
0x48: {  	_ =	shalt  }
0x49: {  	_ =	shalt  }
0x4a: {  	_ =	shalt  }
0x4b: {  	_ =	shalt  }
0x4c: {  	_ =	shalt  }
0x4d: {  	_ =	shalt  }
0x4e: {  	_ =	shalt  }
0x4f: {  	_ =	shalt  }
0x50: {  	_ =	shalt  }
0x51: {  	_ =	shalt  }
0x52: {  	_ =	shalt  }
0x53: {  	_ =	shalt  }
0x54: {  	_ =	shalt  }
0x55: {  	_ =	shalt  }
0x56: {  	_ =	shalt  }
0x57: {  	_ =	shalt  }
0x58: {  	_ =	shalt  }
0x59: {  	_ =	shalt  }
0x5a: {  	_ =	shalt  }
0x5b: {  	_ =	shalt  }
0x5c: {  	_ =	shalt  }
0x5d: {  	_ =	shalt  }
0x5e: {  	_ =	shalt  }
0x5f: {  	_ =	shalt  }
0x60: {  	_ =	shalt  }
0x61: {  	_ =	shalt  }
0x62: {  	_ =	shalt  }
0x63: {  	_ =	shalt  }
0x64: {  	_ =	shalt  }
0x65: {  	_ =	shalt  }
0x66: {  	_ =	shalt  }
0x67: {  	_ =	shalt  }
0x68: {  	_ =	shalt  }
0x69: {  	_ =	shalt  }
0x6a: {  	_ =	shalt  }
0x6b: {  	_ =	shalt  }
0x6c: {  	_ =	shalt  }
0x6d: {  	_ =	shalt  }
0x6e: {  	_ =	shalt  }
0x6f: {  	_ =	shalt  }
0x70: {  	_ =	shalt  }
0x71: {  	_ =	shalt  }
0x72: {  	_ =	shalt  }
0x73: {  	_ =	shalt  }
0x74: {  	_ =	shalt  }
0x75: {  	_ =	shalt  }
0x76: {  	_ =	shalt  }
0x77: {  	_ =	shalt  }
0x78: {  	_ =	shalt  }
0x79: {  	_ =	shalt  }
0x7a: {  	_ =	shalt  }
0x7b: {  	_ =	shalt  }
0x7c: {  	_ =	shalt  }
0x7d: {  	_ =	shalt  }
0x7e: {  	_ =	shalt  }
0x7f: {  	_ =	shalt  }
0x80: {  	_ =	shalt  }
0x81: {  	_ =	shalt  }
0x82: {  	_ =	shalt  }
0x83: {  	_ =	shalt  }
0x84: {  	_ =	shalt  }
0x85: {  	_ =	shalt  }
0x86: {  	_ =	shalt  }
0x87: {  	_ =	shalt  }
.Lfunc_end0:
.L_simem_size_0:
called_computation.2_lowered:
.L_overlay_start_0:
0x88: {  	s2 =	sld [smem:$0x3FD9]  }
0x89: {  	s3 =	sld [smem:$0x3FFE];
	_ =	sdelay $0x1  }
0x8a: {  	s1 =	srdreg.scid  }
0x8b: {  	s0 =	sand.u32 $0x1, s1  }
0x8c: {  	s17 =	sshll.u32 s0, $0xA;
	s2 =	sadd.s32 s3, s2  }
0x8d: {  	s2 =	sadd.s32 s2, s17  }
0x8e: {  	[smem:$0x3FAA] =	sst s2  }
0x8f: {  	_ = 	snop  }
0x90: {  	(tm) =	ssettm $0x1  }
0x91: {  	s18 =	sld [smem:$0x3FFB];
	_ =	sdelay $0x3  }
0x92: {  	_ =	strace s18  }
0x93: {  	s2 =	sld [smem:$0x3FFC];
	_ =	sdelay $0x3  }
0x94: {  	_ =	strace s2  }
0x95: {  	s2 =	sld [smem:$0x3FFD];
	_ =	sdelay $0x3  }
0x96: {  	_ =	strace s2  }
0x97: {  	_ =	strace $0x8FFFFFFF  }
0x98: {  	s19 =	sld [smem:$0x3FDB];
	_ =	sdelay $0x1  }
0x99: {  	s20 =	simm.s32 $_scs_section_size  }
0x9a: {  	s4 =	simm.s32 $_size__tile_overlayer_lowered;
	s5 =	simm.s32 $_tile_overlayer_lowered  }
0x9b: {  	s6 =	simm.s32 $0x1BFF;
	s21 =	sshll.u32 s5, $0x1;
	s3 =	sadd.s32 s20, s19  }
0x9c: {  	s22 =	simm.s32 $0x0;
	s4 =	sshll.u32 s4, $0x1;
	s5 =	sadd.s32 s21, s3  }
0x9d: {  	[timem:s22], [sflag:s6] =	dma.local [hbm:s5], s4  }
0x9e: {  	_ =	swait.ge [sflag:s6], s4  }
0x9f: {  	s4 =	ssub.s32 $0x0, s4;
	[sflag:s6] =	ssyncset.done $0x0  }
0xa0: {  	[sflag:s6] =	ssyncadd.s32 s4;
	_ =	sdelay $0x1  }
0xa1: {  	s23 =	simm.s32 $0x1B8B  }
0xa2: {  	_ =	swait.ge [sflag:s23], $0x1  }
0xa3: {  	[sflag:s23] =	ssyncset.done $0x0  }
0xa4: {  	[sflag:s23] =	ssyncadd.s32 $0xFFFFFFFF  }
0xa5: {  	s4 =	sld [smem:$0x0]  }
0xa6: {  	s5 =	sand.u32 $0xFFFFFFFE, s1  }
0xa7: {  	p0 =	sne.s32 s1, s5  }
0xa8: {  	s5 =	sshll.u32 @p0 s5, $0xE  }
0xa9: {  	s5 =	sadd.s32 @p0 $0x11B8D, s5;
	s6 =	sshll.u32 @p0 s4, $0x11  }
0xaa: {  	s5 =	sor.u32 @p0 s6, s5  }
0xab: {  	[sflag:s5] =	ssyncadd.remote.s32 @p0 $0x1;
	_ =	sdelay $0x1  }
0xac: {  	s5 =	simm.s32 @p0 $0x1B8D  }
0xad: {  	_ =	swait.eq @p0 [sflag:s5], $0x1  }
0xae: {  	[sflag:s5] =	ssyncadd.s32 @p0 $0xFFFFFFFF  }
0xaf: {  	s6 =	sshll.u32 @!p0 s1, $0xE  }
0xb0: {  	s6 =	sor.u32 @!p0 $0x4000, s6;
	s5 =	simm.s32 @!p0 $0x1B8D  }
0xb1: {  	s4 =	sshll.u32 @!p0 s4, $0x11;
	s6 =	sadd.s32 @!p0 $0x11B8D, s6;
	_ =	swait.eq @!p0 [sflag:s5], $0x1  }
0xb2: {  	s4 =	sor.u32 @!p0 s4, s6;
	[sflag:s5] =	ssyncadd.s32 @!p0 $0xFFFFFFFF  }
0xb3: {  	s25 =	simm.s32 $0x1B8E;
	s24 =	sld [smem:$0x3FFE];
	[sflag:s4] =	ssyncadd.remote.s32 @!p0 $0x1  }
0xb4: {  	s26 =	simm.s32 $execute0_lowered;
	[smem:$0x3FD2] =	sst s25  }
0xb5: {  	s5 =	sshll.u32 s26, $0x1;
	_ =	strace $0x8000004C;
	[dreg:$0x1] =	wrdreg $0xFFFFFFFF  }
0xb6: {  	s28 =	simm.s32 $_size_execute0_lowered;
	s3 =	sadd.s32 s3, s5;
	[dreg:$0x0] =	wrdreg $0x0  }
0xb7: {  	s5 =	sshll.u32 s28, $0x1;
	[dreg:$0x2] =	wrdreg s3  }
0xb8: {  	[dreg:$0x3] =	wrdreg s5  }
0xb9: {  	[dreg:$0x4] =	wrdreg $0xC0  }
0xba: {  	_ =	task [dreg:s22], $0x5FFFF  }
0xbb: {  	[dreg:$0x1] =	wrdreg $0xFFFFFFFF  }
0xbc: {  	[dreg:$0x0] =	wrdreg $0x60  }
0xbd: {  	[dreg:$0x2] =	wrdreg s24  }
0xbe: {  	[dreg:$0x3] =	wrdreg $0x0  }
0xbf: {  	[dreg:$0x4] =	wrdreg $0x9  }
0xc0: {  	_ =	task.clear_ibuf [dreg:s22], $0x5FFFF;
	_ =	strace $0x9000004C  }
0xc1: {  	s29 =	simm.s32 $0x9;
	_ =	strace $0x8000004E  }
0xc2: {  	_ =	swait.ge [sflag:s29], $0x1  }
0xc3: {  	[sflag:s29] =	ssyncadd.s32 $0xFFFFFFFF  }
0xc4: {  	_ =	strace $0x9000004E  }
0xc5: {  	_ =	sfence  }
0xc6: {  	s30 =	sld [smem:$0x0];
	_ =	sdelay $0x2  }
0xc7: {  	s31 =	sshll.u32 s1, $0xD;
	s1 =	sshrl.u32 s1, $0x2  }
0xc8: {  	s4 =	sand.u32 $0x4000, s31;
	s1 =	sadd.s32 s1, s30  }
0xc9: {  	s0 =	sor.u32 s4, s0;
	s1 =	sshll.u32 s1, $0x11  }
0xca: {  	s0 =	sor.u32 s1, s0  }
0xcb: {  	s0 =	sadd.s32 $0x8F2B, s0  }
0xcc: {  	[sflag:s0] =	ssyncadd.remote.s32 $0x1  }
0xcd: {  	_ =	sfence.sel $0xFFFF  }
0xce: {  	[dreg:$0x0] =	wrdreg $0xFFFFFFFF;
	(pc) =	sbr.abs _section_cstart, $3  }
0xcf: {  	[dreg:$0x1] =	wrdreg $0xFFFFFFFF  }
0xd0: {  	_ =	task.clear_ibuf [dreg:s22], $0x2FFFF;
	_ =	strace $0x9FFFFFFF  }
0xd1: {  	(tm) =	ssettm $0x7FFFFFFF  }
tec
execute0_lowered:
.L_overlay_start_1:
0x0: {  	(tag) =	ssettag $0x1  }
0x1: {  	s4 =	rddreg [dreg:$0x0]  }
0x2: {  	s2 =	rddreg [dreg:$0x1]  }
0x3: {  	s1 =	stileid.u32;
	s5 =	srdreg.scid;
	s3 =	simm.s32 $0x0  }
0x4: {  	s28 =	simm.s32 $0x4;
	s29 =	simm.s32 $0x0;
	s14 =	smul.u32 $0x14000, s1  }
0x5: {  	s15 =	sand.u32 $0x1, s5;
	[smem:$0x7FF] =	sst s3;
	s16 =	sadd.s32 $0x58800, s4  }
0x6: {  	s17 =	sadd.s32 $0x855800, s4;
	s8 =	sshll.u32 s1, $0x1;
	s9 =	smul.u32 $0x50000, s1  }
0x7: {  	s20 =	sshll.u32 s1, $0x6;
	s5 =	smul.u32 $0x140000, s15;
	_ =	strace $0x8000004D  }
0x8: {  	s7 =	ssub.s32 $0x2, s15;
	s13 =	sor.u32 s15, s8;
	s6 =	sshrl.u32 s14, $0x3  }
0x9: {  	s12 =	sshrl.u32 s7, $0x1;
	s19 =	sshrl.u32 s9, $0x2;
	s8 =	smul.u32 $0xA00, s13  }
0xa: {  	s21 =	smul.u32 $0xA000, s13;
	s5 =	sadd.s32 s14, s5;
	s6 =	sadd.s32 s6, s4  }
0xb: {  	s11 =	ssub.s32 s7, s12;
	s18 =	sadd.s32 s19, s2;
	s19 =	smul.u32 $0x1400, s1  }
0xc: {  	s14 =	sadd.s32 s14, s17;
	s5 =	sshrl.u32 s5, $0x3;
	s22 =	sshrl.u32 s8, $0x3  }
0xd: {  	s7 =	sadd.s32 s17, s21;
	s12 =	sor.u32 $0x40, s8;
	s13 =	sor.u32 $0x80, s8  }
0xe: {  	s9 =	smax.u32 s11, $0x1;
	s21 =	simm.s32 $0x1;
	s10 =	sadd.s32 s5, s4  }
0xf: {  	s4 =	sadd.s32 $0xD5800, s6;
	s5 =	sor.u32 $0x1C05, s20;
	s6 =	sadd.s32 s16, s22  }
0x10: {  	s23 =	sshrl.u32 s12, $0x3;
	s24 =	sshll.u32 s12, $0x4;
	s20 =	smul.u32 $0xA00, s15  }
0x11: {  	s25 =	sshrl.u32 s13, $0x3;
	s13 =	sshll.u32 s13, $0x4;
	s15 =	smul.u32 $0xA000, s15  }
0x12: {  	s22 =	simm.s32 $0x40;
	s8 =	sadd.s32 $0xFD800, s10;
	s10 =	sadd.s32 s16, s23  }
0x13: {  	s11 =	sadd.s32 s17, s24;
	s12 =	sadd.s32 s16, s25;
	s13 =	sadd.s32 s17, s13  }
0x14: {  	s17 =	sshrl.u32 s18, $0x3;
	s18 =	simm.s32 $0x5;
	s23 =	simm.s32 $0x14080  }
.Ltmp0:
0x15: {  	s24 =	simm.s32 $0x16100;
	s25 =	simm.s32 $0x2;
	(pc) =	sbr.rel .LBB2_1-.Ltmp0, $4  }
0x16: {  	s19 =	sadd.s32 s20, s19;
	s14 =	sadd.s32 s15, s14;
	s20 =	simm.s32 $0x14100  }
0x17: {  	s26 =	sor.u32 $0x100, s19;
	s19 =	sor.u32 $0xC0, s19;
	s14 =	sadd.s32 $0x1000, s14  }
0x18: {  	s30 =	sshrl.u32 s26, $0x3;
	s31 =	sshrl.u32 s19, $0x3;
	s19 =	simm.s32 $0x14000  }
0x19: {  	s26 =	simm.s32 $0x3;
	s15 =	sadd.s32 s30, s16;
	s16 =	sadd.s32 s31, s16  }
.LBB2_4:
0x1a: {  	_ =	swait.ge [sflag:s28], $0x2000  }
0x1b: {  	s29 =	sadd.s32 $0x1, s29;
	[sflag:s28] =	ssyncset.done $0x0  }
0x1c: {  	p0 =	sne.s32 s29, s9;
	[sflag:s28] =	ssyncadd.s32 $0xFFFFE000  }
.Ltmp1:
0x1d: {  	[bflag:$0x0] =	sbarrier.arrive $0xFFFF;
	(pc) =	sbr.rel @!p0 .LBB2_5-.Ltmp1, $4  }
0x1e: {  	[hbm:s8], [sflag:s5] =	dma.local [spmem:s17], $0x2800  }
0x1f: {  	_ =	swait.ge [sflag:s18], $0x2800  }
0x20: {  	[sflag:s18] =	ssyncset.done $0x0  }
0x21: {  	[sflag:s18] =	ssyncadd.s32 $0xFFFFD800  }
.LBB2_1:
0x22: {  	[spmem:s17], [sflag:s5] =	dma.local [hbm:s4], $0x2800  }
0x23: {  	_ =	swait.ge [sflag:s18], $0x2800  }
0x24: {  	[sflag:s18] =	ssyncset.done $0x0  }
0x25: {  	[sflag:s18] =	ssyncadd.s32 $0xFFFFD800  }
0x26: {  	[bflag:$0x0] =	sbarrier.arrive $0xFFFF  }
0x27: {  	[tilespmem:s19], [sflag:$0x1] =	stream.linear.gather [hbm4b:s6+s3], $0x40, $0x38;
	[tilespmem:$0x18100] =	vst v63  }
0x28: {  	_ = 	snop  }
0x29: {  	[tilespmem:s20], [sflag:$0x1] =	stream.linear.gather [hbm4b:s7+s3], $0x2000, $0x38;
	[tilespmem:$0x18100] =	vst v63  }
0x2a: {  	_ =	swait.ge [sflag:s21], $0x40  }
0x2b: {  	[sflag:s21] =	ssyncset.done $0x0  }
0x2c: {  	[sflag:s21] =	ssyncadd.s32 $0xFFFFFFC0  }
0x2d: {  	_ =	swait.ge [sflag:s21], $0x2000  }
0x2e: {  	[sflag:s21] =	ssyncset.done $0x0  }
0x2f: {  	[sflag:s21] =	ssyncadd.s32 $0xFFFFE000  }
0x30: {  	[spmem:s2] =	stream.indirect.scatter.add.f32 [tilespmem:s20], [sflag:$0x3], $0x80, s19, s22, $0xb8;
	[tilespmem:$0x18100] =	vst v63  }
0x31: {  	_ = 	snop  }
0x32: {  	[tilespmem:s23], [sflag:$0x2] =	stream.linear.gather [hbm4b:s10+s3], $0x40, $0x38;
	[tilespmem:$0x18100] =	vst v63  }
0x33: {  	_ = 	snop  }
0x34: {  	[tilespmem:s24], [sflag:$0x2] =	stream.linear.gather [hbm4b:s11+s3], $0x2000, $0x38;
	[tilespmem:$0x18100] =	vst v63  }
0x35: {  	_ =	swait.ge [sflag:s25], $0x40  }
0x36: {  	[sflag:s25] =	ssyncset.done $0x0  }
0x37: {  	[sflag:s25] =	ssyncadd.s32 $0xFFFFFFC0  }
0x38: {  	_ =	swait.ge [sflag:s25], $0x2000  }
0x39: {  	[sflag:s25] =	ssyncset.done $0x0  }
0x3a: {  	[sflag:s25] =	ssyncadd.s32 $0xFFFFE000  }
0x3b: {  	[spmem:s2] =	stream.indirect.scatter.add.f32 [tilespmem:s24], [sflag:$0x4], $0x80, s23, s22, $0xb8;
	[tilespmem:$0x18100] =	vst v63  }
0x3c: {  	_ =	swait.ge [sflag:s26], $0x2000  }
0x3d: {  	[sflag:s26] =	ssyncset.done $0x0  }
0x3e: {  	[sflag:s26] =	ssyncadd.s32 $0xFFFFE000  }
0x3f: {  	[tilespmem:s19], [sflag:$0x1] =	stream.linear.gather [hbm4b:s12+s3], $0x40, $0x38;
	[tilespmem:$0x18100] =	vst v63  }
0x40: {  	s30 =	smov.u32 s14;
	s31 =	simm.s32 $0x0  }
0x41: {  	[tilespmem:s20], [sflag:$0x1] =	stream.linear.gather [hbm4b:s13+s3], $0x2000, $0x38;
	[tilespmem:$0x18100] =	vst v63  }
.LBB2_2:
0x42: {  	_ =	swait.ge [sflag:s21], $0x40  }
0x43: {  	[sflag:s21] =	ssyncset.done $0x0  }
0x44: {  	[sflag:s21] =	ssyncadd.s32 $0xFFFFFFC0  }
0x45: {  	_ =	swait.ge [sflag:s21], $0x2000  }
0x46: {  	[sflag:s21] =	ssyncset.done $0x0  }
0x47: {  	[sflag:s21] =	ssyncadd.s32 $0xFFFFE000  }
0x48: {  	[spmem:s2] =	stream.indirect.scatter.add.f32 [tilespmem:s20], [sflag:$0x3], $0x80, s19, s22, $0xb8;
	[tilespmem:$0x18100] =	vst v63  }
0x49: {  	_ =	swait.ge [sflag:s28], $0x2000  }
0x4a: {  	[sflag:s28] =	ssyncset.done $0x0  }
0x4b: {  	s0 =	sadd.s32 s31, s16;
	[sflag:s28] =	ssyncadd.s32 $0xFFFFE000  }
0x4c: {  	[tilespmem:s23], [sflag:$0x2] =	stream.linear.gather [hbm4b:s0+s3], $0x40, $0x38;
	[tilespmem:$0x18100] =	vst v63  }
0x4d: {  	s0 =	sadd.s32 $0xFFFFFC00, s30  }
0x4e: {  	[tilespmem:s24], [sflag:$0x2] =	stream.linear.gather [hbm4b:s0+s3], $0x2000, $0x38;
	[tilespmem:$0x18100] =	vst v63  }
0x4f: {  	_ =	swait.ge [sflag:s25], $0x40  }
0x50: {  	[sflag:s25] =	ssyncset.done $0x0  }
0x51: {  	[sflag:s25] =	ssyncadd.s32 $0xFFFFFFC0  }
0x52: {  	_ =	swait.ge [sflag:s25], $0x2000  }
0x53: {  	p0 =	seq.s32 s31, $0x120;
	[sflag:s25] =	ssyncset.done $0x0  }
.Ltmp2:
0x54: {  	[sflag:s25] =	ssyncadd.s32 $0xFFFFE000;
	(pc) =	sbr.rel @p0 .LBB2_4-.Ltmp2, $4  }
0x55: {  	[spmem:s2] =	stream.indirect.scatter.add.f32 [tilespmem:s24], [sflag:$0x4], $0x80, s23, s22, $0xb8;
	[tilespmem:$0x18100] =	vst v63  }
0x56: {  	_ =	swait.ge [sflag:s26], $0x2000  }
0x57: {  	[sflag:s26] =	ssyncset.done $0x0  }
0x58: {  	[sflag:s26] =	ssyncadd.s32 $0xFFFFE000  }
.Ltmp3:
0x59: {  	s0 =	sadd.s32 s31, s15;
	(pc) =	sbr.rel .LBB2_2-.Ltmp3, $4  }
0x5a: {  	[tilespmem:s19], [sflag:$0x1] =	stream.linear.gather [hbm4b:s0+s3], $0x40, $0x38;
	[tilespmem:$0x18100] =	vst v63  }
0x5b: {  	_ = 	snop  }
0x5c: {  	[tilespmem:s20], [sflag:$0x1] =	stream.linear.gather [hbm4b:s30+s3], $0x2000, $0x38;
	[tilespmem:$0x18100] =	vst v63  }
0x5d: {  	s31 =	sadd.s32 $0x10, s31;
	s30 =	sadd.s32 $0x800, s30  }
.LBB2_5:
0x5e: {  	_ =	sfence.sel $0x180000  }
0x5f: {  	[bflag:$0x0] =	sbarrier.arrive $0xFFFF  }
0x60: {  	_ =	strace $0x9000004D  }
0x61: {  	[bflag:$0x2] =	sbarrier.arrive $0xFFFF  }
0x62: {  	p0 =	sne.s32 s1, $0x0;
	s0 =	rddreg [dreg:$0x2]  }
0x63: {  	s0 =	sadd.s32 @!p0 $0x100000, s0  }
0x64: {  	[sflag:s0] =	ssyncadd.tile.s32 @!p0 $0x1;
	_ =	shalt  }
.Lfunc_end2:
_tile_overlayer_lowered:
.L_overlay_start_2:
0x65: {  	(tag) =	ssettag $0x2  }
0x66: {  	s0 =	rddreg [dreg:$0x0];
	s2 =	stileid.u32  }
0x67: {  	s1 =	rddreg [dreg:$0x1];
	p0 =	sne.s32 s2, $0x0  }
0x68: {  	s3 =	rddreg [dreg:$0x2];
	[bflag:$0x3] =	sbarrier.arrive $0xFFFF;
	s2 =	simm.s32 @!p0 $0x1C05  }
0x69: {  	[timem:s3], [sflag:s2] =	dma.local @!p0 [hbm:s0], s1  }
0x6a: {  	s0 =	simm.s32 @!p0 $0x5  }
0x6b: {  	_ =	swait.ge @!p0 [sflag:s0], s1  }
0x6c: {  	s1 =	ssub.s32 @!p0 $0x0, s1;
	[sflag:s0] =	ssyncset.done @!p0 $0x0  }
0x6d: {  	[sflag:s0] =	ssyncadd.s32 @!p0 s1  }
0x6e: {  	[bflag:$0x3] =	sbarrier.arrive $0xFFFF  }
0x6f: {  	_ =	shalt  }

// kernel: kernel.21.cloned.1.call-start
scs
__scs_entry_jumppad:
0x0: {  	(pc) =	sbr.rel $0x88, $3  }
0x1: {  	(tag) =	ssettag $0x0;
	lr =	simm.s32 $0x1  }
0x2: {  	[smem:$0x3F83] =	sst lr;
	_ =	strace $0xD0000000  }
0x3: {  	_ = 	snop  }
0x4: {  	_ = 	snop  }
0x5: {  	_ = 	snop  }
0x6: {  	_ = 	snop  }
0x7: {  	_ = 	snop  }
__scs_overlays_trampoline_lowered:
0x8: {  	[smem:$0x3F92] =	sst s0  }
0x9: {  	[smem:$0x3F93] =	sst s1  }
0xa: {  	[smem:$0x3F94] =	sst s2  }
0xb: {  	[smem:$0x3F95] =	sst s3  }
0xc: {  	[smem:$0x3F96] =	sst s4  }
0xd: {  	[smem:$0x3F97] =	sst s5  }
0xe: {  	[smem:$0x3F98] =	sst s6  }
0xf: {  	[smem:$0x3F99] =	sst s7  }
0x10: {  	[smem:$0x3F9A] =	sst s8  }
0x11: {  	[smem:$0x3F9B] =	sst s9;
	s0 =	simm.s32 @!p0 $0x0  }
0x12: {  	s1 =	sld [smem:$0x3F81];
	s0 =	simm.s32 @p0 $0x1  }
0x13: {  	[smem:$0x3F9C] =	sst s0;
	s0 =	simm.s32 @!p1 $0x0  }
0x14: {  	s2 =	sld [smem:$0x3F80];
	s0 =	simm.s32 @p1 $0x1  }
0x15: {  	[smem:$0x3F9D] =	sst s0;
	s0 =	simm.s32 @!p2 $0x0  }
0x16: {  	s3 =	sld [smem:$0x3FDB];
	s0 =	simm.s32 @p2 $0x1  }
0x17: {  	s4 =	simm.s32 $0x1BF5;
	[smem:$0x3F9F] =	sst s0  }
0x18: {  	s0 =	sld [smem:$0x3F82];
	_ =	swait.ge [sflag:s4], $0x0  }
0x19: {  	s7 =	sld [smem:$0x3F83]  }
0x1a: {  	s8 =	sadd.s32 $0xFFFFE003, lr  }
0x1b: {  	s9 =	sadd.s32 $0xFFFFFEF7, lr;
	s5 =	simm.s32 $0xFFFFFFFF;
	p2 =	slt.u32 s8, $0xFFFFF086  }
0x1c: {  	p1 =	slt.u32 s9, $0xF7A;
	s5 =	simm.s32 @!p2 $0x0  }
0x1d: {  	s5 =	simm.s32 @p1 $0x1;
	p0 =	seq.s32 s7, s2  }
0x1e: {  	s7 =	smul.u32 @!p0 $0xF7A, s2;
	p2 =	seq.s32 @!p0 s5, $0x0  }
0x1f: {  	s9 =	smul.u32 $0xF7A, s1;
	s8 =	simm.s32 @!p0 $0x1BF5;
	p2 =	por !p2, p0  }
0x20: {  	[sflag:s8] =	ssyncset.s32 @!p0 $0xFFFFF086;
	s6 =	sadd.s32 @!p0 s3, s7;
	s7 =	simm.s32 @!p0 $0x108  }
0x21: {  	s3 =	sadd.s32 s3, s9;
	s6 =	sadd.s32 @!p0 $0x88, s6;
	s7 =	simm.s32 @p2 $0x1082  }
0x22: {  	[simem:s7], [sflag:s8] =	dma.local @!p0 [hbm:s6], $0xF7A  }
0x23: {  	s9 =	sor.u32 $0xD0000000, s2;
	s6 =	simm.s32 $0x108;
	_ =	swait.ge @!p0 [sflag:s8], $0x0  }
0x24: {  	s3 =	sadd.s32 $0x88, s3;
	s6 =	simm.s32 @!p1 $0x1082;
	[sflag:s4] =	ssyncset.s32 $0xFFFFF086  }
0x25: {  	[simem:s6], [sflag:s4] =	dma.local [hbm:s3], $0xF7A  }
0x26: {  	[smem:$0x3F83] =	sst s1;
	(tag) =	ssettag s2;
	_ =	strace s9  }
0x27: {  	s1 =	sld [smem:$0x3F93]  }
0x28: {  	s2 =	sld [smem:$0x3F94]  }
0x29: {  	s4 =	sld [smem:$0x3F96]  }
0x2a: {  	p0 =	seq.s32 s5, $0x0;
	s5 =	sld [smem:$0x3F97]  }
0x2b: {  	s6 =	sld [smem:$0x3F98]  }
0x2c: {  	s7 =	sld [smem:$0x3F99]  }
0x2d: {  	s3 =	simm.s32 $0x108;
	s8 =	sld [smem:$0x3F9A]  }
0x2e: {  	s3 =	simm.s32 @!p0 $0x1082;
	s9 =	sld [smem:$0x3F9B]  }
0x2f: {  	lr =	sadd.s32 s0, s3;
	s0 =	sld [smem:$0x3F92]  }
0x30: {  	s3 =	sld [smem:$0x3F95]  }
0x31: {  	[smem:$0x3F9E] =	sst s10  }
0x32: {  	s10 =	sld [smem:$0x3F9C];
	_ =	sdelay $0x3  }
0x33: {  	p0 =	seq.s32 s10, $0x1;
	s10 =	sld [smem:$0x3F9E];
	_ =	sdelay $0x3  }
0x34: {  	[smem:$0x3F9E] =	sst s10  }
0x35: {  	s10 =	sld [smem:$0x3F9D];
	_ =	sdelay $0x3  }
0x36: {  	p1 =	seq.s32 s10, $0x1;
	s10 =	sld [smem:$0x3F9E];
	_ =	sdelay $0x3  }
0x37: {  	[smem:$0x3F9E] =	sst s10  }
0x38: {  	s10 =	sld [smem:$0x3F9F]  }
0x39: {  	_ = 	snop;
	(pc) =	sbr.ind lr, $3  }
0x3a: {  	_ = 	snop  }
0x3b: {  	_ = 	snop  }
0x3c: {  	p2 =	seq.s32 s10, $0x1;
	s10 =	sld [smem:$0x3F9E]  }
0x3d: {  	_ =	shalt  }
0x3e: {  	_ =	shalt  }
0x3f: {  	_ =	shalt  }
0x40: {  	_ =	shalt  }
0x41: {  	_ =	shalt  }
0x42: {  	_ =	shalt  }
0x43: {  	_ =	shalt  }
0x44: {  	_ =	shalt  }
0x45: {  	_ =	shalt  }
0x46: {  	_ =	shalt  }
0x47: {  	_ =	shalt  }
0x48: {  	_ =	shalt  }
0x49: {  	_ =	shalt  }
0x4a: {  	_ =	shalt  }
0x4b: {  	_ =	shalt  }
0x4c: {  	_ =	shalt  }
0x4d: {  	_ =	shalt  }
0x4e: {  	_ =	shalt  }
0x4f: {  	_ =	shalt  }
0x50: {  	_ =	shalt  }
0x51: {  	_ =	shalt  }
0x52: {  	_ =	shalt  }
0x53: {  	_ =	shalt  }
0x54: {  	_ =	shalt  }
0x55: {  	_ =	shalt  }
0x56: {  	_ =	shalt  }
0x57: {  	_ =	shalt  }
0x58: {  	_ =	shalt  }
0x59: {  	_ =	shalt  }
0x5a: {  	_ =	shalt  }
0x5b: {  	_ =	shalt  }
0x5c: {  	_ =	shalt  }
0x5d: {  	_ =	shalt  }
0x5e: {  	_ =	shalt  }
0x5f: {  	_ =	shalt  }
0x60: {  	_ =	shalt  }
0x61: {  	_ =	shalt  }
0x62: {  	_ =	shalt  }
0x63: {  	_ =	shalt  }
0x64: {  	_ =	shalt  }
0x65: {  	_ =	shalt  }
0x66: {  	_ =	shalt  }
0x67: {  	_ =	shalt  }
0x68: {  	_ =	shalt  }
0x69: {  	_ =	shalt  }
0x6a: {  	_ =	shalt  }
0x6b: {  	_ =	shalt  }
0x6c: {  	_ =	shalt  }
0x6d: {  	_ =	shalt  }
0x6e: {  	_ =	shalt  }
0x6f: {  	_ =	shalt  }
0x70: {  	_ =	shalt  }
0x71: {  	_ =	shalt  }
0x72: {  	_ =	shalt  }
0x73: {  	_ =	shalt  }
0x74: {  	_ =	shalt  }
0x75: {  	_ =	shalt  }
0x76: {  	_ =	shalt  }
0x77: {  	_ =	shalt  }
0x78: {  	_ =	shalt  }
0x79: {  	_ =	shalt  }
0x7a: {  	_ =	shalt  }
0x7b: {  	_ =	shalt  }
0x7c: {  	_ =	shalt  }
0x7d: {  	_ =	shalt  }
0x7e: {  	_ =	shalt  }
0x7f: {  	_ =	shalt  }
0x80: {  	_ =	shalt  }
0x81: {  	_ =	shalt  }
0x82: {  	_ =	shalt  }
0x83: {  	_ =	shalt  }
0x84: {  	_ =	shalt  }
0x85: {  	_ =	shalt  }
0x86: {  	_ =	shalt  }
0x87: {  	_ =	shalt  }
.Lfunc_end0:
.L_simem_size_0:
called_computation.3_lowered:
.L_overlay_start_0:
0x88: {  	s2 =	sld [smem:$0x3FD9]  }
0x89: {  	s3 =	sld [smem:$0x3FFE];
	_ =	sdelay $0x1  }
0x8a: {  	s1 =	srdreg.scid  }
0x8b: {  	s0 =	sand.u32 $0x1, s1  }
0x8c: {  	s17 =	sshll.u32 s0, $0xA;
	s2 =	sadd.s32 s3, s2  }
0x8d: {  	s2 =	sadd.s32 s2, s17  }
0x8e: {  	[smem:$0x3FAA] =	sst s2  }
0x8f: {  	_ = 	snop  }
0x90: {  	(tm) =	ssettm $0x1  }
0x91: {  	s18 =	sld [smem:$0x3FFB];
	_ =	sdelay $0x3  }
0x92: {  	_ =	strace s18  }
0x93: {  	s2 =	sld [smem:$0x3FFC];
	_ =	sdelay $0x3  }
0x94: {  	_ =	strace s2  }
0x95: {  	s2 =	sld [smem:$0x3FFD];
	_ =	sdelay $0x3  }
0x96: {  	_ =	strace s2  }
0x97: {  	_ =	strace $0x8FFFFFFF  }
0x98: {  	s19 =	sld [smem:$0x3FDB];
	_ =	sdelay $0x1  }
0x99: {  	s20 =	simm.s32 $_scs_section_size  }
0x9a: {  	s4 =	simm.s32 $_size__tile_overlayer_lowered;
	s5 =	simm.s32 $_tile_overlayer_lowered  }
0x9b: {  	s6 =	simm.s32 $0x1BFF;
	s21 =	sshll.u32 s5, $0x1;
	s3 =	sadd.s32 s20, s19  }
0x9c: {  	s22 =	simm.s32 $0x0;
	s4 =	sshll.u32 s4, $0x1;
	s5 =	sadd.s32 s21, s3  }
0x9d: {  	[timem:s22], [sflag:s6] =	dma.local [hbm:s5], s4  }
0x9e: {  	_ =	swait.ge [sflag:s6], s4  }
0x9f: {  	s4 =	ssub.s32 $0x0, s4;
	[sflag:s6] =	ssyncset.done $0x0  }
0xa0: {  	[sflag:s6] =	ssyncadd.s32 s4;
	_ =	sdelay $0x1  }
0xa1: {  	s23 =	simm.s32 $0x1B8B  }
0xa2: {  	_ =	swait.ge [sflag:s23], $0x1  }
0xa3: {  	[sflag:s23] =	ssyncset.done $0x0  }
0xa4: {  	[sflag:s23] =	ssyncadd.s32 $0xFFFFFFFF  }
0xa5: {  	s4 =	sld [smem:$0x0]  }
0xa6: {  	s5 =	sand.u32 $0xFFFFFFFE, s1  }
0xa7: {  	p0 =	sne.s32 s1, s5  }
0xa8: {  	s5 =	sshll.u32 @p0 s5, $0xE  }
0xa9: {  	s5 =	sadd.s32 @p0 $0x11B8D, s5;
	s6 =	sshll.u32 @p0 s4, $0x11  }
0xaa: {  	s5 =	sor.u32 @p0 s6, s5  }
0xab: {  	[sflag:s5] =	ssyncadd.remote.s32 @p0 $0x1;
	_ =	sdelay $0x1  }
0xac: {  	s5 =	simm.s32 @p0 $0x1B8D  }
0xad: {  	_ =	swait.eq @p0 [sflag:s5], $0x1  }
0xae: {  	[sflag:s5] =	ssyncadd.s32 @p0 $0xFFFFFFFF  }
0xaf: {  	s6 =	sshll.u32 @!p0 s1, $0xE  }
0xb0: {  	s6 =	sor.u32 @!p0 $0x4000, s6;
	s5 =	simm.s32 @!p0 $0x1B8D  }
0xb1: {  	s4 =	sshll.u32 @!p0 s4, $0x11;
	s6 =	sadd.s32 @!p0 $0x11B8D, s6;
	_ =	swait.eq @!p0 [sflag:s5], $0x1  }
0xb2: {  	s4 =	sor.u32 @!p0 s4, s6;
	[sflag:s5] =	ssyncadd.s32 @!p0 $0xFFFFFFFF  }
0xb3: {  	s25 =	simm.s32 $0x1B8E;
	s24 =	sld [smem:$0x3FFE];
	[sflag:s4] =	ssyncadd.remote.s32 @!p0 $0x1  }
0xb4: {  	s26 =	simm.s32 $execute0_lowered;
	[smem:$0x3FD2] =	sst s25  }
0xb5: {  	s5 =	sshll.u32 s26, $0x1;
	_ =	strace $0x80000052;
	[dreg:$0x1] =	wrdreg $0xFFFFFFFF  }
0xb6: {  	s28 =	simm.s32 $_size_execute0_lowered;
	s3 =	sadd.s32 s3, s5;
	[dreg:$0x0] =	wrdreg $0x0  }
0xb7: {  	s5 =	sshll.u32 s28, $0x1;
	[dreg:$0x2] =	wrdreg s3  }
0xb8: {  	[dreg:$0x3] =	wrdreg s5  }
0xb9: {  	[dreg:$0x4] =	wrdreg $0xC0  }
0xba: {  	_ =	task [dreg:s22], $0x5FFFF  }
0xbb: {  	[dreg:$0x1] =	wrdreg $0xFFFFFFFF  }
0xbc: {  	[dreg:$0x0] =	wrdreg $0x60  }
0xbd: {  	[dreg:$0x2] =	wrdreg s24  }
0xbe: {  	[dreg:$0x3] =	wrdreg $0x0  }
0xbf: {  	[dreg:$0x4] =	wrdreg $0xA  }
0xc0: {  	_ =	task.clear_ibuf [dreg:s22], $0x5FFFF;
	_ =	strace $0x90000052  }
0xc1: {  	s29 =	simm.s32 $0xA;
	_ =	strace $0x80000054  }
0xc2: {  	_ =	swait.ge [sflag:s29], $0x1  }
0xc3: {  	[sflag:s29] =	ssyncadd.s32 $0xFFFFFFFF  }
0xc4: {  	_ =	strace $0x90000054  }
0xc5: {  	_ =	sfence  }
0xc6: {  	s30 =	sld [smem:$0x0];
	_ =	sdelay $0x2  }
0xc7: {  	s31 =	sshll.u32 s1, $0xD;
	s1 =	sshrl.u32 s1, $0x2  }
0xc8: {  	s4 =	sand.u32 $0x4000, s31;
	s1 =	sadd.s32 s1, s30  }
0xc9: {  	s0 =	sor.u32 s4, s0;
	s1 =	sshll.u32 s1, $0x11  }
0xca: {  	s0 =	sor.u32 s1, s0  }
0xcb: {  	s0 =	sadd.s32 $0x8F2B, s0  }
0xcc: {  	[sflag:s0] =	ssyncadd.remote.s32 $0x1  }
0xcd: {  	_ =	sfence.sel $0xFFFF  }
0xce: {  	[dreg:$0x0] =	wrdreg $0xFFFFFFFF;
	(pc) =	sbr.abs _section_cstart, $3  }
0xcf: {  	[dreg:$0x1] =	wrdreg $0xFFFFFFFF  }
0xd0: {  	_ =	task.clear_ibuf [dreg:s22], $0x2FFFF;
	_ =	strace $0x9FFFFFFF  }
0xd1: {  	(tm) =	ssettm $0x7FFFFFFF  }
tec
execute0_lowered:
.L_overlay_start_1:
0x0: {  	(tag) =	ssettag $0x1  }
0x1: {  	s4 =	rddreg [dreg:$0x0]  }
0x2: {  	s2 =	rddreg [dreg:$0x1]  }
0x3: {  	s1 =	stileid.u32;
	s5 =	srdreg.scid;
	s3 =	simm.s32 $0x0  }
0x4: {  	s28 =	simm.s32 $0x4;
	s29 =	simm.s32 $0x0;
	s14 =	smul.u32 $0x14000, s1  }
0x5: {  	s15 =	sand.u32 $0x1, s5;
	[smem:$0x7FF] =	sst s3;
	s16 =	sadd.s32 $0x58800, s4  }
0x6: {  	s17 =	sadd.s32 $0x995800, s4;
	s8 =	sshll.u32 s1, $0x1;
	s9 =	smul.u32 $0x50000, s1  }
0x7: {  	s20 =	sshll.u32 s1, $0x6;
	s5 =	smul.u32 $0x140000, s15;
	_ =	strace $0x80000053  }
0x8: {  	s7 =	ssub.s32 $0x2, s15;
	s13 =	sor.u32 s15, s8;
	s6 =	sshrl.u32 s14, $0x3  }
0x9: {  	s12 =	sshrl.u32 s7, $0x1;
	s19 =	sshrl.u32 s9, $0x2;
	s8 =	smul.u32 $0xA00, s13  }
0xa: {  	s21 =	smul.u32 $0xA000, s13;
	s5 =	sadd.s32 s14, s5;
	s6 =	sadd.s32 s6, s4  }
0xb: {  	s11 =	ssub.s32 s7, s12;
	s18 =	sadd.s32 s19, s2;
	s19 =	smul.u32 $0x1400, s1  }
0xc: {  	s14 =	sadd.s32 s14, s17;
	s5 =	sshrl.u32 s5, $0x3;
	s22 =	sshrl.u32 s8, $0x3  }
0xd: {  	s7 =	sadd.s32 s17, s21;
	s12 =	sor.u32 $0x40, s8;
	s13 =	sor.u32 $0x80, s8  }
0xe: {  	s9 =	smax.u32 s11, $0x1;
	s21 =	simm.s32 $0x1;
	s10 =	sadd.s32 s5, s4  }
0xf: {  	s4 =	sadd.s32 $0xD5800, s6;
	s5 =	sor.u32 $0x1C05, s20;
	s6 =	sadd.s32 s16, s22  }
0x10: {  	s23 =	sshrl.u32 s12, $0x3;
	s24 =	sshll.u32 s12, $0x4;
	s20 =	smul.u32 $0xA00, s15  }
0x11: {  	s25 =	sshrl.u32 s13, $0x3;
	s13 =	sshll.u32 s13, $0x4;
	s15 =	smul.u32 $0xA000, s15  }
0x12: {  	s22 =	simm.s32 $0x40;
	s8 =	sadd.s32 $0x3CD800, s10;
	s10 =	sadd.s32 s16, s23  }
0x13: {  	s11 =	sadd.s32 s17, s24;
	s12 =	sadd.s32 s16, s25;
	s13 =	sadd.s32 s17, s13  }
0x14: {  	s17 =	sshrl.u32 s18, $0x3;
	s18 =	simm.s32 $0x5;
	s23 =	simm.s32 $0x14080  }
.Ltmp0:
0x15: {  	s24 =	simm.s32 $0x16100;
	s25 =	simm.s32 $0x2;
	(pc) =	sbr.rel .LBB2_1-.Ltmp0, $4  }
0x16: {  	s19 =	sadd.s32 s20, s19;
	s14 =	sadd.s32 s15, s14;
	s20 =	simm.s32 $0x14100  }
0x17: {  	s26 =	sor.u32 $0x100, s19;
	s19 =	sor.u32 $0xC0, s19;
	s14 =	sadd.s32 $0x1000, s14  }
0x18: {  	s30 =	sshrl.u32 s26, $0x3;
	s31 =	sshrl.u32 s19, $0x3;
	s19 =	simm.s32 $0x14000  }
0x19: {  	s26 =	simm.s32 $0x3;
	s15 =	sadd.s32 s30, s16;
	s16 =	sadd.s32 s31, s16  }
.LBB2_4:
0x1a: {  	_ =	swait.ge [sflag:s28], $0x2000  }
0x1b: {  	s29 =	sadd.s32 $0x1, s29;
	[sflag:s28] =	ssyncset.done $0x0  }
0x1c: {  	p0 =	sne.s32 s29, s9;
	[sflag:s28] =	ssyncadd.s32 $0xFFFFE000  }
.Ltmp1:
0x1d: {  	[bflag:$0x0] =	sbarrier.arrive $0xFFFF;
	(pc) =	sbr.rel @!p0 .LBB2_5-.Ltmp1, $4  }
0x1e: {  	[hbm:s8], [sflag:s5] =	dma.local [spmem:s17], $0x2800  }
0x1f: {  	_ =	swait.ge [sflag:s18], $0x2800  }
0x20: {  	[sflag:s18] =	ssyncset.done $0x0  }
0x21: {  	[sflag:s18] =	ssyncadd.s32 $0xFFFFD800  }
.LBB2_1:
0x22: {  	[spmem:s17], [sflag:s5] =	dma.local [hbm:s4], $0x2800  }
0x23: {  	_ =	swait.ge [sflag:s18], $0x2800  }
0x24: {  	[sflag:s18] =	ssyncset.done $0x0  }
0x25: {  	[sflag:s18] =	ssyncadd.s32 $0xFFFFD800  }
0x26: {  	[bflag:$0x0] =	sbarrier.arrive $0xFFFF  }
0x27: {  	[tilespmem:s19], [sflag:$0x1] =	stream.linear.gather [hbm4b:s6+s3], $0x40, $0x38;
	[tilespmem:$0x18100] =	vst v63  }
0x28: {  	_ = 	snop  }
0x29: {  	[tilespmem:s20], [sflag:$0x1] =	stream.linear.gather [hbm4b:s7+s3], $0x2000, $0x38;
	[tilespmem:$0x18100] =	vst v63  }
0x2a: {  	_ =	swait.ge [sflag:s21], $0x40  }
0x2b: {  	[sflag:s21] =	ssyncset.done $0x0  }
0x2c: {  	[sflag:s21] =	ssyncadd.s32 $0xFFFFFFC0  }
0x2d: {  	_ =	swait.ge [sflag:s21], $0x2000  }
0x2e: {  	[sflag:s21] =	ssyncset.done $0x0  }
0x2f: {  	[sflag:s21] =	ssyncadd.s32 $0xFFFFE000  }
0x30: {  	[spmem:s2] =	stream.indirect.scatter.add.f32 [tilespmem:s20], [sflag:$0x3], $0x80, s19, s22, $0xb8;
	[tilespmem:$0x18100] =	vst v63  }
0x31: {  	_ = 	snop  }
0x32: {  	[tilespmem:s23], [sflag:$0x2] =	stream.linear.gather [hbm4b:s10+s3], $0x40, $0x38;
	[tilespmem:$0x18100] =	vst v63  }
0x33: {  	_ = 	snop  }
0x34: {  	[tilespmem:s24], [sflag:$0x2] =	stream.linear.gather [hbm4b:s11+s3], $0x2000, $0x38;
	[tilespmem:$0x18100] =	vst v63  }
0x35: {  	_ =	swait.ge [sflag:s25], $0x40  }
0x36: {  	[sflag:s25] =	ssyncset.done $0x0  }
0x37: {  	[sflag:s25] =	ssyncadd.s32 $0xFFFFFFC0  }
0x38: {  	_ =	swait.ge [sflag:s25], $0x2000  }
0x39: {  	[sflag:s25] =	ssyncset.done $0x0  }
0x3a: {  	[sflag:s25] =	ssyncadd.s32 $0xFFFFE000  }
0x3b: {  	[spmem:s2] =	stream.indirect.scatter.add.f32 [tilespmem:s24], [sflag:$0x4], $0x80, s23, s22, $0xb8;
	[tilespmem:$0x18100] =	vst v63  }
0x3c: {  	_ =	swait.ge [sflag:s26], $0x2000  }
0x3d: {  	[sflag:s26] =	ssyncset.done $0x0  }
0x3e: {  	[sflag:s26] =	ssyncadd.s32 $0xFFFFE000  }
0x3f: {  	[tilespmem:s19], [sflag:$0x1] =	stream.linear.gather [hbm4b:s12+s3], $0x40, $0x38;
	[tilespmem:$0x18100] =	vst v63  }
0x40: {  	s30 =	smov.u32 s14;
	s31 =	simm.s32 $0x0  }
0x41: {  	[tilespmem:s20], [sflag:$0x1] =	stream.linear.gather [hbm4b:s13+s3], $0x2000, $0x38;
	[tilespmem:$0x18100] =	vst v63  }
.LBB2_2:
0x42: {  	_ =	swait.ge [sflag:s21], $0x40  }
0x43: {  	[sflag:s21] =	ssyncset.done $0x0  }
0x44: {  	[sflag:s21] =	ssyncadd.s32 $0xFFFFFFC0  }
0x45: {  	_ =	swait.ge [sflag:s21], $0x2000  }
0x46: {  	[sflag:s21] =	ssyncset.done $0x0  }
0x47: {  	[sflag:s21] =	ssyncadd.s32 $0xFFFFE000  }
0x48: {  	[spmem:s2] =	stream.indirect.scatter.add.f32 [tilespmem:s20], [sflag:$0x3], $0x80, s19, s22, $0xb8;
	[tilespmem:$0x18100] =	vst v63  }
0x49: {  	_ =	swait.ge [sflag:s28], $0x2000  }
0x4a: {  	[sflag:s28] =	ssyncset.done $0x0  }
0x4b: {  	s0 =	sadd.s32 s31, s16;
	[sflag:s28] =	ssyncadd.s32 $0xFFFFE000  }
0x4c: {  	[tilespmem:s23], [sflag:$0x2] =	stream.linear.gather [hbm4b:s0+s3], $0x40, $0x38;
	[tilespmem:$0x18100] =	vst v63  }
0x4d: {  	s0 =	sadd.s32 $0xFFFFFC00, s30  }
0x4e: {  	[tilespmem:s24], [sflag:$0x2] =	stream.linear.gather [hbm4b:s0+s3], $0x2000, $0x38;
	[tilespmem:$0x18100] =	vst v63  }
0x4f: {  	_ =	swait.ge [sflag:s25], $0x40  }
0x50: {  	[sflag:s25] =	ssyncset.done $0x0  }
0x51: {  	[sflag:s25] =	ssyncadd.s32 $0xFFFFFFC0  }
0x52: {  	_ =	swait.ge [sflag:s25], $0x2000  }
0x53: {  	p0 =	seq.s32 s31, $0x120;
	[sflag:s25] =	ssyncset.done $0x0  }
.Ltmp2:
0x54: {  	[sflag:s25] =	ssyncadd.s32 $0xFFFFE000;
	(pc) =	sbr.rel @p0 .LBB2_4-.Ltmp2, $4  }
0x55: {  	[spmem:s2] =	stream.indirect.scatter.add.f32 [tilespmem:s24], [sflag:$0x4], $0x80, s23, s22, $0xb8;
	[tilespmem:$0x18100] =	vst v63  }
0x56: {  	_ =	swait.ge [sflag:s26], $0x2000  }
0x57: {  	[sflag:s26] =	ssyncset.done $0x0  }
0x58: {  	[sflag:s26] =	ssyncadd.s32 $0xFFFFE000  }
.Ltmp3:
0x59: {  	s0 =	sadd.s32 s31, s15;
	(pc) =	sbr.rel .LBB2_2-.Ltmp3, $4  }
0x5a: {  	[tilespmem:s19], [sflag:$0x1] =	stream.linear.gather [hbm4b:s0+s3], $0x40, $0x38;
	[tilespmem:$0x18100] =	vst v63  }
0x5b: {  	_ = 	snop  }
0x5c: {  	[tilespmem:s20], [sflag:$0x1] =	stream.linear.gather [hbm4b:s30+s3], $0x2000, $0x38;
	[tilespmem:$0x18100] =	vst v63  }
0x5d: {  	s31 =	sadd.s32 $0x10, s31;
	s30 =	sadd.s32 $0x800, s30  }
.LBB2_5:
0x5e: {  	_ =	sfence.sel $0x180000  }
0x5f: {  	[bflag:$0x0] =	sbarrier.arrive $0xFFFF  }
0x60: {  	_ =	strace $0x90000053  }
0x61: {  	[bflag:$0x2] =	sbarrier.arrive $0xFFFF  }
0x62: {  	p0 =	sne.s32 s1, $0x0;
	s0 =	rddreg [dreg:$0x2]  }
0x63: {  	s0 =	sadd.s32 @!p0 $0x100000, s0  }
0x64: {  	[sflag:s0] =	ssyncadd.tile.s32 @!p0 $0x1;
	_ =	shalt  }
.Lfunc_end2:
_tile_overlayer_lowered:
.L_overlay_start_2:
0x65: {  	(tag) =	ssettag $0x2  }
0x66: {  	s0 =	rddreg [dreg:$0x0];
	s2 =	stileid.u32  }
0x67: {  	s1 =	rddreg [dreg:$0x1];
	p0 =	sne.s32 s2, $0x0  }
0x68: {  	s3 =	rddreg [dreg:$0x2];
	[bflag:$0x3] =	sbarrier.arrive $0xFFFF;
	s2 =	simm.s32 @!p0 $0x1C05  }
0x69: {  	[timem:s3], [sflag:s2] =	dma.local @!p0 [hbm:s0], s1  }
0x6a: {  	s0 =	simm.s32 @!p0 $0x5  }
0x6b: {  	_ =	swait.ge @!p0 [sflag:s0], s1  }
0x6c: {  	s1 =	ssub.s32 @!p0 $0x0, s1;
	[sflag:s0] =	ssyncset.done @!p0 $0x0  }
0x6d: {  	[sflag:s0] =	ssyncadd.s32 @!p0 s1  }
0x6e: {  	[bflag:$0x3] =	sbarrier.arrive $0xFFFF  }
0x6f: {  	_ =	shalt  }

// kernel: kernel.24.cloned.1.call-start
scs
__scs_entry_jumppad:
0x0: {  	(pc) =	sbr.rel $0x88, $3  }
0x1: {  	(tag) =	ssettag $0x0;
	lr =	simm.s32 $0x1  }
0x2: {  	[smem:$0x3F83] =	sst lr;
	_ =	strace $0xD0000000  }
0x3: {  	_ = 	snop  }
0x4: {  	_ = 	snop  }
0x5: {  	_ = 	snop  }
0x6: {  	_ = 	snop  }
0x7: {  	_ = 	snop  }
__scs_overlays_trampoline_lowered:
0x8: {  	[smem:$0x3F92] =	sst s0  }
0x9: {  	[smem:$0x3F93] =	sst s1  }
0xa: {  	[smem:$0x3F94] =	sst s2  }
0xb: {  	[smem:$0x3F95] =	sst s3  }
0xc: {  	[smem:$0x3F96] =	sst s4  }
0xd: {  	[smem:$0x3F97] =	sst s5  }
0xe: {  	[smem:$0x3F98] =	sst s6  }
0xf: {  	[smem:$0x3F99] =	sst s7  }
0x10: {  	[smem:$0x3F9A] =	sst s8  }
0x11: {  	[smem:$0x3F9B] =	sst s9;
	s0 =	simm.s32 @!p0 $0x0  }
0x12: {  	s1 =	sld [smem:$0x3F81];
	s0 =	simm.s32 @p0 $0x1  }
0x13: {  	[smem:$0x3F9C] =	sst s0;
	s0 =	simm.s32 @!p1 $0x0  }
0x14: {  	s2 =	sld [smem:$0x3F80];
	s0 =	simm.s32 @p1 $0x1  }
0x15: {  	[smem:$0x3F9D] =	sst s0;
	s0 =	simm.s32 @!p2 $0x0  }
0x16: {  	s3 =	sld [smem:$0x3FDB];
	s0 =	simm.s32 @p2 $0x1  }
0x17: {  	s4 =	simm.s32 $0x1BF5;
	[smem:$0x3F9F] =	sst s0  }
0x18: {  	s0 =	sld [smem:$0x3F82];
	_ =	swait.ge [sflag:s4], $0x0  }
0x19: {  	s7 =	sld [smem:$0x3F83]  }
0x1a: {  	s8 =	sadd.s32 $0xFFFFE003, lr  }
0x1b: {  	s9 =	sadd.s32 $0xFFFFFEF7, lr;
	s5 =	simm.s32 $0xFFFFFFFF;
	p2 =	slt.u32 s8, $0xFFFFF086  }
0x1c: {  	p1 =	slt.u32 s9, $0xF7A;
	s5 =	simm.s32 @!p2 $0x0  }
0x1d: {  	s5 =	simm.s32 @p1 $0x1;
	p0 =	seq.s32 s7, s2  }
0x1e: {  	s7 =	smul.u32 @!p0 $0xF7A, s2;
	p2 =	seq.s32 @!p0 s5, $0x0  }
0x1f: {  	s9 =	smul.u32 $0xF7A, s1;
	s8 =	simm.s32 @!p0 $0x1BF5;
	p2 =	por !p2, p0  }
0x20: {  	[sflag:s8] =	ssyncset.s32 @!p0 $0xFFFFF086;
	s6 =	sadd.s32 @!p0 s3, s7;
	s7 =	simm.s32 @!p0 $0x108  }
0x21: {  	s3 =	sadd.s32 s3, s9;
	s6 =	sadd.s32 @!p0 $0x88, s6;
	s7 =	simm.s32 @p2 $0x1082  }
0x22: {  	[simem:s7], [sflag:s8] =	dma.local @!p0 [hbm:s6], $0xF7A  }
0x23: {  	s9 =	sor.u32 $0xD0000000, s2;
	s6 =	simm.s32 $0x108;
	_ =	swait.ge @!p0 [sflag:s8], $0x0  }
0x24: {  	s3 =	sadd.s32 $0x88, s3;
	s6 =	simm.s32 @!p1 $0x1082;
	[sflag:s4] =	ssyncset.s32 $0xFFFFF086  }
0x25: {  	[simem:s6], [sflag:s4] =	dma.local [hbm:s3], $0xF7A  }
0x26: {  	[smem:$0x3F83] =	sst s1;
	(tag) =	ssettag s2;
	_ =	strace s9  }
0x27: {  	s1 =	sld [smem:$0x3F93]  }
0x28: {  	s2 =	sld [smem:$0x3F94]  }
0x29: {  	s4 =	sld [smem:$0x3F96]  }
0x2a: {  	p0 =	seq.s32 s5, $0x0;
	s5 =	sld [smem:$0x3F97]  }
0x2b: {  	s6 =	sld [smem:$0x3F98]  }
0x2c: {  	s7 =	sld [smem:$0x3F99]  }
0x2d: {  	s3 =	simm.s32 $0x108;
	s8 =	sld [smem:$0x3F9A]  }
0x2e: {  	s3 =	simm.s32 @!p0 $0x1082;
	s9 =	sld [smem:$0x3F9B]  }
0x2f: {  	lr =	sadd.s32 s0, s3;
	s0 =	sld [smem:$0x3F92]  }
0x30: {  	s3 =	sld [smem:$0x3F95]  }
0x31: {  	[smem:$0x3F9E] =	sst s10  }
0x32: {  	s10 =	sld [smem:$0x3F9C];
	_ =	sdelay $0x3  }
0x33: {  	p0 =	seq.s32 s10, $0x1;
	s10 =	sld [smem:$0x3F9E];
	_ =	sdelay $0x3  }
0x34: {  	[smem:$0x3F9E] =	sst s10  }
0x35: {  	s10 =	sld [smem:$0x3F9D];
	_ =	sdelay $0x3  }
0x36: {  	p1 =	seq.s32 s10, $0x1;
	s10 =	sld [smem:$0x3F9E];
	_ =	sdelay $0x3  }
0x37: {  	[smem:$0x3F9E] =	sst s10  }
0x38: {  	s10 =	sld [smem:$0x3F9F]  }
0x39: {  	_ = 	snop;
	(pc) =	sbr.ind lr, $3  }
0x3a: {  	_ = 	snop  }
0x3b: {  	_ = 	snop  }
0x3c: {  	p2 =	seq.s32 s10, $0x1;
	s10 =	sld [smem:$0x3F9E]  }
0x3d: {  	_ =	shalt  }
0x3e: {  	_ =	shalt  }
0x3f: {  	_ =	shalt  }
0x40: {  	_ =	shalt  }
0x41: {  	_ =	shalt  }
0x42: {  	_ =	shalt  }
0x43: {  	_ =	shalt  }
0x44: {  	_ =	shalt  }
0x45: {  	_ =	shalt  }
0x46: {  	_ =	shalt  }
0x47: {  	_ =	shalt  }
0x48: {  	_ =	shalt  }
0x49: {  	_ =	shalt  }
0x4a: {  	_ =	shalt  }
0x4b: {  	_ =	shalt  }
0x4c: {  	_ =	shalt  }
0x4d: {  	_ =	shalt  }
0x4e: {  	_ =	shalt  }
0x4f: {  	_ =	shalt  }
0x50: {  	_ =	shalt  }
0x51: {  	_ =	shalt  }
0x52: {  	_ =	shalt  }
0x53: {  	_ =	shalt  }
0x54: {  	_ =	shalt  }
0x55: {  	_ =	shalt  }
0x56: {  	_ =	shalt  }
0x57: {  	_ =	shalt  }
0x58: {  	_ =	shalt  }
0x59: {  	_ =	shalt  }
0x5a: {  	_ =	shalt  }
0x5b: {  	_ =	shalt  }
0x5c: {  	_ =	shalt  }
0x5d: {  	_ =	shalt  }
0x5e: {  	_ =	shalt  }
0x5f: {  	_ =	shalt  }
0x60: {  	_ =	shalt  }
0x61: {  	_ =	shalt  }
0x62: {  	_ =	shalt  }
0x63: {  	_ =	shalt  }
0x64: {  	_ =	shalt  }
0x65: {  	_ =	shalt  }
0x66: {  	_ =	shalt  }
0x67: {  	_ =	shalt  }
0x68: {  	_ =	shalt  }
0x69: {  	_ =	shalt  }
0x6a: {  	_ =	shalt  }
0x6b: {  	_ =	shalt  }
0x6c: {  	_ =	shalt  }
0x6d: {  	_ =	shalt  }
0x6e: {  	_ =	shalt  }
0x6f: {  	_ =	shalt  }
0x70: {  	_ =	shalt  }
0x71: {  	_ =	shalt  }
0x72: {  	_ =	shalt  }
0x73: {  	_ =	shalt  }
0x74: {  	_ =	shalt  }
0x75: {  	_ =	shalt  }
0x76: {  	_ =	shalt  }
0x77: {  	_ =	shalt  }
0x78: {  	_ =	shalt  }
0x79: {  	_ =	shalt  }
0x7a: {  	_ =	shalt  }
0x7b: {  	_ =	shalt  }
0x7c: {  	_ =	shalt  }
0x7d: {  	_ =	shalt  }
0x7e: {  	_ =	shalt  }
0x7f: {  	_ =	shalt  }
0x80: {  	_ =	shalt  }
0x81: {  	_ =	shalt  }
0x82: {  	_ =	shalt  }
0x83: {  	_ =	shalt  }
0x84: {  	_ =	shalt  }
0x85: {  	_ =	shalt  }
0x86: {  	_ =	shalt  }
0x87: {  	_ =	shalt  }
.Lfunc_end0:
.L_simem_size_0:
called_computation.4_lowered:
.L_overlay_start_0:
0x88: {  	s2 =	sld [smem:$0x3FD9]  }
0x89: {  	s3 =	sld [smem:$0x3FFE];
	_ =	sdelay $0x1  }
0x8a: {  	s1 =	srdreg.scid  }
0x8b: {  	s0 =	sand.u32 $0x1, s1  }
0x8c: {  	s17 =	sshll.u32 s0, $0xA;
	s2 =	sadd.s32 s3, s2  }
0x8d: {  	s2 =	sadd.s32 s2, s17  }
0x8e: {  	[smem:$0x3FAA] =	sst s2  }
0x8f: {  	_ = 	snop  }
0x90: {  	(tm) =	ssettm $0x1  }
0x91: {  	s18 =	sld [smem:$0x3FFB];
	_ =	sdelay $0x3  }
0x92: {  	_ =	strace s18  }
0x93: {  	s2 =	sld [smem:$0x3FFC];
	_ =	sdelay $0x3  }
0x94: {  	_ =	strace s2  }
0x95: {  	s2 =	sld [smem:$0x3FFD];
	_ =	sdelay $0x3  }
0x96: {  	_ =	strace s2  }
0x97: {  	_ =	strace $0x8FFFFFFF  }
0x98: {  	s19 =	sld [smem:$0x3FDB];
	_ =	sdelay $0x1  }
0x99: {  	s20 =	simm.s32 $_scs_section_size  }
0x9a: {  	s4 =	simm.s32 $_size__tile_overlayer_lowered;
	s5 =	simm.s32 $_tile_overlayer_lowered  }
0x9b: {  	s6 =	simm.s32 $0x1BFF;
	s21 =	sshll.u32 s5, $0x1;
	s3 =	sadd.s32 s20, s19  }
0x9c: {  	s22 =	simm.s32 $0x0;
	s4 =	sshll.u32 s4, $0x1;
	s5 =	sadd.s32 s21, s3  }
0x9d: {  	[timem:s22], [sflag:s6] =	dma.local [hbm:s5], s4  }
0x9e: {  	_ =	swait.ge [sflag:s6], s4  }
0x9f: {  	s4 =	ssub.s32 $0x0, s4;
	[sflag:s6] =	ssyncset.done $0x0  }
0xa0: {  	[sflag:s6] =	ssyncadd.s32 s4;
	_ =	sdelay $0x1  }
0xa1: {  	s23 =	simm.s32 $0x1B8B  }
0xa2: {  	_ =	swait.ge [sflag:s23], $0x1  }
0xa3: {  	[sflag:s23] =	ssyncset.done $0x0  }
0xa4: {  	[sflag:s23] =	ssyncadd.s32 $0xFFFFFFFF  }
0xa5: {  	s4 =	sld [smem:$0x0]  }
0xa6: {  	s5 =	sand.u32 $0xFFFFFFFE, s1  }
0xa7: {  	p0 =	sne.s32 s1, s5  }
0xa8: {  	s5 =	sshll.u32 @p0 s5, $0xE  }
0xa9: {  	s5 =	sadd.s32 @p0 $0x11B8D, s5;
	s6 =	sshll.u32 @p0 s4, $0x11  }
0xaa: {  	s5 =	sor.u32 @p0 s6, s5  }
0xab: {  	[sflag:s5] =	ssyncadd.remote.s32 @p0 $0x1;
	_ =	sdelay $0x1  }
0xac: {  	s5 =	simm.s32 @p0 $0x1B8D  }
0xad: {  	_ =	swait.eq @p0 [sflag:s5], $0x1  }
0xae: {  	[sflag:s5] =	ssyncadd.s32 @p0 $0xFFFFFFFF  }
0xaf: {  	s6 =	sshll.u32 @!p0 s1, $0xE  }
0xb0: {  	s6 =	sor.u32 @!p0 $0x4000, s6;
	s5 =	simm.s32 @!p0 $0x1B8D  }
0xb1: {  	s4 =	sshll.u32 @!p0 s4, $0x11;
	s6 =	sadd.s32 @!p0 $0x11B8D, s6;
	_ =	swait.eq @!p0 [sflag:s5], $0x1  }
0xb2: {  	s4 =	sor.u32 @!p0 s4, s6;
	[sflag:s5] =	ssyncadd.s32 @!p0 $0xFFFFFFFF  }
0xb3: {  	s25 =	simm.s32 $0x1B8E;
	s24 =	sld [smem:$0x3FFE];
	[sflag:s4] =	ssyncadd.remote.s32 @!p0 $0x1  }
0xb4: {  	s26 =	simm.s32 $execute0_lowered;
	[smem:$0x3FD2] =	sst s25  }
0xb5: {  	s5 =	sshll.u32 s26, $0x1;
	_ =	strace $0x8000004F;
	[dreg:$0x1] =	wrdreg $0xFFFFFFFF  }
0xb6: {  	s28 =	simm.s32 $_size_execute0_lowered;
	s3 =	sadd.s32 s3, s5;
	[dreg:$0x0] =	wrdreg $0x0  }
0xb7: {  	s5 =	sshll.u32 s28, $0x1;
	[dreg:$0x2] =	wrdreg s3  }
0xb8: {  	[dreg:$0x3] =	wrdreg s5  }
0xb9: {  	[dreg:$0x4] =	wrdreg $0xC0  }
0xba: {  	_ =	task [dreg:s22], $0x5FFFF  }
0xbb: {  	[dreg:$0x1] =	wrdreg $0xFFFFFFFF  }
0xbc: {  	[dreg:$0x0] =	wrdreg $0x60  }
0xbd: {  	[dreg:$0x2] =	wrdreg s24  }
0xbe: {  	[dreg:$0x3] =	wrdreg $0x0  }
0xbf: {  	[dreg:$0x4] =	wrdreg $0xB  }
0xc0: {  	_ =	task.clear_ibuf [dreg:s22], $0x5FFFF;
	_ =	strace $0x9000004F  }
0xc1: {  	s29 =	simm.s32 $0xB;
	_ =	strace $0x80000051  }
0xc2: {  	_ =	swait.ge [sflag:s29], $0x1  }
0xc3: {  	[sflag:s29] =	ssyncadd.s32 $0xFFFFFFFF  }
0xc4: {  	_ =	strace $0x90000051  }
0xc5: {  	_ =	sfence  }
0xc6: {  	s30 =	sld [smem:$0x0];
	_ =	sdelay $0x2  }
0xc7: {  	s31 =	sshll.u32 s1, $0xD;
	s1 =	sshrl.u32 s1, $0x2  }
0xc8: {  	s4 =	sand.u32 $0x4000, s31;
	s1 =	sadd.s32 s1, s30  }
0xc9: {  	s0 =	sor.u32 s4, s0;
	s1 =	sshll.u32 s1, $0x11  }
0xca: {  	s0 =	sor.u32 s1, s0  }
0xcb: {  	s0 =	sadd.s32 $0x8F2B, s0  }
0xcc: {  	[sflag:s0] =	ssyncadd.remote.s32 $0x1  }
0xcd: {  	_ =	sfence.sel $0xFFFF  }
0xce: {  	[dreg:$0x0] =	wrdreg $0xFFFFFFFF;
	(pc) =	sbr.abs _section_cstart, $3  }
0xcf: {  	[dreg:$0x1] =	wrdreg $0xFFFFFFFF  }
0xd0: {  	_ =	task.clear_ibuf [dreg:s22], $0x2FFFF;
	_ =	strace $0x9FFFFFFF  }
0xd1: {  	(tm) =	ssettm $0x7FFFFFFF  }
tec
execute0_lowered:
.L_overlay_start_1:
0x0: {  	(tag) =	ssettag $0x1  }
0x1: {  	s4 =	rddreg [dreg:$0x0]  }
0x2: {  	s2 =	rddreg [dreg:$0x1]  }
0x3: {  	s1 =	stileid.u32;
	s5 =	srdreg.scid;
	s3 =	simm.s32 $0x0  }
0x4: {  	s28 =	simm.s32 $0x4;
	s29 =	simm.s32 $0x0;
	s14 =	smul.u32 $0x14000, s1  }
0x5: {  	s15 =	sand.u32 $0x1, s5;
	[smem:$0x7FF] =	sst s3;
	s16 =	sadd.s32 $0x5B000, s4  }
0x6: {  	s17 =	sadd.s32 $0x14D800, s4;
	s8 =	sshll.u32 s1, $0x1;
	s9 =	smul.u32 $0x50000, s1  }
0x7: {  	s20 =	sshll.u32 s1, $0x6;
	s5 =	smul.u32 $0x140000, s15;
	_ =	strace $0x80000050  }
0x8: {  	s7 =	ssub.s32 $0x2, s15;
	s13 =	sor.u32 s15, s8;
	s6 =	sshrl.u32 s14, $0x3  }
0x9: {  	s12 =	sshrl.u32 s7, $0x1;
	s19 =	sshrl.u32 s9, $0x2;
	s8 =	smul.u32 $0xA00, s13  }
0xa: {  	s21 =	smul.u32 $0xA000, s13;
	s5 =	sadd.s32 s14, s5;
	s6 =	sadd.s32 s6, s4  }
0xb: {  	s11 =	ssub.s32 s7, s12;
	s18 =	sadd.s32 s19, s2;
	s19 =	smul.u32 $0x1400, s1  }
0xc: {  	s14 =	sadd.s32 s14, s17;
	s5 =	sshrl.u32 s5, $0x3;
	s22 =	sshrl.u32 s8, $0x3  }
0xd: {  	s7 =	sadd.s32 s17, s21;
	s12 =	sor.u32 $0x40, s8;
	s13 =	sor.u32 $0x80, s8  }
0xe: {  	s9 =	smax.u32 s11, $0x1;
	s21 =	simm.s32 $0x1;
	s10 =	sadd.s32 s5, s4  }
0xf: {  	s4 =	sadd.s32 $0xD5800, s6;
	s5 =	sor.u32 $0x1C05, s20;
	s6 =	sadd.s32 s16, s22  }
0x10: {  	s23 =	sshrl.u32 s12, $0x3;
	s24 =	sshll.u32 s12, $0x4;
	s20 =	smul.u32 $0xA00, s15  }
0x11: {  	s25 =	sshrl.u32 s13, $0x3;
	s13 =	sshll.u32 s13, $0x4;
	s15 =	smul.u32 $0xA000, s15  }
0x12: {  	s22 =	simm.s32 $0x40;
	s8 =	sadd.s32 $0x5D800, s10;
	s10 =	sadd.s32 s16, s23  }
0x13: {  	s11 =	sadd.s32 s17, s24;
	s12 =	sadd.s32 s16, s25;
	s13 =	sadd.s32 s17, s13  }
0x14: {  	s17 =	sshrl.u32 s18, $0x3;
	s18 =	simm.s32 $0x5;
	s23 =	simm.s32 $0x14080  }
.Ltmp0:
0x15: {  	s24 =	simm.s32 $0x16100;
	s25 =	simm.s32 $0x2;
	(pc) =	sbr.rel .LBB2_1-.Ltmp0, $4  }
0x16: {  	s19 =	sadd.s32 s20, s19;
	s14 =	sadd.s32 s15, s14;
	s20 =	simm.s32 $0x14100  }
0x17: {  	s26 =	sor.u32 $0x100, s19;
	s19 =	sor.u32 $0xC0, s19;
	s14 =	sadd.s32 $0x1000, s14  }
0x18: {  	s30 =	sshrl.u32 s26, $0x3;
	s31 =	sshrl.u32 s19, $0x3;
	s19 =	simm.s32 $0x14000  }
0x19: {  	s26 =	simm.s32 $0x3;
	s15 =	sadd.s32 s30, s16;
	s16 =	sadd.s32 s31, s16  }
.LBB2_4:
0x1a: {  	_ =	swait.ge [sflag:s28], $0x2000  }
0x1b: {  	s29 =	sadd.s32 $0x1, s29;
	[sflag:s28] =	ssyncset.done $0x0  }
0x1c: {  	p0 =	sne.s32 s29, s9;
	[sflag:s28] =	ssyncadd.s32 $0xFFFFE000  }
.Ltmp1:
0x1d: {  	[bflag:$0x0] =	sbarrier.arrive $0xFFFF;
	(pc) =	sbr.rel @!p0 .LBB2_5-.Ltmp1, $4  }
0x1e: {  	[hbm:s8], [sflag:s5] =	dma.local [spmem:s17], $0x2800  }
0x1f: {  	_ =	swait.ge [sflag:s18], $0x2800  }
0x20: {  	[sflag:s18] =	ssyncset.done $0x0  }
0x21: {  	[sflag:s18] =	ssyncadd.s32 $0xFFFFD800  }
.LBB2_1:
0x22: {  	[spmem:s17], [sflag:s5] =	dma.local [hbm:s4], $0x2800  }
0x23: {  	_ =	swait.ge [sflag:s18], $0x2800  }
0x24: {  	[sflag:s18] =	ssyncset.done $0x0  }
0x25: {  	[sflag:s18] =	ssyncadd.s32 $0xFFFFD800  }
0x26: {  	[bflag:$0x0] =	sbarrier.arrive $0xFFFF  }
0x27: {  	[tilespmem:s19], [sflag:$0x1] =	stream.linear.gather [hbm4b:s6+s3], $0x40, $0x38;
	[tilespmem:$0x18100] =	vst v63  }
0x28: {  	_ = 	snop  }
0x29: {  	[tilespmem:s20], [sflag:$0x1] =	stream.linear.gather [hbm4b:s7+s3], $0x2000, $0x38;
	[tilespmem:$0x18100] =	vst v63  }
0x2a: {  	_ =	swait.ge [sflag:s21], $0x40  }
0x2b: {  	[sflag:s21] =	ssyncset.done $0x0  }
0x2c: {  	[sflag:s21] =	ssyncadd.s32 $0xFFFFFFC0  }
0x2d: {  	_ =	swait.ge [sflag:s21], $0x2000  }
0x2e: {  	[sflag:s21] =	ssyncset.done $0x0  }
0x2f: {  	[sflag:s21] =	ssyncadd.s32 $0xFFFFE000  }
0x30: {  	[spmem:s2] =	stream.indirect.scatter.add.f32 [tilespmem:s20], [sflag:$0x3], $0x80, s19, s22, $0xb8;
	[tilespmem:$0x18100] =	vst v63  }
0x31: {  	_ = 	snop  }
0x32: {  	[tilespmem:s23], [sflag:$0x2] =	stream.linear.gather [hbm4b:s10+s3], $0x40, $0x38;
	[tilespmem:$0x18100] =	vst v63  }
0x33: {  	_ = 	snop  }
0x34: {  	[tilespmem:s24], [sflag:$0x2] =	stream.linear.gather [hbm4b:s11+s3], $0x2000, $0x38;
	[tilespmem:$0x18100] =	vst v63  }
0x35: {  	_ =	swait.ge [sflag:s25], $0x40  }
0x36: {  	[sflag:s25] =	ssyncset.done $0x0  }
0x37: {  	[sflag:s25] =	ssyncadd.s32 $0xFFFFFFC0  }
0x38: {  	_ =	swait.ge [sflag:s25], $0x2000  }
0x39: {  	[sflag:s25] =	ssyncset.done $0x0  }
0x3a: {  	[sflag:s25] =	ssyncadd.s32 $0xFFFFE000  }
0x3b: {  	[spmem:s2] =	stream.indirect.scatter.add.f32 [tilespmem:s24], [sflag:$0x4], $0x80, s23, s22, $0xb8;
	[tilespmem:$0x18100] =	vst v63  }
0x3c: {  	_ =	swait.ge [sflag:s26], $0x2000  }
0x3d: {  	[sflag:s26] =	ssyncset.done $0x0  }
0x3e: {  	[sflag:s26] =	ssyncadd.s32 $0xFFFFE000  }
0x3f: {  	[tilespmem:s19], [sflag:$0x1] =	stream.linear.gather [hbm4b:s12+s3], $0x40, $0x38;
	[tilespmem:$0x18100] =	vst v63  }
0x40: {  	s30 =	smov.u32 s14;
	s31 =	simm.s32 $0x0  }
0x41: {  	[tilespmem:s20], [sflag:$0x1] =	stream.linear.gather [hbm4b:s13+s3], $0x2000, $0x38;
	[tilespmem:$0x18100] =	vst v63  }
.LBB2_2:
0x42: {  	_ =	swait.ge [sflag:s21], $0x40  }
0x43: {  	[sflag:s21] =	ssyncset.done $0x0  }
0x44: {  	[sflag:s21] =	ssyncadd.s32 $0xFFFFFFC0  }
0x45: {  	_ =	swait.ge [sflag:s21], $0x2000  }
0x46: {  	[sflag:s21] =	ssyncset.done $0x0  }
0x47: {  	[sflag:s21] =	ssyncadd.s32 $0xFFFFE000  }
0x48: {  	[spmem:s2] =	stream.indirect.scatter.add.f32 [tilespmem:s20], [sflag:$0x3], $0x80, s19, s22, $0xb8;
	[tilespmem:$0x18100] =	vst v63  }
0x49: {  	_ =	swait.ge [sflag:s28], $0x2000  }
0x4a: {  	[sflag:s28] =	ssyncset.done $0x0  }
0x4b: {  	s0 =	sadd.s32 s31, s16;
	[sflag:s28] =	ssyncadd.s32 $0xFFFFE000  }
0x4c: {  	[tilespmem:s23], [sflag:$0x2] =	stream.linear.gather [hbm4b:s0+s3], $0x40, $0x38;
	[tilespmem:$0x18100] =	vst v63  }
0x4d: {  	s0 =	sadd.s32 $0xFFFFFC00, s30  }
0x4e: {  	[tilespmem:s24], [sflag:$0x2] =	stream.linear.gather [hbm4b:s0+s3], $0x2000, $0x38;
	[tilespmem:$0x18100] =	vst v63  }
0x4f: {  	_ =	swait.ge [sflag:s25], $0x40  }
0x50: {  	[sflag:s25] =	ssyncset.done $0x0  }
0x51: {  	[sflag:s25] =	ssyncadd.s32 $0xFFFFFFC0  }
0x52: {  	_ =	swait.ge [sflag:s25], $0x2000  }
0x53: {  	p0 =	seq.s32 s31, $0x120;
	[sflag:s25] =	ssyncset.done $0x0  }
.Ltmp2:
0x54: {  	[sflag:s25] =	ssyncadd.s32 $0xFFFFE000;
	(pc) =	sbr.rel @p0 .LBB2_4-.Ltmp2, $4  }
0x55: {  	[spmem:s2] =	stream.indirect.scatter.add.f32 [tilespmem:s24], [sflag:$0x4], $0x80, s23, s22, $0xb8;
	[tilespmem:$0x18100] =	vst v63  }
0x56: {  	_ =	swait.ge [sflag:s26], $0x2000  }
0x57: {  	[sflag:s26] =	ssyncset.done $0x0  }
0x58: {  	[sflag:s26] =	ssyncadd.s32 $0xFFFFE000  }
.Ltmp3:
0x59: {  	s0 =	sadd.s32 s31, s15;
	(pc) =	sbr.rel .LBB2_2-.Ltmp3, $4  }
0x5a: {  	[tilespmem:s19], [sflag:$0x1] =	stream.linear.gather [hbm4b:s0+s3], $0x40, $0x38;
	[tilespmem:$0x18100] =	vst v63  }
0x5b: {  	_ = 	snop  }
0x5c: {  	[tilespmem:s20], [sflag:$0x1] =	stream.linear.gather [hbm4b:s30+s3], $0x2000, $0x38;
	[tilespmem:$0x18100] =	vst v63  }
0x5d: {  	s31 =	sadd.s32 $0x10, s31;
	s30 =	sadd.s32 $0x800, s30  }
.LBB2_5:
0x5e: {  	_ =	sfence.sel $0x180000  }
0x5f: {  	[bflag:$0x0] =	sbarrier.arrive $0xFFFF  }
0x60: {  	_ =	strace $0x90000050  }
0x61: {  	[bflag:$0x2] =	sbarrier.arrive $0xFFFF  }
0x62: {  	p0 =	sne.s32 s1, $0x0;
	s0 =	rddreg [dreg:$0x2]  }
0x63: {  	s0 =	sadd.s32 @!p0 $0x100000, s0  }
0x64: {  	[sflag:s0] =	ssyncadd.tile.s32 @!p0 $0x1;
	_ =	shalt  }
.Lfunc_end2:
_tile_overlayer_lowered:
.L_overlay_start_2:
0x65: {  	(tag) =	ssettag $0x2  }
0x66: {  	s0 =	rddreg [dreg:$0x0];
	s2 =	stileid.u32  }
0x67: {  	s1 =	rddreg [dreg:$0x1];
	p0 =	sne.s32 s2, $0x0  }
0x68: {  	s3 =	rddreg [dreg:$0x2];
	[bflag:$0x3] =	sbarrier.arrive $0xFFFF;
	s2 =	simm.s32 @!p0 $0x1C05  }
0x69: {  	[timem:s3], [sflag:s2] =	dma.local @!p0 [hbm:s0], s1  }
0x6a: {  	s0 =	simm.s32 @!p0 $0x5  }
0x6b: {  	_ =	swait.ge @!p0 [sflag:s0], s1  }
0x6c: {  	s1 =	ssub.s32 @!p0 $0x0, s1;
	[sflag:s0] =	ssyncset.done @!p0 $0x0  }
0x6d: {  	[sflag:s0] =	ssyncadd.s32 @!p0 s1  }
0x6e: {  	[bflag:$0x3] =	sbarrier.arrive $0xFFFF  }
0x6f: {  	_ =	shalt  }

// kernel: kernel.27.cloned.1.call-start
scs
__scs_entry_jumppad:
0x0: {  	(pc) =	sbr.rel $0x88, $3  }
0x1: {  	(tag) =	ssettag $0x0;
	lr =	simm.s32 $0x1  }
0x2: {  	[smem:$0x3F83] =	sst lr;
	_ =	strace $0xD0000000  }
0x3: {  	_ = 	snop  }
0x4: {  	_ = 	snop  }
0x5: {  	_ = 	snop  }
0x6: {  	_ = 	snop  }
0x7: {  	_ = 	snop  }
__scs_overlays_trampoline_lowered:
0x8: {  	[smem:$0x3F92] =	sst s0  }
0x9: {  	[smem:$0x3F93] =	sst s1  }
0xa: {  	[smem:$0x3F94] =	sst s2  }
0xb: {  	[smem:$0x3F95] =	sst s3  }
0xc: {  	[smem:$0x3F96] =	sst s4  }
0xd: {  	[smem:$0x3F97] =	sst s5  }
0xe: {  	[smem:$0x3F98] =	sst s6  }
0xf: {  	[smem:$0x3F99] =	sst s7  }
0x10: {  	[smem:$0x3F9A] =	sst s8  }
0x11: {  	[smem:$0x3F9B] =	sst s9;
	s0 =	simm.s32 @!p0 $0x0  }
0x12: {  	s1 =	sld [smem:$0x3F81];
	s0 =	simm.s32 @p0 $0x1  }
0x13: {  	[smem:$0x3F9C] =	sst s0;
	s0 =	simm.s32 @!p1 $0x0  }
0x14: {  	s2 =	sld [smem:$0x3F80];
	s0 =	simm.s32 @p1 $0x1  }
0x15: {  	[smem:$0x3F9D] =	sst s0;
	s0 =	simm.s32 @!p2 $0x0  }
0x16: {  	s3 =	sld [smem:$0x3FDB];
	s0 =	simm.s32 @p2 $0x1  }
0x17: {  	s4 =	simm.s32 $0x1BF5;
	[smem:$0x3F9F] =	sst s0  }
0x18: {  	s0 =	sld [smem:$0x3F82];
	_ =	swait.ge [sflag:s4], $0x0  }
0x19: {  	s7 =	sld [smem:$0x3F83]  }
0x1a: {  	s8 =	sadd.s32 $0xFFFFE003, lr  }
0x1b: {  	s9 =	sadd.s32 $0xFFFFFEF7, lr;
	s5 =	simm.s32 $0xFFFFFFFF;
	p2 =	slt.u32 s8, $0xFFFFF086  }
0x1c: {  	p1 =	slt.u32 s9, $0xF7A;
	s5 =	simm.s32 @!p2 $0x0  }
0x1d: {  	s5 =	simm.s32 @p1 $0x1;
	p0 =	seq.s32 s7, s2  }
0x1e: {  	s7 =	smul.u32 @!p0 $0xF7A, s2;
	p2 =	seq.s32 @!p0 s5, $0x0  }
0x1f: {  	s9 =	smul.u32 $0xF7A, s1;
	s8 =	simm.s32 @!p0 $0x1BF5;
	p2 =	por !p2, p0  }
0x20: {  	[sflag:s8] =	ssyncset.s32 @!p0 $0xFFFFF086;
	s6 =	sadd.s32 @!p0 s3, s7;
	s7 =	simm.s32 @!p0 $0x108  }
0x21: {  	s3 =	sadd.s32 s3, s9;
	s6 =	sadd.s32 @!p0 $0x88, s6;
	s7 =	simm.s32 @p2 $0x1082  }
0x22: {  	[simem:s7], [sflag:s8] =	dma.local @!p0 [hbm:s6], $0xF7A  }
0x23: {  	s9 =	sor.u32 $0xD0000000, s2;
	s6 =	simm.s32 $0x108;
	_ =	swait.ge @!p0 [sflag:s8], $0x0  }
0x24: {  	s3 =	sadd.s32 $0x88, s3;
	s6 =	simm.s32 @!p1 $0x1082;
	[sflag:s4] =	ssyncset.s32 $0xFFFFF086  }
0x25: {  	[simem:s6], [sflag:s4] =	dma.local [hbm:s3], $0xF7A  }
0x26: {  	[smem:$0x3F83] =	sst s1;
	(tag) =	ssettag s2;
	_ =	strace s9  }
0x27: {  	s1 =	sld [smem:$0x3F93]  }
0x28: {  	s2 =	sld [smem:$0x3F94]  }
0x29: {  	s4 =	sld [smem:$0x3F96]  }
0x2a: {  	p0 =	seq.s32 s5, $0x0;
	s5 =	sld [smem:$0x3F97]  }
0x2b: {  	s6 =	sld [smem:$0x3F98]  }
0x2c: {  	s7 =	sld [smem:$0x3F99]  }
0x2d: {  	s3 =	simm.s32 $0x108;
	s8 =	sld [smem:$0x3F9A]  }
0x2e: {  	s3 =	simm.s32 @!p0 $0x1082;
	s9 =	sld [smem:$0x3F9B]  }
0x2f: {  	lr =	sadd.s32 s0, s3;
	s0 =	sld [smem:$0x3F92]  }
0x30: {  	s3 =	sld [smem:$0x3F95]  }
0x31: {  	[smem:$0x3F9E] =	sst s10  }
0x32: {  	s10 =	sld [smem:$0x3F9C];
	_ =	sdelay $0x3  }
0x33: {  	p0 =	seq.s32 s10, $0x1;
	s10 =	sld [smem:$0x3F9E];
	_ =	sdelay $0x3  }
0x34: {  	[smem:$0x3F9E] =	sst s10  }
0x35: {  	s10 =	sld [smem:$0x3F9D];
	_ =	sdelay $0x3  }
0x36: {  	p1 =	seq.s32 s10, $0x1;
	s10 =	sld [smem:$0x3F9E];
	_ =	sdelay $0x3  }
0x37: {  	[smem:$0x3F9E] =	sst s10  }
0x38: {  	s10 =	sld [smem:$0x3F9F]  }
0x39: {  	_ = 	snop;
	(pc) =	sbr.ind lr, $3  }
0x3a: {  	_ = 	snop  }
0x3b: {  	_ = 	snop  }
0x3c: {  	p2 =	seq.s32 s10, $0x1;
	s10 =	sld [smem:$0x3F9E]  }
0x3d: {  	_ =	shalt  }
0x3e: {  	_ =	shalt  }
0x3f: {  	_ =	shalt  }
0x40: {  	_ =	shalt  }
0x41: {  	_ =	shalt  }
0x42: {  	_ =	shalt  }
0x43: {  	_ =	shalt  }
0x44: {  	_ =	shalt  }
0x45: {  	_ =	shalt  }
0x46: {  	_ =	shalt  }
0x47: {  	_ =	shalt  }
0x48: {  	_ =	shalt  }
0x49: {  	_ =	shalt  }
0x4a: {  	_ =	shalt  }
0x4b: {  	_ =	shalt  }
0x4c: {  	_ =	shalt  }
0x4d: {  	_ =	shalt  }
0x4e: {  	_ =	shalt  }
0x4f: {  	_ =	shalt  }
0x50: {  	_ =	shalt  }
0x51: {  	_ =	shalt  }
0x52: {  	_ =	shalt  }
0x53: {  	_ =	shalt  }
0x54: {  	_ =	shalt  }
0x55: {  	_ =	shalt  }
0x56: {  	_ =	shalt  }
0x57: {  	_ =	shalt  }
0x58: {  	_ =	shalt  }
0x59: {  	_ =	shalt  }
0x5a: {  	_ =	shalt  }
0x5b: {  	_ =	shalt  }
0x5c: {  	_ =	shalt  }
0x5d: {  	_ =	shalt  }
0x5e: {  	_ =	shalt  }
0x5f: {  	_ =	shalt  }
0x60: {  	_ =	shalt  }
0x61: {  	_ =	shalt  }
0x62: {  	_ =	shalt  }
0x63: {  	_ =	shalt  }
0x64: {  	_ =	shalt  }
0x65: {  	_ =	shalt  }
0x66: {  	_ =	shalt  }
0x67: {  	_ =	shalt  }
0x68: {  	_ =	shalt  }
0x69: {  	_ =	shalt  }
0x6a: {  	_ =	shalt  }
0x6b: {  	_ =	shalt  }
0x6c: {  	_ =	shalt  }
0x6d: {  	_ =	shalt  }
0x6e: {  	_ =	shalt  }
0x6f: {  	_ =	shalt  }
0x70: {  	_ =	shalt  }
0x71: {  	_ =	shalt  }
0x72: {  	_ =	shalt  }
0x73: {  	_ =	shalt  }
0x74: {  	_ =	shalt  }
0x75: {  	_ =	shalt  }
0x76: {  	_ =	shalt  }
0x77: {  	_ =	shalt  }
0x78: {  	_ =	shalt  }
0x79: {  	_ =	shalt  }
0x7a: {  	_ =	shalt  }
0x7b: {  	_ =	shalt  }
0x7c: {  	_ =	shalt  }
0x7d: {  	_ =	shalt  }
0x7e: {  	_ =	shalt  }
0x7f: {  	_ =	shalt  }
0x80: {  	_ =	shalt  }
0x81: {  	_ =	shalt  }
0x82: {  	_ =	shalt  }
0x83: {  	_ =	shalt  }
0x84: {  	_ =	shalt  }
0x85: {  	_ =	shalt  }
0x86: {  	_ =	shalt  }
0x87: {  	_ =	shalt  }
.Lfunc_end0:
.L_simem_size_0:
called_computation.5_lowered:
.L_overlay_start_0:
0x88: {  	s2 =	sld [smem:$0x3FD9]  }
0x89: {  	s3 =	sld [smem:$0x3FFE];
	_ =	sdelay $0x1  }
0x8a: {  	s1 =	srdreg.scid  }
0x8b: {  	s0 =	sand.u32 $0x1, s1  }
0x8c: {  	s17 =	sshll.u32 s0, $0xA;
	s2 =	sadd.s32 s3, s2  }
0x8d: {  	s2 =	sadd.s32 s2, s17  }
0x8e: {  	[smem:$0x3FAA] =	sst s2  }
0x8f: {  	_ = 	snop  }
0x90: {  	(tm) =	ssettm $0x1  }
0x91: {  	s18 =	sld [smem:$0x3FFB];
	_ =	sdelay $0x3  }
0x92: {  	_ =	strace s18  }
0x93: {  	s2 =	sld [smem:$0x3FFC];
	_ =	sdelay $0x3  }
0x94: {  	_ =	strace s2  }
0x95: {  	s2 =	sld [smem:$0x3FFD];
	_ =	sdelay $0x3  }
0x96: {  	_ =	strace s2  }
0x97: {  	_ =	strace $0x8FFFFFFF  }
0x98: {  	s19 =	sld [smem:$0x3FDB];
	_ =	sdelay $0x1  }
0x99: {  	s20 =	simm.s32 $_scs_section_size  }
0x9a: {  	s4 =	simm.s32 $_size__tile_overlayer_lowered;
	s5 =	simm.s32 $_tile_overlayer_lowered  }
0x9b: {  	s6 =	simm.s32 $0x1BFF;
	s21 =	sshll.u32 s5, $0x1;
	s3 =	sadd.s32 s20, s19  }
0x9c: {  	s22 =	simm.s32 $0x0;
	s4 =	sshll.u32 s4, $0x1;
	s5 =	sadd.s32 s21, s3  }
0x9d: {  	[timem:s22], [sflag:s6] =	dma.local [hbm:s5], s4  }
0x9e: {  	_ =	swait.ge [sflag:s6], s4  }
0x9f: {  	s4 =	ssub.s32 $0x0, s4;
	[sflag:s6] =	ssyncset.done $0x0  }
0xa0: {  	[sflag:s6] =	ssyncadd.s32 s4;
	_ =	sdelay $0x1  }
0xa1: {  	s23 =	simm.s32 $0x1B8B  }
0xa2: {  	_ =	swait.ge [sflag:s23], $0x1  }
0xa3: {  	[sflag:s23] =	ssyncset.done $0x0  }
0xa4: {  	[sflag:s23] =	ssyncadd.s32 $0xFFFFFFFF  }
0xa5: {  	s4 =	sld [smem:$0x0]  }
0xa6: {  	s5 =	sand.u32 $0xFFFFFFFE, s1  }
0xa7: {  	p0 =	sne.s32 s1, s5  }
0xa8: {  	s5 =	sshll.u32 @p0 s5, $0xE  }
0xa9: {  	s5 =	sadd.s32 @p0 $0x11B8D, s5;
	s6 =	sshll.u32 @p0 s4, $0x11  }
0xaa: {  	s5 =	sor.u32 @p0 s6, s5  }
0xab: {  	[sflag:s5] =	ssyncadd.remote.s32 @p0 $0x1;
	_ =	sdelay $0x1  }
0xac: {  	s5 =	simm.s32 @p0 $0x1B8D  }
0xad: {  	_ =	swait.eq @p0 [sflag:s5], $0x1  }
0xae: {  	[sflag:s5] =	ssyncadd.s32 @p0 $0xFFFFFFFF  }
0xaf: {  	s6 =	sshll.u32 @!p0 s1, $0xE  }
0xb0: {  	s6 =	sor.u32 @!p0 $0x4000, s6;
	s5 =	simm.s32 @!p0 $0x1B8D  }
0xb1: {  	s4 =	sshll.u32 @!p0 s4, $0x11;
	s6 =	sadd.s32 @!p0 $0x11B8D, s6;
	_ =	swait.eq @!p0 [sflag:s5], $0x1  }
0xb2: {  	s4 =	sor.u32 @!p0 s4, s6;
	[sflag:s5] =	ssyncadd.s32 @!p0 $0xFFFFFFFF  }
0xb3: {  	s25 =	simm.s32 $0x1B8E;
	s24 =	sld [smem:$0x3FFE];
	[sflag:s4] =	ssyncadd.remote.s32 @!p0 $0x1  }
0xb4: {  	s26 =	simm.s32 $execute0_lowered;
	[smem:$0x3FD2] =	sst s25  }
0xb5: {  	s5 =	sshll.u32 s26, $0x1;
	_ =	strace $0x80000055;
	[dreg:$0x1] =	wrdreg $0xFFFFFFFF  }
0xb6: {  	s28 =	simm.s32 $_size_execute0_lowered;
	s3 =	sadd.s32 s3, s5;
	[dreg:$0x0] =	wrdreg $0x0  }
0xb7: {  	s5 =	sshll.u32 s28, $0x1;
	[dreg:$0x2] =	wrdreg s3  }
0xb8: {  	[dreg:$0x3] =	wrdreg s5  }
0xb9: {  	[dreg:$0x4] =	wrdreg $0xC0  }
0xba: {  	_ =	task [dreg:s22], $0x5FFFF  }
0xbb: {  	[dreg:$0x1] =	wrdreg $0xFFFFFFFF  }
0xbc: {  	[dreg:$0x0] =	wrdreg $0x60  }
0xbd: {  	[dreg:$0x2] =	wrdreg s24  }
0xbe: {  	[dreg:$0x3] =	wrdreg $0x0  }
0xbf: {  	[dreg:$0x4] =	wrdreg $0xC  }
0xc0: {  	_ =	task.clear_ibuf [dreg:s22], $0x5FFFF;
	_ =	strace $0x90000055  }
0xc1: {  	s29 =	simm.s32 $0xC;
	_ =	strace $0x80000057  }
0xc2: {  	_ =	swait.ge [sflag:s29], $0x1  }
0xc3: {  	[sflag:s29] =	ssyncadd.s32 $0xFFFFFFFF  }
0xc4: {  	_ =	strace $0x90000057  }
0xc5: {  	_ =	sfence  }
0xc6: {  	s30 =	sld [smem:$0x0];
	_ =	sdelay $0x2  }
0xc7: {  	s31 =	sshll.u32 s1, $0xD;
	s1 =	sshrl.u32 s1, $0x2  }
0xc8: {  	s4 =	sand.u32 $0x4000, s31;
	s1 =	sadd.s32 s1, s30  }
0xc9: {  	s0 =	sor.u32 s4, s0;
	s1 =	sshll.u32 s1, $0x11  }
0xca: {  	s0 =	sor.u32 s1, s0  }
0xcb: {  	s0 =	sadd.s32 $0x8F2B, s0  }
0xcc: {  	[sflag:s0] =	ssyncadd.remote.s32 $0x1  }
0xcd: {  	_ =	sfence.sel $0xFFFF  }
0xce: {  	[dreg:$0x0] =	wrdreg $0xFFFFFFFF;
	(pc) =	sbr.abs _section_cstart, $3  }
0xcf: {  	[dreg:$0x1] =	wrdreg $0xFFFFFFFF  }
0xd0: {  	_ =	task.clear_ibuf [dreg:s22], $0x2FFFF;
	_ =	strace $0x9FFFFFFF  }
0xd1: {  	(tm) =	ssettm $0x7FFFFFFF  }
tec
execute0_lowered:
.L_overlay_start_1:
0x0: {  	(tag) =	ssettag $0x1  }
0x1: {  	s4 =	rddreg [dreg:$0x0]  }
0x2: {  	s2 =	rddreg [dreg:$0x1]  }
0x3: {  	s1 =	stileid.u32;
	s5 =	srdreg.scid;
	s3 =	simm.s32 $0x0  }
0x4: {  	s28 =	simm.s32 $0x4;
	s29 =	simm.s32 $0x0;
	s14 =	smul.u32 $0x14000, s1  }
0x5: {  	s15 =	sand.u32 $0x1, s5;
	[smem:$0x7FF] =	sst s3;
	s16 =	sadd.s32 $0x5B000, s4  }
0x6: {  	s17 =	sadd.s32 $0x28D800, s4;
	s8 =	sshll.u32 s1, $0x1;
	s9 =	smul.u32 $0x50000, s1  }
0x7: {  	s20 =	sshll.u32 s1, $0x6;
	s5 =	smul.u32 $0x140000, s15;
	_ =	strace $0x80000056  }
0x8: {  	s7 =	ssub.s32 $0x2, s15;
	s13 =	sor.u32 s15, s8;
	s6 =	sshrl.u32 s14, $0x3  }
0x9: {  	s12 =	sshrl.u32 s7, $0x1;
	s19 =	sshrl.u32 s9, $0x2;
	s8 =	smul.u32 $0xA00, s13  }
0xa: {  	s21 =	smul.u32 $0xA000, s13;
	s5 =	sadd.s32 s14, s5;
	s6 =	sadd.s32 s6, s4  }
0xb: {  	s11 =	ssub.s32 s7, s12;
	s18 =	sadd.s32 s19, s2;
	s19 =	smul.u32 $0x1400, s1  }
0xc: {  	s14 =	sadd.s32 s14, s17;
	s5 =	sshrl.u32 s5, $0x3;
	s22 =	sshrl.u32 s8, $0x3  }
0xd: {  	s7 =	sadd.s32 s17, s21;
	s12 =	sor.u32 $0x40, s8;
	s13 =	sor.u32 $0x80, s8  }
0xe: {  	s9 =	smax.u32 s11, $0x1;
	s21 =	simm.s32 $0x1;
	s10 =	sadd.s32 s5, s4  }
0xf: {  	s4 =	sadd.s32 $0xD5800, s6;
	s5 =	sor.u32 $0x1C05, s20;
	s6 =	sadd.s32 s16, s22  }
0x10: {  	s23 =	sshrl.u32 s12, $0x3;
	s24 =	sshll.u32 s12, $0x4;
	s20 =	smul.u32 $0xA00, s15  }
0x11: {  	s25 =	sshrl.u32 s13, $0x3;
	s13 =	sshll.u32 s13, $0x4;
	s15 =	smul.u32 $0xA000, s15  }
0x12: {  	s22 =	simm.s32 $0x40;
	s8 =	sadd.s32 $0x41D800, s10;
	s10 =	sadd.s32 s16, s23  }
0x13: {  	s11 =	sadd.s32 s17, s24;
	s12 =	sadd.s32 s16, s25;
	s13 =	sadd.s32 s17, s13  }
0x14: {  	s17 =	sshrl.u32 s18, $0x3;
	s18 =	simm.s32 $0x5;
	s23 =	simm.s32 $0x14080  }
.Ltmp0:
0x15: {  	s24 =	simm.s32 $0x16100;
	s25 =	simm.s32 $0x2;
	(pc) =	sbr.rel .LBB2_1-.Ltmp0, $4  }
0x16: {  	s19 =	sadd.s32 s20, s19;
	s14 =	sadd.s32 s15, s14;
	s20 =	simm.s32 $0x14100  }
0x17: {  	s26 =	sor.u32 $0x100, s19;
	s19 =	sor.u32 $0xC0, s19;
	s14 =	sadd.s32 $0x1000, s14  }
0x18: {  	s30 =	sshrl.u32 s26, $0x3;
	s31 =	sshrl.u32 s19, $0x3;
	s19 =	simm.s32 $0x14000  }
0x19: {  	s26 =	simm.s32 $0x3;
	s15 =	sadd.s32 s30, s16;
	s16 =	sadd.s32 s31, s16  }
.LBB2_4:
0x1a: {  	_ =	swait.ge [sflag:s28], $0x2000  }
0x1b: {  	s29 =	sadd.s32 $0x1, s29;
	[sflag:s28] =	ssyncset.done $0x0  }
0x1c: {  	p0 =	sne.s32 s29, s9;
	[sflag:s28] =	ssyncadd.s32 $0xFFFFE000  }
.Ltmp1:
0x1d: {  	[bflag:$0x0] =	sbarrier.arrive $0xFFFF;
	(pc) =	sbr.rel @!p0 .LBB2_5-.Ltmp1, $4  }
0x1e: {  	[hbm:s8], [sflag:s5] =	dma.local [spmem:s17], $0x2800  }
0x1f: {  	_ =	swait.ge [sflag:s18], $0x2800  }
0x20: {  	[sflag:s18] =	ssyncset.done $0x0  }
0x21: {  	[sflag:s18] =	ssyncadd.s32 $0xFFFFD800  }
.LBB2_1:
0x22: {  	[spmem:s17], [sflag:s5] =	dma.local [hbm:s4], $0x2800  }
0x23: {  	_ =	swait.ge [sflag:s18], $0x2800  }
0x24: {  	[sflag:s18] =	ssyncset.done $0x0  }
0x25: {  	[sflag:s18] =	ssyncadd.s32 $0xFFFFD800  }
0x26: {  	[bflag:$0x0] =	sbarrier.arrive $0xFFFF  }
0x27: {  	[tilespmem:s19], [sflag:$0x1] =	stream.linear.gather [hbm4b:s6+s3], $0x40, $0x38;
	[tilespmem:$0x18100] =	vst v63  }
0x28: {  	_ = 	snop  }
0x29: {  	[tilespmem:s20], [sflag:$0x1] =	stream.linear.gather [hbm4b:s7+s3], $0x2000, $0x38;
	[tilespmem:$0x18100] =	vst v63  }
0x2a: {  	_ =	swait.ge [sflag:s21], $0x40  }
0x2b: {  	[sflag:s21] =	ssyncset.done $0x0  }
0x2c: {  	[sflag:s21] =	ssyncadd.s32 $0xFFFFFFC0  }
0x2d: {  	_ =	swait.ge [sflag:s21], $0x2000  }
0x2e: {  	[sflag:s21] =	ssyncset.done $0x0  }
0x2f: {  	[sflag:s21] =	ssyncadd.s32 $0xFFFFE000  }
0x30: {  	[spmem:s2] =	stream.indirect.scatter.add.f32 [tilespmem:s20], [sflag:$0x3], $0x80, s19, s22, $0xb8;
	[tilespmem:$0x18100] =	vst v63  }
0x31: {  	_ = 	snop  }
0x32: {  	[tilespmem:s23], [sflag:$0x2] =	stream.linear.gather [hbm4b:s10+s3], $0x40, $0x38;
	[tilespmem:$0x18100] =	vst v63  }
0x33: {  	_ = 	snop  }
0x34: {  	[tilespmem:s24], [sflag:$0x2] =	stream.linear.gather [hbm4b:s11+s3], $0x2000, $0x38;
	[tilespmem:$0x18100] =	vst v63  }
0x35: {  	_ =	swait.ge [sflag:s25], $0x40  }
0x36: {  	[sflag:s25] =	ssyncset.done $0x0  }
0x37: {  	[sflag:s25] =	ssyncadd.s32 $0xFFFFFFC0  }
0x38: {  	_ =	swait.ge [sflag:s25], $0x2000  }
0x39: {  	[sflag:s25] =	ssyncset.done $0x0  }
0x3a: {  	[sflag:s25] =	ssyncadd.s32 $0xFFFFE000  }
0x3b: {  	[spmem:s2] =	stream.indirect.scatter.add.f32 [tilespmem:s24], [sflag:$0x4], $0x80, s23, s22, $0xb8;
	[tilespmem:$0x18100] =	vst v63  }
0x3c: {  	_ =	swait.ge [sflag:s26], $0x2000  }
0x3d: {  	[sflag:s26] =	ssyncset.done $0x0  }
0x3e: {  	[sflag:s26] =	ssyncadd.s32 $0xFFFFE000  }
0x3f: {  	[tilespmem:s19], [sflag:$0x1] =	stream.linear.gather [hbm4b:s12+s3], $0x40, $0x38;
	[tilespmem:$0x18100] =	vst v63  }
0x40: {  	s30 =	smov.u32 s14;
	s31 =	simm.s32 $0x0  }
0x41: {  	[tilespmem:s20], [sflag:$0x1] =	stream.linear.gather [hbm4b:s13+s3], $0x2000, $0x38;
	[tilespmem:$0x18100] =	vst v63  }
.LBB2_2:
0x42: {  	_ =	swait.ge [sflag:s21], $0x40  }
0x43: {  	[sflag:s21] =	ssyncset.done $0x0  }
0x44: {  	[sflag:s21] =	ssyncadd.s32 $0xFFFFFFC0  }
0x45: {  	_ =	swait.ge [sflag:s21], $0x2000  }
0x46: {  	[sflag:s21] =	ssyncset.done $0x0  }
0x47: {  	[sflag:s21] =	ssyncadd.s32 $0xFFFFE000  }
0x48: {  	[spmem:s2] =	stream.indirect.scatter.add.f32 [tilespmem:s20], [sflag:$0x3], $0x80, s19, s22, $0xb8;
	[tilespmem:$0x18100] =	vst v63  }
0x49: {  	_ =	swait.ge [sflag:s28], $0x2000  }
0x4a: {  	[sflag:s28] =	ssyncset.done $0x0  }
0x4b: {  	s0 =	sadd.s32 s31, s16;
	[sflag:s28] =	ssyncadd.s32 $0xFFFFE000  }
0x4c: {  	[tilespmem:s23], [sflag:$0x2] =	stream.linear.gather [hbm4b:s0+s3], $0x40, $0x38;
	[tilespmem:$0x18100] =	vst v63  }
0x4d: {  	s0 =	sadd.s32 $0xFFFFFC00, s30  }
0x4e: {  	[tilespmem:s24], [sflag:$0x2] =	stream.linear.gather [hbm4b:s0+s3], $0x2000, $0x38;
	[tilespmem:$0x18100] =	vst v63  }
0x4f: {  	_ =	swait.ge [sflag:s25], $0x40  }
0x50: {  	[sflag:s25] =	ssyncset.done $0x0  }
0x51: {  	[sflag:s25] =	ssyncadd.s32 $0xFFFFFFC0  }
0x52: {  	_ =	swait.ge [sflag:s25], $0x2000  }
0x53: {  	p0 =	seq.s32 s31, $0x120;
	[sflag:s25] =	ssyncset.done $0x0  }
.Ltmp2:
0x54: {  	[sflag:s25] =	ssyncadd.s32 $0xFFFFE000;
	(pc) =	sbr.rel @p0 .LBB2_4-.Ltmp2, $4  }
0x55: {  	[spmem:s2] =	stream.indirect.scatter.add.f32 [tilespmem:s24], [sflag:$0x4], $0x80, s23, s22, $0xb8;
	[tilespmem:$0x18100] =	vst v63  }
0x56: {  	_ =	swait.ge [sflag:s26], $0x2000  }
0x57: {  	[sflag:s26] =	ssyncset.done $0x0  }
0x58: {  	[sflag:s26] =	ssyncadd.s32 $0xFFFFE000  }
.Ltmp3:
0x59: {  	s0 =	sadd.s32 s31, s15;
	(pc) =	sbr.rel .LBB2_2-.Ltmp3, $4  }
0x5a: {  	[tilespmem:s19], [sflag:$0x1] =	stream.linear.gather [hbm4b:s0+s3], $0x40, $0x38;
	[tilespmem:$0x18100] =	vst v63  }
0x5b: {  	_ = 	snop  }
0x5c: {  	[tilespmem:s20], [sflag:$0x1] =	stream.linear.gather [hbm4b:s30+s3], $0x2000, $0x38;
	[tilespmem:$0x18100] =	vst v63  }
0x5d: {  	s31 =	sadd.s32 $0x10, s31;
	s30 =	sadd.s32 $0x800, s30  }
.LBB2_5:
0x5e: {  	_ =	sfence.sel $0x180000  }
0x5f: {  	[bflag:$0x0] =	sbarrier.arrive $0xFFFF  }
0x60: {  	_ =	strace $0x90000056  }
0x61: {  	[bflag:$0x2] =	sbarrier.arrive $0xFFFF  }
0x62: {  	p0 =	sne.s32 s1, $0x0;
	s0 =	rddreg [dreg:$0x2]  }
0x63: {  	s0 =	sadd.s32 @!p0 $0x100000, s0  }
0x64: {  	[sflag:s0] =	ssyncadd.tile.s32 @!p0 $0x1;
	_ =	shalt  }
.Lfunc_end2:
_tile_overlayer_lowered:
.L_overlay_start_2:
0x65: {  	(tag) =	ssettag $0x2  }
0x66: {  	s0 =	rddreg [dreg:$0x0];
	s2 =	stileid.u32  }
0x67: {  	s1 =	rddreg [dreg:$0x1];
	p0 =	sne.s32 s2, $0x0  }
0x68: {  	s3 =	rddreg [dreg:$0x2];
	[bflag:$0x3] =	sbarrier.arrive $0xFFFF;
	s2 =	simm.s32 @!p0 $0x1C05  }
0x69: {  	[timem:s3], [sflag:s2] =	dma.local @!p0 [hbm:s0], s1  }
0x6a: {  	s0 =	simm.s32 @!p0 $0x5  }
0x6b: {  	_ =	swait.ge @!p0 [sflag:s0], s1  }
0x6c: {  	s1 =	ssub.s32 @!p0 $0x0, s1;
	[sflag:s0] =	ssyncset.done @!p0 $0x0  }
0x6d: {  	[sflag:s0] =	ssyncadd.s32 @!p0 s1  }
0x6e: {  	[bflag:$0x3] =	sbarrier.arrive $0xFFFF  }
0x6f: {  	_ =	shalt  }

</sc_bundles>
